<compile_context>
chip_gen: v7x
topology: tpu7x:2x2x1
jax: 0.10.2.dev20260603
libtpu: 0.0.44.dev20260713+nightly
codegen_flags: <defaults>
</compile_context>

<pallas_src>
import functools

import jax
import jax.numpy as jnp
from jax import lax
from jax.experimental import pallas as pl
from jax.experimental.pallas import tpu as pltpu
from jax.experimental.pallas import tpu_sc as plsc

NC = 2
NS = 16
NW = NC * NS
LANES = 16



def _edge_mlp_body(ef_ref, w0_ref, b0_ref, w1_ref, b1_ref, w2_ref, b2_ref,
                   e0_ref, e1_ref, e2_ref):
    ef = ef_ref[...]
    e0_ref[...] = jnp.dot(ef, w0_ref[...],
                          preferred_element_type=jnp.float32) + b0_ref[...]
    e1_ref[...] = jnp.dot(ef, w1_ref[...],
                          preferred_element_type=jnp.float32) + b1_ref[...]
    e2_ref[...] = jnp.dot(ef, w2_ref[...],
                          preferred_element_type=jnp.float32) + b2_ref[...]


def _edge_mlp3(ef, wb):
    E, ED = ef.shape
    D = wb[0][0].shape[1]
    BE = 4000
    grid = E // BE
    full = lambda i: (0, 0)
    vec = lambda i: (0,)
    return pl.pallas_call(
        _edge_mlp_body,
        grid=(grid,),
        in_specs=[
            pl.BlockSpec((BE, ED), lambda i: (i, 0)),
            pl.BlockSpec((ED, D), full), pl.BlockSpec((D,), vec),
            pl.BlockSpec((ED, D), full), pl.BlockSpec((D,), vec),
            pl.BlockSpec((ED, D), full), pl.BlockSpec((D,), vec),
        ],
        out_specs=[pl.BlockSpec((BE, D), lambda i: (i, 0))] * 3,
        out_shape=[jax.ShapeDtypeStruct((E, D), jnp.float32)] * 3,
    )(ef, wb[0][0], wb[0][1], wb[1][0], wb[1][1], wb[2][0], wb[2][1])



_EDGE_CHUNK = 80
_NBUF = 4


def _make_edge_agg(N, D, E):
    e_per_w = E // NW
    n_chunks = e_per_w // _EDGE_CHUNK
    rows_main = (N // NS) // 8 * 8
    rows_tail = N - rows_main * NS
    mesh = plsc.VectorSubcoreMesh(core_axis_name="c", subcore_axis_name="s",
                                  num_cores=NC, num_subcores=NS)
    zcopies = rows_main // _EDGE_CHUNK
    ztail = rows_main - zcopies * _EDGE_CHUNK

    assert (n_chunks - 1) % _NBUF == 0

    @functools.partial(
        pl.kernel,
        out_type=jax.ShapeDtypeStruct((NC, N, D), jnp.float32),
        mesh=mesh,
        scratch_types=(
            [pltpu.VMEM((_EDGE_CHUNK,), jnp.int32)] * _NBUF
            + [pltpu.VMEM((_EDGE_CHUNK,), jnp.int32)] * _NBUF
            + [pltpu.VMEM((_EDGE_CHUNK, D), jnp.float32)] * _NBUF
            + [pltpu.VMEM_SHARED((N, D), jnp.float32)]
            + [pltpu.SemaphoreType.DMA] * (3 * _NBUF)
        ),
    )
    def edge_agg(h_hbm, e_hbm, src_hbm, dst_hbm, out_hbm, *scr):
        srcs = scr[:_NBUF]
        dsts = scr[_NBUF:2 * _NBUF]
        bufs = scr[2 * _NBUF:3 * _NBUF]
        acc_sh = scr[3 * _NBUF]
        semi = scr[3 * _NBUF + 1:3 * _NBUF + 1 + _NBUF]
        seme = scr[3 * _NBUF + 1 + _NBUF:3 * _NBUF + 1 + 2 * _NBUF]
        semg = scr[3 * _NBUF + 1 + 2 * _NBUF:]
        c = lax.axis_index("c")
        s = lax.axis_index("s")
        wid = c * NS + s
        base = wid * e_per_w
        row0 = s * rows_main
        buf_a = bufs[0]

        def stage_issue(j, b):
            off = base + j * _EDGE_CHUNK
            pltpu.async_copy(src_hbm.at[pl.ds(off, _EDGE_CHUNK)],
                             srcs[b], semi[b])
            pltpu.async_copy(dst_hbm.at[pl.ds(off, _EDGE_CHUNK)],
                             dsts[b], semi[b])
            pltpu.async_copy(e_hbm.at[pl.ds(off, _EDGE_CHUNK)],
                             bufs[b], seme[b])

        def stage_gather(b):
            pltpu.make_async_copy(src_hbm.at[pl.ds(0, _EDGE_CHUNK)],
                                  srcs[b], semi[b]).wait()
            pltpu.make_async_copy(dst_hbm.at[pl.ds(0, _EDGE_CHUNK)],
                                  dsts[b], semi[b]).wait()
            pltpu.make_async_copy(e_hbm.at[pl.ds(0, _EDGE_CHUNK)],
                                  bufs[b], seme[b]).wait()
            pltpu.async_copy(h_hbm.at[srcs[b]], bufs[b], semg[b], add=True)

        def stage_reduce(b):
            pltpu.make_async_copy(h_hbm.at[srcs[b]], bufs[b], semg[b]).wait()
            buf = bufs[b]

            def relu_row(r, _):
                for j in range(D // LANES):
                    sl = pl.ds(j * LANES, LANES)
                    buf[r, sl] = jnp.maximum(buf[r, sl], 0.0)
                return 0

            lax.fori_loop(0, _EDGE_CHUNK, relu_row, 0)
            pltpu.sync_copy(buf, acc_sh.at[dsts[b]], add=True)

        zero = jnp.zeros((LANES,), jnp.float32)

        def zero_row(r, _):
            for j in range(D // LANES):
                buf_a[r, pl.ds(j * LANES, LANES)] = zero
            return 0

        lax.fori_loop(0, _EDGE_CHUNK, zero_row, 0)

        for j in range(zcopies):
            pltpu.sync_copy(buf_a, acc_sh.at[pl.ds(row0 + j * _EDGE_CHUNK,
                                                   _EDGE_CHUNK)])
        if ztail:
            pltpu.sync_copy(buf_a.at[pl.ds(0, ztail)],
                            acc_sh.at[pl.ds(row0 + zcopies * _EDGE_CHUNK,
                                            ztail)])
        if rows_tail:
            @pl.when(s == NS - 1)
            def _():
                pltpu.sync_copy(buf_a.at[pl.ds(0, rows_tail)],
                                acc_sh.at[pl.ds(rows_main * NS, rows_tail)])
        plsc.subcore_barrier()

        stage_issue(0, 0)
        stage_gather(0)
        for b in range(1, _NBUF - 1):
            stage_issue(b, b)

        def quad_body(g, _):
            for r in range(_NBUF):
                j = _NBUF * g + r
                stage_gather((r + 1) % _NBUF)
                stage_reduce(r)

                @pl.when(j + _NBUF - 1 < n_chunks)
                def _():
                    stage_issue(j + _NBUF - 1, (r + _NBUF - 1) % _NBUF)
            return 0

        lax.fori_loop(0, (n_chunks - 1) // _NBUF, quad_body, 0)
        stage_reduce((n_chunks - 1) % _NBUF)
        plsc.subcore_barrier()
        pltpu.sync_copy(acc_sh.at[pl.ds(row0, rows_main)],
                        out_hbm.at[c, pl.ds(row0, rows_main)])
        if rows_tail:
            @pl.when(s == NS - 1)
            def _():
                pltpu.sync_copy(acc_sh.at[pl.ds(rows_main * NS, rows_tail)],
                                out_hbm.at[c, pl.ds(rows_main * NS,
                                                    rows_tail)])

    return edge_agg



_BN = 2000


def _node_body(h_ref, p_ref, w1_ref, b1_ref, g_ref, bt_ref, w2_ref, b2_ref,
               *rest, n_rows, final_relu, head):
    if head:
        wd_ref, bd_ref, o_ref, out_ref, z1_scr, sums_scr = rest
    else:
        o_ref, z1_scr, sums_scr = rest
    ph = pl.program_id(0)
    i = pl.program_id(1)
    rows = pl.ds(i * _BN, _BN)

    @pl.when(ph == 0)
    def _():
        z = h_ref[...] + p_ref[0] + p_ref[1]
        z1 = jnp.dot(z, w1_ref[...], preferred_element_type=jnp.float32) \
            + b1_ref[...]
        z1_scr[rows, :] = z1

        @pl.when(i == 0)
        def _():
            sums_scr[...] = jnp.zeros_like(sums_scr)

        sums_scr[0, :] += jnp.sum(z1, axis=0)
        sums_scr[1, :] += jnp.sum(z1 * z1, axis=0)

    @pl.when(ph == 1)
    def _():
        mu = sums_scr[0, :] / n_rows
        var = sums_scr[1, :] / n_rows - mu * mu
        inv = lax.rsqrt(var + 1e-5)
        zn = (z1_scr[rows, :] - mu) * inv * g_ref[...] + bt_ref[...]
        zn = jnp.maximum(zn, 0.0)
        z2 = jnp.dot(zn, w2_ref[...], preferred_element_type=jnp.float32) \
            + b2_ref[...]
        if final_relu:
            z2 = jnp.maximum(z2, 0.0)
        o_ref[...] = z2
        if head:
            out_ref[...] = jnp.dot(z2, wd_ref[...],
                                   preferred_element_type=jnp.float32) \
                + bd_ref[...]


def _node_mlp(h, p, w1, b1, g, bt, w2, b2, final_relu, head=None):
    N, D = h.shape
    grid_n = N // _BN
    full = lambda ph, i: (0, 0)
    vec = lambda ph, i: (0,)
    blk = lambda ph, i: (i * ph, 0)
    in_specs = [
        pl.BlockSpec((_BN, D), lambda ph, i: (i * (1 - ph), 0)),
        pl.BlockSpec((NC, _BN, D), lambda ph, i: (0, i * (1 - ph), 0)),
        pl.BlockSpec((D, D), full),
        pl.BlockSpec((D,), vec),
        pl.BlockSpec((D,), vec),
        pl.BlockSpec((D,), vec),
        pl.BlockSpec((D, D), full),
        pl.BlockSpec((D,), vec),
    ]
    args = [h, p, w1, b1, g, bt, w2, b2]
    if head is None:
        out_specs = pl.BlockSpec((_BN, D), blk)
        out_shape = jax.ShapeDtypeStruct((N, D), jnp.float32)
    else:
        in_specs += [pl.BlockSpec((D, 1), full), pl.BlockSpec((1,), vec)]
        args += list(head)
        out_specs = [pl.BlockSpec((_BN, D), blk), pl.BlockSpec((_BN, 1), blk)]
        out_shape = [jax.ShapeDtypeStruct((N, D), jnp.float32),
                     jax.ShapeDtypeStruct((N, 1), jnp.float32)]
    return pl.pallas_call(
        functools.partial(_node_body, n_rows=float(N), final_relu=final_relu,
                          head=head is not None),
        grid=(2, grid_n),
        in_specs=in_specs,
        out_specs=out_specs,
        out_shape=out_shape,
        scratch_shapes=[
            pltpu.VMEM((N, D), jnp.float32),
            pltpu.VMEM((8, D), jnp.float32),
        ],
    )(*args)




def kernel(x, edge_index, edge_features, We0, be0, W10, b10, g0, bt0, W20,
           b20, We1, be1, W11, b11, g1, bt1, W21, b21, We2, be2, W12, b12,
           g2, bt2, W22, b22, Wd, bd):
    N, D = x.shape
    E = edge_features.shape[0]
    src = edge_index[0]
    dst = edge_index[1]

    edge_agg = _make_edge_agg(N, D, E)

    e0, e1, e2 = _edge_mlp3(edge_features,
                            [(We0, be0), (We1, be1), (We2, be2)])
    p = edge_agg(x, e0, src, dst)
    h = _node_mlp(x, p, W10, b10, g0, bt0, W20, b20, True)
    p = edge_agg(h, e1, src, dst)
    h = _node_mlp(h, p, W11, b11, g1, bt1, W21, b21, True)
    p = edge_agg(h, e2, src, dst)
    h, out = _node_mlp(h, p, W12, b12, g2, bt2, W22, b22, False,
                       head=(Wd, bd))
    return (out, h)

# --- scband reference (transcript-rebuilt; emitter-appended) ---
"""Pipeline reference for scband-gine-9405978378569 (READ-ONLY COPY).

The authoritative reference and input builder live on the scoring server;
editing this copy changes nothing except your own understanding.
"""

import jax, jax.numpy as jnp
import numpy as np

N = 10000
E = 320000
D = 128
ED = 16

def _init_params(key):
    ks = jax.random.split(key, 16)
    p = {}
    i = 0
    for l in range(3):
        p["We%d" % l] = jax.random.normal(ks[i], (ED, D), dtype=jnp.float32) / np.sqrt(ED); i += 1
        p["be%d" % l] = jnp.zeros((D,), dtype=jnp.float32)
        p["W1%d" % l] = jax.random.normal(ks[i], (D, D), dtype=jnp.float32) / np.sqrt(D); i += 1
        p["b1%d" % l] = jnp.zeros((D,), dtype=jnp.float32)
        p["g%d" % l] = jnp.ones((D,), dtype=jnp.float32)
        p["bt%d" % l] = jnp.zeros((D,), dtype=jnp.float32)
        p["W2%d" % l] = jax.random.normal(ks[i], (D, D), dtype=jnp.float32) / np.sqrt(D); i += 1
        p["b2%d" % l] = jnp.zeros((D,), dtype=jnp.float32)
    p["Wd"] = jax.random.normal(ks[i], (D, 1), dtype=jnp.float32) / np.sqrt(D); i += 1
    p["bd"] = jnp.zeros((1,), dtype=jnp.float32)
    return p

def setup_inputs(seed: int = 0):
    key = jax.random.key(seed)
    k1, k2, k3, kp = jax.random.split(key, 4)
    inp = {
        "x": jax.random.normal(k1, (N, D), dtype=jnp.float32),
        "edge_index": jax.random.randint(k2, (2, E), 0, N, dtype=jnp.int32),
        "edge_features": jax.random.normal(k3, (E, ED), dtype=jnp.float32),
    }
    inp.update(_init_params(kp))
    return inp

def reference(x, edge_index, edge_features, We0, be0, W10, b10, g0, bt0, W20, b20, We1, be1, W11, b11, g1, bt1, W21, b21, We2, be2, W12, b12, g2, bt2, W22, b22, Wd, bd):
    src = edge_index[0]
    dst = edge_index[1]

    def conv(h, We, be, W1, b1, g, bt, W2, b2, final_relu):
        # GINEConv: message = ReLU(x_j + lin_edge(edge_attr)); sum-aggregate at dst;
        # out = nn((1 + eps) * x + aggr), eps = 0 (PyG default)
        e = edge_features @ We + be
        msg = jax.nn.relu(h[src] + e)
        agg = jax.ops.segment_sum(msg, dst, num_segments=h.shape[0])
        z = h + agg
        z = z @ W1 + b1
        mu = jnp.mean(z, axis=0)
        var = jnp.var(z, axis=0)
        z = (z - mu) / jnp.sqrt(var + 1e-5) * g + bt
        z = jax.nn.relu(z)
        z = z @ W2 + b2
        if final_relu:
            z = jax.nn.relu(z)
        return z

    h = conv(x, We0, be0, W10, b10, g0, bt0, W20, b20, True)
    h = conv(h, We1, be1, W11, b11, g1, bt1, W21, b21, True)
    h = conv(h, We2, be2, W12, b12, g2, bt2, W22, b22, False)
    out = h @ Wd + bd
    return (out, h)

if __name__ == "__main__":
    import jax
    _d = setup_inputs()
    print(jax.jit(kernel)(*tuple(_d.values())))

</pallas_src>

<mosaic_0001>
#map = affine_map<(d0, d1) -> (0, 0)>
#map1 = affine_map<(d0, d1) -> (0)>
#map2 = affine_map<(d0, d1) -> (0, 0, 0)>
module attributes {stable_mosaic.version = 14 : i64} {
  func.func @edge_agg(%arg0: i32, %arg1: i32, %arg2: memref<10000x128xf32, #tpu.memory_space<hbm>>, %arg3: memref<320000x128xf32, #tpu.memory_space<hbm>>, %arg4: memref<320000xi32, #tpu.memory_space<hbm>>, %arg5: memref<320000xi32, #tpu.memory_space<hbm>>, %arg6: memref<2x10000x128xf32, #tpu.memory_space<hbm>>, %arg7: memref<80xi32, #tpu.memory_space<vmem>>, %arg8: memref<80xi32, #tpu.memory_space<vmem>>, %arg9: memref<80xi32, #tpu.memory_space<vmem>>, %arg10: memref<80xi32, #tpu.memory_space<vmem>>, %arg11: memref<80xi32, #tpu.memory_space<vmem>>, %arg12: memref<80xi32, #tpu.memory_space<vmem>>, %arg13: memref<80xi32, #tpu.memory_space<vmem>>, %arg14: memref<80xi32, #tpu.memory_space<vmem>>, %arg15: memref<80x128xf32, #tpu.memory_space<vmem>>, %arg16: memref<80x128xf32, #tpu.memory_space<vmem>>, %arg17: memref<80x128xf32, #tpu.memory_space<vmem>>, %arg18: memref<80x128xf32, #tpu.memory_space<vmem>>, %arg19: memref<10000x128xf32, #tpu.memory_space<vmem_shared>>, %arg20: memref<!tpu.dma_semaphore, #tpu.memory_space<semaphore_mem>>, %arg21: memref<!tpu.dma_semaphore, #tpu.memory_space<semaphore_mem>>, %arg22: memref<!tpu.dma_semaphore, #tpu.memory_space<semaphore_mem>>, %arg23: memref<!tpu.dma_semaphore, #tpu.memory_space<semaphore_mem>>, %arg24: memref<!tpu.dma_semaphore, #tpu.memory_space<semaphore_mem>>, %arg25: memref<!tpu.dma_semaphore, #tpu.memory_space<semaphore_mem>>, %arg26: memref<!tpu.dma_semaphore, #tpu.memory_space<semaphore_mem>>, %arg27: memref<!tpu.dma_semaphore, #tpu.memory_space<semaphore_mem>>, %arg28: memref<!tpu.dma_semaphore, #tpu.memory_space<semaphore_mem>>, %arg29: memref<!tpu.dma_semaphore, #tpu.memory_space<semaphore_mem>>, %arg30: memref<!tpu.dma_semaphore, #tpu.memory_space<semaphore_mem>>, %arg31: memref<!tpu.dma_semaphore, #tpu.memory_space<semaphore_mem>>) attributes {dimension_semantics = [#tpu.dimension_semantics<core_parallel>, #tpu.dimension_semantics<subcore_parallel>], iteration_bounds = array<i64: 2, 16>, scalar_prefetch = 0 : i64, scratch_operands = 25 : i64, tpu.core_type = #tpu.core_type<sc_vector_subcore>, window_params = [{transform_indices = #map}, {transform_indices = #map}, {transform_indices = #map1}, {transform_indices = #map1}, {transform_indices = #map2}]} {
    %mul3A = arith.constant 16 : i32
    %mul3A_0 = arith.muli %arg0, %mul3A : i32
    %add3A = arith.addi %mul3A_0, %arg1 : i32
    %mul3A_1 = arith.constant 10000 : i32
    %mul3A_2 = arith.muli %add3A, %mul3A_1 : i32
    %mul3A_3 = arith.constant 624 : i32
    %mul3A_4 = arith.muli %arg1, %mul3A_3 : i32
    %broadcast_in_dim3A = arith.constant 0.000000e+00 : f32
    %broadcast_in_dim3A_5 = vector.broadcast %broadcast_in_dim3A : f32 to vector<16xf32>
    %scan3A = arith.constant 0 : i32
    %scan3A_6 = arith.constant 0 : i32
    %scan3A_7 = arith.constant 80 : i32
    %scan3A_8 = arith.addi %scan3A_6, %scan3A_7 : i32
    %scan3A_9 = arith.constant 1 : i32
    %scan3A_10 = scf.for %scan3A_98 = %scan3A_6 to %scan3A_8 step %scan3A_9 iter_args(%scan3A_99 = %scan3A) -> (i32)  : i32 {
      %swap3A = arith.index_cast %scan3A_98 : i32 to index
      %swap3A_100 = arith.constant 0 : index
      %swap3A_101 = tpu.vector_load %arg15[%swap3A, %swap3A_100] {strides = array<i32>} : memref<80x128xf32, #tpu.memory_space<vmem>>, vector<1x16xf32>,
      %swap3A_102 = vector.shape_cast %swap3A_101 : vector<1x16xf32> to vector<16xf32>
      %swap3A_103 = vector.shape_cast %broadcast_in_dim3A_5 : vector<16xf32> to vector<1x16xf32>
      tpu.vector_store %arg15[%swap3A, %swap3A_100], %swap3A_103 {strides = array<i32>} : memref<80x128xf32, #tpu.memory_space<vmem>>, vector<1x16xf32>,
      %swap3A_104 = arith.index_cast %scan3A_98 : i32 to index
      %swap3A_105 = arith.constant 16 : index
      %swap3A_106 = tpu.vector_load %arg15[%swap3A_104, %swap3A_105] {strides = array<i32>} : memref<80x128xf32, #tpu.memory_space<vmem>>, vector<1x16xf32>,
      %swap3A_107 = vector.shape_cast %swap3A_106 : vector<1x16xf32> to vector<16xf32>
      %swap3A_108 = vector.shape_cast %broadcast_in_dim3A_5 : vector<16xf32> to vector<1x16xf32>
      tpu.vector_store %arg15[%swap3A_104, %swap3A_105], %swap3A_108 {strides = array<i32>} : memref<80x128xf32, #tpu.memory_space<vmem>>, vector<1x16xf32>,
      %swap3A_109 = arith.index_cast %scan3A_98 : i32 to index
      %swap3A_110 = arith.constant 32 : index
      %swap3A_111 = tpu.vector_load %arg15[%swap3A_109, %swap3A_110] {strides = array<i32>} : memref<80x128xf32, #tpu.memory_space<vmem>>, vector<1x16xf32>,
      %swap3A_112 = vector.shape_cast %swap3A_111 : vector<1x16xf32> to vector<16xf32>
      %swap3A_113 = vector.shape_cast %broadcast_in_dim3A_5 : vector<16xf32> to vector<1x16xf32>
      tpu.vector_store %arg15[%swap3A_109, %swap3A_110], %swap3A_113 {strides = array<i32>} : memref<80x128xf32, #tpu.memory_space<vmem>>, vector<1x16xf32>,
      %swap3A_114 = arith.index_cast %scan3A_98 : i32 to index
      %swap3A_115 = arith.constant 48 : index
      %swap3A_116 = tpu.vector_load %arg15[%swap3A_114, %swap3A_115] {strides = array<i32>} : memref<80x128xf32, #tpu.memory_space<vmem>>, vector<1x16xf32>,
      %swap3A_117 = vector.shape_cast %swap3A_116 : vector<1x16xf32> to vector<16xf32>
      %swap3A_118 = vector.shape_cast %broadcast_in_dim3A_5 : vector<16xf32> to vector<1x16xf32>
      tpu.vector_store %arg15[%swap3A_114, %swap3A_115], %swap3A_118 {strides = array<i32>} : memref<80x128xf32, #tpu.memory_space<vmem>>, vector<1x16xf32>,
      %swap3A_119 = arith.index_cast %scan3A_98 : i32 to index
      %swap3A_120 = arith.constant 64 : index
      %swap3A_121 = tpu.vector_load %arg15[%swap3A_119, %swap3A_120] {strides = array<i32>} : memref<80x128xf32, #tpu.memory_space<vmem>>, vector<1x16xf32>,
      %swap3A_122 = vector.shape_cast %swap3A_121 : vector<1x16xf32> to vector<16xf32>
      %swap3A_123 = vector.shape_cast %broadcast_in_dim3A_5 : vector<16xf32> to vector<1x16xf32>
      tpu.vector_store %arg15[%swap3A_119, %swap3A_120], %swap3A_123 {strides = array<i32>} : memref<80x128xf32, #tpu.memory_space<vmem>>, vector<1x16xf32>,
      %swap3A_124 = arith.index_cast %scan3A_98 : i32 to index
      %swap3A_125 = arith.constant 80 : index
      %swap3A_126 = tpu.vector_load %arg15[%swap3A_124, %swap3A_125] {strides = array<i32>} : memref<80x128xf32, #tpu.memory_space<vmem>>, vector<1x16xf32>,
      %swap3A_127 = vector.shape_cast %swap3A_126 : vector<1x16xf32> to vector<16xf32>
      %swap3A_128 = vector.shape_cast %broadcast_in_dim3A_5 : vector<16xf32> to vector<1x16xf32>
      tpu.vector_store %arg15[%swap3A_124, %swap3A_125], %swap3A_128 {strides = array<i32>} : memref<80x128xf32, #tpu.memory_space<vmem>>, vector<1x16xf32>,
      %swap3A_129 = arith.index_cast %scan3A_98 : i32 to index
      %swap3A_130 = arith.constant 96 : index
      %swap3A_131 = tpu.vector_load %arg15[%swap3A_129, %swap3A_130] {strides = array<i32>} : memref<80x128xf32, #tpu.memory_space<vmem>>, vector<1x16xf32>,
      %swap3A_132 = vector.shape_cast %swap3A_131 : vector<1x16xf32> to vector<16xf32>
      %swap3A_133 = vector.shape_cast %broadcast_in_dim3A_5 : vector<16xf32> to vector<1x16xf32>
      tpu.vector_store %arg15[%swap3A_129, %swap3A_130], %swap3A_133 {strides = array<i32>} : memref<80x128xf32, #tpu.memory_space<vmem>>, vector<1x16xf32>,
      %swap3A_134 = arith.index_cast %scan3A_98 : i32 to index
      %swap3A_135 = arith.constant 112 : index
      %swap3A_136 = tpu.vector_load %arg15[%swap3A_134, %swap3A_135] {strides = array<i32>} : memref<80x128xf32, #tpu.memory_space<vmem>>, vector<1x16xf32>,
      %swap3A_137 = vector.shape_cast %swap3A_136 : vector<1x16xf32> to vector<16xf32>
      %swap3A_138 = vector.shape_cast %broadcast_in_dim3A_5 : vector<16xf32> to vector<1x16xf32>
      tpu.vector_store %arg15[%swap3A_134, %swap3A_135], %swap3A_138 {strides = array<i32>} : memref<80x128xf32, #tpu.memory_space<vmem>>, vector<1x16xf32>,
      %scan3A_139 = arith.constant 0 : i32
      scf.yield %scan3A_139 : i32
    }
    %scan3A_11 = arith.constant 80 : i32
    %add3A_12 = arith.constant 0 : i32
    %add3A_13 = arith.addi %mul3A_4, %add3A_12 : i32
    "tpu.region"() ({
      %run_scoped3A = tpu.sem_alloc : memref<!tpu.dma_semaphore, #tpu.memory_space<semaphore_mem>>
      %dma_start3A_98 = arith.constant 0 : i32
      %dma_start3A_99 = tpu.memref_slice %arg19[%add3A_13, %dma_start3A_98] : memref<10000x128xf32, #tpu.memory_space<vmem_shared>> -> memref<80x128xf32, #tpu.memory_space<vmem_shared>>
      %dma_start3A_100 = arith.constant 0 : i32
      %dma_start3A_101 = tpu.memref_slice %arg19[%add3A_13, %dma_start3A_100] : memref<10000x128xf32, #tpu.memory_space<vmem_shared>> -> memref<80x128xf32, #tpu.memory_space<vmem_shared>>
      tpu.enqueue_dma source(%arg15 : memref<80x128xf32, #tpu.memory_space<vmem>>) target(%dma_start3A_101 : memref<80x128xf32, #tpu.memory_space<vmem_shared>>) target_semaphore(%run_scoped3A : memref<!tpu.dma_semaphore, #tpu.memory_space<semaphore_mem>>)
      %dma_wait3A_102 = arith.constant 0 : i32
      %dma_wait3A_103 = tpu.memref_slice %arg19[%add3A_13, %dma_wait3A_102] : memref<10000x128xf32, #tpu.memory_space<vmem_shared>> -> memref<80x128xf32, #tpu.memory_space<vmem_shared>>
      %dma_wait3A_104 = arith.constant 0 : i32
      %dma_wait3A_105 = tpu.memref_slice %arg19[%add3A_13, %dma_wait3A_104] : memref<10000x128xf32, #tpu.memory_space<vmem_shared>> -> memref<80x128xf32, #tpu.memory_space<vmem_shared>>
      tpu.wait_dma2 semaphore(%run_scoped3A : memref<!tpu.dma_semaphore, #tpu.memory_space<semaphore_mem>>) src(%arg15 : memref<80x128xf32, #tpu.memory_space<vmem>>) dst(%dma_wait3A_105 : memref<80x128xf32, #tpu.memory_space<vmem_shared>>)
      tpu.yield
    }) : () -> ()
    %add3A_14 = arith.constant 80 : i32
    %add3A_15 = arith.addi %mul3A_4, %add3A_14 : i32
    "tpu.region"() ({
      %run_scoped3A = tpu.sem_alloc : memref<!tpu.dma_semaphore, #tpu.memory_space<semaphore_mem>>
      %dma_start3A_98 = arith.constant 0 : i32
      %dma_start3A_99 = tpu.memref_slice %arg19[%add3A_15, %dma_start3A_98] : memref<10000x128xf32, #tpu.memory_space<vmem_shared>> -> memref<80x128xf32, #tpu.memory_space<vmem_shared>>
      %dma_start3A_100 = arith.constant 0 : i32
      %dma_start3A_101 = tpu.memref_slice %arg19[%add3A_15, %dma_start3A_100] : memref<10000x128xf32, #tpu.memory_space<vmem_shared>> -> memref<80x128xf32, #tpu.memory_space<vmem_shared>>
      tpu.enqueue_dma source(%arg15 : memref<80x128xf32, #tpu.memory_space<vmem>>) target(%dma_start3A_101 : memref<80x128xf32, #tpu.memory_space<vmem_shared>>) target_semaphore(%run_scoped3A : memref<!tpu.dma_semaphore, #tpu.memory_space<semaphore_mem>>)
      %dma_wait3A_102 = arith.constant 0 : i32
      %dma_wait3A_103 = tpu.memref_slice %arg19[%add3A_15, %dma_wait3A_102] : memref<10000x128xf32, #tpu.memory_space<vmem_shared>> -> memref<80x128xf32, #tpu.memory_space<vmem_shared>>
      %dma_wait3A_104 = arith.constant 0 : i32
      %dma_wait3A_105 = tpu.memref_slice %arg19[%add3A_15, %dma_wait3A_104] : memref<10000x128xf32, #tpu.memory_space<vmem_shared>> -> memref<80x128xf32, #tpu.memory_space<vmem_shared>>
      tpu.wait_dma2 semaphore(%run_scoped3A : memref<!tpu.dma_semaphore, #tpu.memory_space<semaphore_mem>>) src(%arg15 : memref<80x128xf32, #tpu.memory_space<vmem>>) dst(%dma_wait3A_105 : memref<80x128xf32, #tpu.memory_space<vmem_shared>>)
      tpu.yield
    }) : () -> ()
    %add3A_16 = arith.constant 160 : i32
    %add3A_17 = arith.addi %mul3A_4, %add3A_16 : i32
    "tpu.region"() ({
      %run_scoped3A = tpu.sem_alloc : memref<!tpu.dma_semaphore, #tpu.memory_space<semaphore_mem>>
      %dma_start3A_98 = arith.constant 0 : i32
      %dma_start3A_99 = tpu.memref_slice %arg19[%add3A_17, %dma_start3A_98] : memref<10000x128xf32, #tpu.memory_space<vmem_shared>> -> memref<80x128xf32, #tpu.memory_space<vmem_shared>>
      %dma_start3A_100 = arith.constant 0 : i32
      %dma_start3A_101 = tpu.memref_slice %arg19[%add3A_17, %dma_start3A_100] : memref<10000x128xf32, #tpu.memory_space<vmem_shared>> -> memref<80x128xf32, #tpu.memory_space<vmem_shared>>
      tpu.enqueue_dma source(%arg15 : memref<80x128xf32, #tpu.memory_space<vmem>>) target(%dma_start3A_101 : memref<80x128xf32, #tpu.memory_space<vmem_shared>>) target_semaphore(%run_scoped3A : memref<!tpu.dma_semaphore, #tpu.memory_space<semaphore_mem>>)
      %dma_wait3A_102 = arith.constant 0 : i32
      %dma_wait3A_103 = tpu.memref_slice %arg19[%add3A_17, %dma_wait3A_102] : memref<10000x128xf32, #tpu.memory_space<vmem_shared>> -> memref<80x128xf32, #tpu.memory_space<vmem_shared>>
      %dma_wait3A_104 = arith.constant 0 : i32
      %dma_wait3A_105 = tpu.memref_slice %arg19[%add3A_17, %dma_wait3A_104] : memref<10000x128xf32, #tpu.memory_space<vmem_shared>> -> memref<80x128xf32, #tpu.memory_space<vmem_shared>>
      tpu.wait_dma2 semaphore(%run_scoped3A : memref<!tpu.dma_semaphore, #tpu.memory_space<semaphore_mem>>) src(%arg15 : memref<80x128xf32, #tpu.memory_space<vmem>>) dst(%dma_wait3A_105 : memref<80x128xf32, #tpu.memory_space<vmem_shared>>)
      tpu.yield
    }) : () -> ()
    %add3A_18 = arith.constant 240 : i32
    %add3A_19 = arith.addi %mul3A_4, %add3A_18 : i32
    "tpu.region"() ({
      %run_scoped3A = tpu.sem_alloc : memref<!tpu.dma_semaphore, #tpu.memory_space<semaphore_mem>>
      %dma_start3A_98 = arith.constant 0 : i32
      %dma_start3A_99 = tpu.memref_slice %arg19[%add3A_19, %dma_start3A_98] : memref<10000x128xf32, #tpu.memory_space<vmem_shared>> -> memref<80x128xf32, #tpu.memory_space<vmem_shared>>
      %dma_start3A_100 = arith.constant 0 : i32
      %dma_start3A_101 = tpu.memref_slice %arg19[%add3A_19, %dma_start3A_100] : memref<10000x128xf32, #tpu.memory_space<vmem_shared>> -> memref<80x128xf32, #tpu.memory_space<vmem_shared>>
      tpu.enqueue_dma source(%arg15 : memref<80x128xf32, #tpu.memory_space<vmem>>) target(%dma_start3A_101 : memref<80x128xf32, #tpu.memory_space<vmem_shared>>) target_semaphore(%run_scoped3A : memref<!tpu.dma_semaphore, #tpu.memory_space<semaphore_mem>>)
      %dma_wait3A_102 = arith.constant 0 : i32
      %dma_wait3A_103 = tpu.memref_slice %arg19[%add3A_19, %dma_wait3A_102] : memref<10000x128xf32, #tpu.memory_space<vmem_shared>> -> memref<80x128xf32, #tpu.memory_space<vmem_shared>>
      %dma_wait3A_104 = arith.constant 0 : i32
      %dma_wait3A_105 = tpu.memref_slice %arg19[%add3A_19, %dma_wait3A_104] : memref<10000x128xf32, #tpu.memory_space<vmem_shared>> -> memref<80x128xf32, #tpu.memory_space<vmem_shared>>
      tpu.wait_dma2 semaphore(%run_scoped3A : memref<!tpu.dma_semaphore, #tpu.memory_space<semaphore_mem>>) src(%arg15 : memref<80x128xf32, #tpu.memory_space<vmem>>) dst(%dma_wait3A_105 : memref<80x128xf32, #tpu.memory_space<vmem_shared>>)
      tpu.yield
    }) : () -> ()
    %add3A_20 = arith.constant 320 : i32
    %add3A_21 = arith.addi %mul3A_4, %add3A_20 : i32
    "tpu.region"() ({
      %run_scoped3A = tpu.sem_alloc : memref<!tpu.dma_semaphore, #tpu.memory_space<semaphore_mem>>
      %dma_start3A_98 = arith.constant 0 : i32
      %dma_start3A_99 = tpu.memref_slice %arg19[%add3A_21, %dma_start3A_98] : memref<10000x128xf32, #tpu.memory_space<vmem_shared>> -> memref<80x128xf32, #tpu.memory_space<vmem_shared>>
      %dma_start3A_100 = arith.constant 0 : i32
      %dma_start3A_101 = tpu.memref_slice %arg19[%add3A_21, %dma_start3A_100] : memref<10000x128xf32, #tpu.memory_space<vmem_shared>> -> memref<80x128xf32, #tpu.memory_space<vmem_shared>>
      tpu.enqueue_dma source(%arg15 : memref<80x128xf32, #tpu.memory_space<vmem>>) target(%dma_start3A_101 : memref<80x128xf32, #tpu.memory_space<vmem_shared>>) target_semaphore(%run_scoped3A : memref<!tpu.dma_semaphore, #tpu.memory_space<semaphore_mem>>)
      %dma_wait3A_102 = arith.constant 0 : i32
      %dma_wait3A_103 = tpu.memref_slice %arg19[%add3A_21, %dma_wait3A_102] : memref<10000x128xf32, #tpu.memory_space<vmem_shared>> -> memref<80x128xf32, #tpu.memory_space<vmem_shared>>
      %dma_wait3A_104 = arith.constant 0 : i32
      %dma_wait3A_105 = tpu.memref_slice %arg19[%add3A_21, %dma_wait3A_104] : memref<10000x128xf32, #tpu.memory_space<vmem_shared>> -> memref<80x128xf32, #tpu.memory_space<vmem_shared>>
      tpu.wait_dma2 semaphore(%run_scoped3A : memref<!tpu.dma_semaphore, #tpu.memory_space<semaphore_mem>>) src(%arg15 : memref<80x128xf32, #tpu.memory_space<vmem>>) dst(%dma_wait3A_105 : memref<80x128xf32, #tpu.memory_space<vmem_shared>>)
      tpu.yield
    }) : () -> ()
    %add3A_22 = arith.constant 400 : i32
    %add3A_23 = arith.addi %mul3A_4, %add3A_22 : i32
    "tpu.region"() ({
      %run_scoped3A = tpu.sem_alloc : memref<!tpu.dma_semaphore, #tpu.memory_space<semaphore_mem>>
      %dma_start3A_98 = arith.constant 0 : i32
      %dma_start3A_99 = tpu.memref_slice %arg19[%add3A_23, %dma_start3A_98] : memref<10000x128xf32, #tpu.memory_space<vmem_shared>> -> memref<80x128xf32, #tpu.memory_space<vmem_shared>>
      %dma_start3A_100 = arith.constant 0 : i32
      %dma_start3A_101 = tpu.memref_slice %arg19[%add3A_23, %dma_start3A_100] : memref<10000x128xf32, #tpu.memory_space<vmem_shared>> -> memref<80x128xf32, #tpu.memory_space<vmem_shared>>
      tpu.enqueue_dma source(%arg15 : memref<80x128xf32, #tpu.memory_space<vmem>>) target(%dma_start3A_101 : memref<80x128xf32, #tpu.memory_space<vmem_shared>>) target_semaphore(%run_scoped3A : memref<!tpu.dma_semaphore, #tpu.memory_space<semaphore_mem>>)
      %dma_wait3A_102 = arith.constant 0 : i32
      %dma_wait3A_103 = tpu.memref_slice %arg19[%add3A_23, %dma_wait3A_102] : memref<10000x128xf32, #tpu.memory_space<vmem_shared>> -> memref<80x128xf32, #tpu.memory_space<vmem_shared>>
      %dma_wait3A_104 = arith.constant 0 : i32
      %dma_wait3A_105 = tpu.memref_slice %arg19[%add3A_23, %dma_wait3A_104] : memref<10000x128xf32, #tpu.memory_space<vmem_shared>> -> memref<80x128xf32, #tpu.memory_space<vmem_shared>>
      tpu.wait_dma2 semaphore(%run_scoped3A : memref<!tpu.dma_semaphore, #tpu.memory_space<semaphore_mem>>) src(%arg15 : memref<80x128xf32, #tpu.memory_space<vmem>>) dst(%dma_wait3A_105 : memref<80x128xf32, #tpu.memory_space<vmem_shared>>)
      tpu.yield
    }) : () -> ()
    %add3A_24 = arith.constant 480 : i32
    %add3A_25 = arith.addi %mul3A_4, %add3A_24 : i32
    "tpu.region"() ({
      %run_scoped3A = tpu.sem_alloc : memref<!tpu.dma_semaphore, #tpu.memory_space<semaphore_mem>>
      %dma_start3A_98 = arith.constant 0 : i32
      %dma_start3A_99 = tpu.memref_slice %arg19[%add3A_25, %dma_start3A_98] : memref<10000x128xf32, #tpu.memory_space<vmem_shared>> -> memref<80x128xf32, #tpu.memory_space<vmem_shared>>
      %dma_start3A_100 = arith.constant 0 : i32
      %dma_start3A_101 = tpu.memref_slice %arg19[%add3A_25, %dma_start3A_100] : memref<10000x128xf32, #tpu.memory_space<vmem_shared>> -> memref<80x128xf32, #tpu.memory_space<vmem_shared>>
      tpu.enqueue_dma source(%arg15 : memref<80x128xf32, #tpu.memory_space<vmem>>) target(%dma_start3A_101 : memref<80x128xf32, #tpu.memory_space<vmem_shared>>) target_semaphore(%run_scoped3A : memref<!tpu.dma_semaphore, #tpu.memory_space<semaphore_mem>>)
      %dma_wait3A_102 = arith.constant 0 : i32
      %dma_wait3A_103 = tpu.memref_slice %arg19[%add3A_25, %dma_wait3A_102] : memref<10000x128xf32, #tpu.memory_space<vmem_shared>> -> memref<80x128xf32, #tpu.memory_space<vmem_shared>>
      %dma_wait3A_104 = arith.constant 0 : i32
      %dma_wait3A_105 = tpu.memref_slice %arg19[%add3A_25, %dma_wait3A_104] : memref<10000x128xf32, #tpu.memory_space<vmem_shared>> -> memref<80x128xf32, #tpu.memory_space<vmem_shared>>
      tpu.wait_dma2 semaphore(%run_scoped3A : memref<!tpu.dma_semaphore, #tpu.memory_space<semaphore_mem>>) src(%arg15 : memref<80x128xf32, #tpu.memory_space<vmem>>) dst(%dma_wait3A_105 : memref<80x128xf32, #tpu.memory_space<vmem_shared>>)
      tpu.yield
    }) : () -> ()
    %add3A_26 = arith.constant 560 : i32
    %add3A_27 = arith.addi %mul3A_4, %add3A_26 : i32
    "tpu.region"() ({
      %run_scoped3A = tpu.sem_alloc : memref<!tpu.dma_semaphore, #tpu.memory_space<semaphore_mem>>
      %dma_start3A_98 = arith.constant 0 : i32
      %dma_start3A_99 = arith.constant 0 : i32
      %dma_start3A_100 = tpu.memref_slice %arg15[%dma_start3A_98, %dma_start3A_99] : memref<80x128xf32, #tpu.memory_space<vmem>> -> memref<64x128xf32, #tpu.memory_space<vmem>>
      %dma_start3A_101 = arith.constant 0 : i32
      %dma_start3A_102 = tpu.memref_slice %arg19[%add3A_27, %dma_start3A_101] : memref<10000x128xf32, #tpu.memory_space<vmem_shared>> -> memref<64x128xf32, #tpu.memory_space<vmem_shared>>
      %dma_start3A_103 = arith.constant 0 : i32
      %dma_start3A_104 = tpu.memref_slice %arg19[%add3A_27, %dma_start3A_103] : memref<10000x128xf32, #tpu.memory_space<vmem_shared>> -> memref<64x128xf32, #tpu.memory_space<vmem_shared>>
      %dma_start3A_105 = arith.constant 0 : i32
      %dma_start3A_106 = arith.constant 0 : i32
      %dma_start3A_107 = tpu.memref_slice %arg15[%dma_start3A_105, %dma_start3A_106] : memref<80x128xf32, #tpu.memory_space<vmem>> -> memref<64x128xf32, #tpu.memory_space<vmem>>
      tpu.enqueue_dma source(%dma_start3A_107 : memref<64x128xf32, #tpu.memory_space<vmem>>) target(%dma_start3A_104 : memref<64x128xf32, #tpu.memory_space<vmem_shared>>) target_semaphore(%run_scoped3A : memref<!tpu.dma_semaphore, #tpu.memory_space<semaphore_mem>>)
      %dma_wait3A_108 = arith.constant 0 : i32
      %dma_wait3A_109 = arith.constant 0 : i32
      %dma_wait3A_110 = tpu.memref_slice %arg15[%dma_wait3A_108, %dma_wait3A_109] : memref<80x128xf32, #tpu.memory_space<vmem>> -> memref<64x128xf32, #tpu.memory_space<vmem>>
      %dma_wait3A_111 = arith.constant 0 : i32
      %dma_wait3A_112 = tpu.memref_slice %arg19[%add3A_27, %dma_wait3A_111] : memref<10000x128xf32, #tpu.memory_space<vmem_shared>> -> memref<64x128xf32, #tpu.memory_space<vmem_shared>>
      %dma_wait3A_113 = arith.constant 0 : i32
      %dma_wait3A_114 = tpu.memref_slice %arg19[%add3A_27, %dma_wait3A_113] : memref<10000x128xf32, #tpu.memory_space<vmem_shared>> -> memref<64x128xf32, #tpu.memory_space<vmem_shared>>
      %dma_wait3A_115 = arith.constant 0 : i32
      %dma_wait3A_116 = arith.constant 0 : i32
      %dma_wait3A_117 = tpu.memref_slice %arg15[%dma_wait3A_115, %dma_wait3A_116] : memref<80x128xf32, #tpu.memory_space<vmem>> -> memref<64x128xf32, #tpu.memory_space<vmem>>
      tpu.wait_dma2 semaphore(%run_scoped3A : memref<!tpu.dma_semaphore, #tpu.memory_space<semaphore_mem>>) src(%dma_wait3A_117 : memref<64x128xf32, #tpu.memory_space<vmem>>) dst(%dma_wait3A_114 : memref<64x128xf32, #tpu.memory_space<vmem_shared>>)
      tpu.yield
    }) : () -> ()
    %eq3A = arith.constant 15 : i32
    %eq3A_28 = arith.cmpi eq, %arg1, %eq3A : i32
    %convert_element_type3A = arith.extui %eq3A_28 : i1 to i32
    %cond3A = arith.constant 0 : i32
    %cond3A_29 = arith.cmpi ne, %convert_element_type3A, %cond3A : i32
    scf.if %cond3A_29 {
      "tpu.region"() ({
        %run_scoped3A = tpu.sem_alloc : memref<!tpu.dma_semaphore, #tpu.memory_space<semaphore_mem>>
        %dma_start3A_98 = arith.constant 0 : i32
        %dma_start3A_99 = arith.constant 0 : i32
        %dma_start3A_100 = tpu.memref_slice %arg15[%dma_start3A_98, %dma_start3A_99] : memref<80x128xf32, #tpu.memory_space<vmem>> -> memref<16x128xf32, #tpu.memory_space<vmem>>
        %dma_start3A_101 = arith.constant 9984 : i32
        %dma_start3A_102 = arith.constant 0 : i32
        %dma_start3A_103 = tpu.memref_slice %arg19[%dma_start3A_101, %dma_start3A_102] : memref<10000x128xf32, #tpu.memory_space<vmem_shared>> -> memref<16x128xf32, #tpu.memory_space<vmem_shared>>
        %dma_start3A_104 = arith.constant 9984 : i32
        %dma_start3A_105 = arith.constant 0 : i32
        %dma_start3A_106 = tpu.memref_slice %arg19[%dma_start3A_104, %dma_start3A_105] : memref<10000x128xf32, #tpu.memory_space<vmem_shared>> -> memref<16x128xf32, #tpu.memory_space<vmem_shared>>
        %dma_start3A_107 = arith.constant 0 : i32
        %dma_start3A_108 = arith.constant 0 : i32
        %dma_start3A_109 = tpu.memref_slice %arg15[%dma_start3A_107, %dma_start3A_108] : memref<80x128xf32, #tpu.memory_space<vmem>> -> memref<16x128xf32, #tpu.memory_space<vmem>>
        tpu.enqueue_dma source(%dma_start3A_109 : memref<16x128xf32, #tpu.memory_space<vmem>>) target(%dma_start3A_106 : memref<16x128xf32, #tpu.memory_space<vmem_shared>>) target_semaphore(%run_scoped3A : memref<!tpu.dma_semaphore, #tpu.memory_space<semaphore_mem>>)
        %dma_wait3A_110 = arith.constant 0 : i32
        %dma_wait3A_111 = arith.constant 0 : i32
        %dma_wait3A_112 = tpu.memref_slice %arg15[%dma_wait3A_110, %dma_wait3A_111] : memref<80x128xf32, #tpu.memory_space<vmem>> -> memref<16x128xf32, #tpu.memory_space<vmem>>
        %dma_wait3A_113 = arith.constant 9984 : i32
        %dma_wait3A_114 = arith.constant 0 : i32
        %dma_wait3A_115 = tpu.memref_slice %arg19[%dma_wait3A_113, %dma_wait3A_114] : memref<10000x128xf32, #tpu.memory_space<vmem_shared>> -> memref<16x128xf32, #tpu.memory_space<vmem_shared>>
        %dma_wait3A_116 = arith.constant 9984 : i32
        %dma_wait3A_117 = arith.constant 0 : i32
        %dma_wait3A_118 = tpu.memref_slice %arg19[%dma_wait3A_116, %dma_wait3A_117] : memref<10000x128xf32, #tpu.memory_space<vmem_shared>> -> memref<16x128xf32, #tpu.memory_space<vmem_shared>>
        %dma_wait3A_119 = arith.constant 0 : i32
        %dma_wait3A_120 = arith.constant 0 : i32
        %dma_wait3A_121 = tpu.memref_slice %arg15[%dma_wait3A_119, %dma_wait3A_120] : memref<80x128xf32, #tpu.memory_space<vmem>> -> memref<16x128xf32, #tpu.memory_space<vmem>>
        tpu.wait_dma2 semaphore(%run_scoped3A : memref<!tpu.dma_semaphore, #tpu.memory_space<semaphore_mem>>) src(%dma_wait3A_121 : memref<16x128xf32, #tpu.memory_space<vmem>>) dst(%dma_wait3A_118 : memref<16x128xf32, #tpu.memory_space<vmem_shared>>)
        tpu.yield
      }) : () -> ()
    } else {
    }
    %barrier3A = arith.constant 0 : index
    tpu.barrier barrier_id(%barrier3A)
    %add3A_30 = arith.constant 0 : i32
    %add3A_31 = arith.addi %mul3A_2, %add3A_30 : i32
    %dma_start3A = tpu.memref_slice %arg4[%add3A_31] : memref<320000xi32, #tpu.memory_space<hbm>> -> memref<80xi32, #tpu.memory_space<hbm>>
    %dma_start3A_32 = tpu.memref_slice %arg4[%add3A_31] : memref<320000xi32, #tpu.memory_space<hbm>> -> memref<80xi32, #tpu.memory_space<hbm>>
    tpu.enqueue_dma source(%dma_start3A_32 : memref<80xi32, #tpu.memory_space<hbm>>) target(%arg7 : memref<80xi32, #tpu.memory_space<vmem>>) target_semaphore(%arg20 : memref<!tpu.dma_semaphore, #tpu.memory_space<semaphore_mem>>)
    %dma_start3A_33 = tpu.memref_slice %arg5[%add3A_31] : memref<320000xi32, #tpu.memory_space<hbm>> -> memref<80xi32, #tpu.memory_space<hbm>>
    %dma_start3A_34 = tpu.memref_slice %arg5[%add3A_31] : memref<320000xi32, #tpu.memory_space<hbm>> -> memref<80xi32, #tpu.memory_space<hbm>>
    tpu.enqueue_dma source(%dma_start3A_34 : memref<80xi32, #tpu.memory_space<hbm>>) target(%arg11 : memref<80xi32, #tpu.memory_space<vmem>>) target_semaphore(%arg20 : memref<!tpu.dma_semaphore, #tpu.memory_space<semaphore_mem>>)
    %dma_start3A_35 = arith.constant 0 : i32
    %dma_start3A_36 = tpu.memref_slice %arg3[%add3A_31, %dma_start3A_35] : memref<320000x128xf32, #tpu.memory_space<hbm>> -> memref<80x128xf32, #tpu.memory_space<hbm>>
    %dma_start3A_37 = arith.constant 0 : i32
    %dma_start3A_38 = tpu.memref_slice %arg3[%add3A_31, %dma_start3A_37] : memref<320000x128xf32, #tpu.memory_space<hbm>> -> memref<80x128xf32, #tpu.memory_space<hbm>>
    tpu.enqueue_dma source(%dma_start3A_38 : memref<80x128xf32, #tpu.memory_space<hbm>>) target(%arg15 : memref<80x128xf32, #tpu.memory_space<vmem>>) target_semaphore(%arg24 : memref<!tpu.dma_semaphore, #tpu.memory_space<semaphore_mem>>)
    %dma_wait3A = arith.constant 0 : i32
    %dma_wait3A_39 = tpu.memref_slice %arg4[%dma_wait3A] : memref<320000xi32, #tpu.memory_space<hbm>> -> memref<80xi32, #tpu.memory_space<hbm>>
    %dma_wait3A_40 = arith.constant 0 : i32
    %dma_wait3A_41 = tpu.memref_slice %arg4[%dma_wait3A_40] : memref<320000xi32, #tpu.memory_space<hbm>> -> memref<80xi32, #tpu.memory_space<hbm>>
    tpu.wait_dma2 semaphore(%arg20 : memref<!tpu.dma_semaphore, #tpu.memory_space<semaphore_mem>>) src(%dma_wait3A_41 : memref<80xi32, #tpu.memory_space<hbm>>) dst(%arg7 : memref<80xi32, #tpu.memory_space<vmem>>)
    %dma_wait3A_42 = arith.constant 0 : i32
    %dma_wait3A_43 = tpu.memref_slice %arg5[%dma_wait3A_42] : memref<320000xi32, #tpu.memory_space<hbm>> -> memref<80xi32, #tpu.memory_space<hbm>>
    %dma_wait3A_44 = arith.constant 0 : i32
    %dma_wait3A_45 = tpu.memref_slice %arg5[%dma_wait3A_44] : memref<320000xi32, #tpu.memory_space<hbm>> -> memref<80xi32, #tpu.memory_space<hbm>>
    tpu.wait_dma2 semaphore(%arg20 : memref<!tpu.dma_semaphore, #tpu.memory_space<semaphore_mem>>) src(%dma_wait3A_45 : memref<80xi32, #tpu.memory_space<hbm>>) dst(%arg11 : memref<80xi32, #tpu.memory_space<vmem>>)
    %dma_wait3A_46 = arith.constant 0 : i32
    %dma_wait3A_47 = arith.constant 0 : i32
    %dma_wait3A_48 = tpu.memref_slice %arg3[%dma_wait3A_46, %dma_wait3A_47] : memref<320000x128xf32, #tpu.memory_space<hbm>> -> memref<80x128xf32, #tpu.memory_space<hbm>>
    %dma_wait3A_49 = arith.constant 0 : i32
    %dma_wait3A_50 = arith.constant 0 : i32
    %dma_wait3A_51 = tpu.memref_slice %arg3[%dma_wait3A_49, %dma_wait3A_50] : memref<320000x128xf32, #tpu.memory_space<hbm>> -> memref<80x128xf32, #tpu.memory_space<hbm>>
    tpu.wait_dma2 semaphore(%arg24 : memref<!tpu.dma_semaphore, #tpu.memory_space<semaphore_mem>>) src(%dma_wait3A_51 : memref<80x128xf32, #tpu.memory_space<hbm>>) dst(%arg15 : memref<80x128xf32, #tpu.memory_space<vmem>>)
    %dma_start3A_52 = arith.constant 0 : i32
    %dma_start3A_53 = arith.constant 0 : i32
    %dma_start3A_54 = tpu.memref_slice %arg2[%dma_start3A_52, %dma_start3A_53] : memref<10000x128xf32, #tpu.memory_space<hbm>> -> memref<10000x128xf32, #tpu.memory_space<hbm>>
    tpu.enqueue_indirect_dma source(%dma_start3A_54 : memref<10000x128xf32, #tpu.memory_space<hbm>>) target(%arg15 : memref<80x128xf32, #tpu.memory_space<vmem>>) offsets(%arg7 : memref<80xi32, #tpu.memory_space<vmem>>) semaphore(%arg28 : memref<!tpu.dma_semaphore, #tpu.memory_space<semaphore_mem>>) {add = true}
    %add3A_55 = arith.constant 80 : i32
    %add3A_56 = arith.addi %mul3A_2, %add3A_55 : i32
    %dma_start3A_57 = tpu.memref_slice %arg4[%add3A_56] : memref<320000xi32, #tpu.memory_space<hbm>> -> memref<80xi32, #tpu.memory_space<hbm>>
    %dma_start3A_58 = tpu.memref_slice %arg4[%add3A_56] : memref<320000xi32, #tpu.memory_space<hbm>> -> memref<80xi32, #tpu.memory_space<hbm>>
    tpu.enqueue_dma source(%dma_start3A_58 : memref<80xi32, #tpu.memory_space<hbm>>) target(%arg8 : memref<80xi32, #tpu.memory_space<vmem>>) target_semaphore(%arg21 : memref<!tpu.dma_semaphore, #tpu.memory_space<semaphore_mem>>)
    %dma_start3A_59 = tpu.memref_slice %arg5[%add3A_56] : memref<320000xi32, #tpu.memory_space<hbm>> -> memref<80xi32, #tpu.memory_space<hbm>>
    %dma_start3A_60 = tpu.memref_slice %arg5[%add3A_56] : memref<320000xi32, #tpu.memory_space<hbm>> -> memref<80xi32, #tpu.memory_space<hbm>>
    tpu.enqueue_dma source(%dma_start3A_60 : memref<80xi32, #tpu.memory_space<hbm>>) target(%arg12 : memref<80xi32, #tpu.memory_space<vmem>>) target_semaphore(%arg21 : memref<!tpu.dma_semaphore, #tpu.memory_space<semaphore_mem>>)
    %dma_start3A_61 = arith.constant 0 : i32
    %dma_start3A_62 = tpu.memref_slice %arg3[%add3A_56, %dma_start3A_61] : memref<320000x128xf32, #tpu.memory_space<hbm>> -> memref<80x128xf32, #tpu.memory_space<hbm>>
    %dma_start3A_63 = arith.constant 0 : i32
    %dma_start3A_64 = tpu.memref_slice %arg3[%add3A_56, %dma_start3A_63] : memref<320000x128xf32, #tpu.memory_space<hbm>> -> memref<80x128xf32, #tpu.memory_space<hbm>>
    tpu.enqueue_dma source(%dma_start3A_64 : memref<80x128xf32, #tpu.memory_space<hbm>>) target(%arg16 : memref<80x128xf32, #tpu.memory_space<vmem>>) target_semaphore(%arg25 : memref<!tpu.dma_semaphore, #tpu.memory_space<semaphore_mem>>)
    %add3A_65 = arith.constant 160 : i32
    %add3A_66 = arith.addi %mul3A_2, %add3A_65 : i32
    %dma_start3A_67 = tpu.memref_slice %arg4[%add3A_66] : memref<320000xi32, #tpu.memory_space<hbm>> -> memref<80xi32, #tpu.memory_space<hbm>>
    %dma_start3A_68 = tpu.memref_slice %arg4[%add3A_66] : memref<320000xi32, #tpu.memory_space<hbm>> -> memref<80xi32, #tpu.memory_space<hbm>>
    tpu.enqueue_dma source(%dma_start3A_68 : memref<80xi32, #tpu.memory_space<hbm>>) target(%arg9 : memref<80xi32, #tpu.memory_space<vmem>>) target_semaphore(%arg22 : memref<!tpu.dma_semaphore, #tpu.memory_space<semaphore_mem>>)
    %dma_start3A_69 = tpu.memref_slice %arg5[%add3A_66] : memref<320000xi32, #tpu.memory_space<hbm>> -> memref<80xi32, #tpu.memory_space<hbm>>
    %dma_start3A_70 = tpu.memref_slice %arg5[%add3A_66] : memref<320000xi32, #tpu.memory_space<hbm>> -> memref<80xi32, #tpu.memory_space<hbm>>
    tpu.enqueue_dma source(%dma_start3A_70 : memref<80xi32, #tpu.memory_space<hbm>>) target(%arg13 : memref<80xi32, #tpu.memory_space<vmem>>) target_semaphore(%arg22 : memref<!tpu.dma_semaphore, #tpu.memory_space<semaphore_mem>>)
    %dma_start3A_71 = arith.constant 0 : i32
    %dma_start3A_72 = tpu.memref_slice %arg3[%add3A_66, %dma_start3A_71] : memref<320000x128xf32, #tpu.memory_space<hbm>> -> memref<80x128xf32, #tpu.memory_space<hbm>>
    %dma_start3A_73 = arith.constant 0 : i32
    %dma_start3A_74 = tpu.memref_slice %arg3[%add3A_66, %dma_start3A_73] : memref<320000x128xf32, #tpu.memory_space<hbm>> -> memref<80x128xf32, #tpu.memory_space<hbm>>
    tpu.enqueue_dma source(%dma_start3A_74 : memref<80x128xf32, #tpu.memory_space<hbm>>) target(%arg17 : memref<80x128xf32, #tpu.memory_space<vmem>>) target_semaphore(%arg26 : memref<!tpu.dma_semaphore, #tpu.memory_space<semaphore_mem>>)
    %scan3A_75 = arith.constant 0 : i32
    %scan3A_76 = arith.constant 0 : i32
    %scan3A_77 = arith.constant 31 : i32
    %scan3A_78 = arith.addi %scan3A_76, %scan3A_77 : i32
    %scan3A_79 = arith.constant 1 : i32
    %scan3A_80 = scf.for %scan3A_98 = %scan3A_76 to %scan3A_78 step %scan3A_79 iter_args(%scan3A_99 = %scan3A_75) -> (i32)  : i32 {
      %mul3A_100 = arith.constant 4 : i32
      %mul3A_101 = arith.muli %mul3A_100, %scan3A_98 : i32
      %add3A_102 = arith.constant 0 : i32
      %add3A_103 = arith.addi %mul3A_101, %add3A_102 : i32
      %dma_wait3A_104 = arith.constant 0 : i32
      %dma_wait3A_105 = tpu.memref_slice %arg4[%dma_wait3A_104] : memref<320000xi32, #tpu.memory_space<hbm>> -> memref<80xi32, #tpu.memory_space<hbm>>
      %dma_wait3A_106 = arith.constant 0 : i32
      %dma_wait3A_107 = tpu.memref_slice %arg4[%dma_wait3A_106] : memref<320000xi32, #tpu.memory_space<hbm>> -> memref<80xi32, #tpu.memory_space<hbm>>
      tpu.wait_dma2 semaphore(%arg21 : memref<!tpu.dma_semaphore, #tpu.memory_space<semaphore_mem>>) src(%dma_wait3A_107 : memref<80xi32, #tpu.memory_space<hbm>>) dst(%arg8 : memref<80xi32, #tpu.memory_space<vmem>>)
      %dma_wait3A_108 = arith.constant 0 : i32
      %dma_wait3A_109 = tpu.memref_slice %arg5[%dma_wait3A_108] : memref<320000xi32, #tpu.memory_space<hbm>> -> memref<80xi32, #tpu.memory_space<hbm>>
      %dma_wait3A_110 = arith.constant 0 : i32
      %dma_wait3A_111 = tpu.memref_slice %arg5[%dma_wait3A_110] : memref<320000xi32, #tpu.memory_space<hbm>> -> memref<80xi32, #tpu.memory_space<hbm>>
      tpu.wait_dma2 semaphore(%arg21 : memref<!tpu.dma_semaphore, #tpu.memory_space<semaphore_mem>>) src(%dma_wait3A_111 : memref<80xi32, #tpu.memory_space<hbm>>) dst(%arg12 : memref<80xi32, #tpu.memory_space<vmem>>)
      %dma_wait3A_112 = arith.constant 0 : i32
      %dma_wait3A_113 = arith.constant 0 : i32
      %dma_wait3A_114 = tpu.memref_slice %arg3[%dma_wait3A_112, %dma_wait3A_113] : memref<320000x128xf32, #tpu.memory_space<hbm>> -> memref<80x128xf32, #tpu.memory_space<hbm>>
      %dma_wait3A_115 = arith.constant 0 : i32
      %dma_wait3A_116 = arith.constant 0 : i32
      %dma_wait3A_117 = tpu.memref_slice %arg3[%dma_wait3A_115, %dma_wait3A_116] : memref<320000x128xf32, #tpu.memory_space<hbm>> -> memref<80x128xf32, #tpu.memory_space<hbm>>
      tpu.wait_dma2 semaphore(%arg25 : memref<!tpu.dma_semaphore, #tpu.memory_space<semaphore_mem>>) src(%dma_wait3A_117 : memref<80x128xf32, #tpu.memory_space<hbm>>) dst(%arg16 : memref<80x128xf32, #tpu.memory_space<vmem>>)
      %dma_start3A_118 = arith.constant 0 : i32
      %dma_start3A_119 = arith.constant 0 : i32
      %dma_start3A_120 = tpu.memref_slice %arg2[%dma_start3A_118, %dma_start3A_119] : memref<10000x128xf32, #tpu.memory_space<hbm>> -> memref<10000x128xf32, #tpu.memory_space<hbm>>
      tpu.enqueue_indirect_dma source(%dma_start3A_120 : memref<10000x128xf32, #tpu.memory_space<hbm>>) target(%arg16 : memref<80x128xf32, #tpu.memory_space<vmem>>) offsets(%arg8 : memref<80xi32, #tpu.memory_space<vmem>>) semaphore(%arg29 : memref<!tpu.dma_semaphore, #tpu.memory_space<semaphore_mem>>) {add = true}
      %dma_wait3A_121 = arith.constant 0 : i32
      %dma_wait3A_122 = arith.constant 0 : i32
      %dma_wait3A_123 = tpu.memref_slice %arg2[%dma_wait3A_121, %dma_wait3A_122] : memref<10000x128xf32, #tpu.memory_space<hbm>> -> memref<10000x128xf32, #tpu.memory_space<hbm>>
      tpu.wait_indirect_dma semaphore(%arg28 : memref<!tpu.dma_semaphore, #tpu.memory_space<semaphore_mem>>) src(%dma_wait3A_123 : memref<10000x128xf32, #tpu.memory_space<hbm>>) dst(%arg15 : memref<80x128xf32, #tpu.memory_space<vmem>>)
      %scan3A_124 = arith.constant 0 : i32
      %scan3A_125 = arith.constant 0 : i32
      %scan3A_126 = arith.constant 80 : i32
      %scan3A_127 = arith.addi %scan3A_125, %scan3A_126 : i32
      %scan3A_128 = arith.constant 1 : i32
      %scan3A_129 = scf.for %scan3A_259 = %scan3A_125 to %scan3A_127 step %scan3A_128 iter_args(%scan3A_260 = %scan3A_124) -> (i32)  : i32 {
        %get3A = arith.index_cast %scan3A_259 : i32 to index
        %get3A_261 = arith.constant 0 : index
        %get3A_262 = tpu.vector_load %arg15[%get3A, %get3A_261] {strides = array<i32>} : memref<80x128xf32, #tpu.memory_space<vmem>>, vector<1x16xf32>,
        %get3A_263 = vector.shape_cast %get3A_262 : vector<1x16xf32> to vector<16xf32>
        %max3A = arith.constant 0.000000e+00 : f32
        %max3A_264 = vector.broadcast %max3A : f32 to vector<16xf32>
        %max3A_265 = arith.maximumf %get3A_263, %max3A_264 : vector<16xf32>
        %swap3A = arith.index_cast %scan3A_259 : i32 to index
        %swap3A_266 = arith.constant 0 : index
        %swap3A_267 = tpu.vector_load %arg15[%swap3A, %swap3A_266] {strides = array<i32>} : memref<80x128xf32, #tpu.memory_space<vmem>>, vector<1x16xf32>,
        %swap3A_268 = vector.shape_cast %swap3A_267 : vector<1x16xf32> to vector<16xf32>
        %swap3A_269 = vector.shape_cast %max3A_265 : vector<16xf32> to vector<1x16xf32>
        tpu.vector_store %arg15[%swap3A, %swap3A_266], %swap3A_269 {strides = array<i32>} : memref<80x128xf32, #tpu.memory_space<vmem>>, vector<1x16xf32>,
        %get3A_270 = arith.index_cast %scan3A_259 : i32 to index
        %get3A_271 = arith.constant 16 : index
        %get3A_272 = tpu.vector_load %arg15[%get3A_270, %get3A_271] {strides = array<i32>} : memref<80x128xf32, #tpu.memory_space<vmem>>, vector<1x16xf32>,
        %get3A_273 = vector.shape_cast %get3A_272 : vector<1x16xf32> to vector<16xf32>
        %max3A_274 = arith.constant 0.000000e+00 : f32
        %max3A_275 = vector.broadcast %max3A_274 : f32 to vector<16xf32>
        %max3A_276 = arith.maximumf %get3A_273, %max3A_275 : vector<16xf32>
        %swap3A_277 = arith.index_cast %scan3A_259 : i32 to index
        %swap3A_278 = arith.constant 16 : index
        %swap3A_279 = tpu.vector_load %arg15[%swap3A_277, %swap3A_278] {strides = array<i32>} : memref<80x128xf32, #tpu.memory_space<vmem>>, vector<1x16xf32>,
        %swap3A_280 = vector.shape_cast %swap3A_279 : vector<1x16xf32> to vector<16xf32>
        %swap3A_281 = vector.shape_cast %max3A_276 : vector<16xf32> to vector<1x16xf32>
        tpu.vector_store %arg15[%swap3A_277, %swap3A_278], %swap3A_281 {strides = array<i32>} : memref<80x128xf32, #tpu.memory_space<vmem>>, vector<1x16xf32>,
        %get3A_282 = arith.index_cast %scan3A_259 : i32 to index
        %get3A_283 = arith.constant 32 : index
        %get3A_284 = tpu.vector_load %arg15[%get3A_282, %get3A_283] {strides = array<i32>} : memref<80x128xf32, #tpu.memory_space<vmem>>, vector<1x16xf32>,
        %get3A_285 = vector.shape_cast %get3A_284 : vector<1x16xf32> to vector<16xf32>
        %max3A_286 = arith.constant 0.000000e+00 : f32
        %max3A_287 = vector.broadcast %max3A_286 : f32 to vector<16xf32>
        %max3A_288 = arith.maximumf %get3A_285, %max3A_287 : vector<16xf32>
        %swap3A_289 = arith.index_cast %scan3A_259 : i32 to index
        %swap3A_290 = arith.constant 32 : index
        %swap3A_291 = tpu.vector_load %arg15[%swap3A_289, %swap3A_290] {strides = array<i32>} : memref<80x128xf32, #tpu.memory_space<vmem>>, vector<1x16xf32>,
        %swap3A_292 = vector.shape_cast %swap3A_291 : vector<1x16xf32> to vector<16xf32>
        %swap3A_293 = vector.shape_cast %max3A_288 : vector<16xf32> to vector<1x16xf32>
        tpu.vector_store %arg15[%swap3A_289, %swap3A_290], %swap3A_293 {strides = array<i32>} : memref<80x128xf32, #tpu.memory_space<vmem>>, vector<1x16xf32>,
        %get3A_294 = arith.index_cast %scan3A_259 : i32 to index
        %get3A_295 = arith.constant 48 : index
        %get3A_296 = tpu.vector_load %arg15[%get3A_294, %get3A_295] {strides = array<i32>} : memref<80x128xf32, #tpu.memory_space<vmem>>, vector<1x16xf32>,
        %get3A_297 = vector.shape_cast %get3A_296 : vector<1x16xf32> to vector<16xf32>
        %max3A_298 = arith.constant 0.000000e+00 : f32
        %max3A_299 = vector.broadcast %max3A_298 : f32 to vector<16xf32>
        %max3A_300 = arith.maximumf %get3A_297, %max3A_299 : vector<16xf32>
        %swap3A_301 = arith.index_cast %scan3A_259 : i32 to index
        %swap3A_302 = arith.constant 48 : index
        %swap3A_303 = tpu.vector_load %arg15[%swap3A_301, %swap3A_302] {strides = array<i32>} : memref<80x128xf32, #tpu.memory_space<vmem>>, vector<1x16xf32>,
        %swap3A_304 = vector.shape_cast %swap3A_303 : vector<1x16xf32> to vector<16xf32>
        %swap3A_305 = vector.shape_cast %max3A_300 : vector<16xf32> to vector<1x16xf32>
        tpu.vector_store %arg15[%swap3A_301, %swap3A_302], %swap3A_305 {strides = array<i32>} : memref<80x128xf32, #tpu.memory_space<vmem>>, vector<1x16xf32>,
        %get3A_306 = arith.index_cast %scan3A_259 : i32 to index
        %get3A_307 = arith.constant 64 : index
        %get3A_308 = tpu.vector_load %arg15[%get3A_306, %get3A_307] {strides = array<i32>} : memref<80x128xf32, #tpu.memory_space<vmem>>, vector<1x16xf32>,
        %get3A_309 = vector.shape_cast %get3A_308 : vector<1x16xf32> to vector<16xf32>
        %max3A_310 = arith.constant 0.000000e+00 : f32
        %max3A_311 = vector.broadcast %max3A_310 : f32 to vector<16xf32>
        %max3A_312 = arith.maximumf %get3A_309, %max3A_311 : vector<16xf32>
        %swap3A_313 = arith.index_cast %scan3A_259 : i32 to index
        %swap3A_314 = arith.constant 64 : index
        %swap3A_315 = tpu.vector_load %arg15[%swap3A_313, %swap3A_314] {strides = array<i32>} : memref<80x128xf32, #tpu.memory_space<vmem>>, vector<1x16xf32>,
        %swap3A_316 = vector.shape_cast %swap3A_315 : vector<1x16xf32> to vector<16xf32>
        %swap3A_317 = vector.shape_cast %max3A_312 : vector<16xf32> to vector<1x16xf32>
        tpu.vector_store %arg15[%swap3A_313, %swap3A_314], %swap3A_317 {strides = array<i32>} : memref<80x128xf32, #tpu.memory_space<vmem>>, vector<1x16xf32>,
        %get3A_318 = arith.index_cast %scan3A_259 : i32 to index
        %get3A_319 = arith.constant 80 : index
        %get3A_320 = tpu.vector_load %arg15[%get3A_318, %get3A_319] {strides = array<i32>} : memref<80x128xf32, #tpu.memory_space<vmem>>, vector<1x16xf32>,
        %get3A_321 = vector.shape_cast %get3A_320 : vector<1x16xf32> to vector<16xf32>
        %max3A_322 = arith.constant 0.000000e+00 : f32
        %max3A_323 = vector.broadcast %max3A_322 : f32 to vector<16xf32>
        %max3A_324 = arith.maximumf %get3A_321, %max3A_323 : vector<16xf32>
        %swap3A_325 = arith.index_cast %scan3A_259 : i32 to index
        %swap3A_326 = arith.constant 80 : index
        %swap3A_327 = tpu.vector_load %arg15[%swap3A_325, %swap3A_326] {strides = array<i32>} : memref<80x128xf32, #tpu.memory_space<vmem>>, vector<1x16xf32>,
        %swap3A_328 = vector.shape_cast %swap3A_327 : vector<1x16xf32> to vector<16xf32>
        %swap3A_329 = vector.shape_cast %max3A_324 : vector<16xf32> to vector<1x16xf32>
        tpu.vector_store %arg15[%swap3A_325, %swap3A_326], %swap3A_329 {strides = array<i32>} : memref<80x128xf32, #tpu.memory_space<vmem>>, vector<1x16xf32>,
        %get3A_330 = arith.index_cast %scan3A_259 : i32 to index
        %get3A_331 = arith.constant 96 : index
        %get3A_332 = tpu.vector_load %arg15[%get3A_330, %get3A_331] {strides = array<i32>} : memref<80x128xf32, #tpu.memory_space<vmem>>, vector<1x16xf32>,
        %get3A_333 = vector.shape_cast %get3A_332 : vector<1x16xf32> to vector<16xf32>
        %max3A_334 = arith.constant 0.000000e+00 : f32
        %max3A_335 = vector.broadcast %max3A_334 : f32 to vector<16xf32>
        %max3A_336 = arith.maximumf %get3A_333, %max3A_335 : vector<16xf32>
        %swap3A_337 = arith.index_cast %scan3A_259 : i32 to index
        %swap3A_338 = arith.constant 96 : index
        %swap3A_339 = tpu.vector_load %arg15[%swap3A_337, %swap3A_338] {strides = array<i32>} : memref<80x128xf32, #tpu.memory_space<vmem>>, vector<1x16xf32>,
        %swap3A_340 = vector.shape_cast %swap3A_339 : vector<1x16xf32> to vector<16xf32>
        %swap3A_341 = vector.shape_cast %max3A_336 : vector<16xf32> to vector<1x16xf32>
        tpu.vector_store %arg15[%swap3A_337, %swap3A_338], %swap3A_341 {strides = array<i32>} : memref<80x128xf32, #tpu.memory_space<vmem>>, vector<1x16xf32>,
        %get3A_342 = arith.index_cast %scan3A_259 : i32 to index
        %get3A_343 = arith.constant 112 : index
        %get3A_344 = tpu.vector_load %arg15[%get3A_342, %get3A_343] {strides = array<i32>} : memref<80x128xf32, #tpu.memory_space<vmem>>, vector<1x16xf32>,
        %get3A_345 = vector.shape_cast %get3A_344 : vector<1x16xf32> to vector<16xf32>
        %max3A_346 = arith.constant 0.000000e+00 : f32
        %max3A_347 = vector.broadcast %max3A_346 : f32 to vector<16xf32>
        %max3A_348 = arith.maximumf %get3A_345, %max3A_347 : vector<16xf32>
        %swap3A_349 = arith.index_cast %scan3A_259 : i32 to index
        %swap3A_350 = arith.constant 112 : index
        %swap3A_351 = tpu.vector_load %arg15[%swap3A_349, %swap3A_350] {strides = array<i32>} : memref<80x128xf32, #tpu.memory_space<vmem>>, vector<1x16xf32>,
        %swap3A_352 = vector.shape_cast %swap3A_351 : vector<1x16xf32> to vector<16xf32>
        %swap3A_353 = vector.shape_cast %max3A_348 : vector<16xf32> to vector<1x16xf32>
        tpu.vector_store %arg15[%swap3A_349, %swap3A_350], %swap3A_353 {strides = array<i32>} : memref<80x128xf32, #tpu.memory_space<vmem>>, vector<1x16xf32>,
        %scan3A_354 = arith.constant 0 : i32
        scf.yield %scan3A_354 : i32
      }
      %scan3A_130 = arith.constant 80 : i32
      "tpu.region"() ({
        %run_scoped3A = tpu.sem_alloc : memref<!tpu.dma_semaphore, #tpu.memory_space<semaphore_mem>>
        %dma_start3A_259 = arith.constant 0 : i32
        %dma_start3A_260 = arith.constant 0 : i32
        %dma_start3A_261 = tpu.memref_slice %arg19[%dma_start3A_259, %dma_start3A_260] : memref<10000x128xf32, #tpu.memory_space<vmem_shared>> -> memref<10000x128xf32, #tpu.memory_space<vmem_shared>>
        tpu.enqueue_indirect_dma source(%arg15 : memref<80x128xf32, #tpu.memory_space<vmem>>) target(%dma_start3A_261 : memref<10000x128xf32, #tpu.memory_space<vmem_shared>>) offsets(%arg11 : memref<80xi32, #tpu.memory_space<vmem>>) semaphore(%run_scoped3A : memref<!tpu.dma_semaphore, #tpu.memory_space<semaphore_mem>>) {add = true}
        %dma_wait3A_262 = arith.constant 0 : i32
        %dma_wait3A_263 = arith.constant 0 : i32
        %dma_wait3A_264 = tpu.memref_slice %arg19[%dma_wait3A_262, %dma_wait3A_263] : memref<10000x128xf32, #tpu.memory_space<vmem_shared>> -> memref<10000x128xf32, #tpu.memory_space<vmem_shared>>
        tpu.wait_indirect_dma semaphore(%run_scoped3A : memref<!tpu.dma_semaphore, #tpu.memory_space<semaphore_mem>>) src(%arg15 : memref<80x128xf32, #tpu.memory_space<vmem>>) dst(%dma_wait3A_264 : memref<10000x128xf32, #tpu.memory_space<vmem_shared>>)
        tpu.yield
      }) : () -> ()
      %add3A_131 = arith.constant 4 : i32
      %add3A_132 = arith.addi %add3A_103, %add3A_131 : i32
      %sub3A = arith.constant 1 : i32
      %sub3A_133 = arith.subi %add3A_132, %sub3A : i32
      %lt3A = arith.constant 125 : i32
      %lt3A_134 = arith.cmpi slt, %sub3A_133, %lt3A : i32
      %convert_element_type3A_135 = arith.extui %lt3A_134 : i1 to i32
      %cond3A_136 = arith.constant 0 : i32
      %cond3A_137 = arith.cmpi ne, %convert_element_type3A_135, %cond3A_136 : i32
      scf.if %cond3A_137 {
        %add3A_259 = arith.constant 4 : i32
        %add3A_260 = arith.addi %add3A_103, %add3A_259 : i32
        %sub3A_261 = arith.constant 1 : i32
        %sub3A_262 = arith.subi %add3A_260, %sub3A_261 : i32
        %mul3A_263 = arith.constant 80 : i32
        %mul3A_264 = arith.muli %sub3A_262, %mul3A_263 : i32
        %add3A_265 = arith.addi %mul3A_2, %mul3A_264 : i32
        %dma_start3A_266 = tpu.memref_slice %arg4[%add3A_265] : memref<320000xi32, #tpu.memory_space<hbm>> -> memref<80xi32, #tpu.memory_space<hbm>>
        %dma_start3A_267 = tpu.memref_slice %arg4[%add3A_265] : memref<320000xi32, #tpu.memory_space<hbm>> -> memref<80xi32, #tpu.memory_space<hbm>>
        tpu.enqueue_dma source(%dma_start3A_267 : memref<80xi32, #tpu.memory_space<hbm>>) target(%arg10 : memref<80xi32, #tpu.memory_space<vmem>>) target_semaphore(%arg23 : memref<!tpu.dma_semaphore, #tpu.memory_space<semaphore_mem>>)
        %dma_start3A_268 = tpu.memref_slice %arg5[%add3A_265] : memref<320000xi32, #tpu.memory_space<hbm>> -> memref<80xi32, #tpu.memory_space<hbm>>
        %dma_start3A_269 = tpu.memref_slice %arg5[%add3A_265] : memref<320000xi32, #tpu.memory_space<hbm>> -> memref<80xi32, #tpu.memory_space<hbm>>
        tpu.enqueue_dma source(%dma_start3A_269 : memref<80xi32, #tpu.memory_space<hbm>>) target(%arg14 : memref<80xi32, #tpu.memory_space<vmem>>) target_semaphore(%arg23 : memref<!tpu.dma_semaphore, #tpu.memory_space<semaphore_mem>>)
        %dma_start3A_270 = arith.constant 0 : i32
        %dma_start3A_271 = tpu.memref_slice %arg3[%add3A_265, %dma_start3A_270] : memref<320000x128xf32, #tpu.memory_space<hbm>> -> memref<80x128xf32, #tpu.memory_space<hbm>>
        %dma_start3A_272 = arith.constant 0 : i32
        %dma_start3A_273 = tpu.memref_slice %arg3[%add3A_265, %dma_start3A_272] : memref<320000x128xf32, #tpu.memory_space<hbm>> -> memref<80x128xf32, #tpu.memory_space<hbm>>
        tpu.enqueue_dma source(%dma_start3A_273 : memref<80x128xf32, #tpu.memory_space<hbm>>) target(%arg18 : memref<80x128xf32, #tpu.memory_space<vmem>>) target_semaphore(%arg27 : memref<!tpu.dma_semaphore, #tpu.memory_space<semaphore_mem>>)
      } else {
      }
      %mul3A_138 = arith.constant 4 : i32
      %mul3A_139 = arith.muli %mul3A_138, %scan3A_98 : i32
      %add3A_140 = arith.constant 1 : i32
      %add3A_141 = arith.addi %mul3A_139, %add3A_140 : i32
      %dma_wait3A_142 = arith.constant 0 : i32
      %dma_wait3A_143 = tpu.memref_slice %arg4[%dma_wait3A_142] : memref<320000xi32, #tpu.memory_space<hbm>> -> memref<80xi32, #tpu.memory_space<hbm>>
      %dma_wait3A_144 = arith.constant 0 : i32
      %dma_wait3A_145 = tpu.memref_slice %arg4[%dma_wait3A_144] : memref<320000xi32, #tpu.memory_space<hbm>> -> memref<80xi32, #tpu.memory_space<hbm>>
      tpu.wait_dma2 semaphore(%arg22 : memref<!tpu.dma_semaphore, #tpu.memory_space<semaphore_mem>>) src(%dma_wait3A_145 : memref<80xi32, #tpu.memory_space<hbm>>) dst(%arg9 : memref<80xi32, #tpu.memory_space<vmem>>)
      %dma_wait3A_146 = arith.constant 0 : i32
      %dma_wait3A_147 = tpu.memref_slice %arg5[%dma_wait3A_146] : memref<320000xi32, #tpu.memory_space<hbm>> -> memref<80xi32, #tpu.memory_space<hbm>>
      %dma_wait3A_148 = arith.constant 0 : i32
      %dma_wait3A_149 = tpu.memref_slice %arg5[%dma_wait3A_148] : memref<320000xi32, #tpu.memory_space<hbm>> -> memref<80xi32, #tpu.memory_space<hbm>>
      tpu.wait_dma2 semaphore(%arg22 : memref<!tpu.dma_semaphore, #tpu.memory_space<semaphore_mem>>) src(%dma_wait3A_149 : memref<80xi32, #tpu.memory_space<hbm>>) dst(%arg13 : memref<80xi32, #tpu.memory_space<vmem>>)
      %dma_wait3A_150 = arith.constant 0 : i32
      %dma_wait3A_151 = arith.constant 0 : i32
      %dma_wait3A_152 = tpu.memref_slice %arg3[%dma_wait3A_150, %dma_wait3A_151] : memref<320000x128xf32, #tpu.memory_space<hbm>> -> memref<80x128xf32, #tpu.memory_space<hbm>>
      %dma_wait3A_153 = arith.constant 0 : i32
      %dma_wait3A_154 = arith.constant 0 : i32
      %dma_wait3A_155 = tpu.memref_slice %arg3[%dma_wait3A_153, %dma_wait3A_154] : memref<320000x128xf32, #tpu.memory_space<hbm>> -> memref<80x128xf32, #tpu.memory_space<hbm>>
      tpu.wait_dma2 semaphore(%arg26 : memref<!tpu.dma_semaphore, #tpu.memory_space<semaphore_mem>>) src(%dma_wait3A_155 : memref<80x128xf32, #tpu.memory_space<hbm>>) dst(%arg17 : memref<80x128xf32, #tpu.memory_space<vmem>>)
      %dma_start3A_156 = arith.constant 0 : i32
      %dma_start3A_157 = arith.constant 0 : i32
      %dma_start3A_158 = tpu.memref_slice %arg2[%dma_start3A_156, %dma_start3A_157] : memref<10000x128xf32, #tpu.memory_space<hbm>> -> memref<10000x128xf32, #tpu.memory_space<hbm>>
      tpu.enqueue_indirect_dma source(%dma_start3A_158 : memref<10000x128xf32, #tpu.memory_space<hbm>>) target(%arg17 : memref<80x128xf32, #tpu.memory_space<vmem>>) offsets(%arg9 : memref<80xi32, #tpu.memory_space<vmem>>) semaphore(%arg30 : memref<!tpu.dma_semaphore, #tpu.memory_space<semaphore_mem>>) {add = true}
      %dma_wait3A_159 = arith.constant 0 : i32
      %dma_wait3A_160 = arith.constant 0 : i32
      %dma_wait3A_161 = tpu.memref_slice %arg2[%dma_wait3A_159, %dma_wait3A_160] : memref<10000x128xf32, #tpu.memory_space<hbm>> -> memref<10000x128xf32, #tpu.memory_space<hbm>>
      tpu.wait_indirect_dma semaphore(%arg29 : memref<!tpu.dma_semaphore, #tpu.memory_space<semaphore_mem>>) src(%dma_wait3A_161 : memref<10000x128xf32, #tpu.memory_space<hbm>>) dst(%arg16 : memref<80x128xf32, #tpu.memory_space<vmem>>)
      %scan3A_162 = arith.constant 0 : i32
      %scan3A_163 = arith.constant 0 : i32
      %scan3A_164 = arith.constant 80 : i32
      %scan3A_165 = arith.addi %scan3A_163, %scan3A_164 : i32
      %scan3A_166 = arith.constant 1 : i32
      %scan3A_167 = scf.for %scan3A_259 = %scan3A_163 to %scan3A_165 step %scan3A_166 iter_args(%scan3A_260 = %scan3A_162) -> (i32)  : i32 {
        %get3A = arith.index_cast %scan3A_259 : i32 to index
        %get3A_261 = arith.constant 0 : index
        %get3A_262 = tpu.vector_load %arg16[%get3A, %get3A_261] {strides = array<i32>} : memref<80x128xf32, #tpu.memory_space<vmem>>, vector<1x16xf32>,
        %get3A_263 = vector.shape_cast %get3A_262 : vector<1x16xf32> to vector<16xf32>
        %max3A = arith.constant 0.000000e+00 : f32
        %max3A_264 = vector.broadcast %max3A : f32 to vector<16xf32>
        %max3A_265 = arith.maximumf %get3A_263, %max3A_264 : vector<16xf32>
        %swap3A = arith.index_cast %scan3A_259 : i32 to index
        %swap3A_266 = arith.constant 0 : index
        %swap3A_267 = tpu.vector_load %arg16[%swap3A, %swap3A_266] {strides = array<i32>} : memref<80x128xf32, #tpu.memory_space<vmem>>, vector<1x16xf32>,
        %swap3A_268 = vector.shape_cast %swap3A_267 : vector<1x16xf32> to vector<16xf32>
        %swap3A_269 = vector.shape_cast %max3A_265 : vector<16xf32> to vector<1x16xf32>
        tpu.vector_store %arg16[%swap3A, %swap3A_266], %swap3A_269 {strides = array<i32>} : memref<80x128xf32, #tpu.memory_space<vmem>>, vector<1x16xf32>,
        %get3A_270 = arith.index_cast %scan3A_259 : i32 to index
        %get3A_271 = arith.constant 16 : index
        %get3A_272 = tpu.vector_load %arg16[%get3A_270, %get3A_271] {strides = array<i32>} : memref<80x128xf32, #tpu.memory_space<vmem>>, vector<1x16xf32>,
        %get3A_273 = vector.shape_cast %get3A_272 : vector<1x16xf32> to vector<16xf32>
        %max3A_274 = arith.constant 0.000000e+00 : f32
        %max3A_275 = vector.broadcast %max3A_274 : f32 to vector<16xf32>
        %max3A_276 = arith.maximumf %get3A_273, %max3A_275 : vector<16xf32>
        %swap3A_277 = arith.index_cast %scan3A_259 : i32 to index
        %swap3A_278 = arith.constant 16 : index
        %swap3A_279 = tpu.vector_load %arg16[%swap3A_277, %swap3A_278] {strides = array<i32>} : memref<80x128xf32, #tpu.memory_space<vmem>>, vector<1x16xf32>,
        %swap3A_280 = vector.shape_cast %swap3A_279 : vector<1x16xf32> to vector<16xf32>
        %swap3A_281 = vector.shape_cast %max3A_276 : vector<16xf32> to vector<1x16xf32>
        tpu.vector_store %arg16[%swap3A_277, %swap3A_278], %swap3A_281 {strides = array<i32>} : memref<80x128xf32, #tpu.memory_space<vmem>>, vector<1x16xf32>,
        %get3A_282 = arith.index_cast %scan3A_259 : i32 to index
        %get3A_283 = arith.constant 32 : index
        %get3A_284 = tpu.vector_load %arg16[%get3A_282, %get3A_283] {strides = array<i32>} : memref<80x128xf32, #tpu.memory_space<vmem>>, vector<1x16xf32>,
        %get3A_285 = vector.shape_cast %get3A_284 : vector<1x16xf32> to vector<16xf32>
        %max3A_286 = arith.constant 0.000000e+00 : f32
        %max3A_287 = vector.broadcast %max3A_286 : f32 to vector<16xf32>
        %max3A_288 = arith.maximumf %get3A_285, %max3A_287 : vector<16xf32>
        %swap3A_289 = arith.index_cast %scan3A_259 : i32 to index
        %swap3A_290 = arith.constant 32 : index
        %swap3A_291 = tpu.vector_load %arg16[%swap3A_289, %swap3A_290] {strides = array<i32>} : memref<80x128xf32, #tpu.memory_space<vmem>>, vector<1x16xf32>,
        %swap3A_292 = vector.shape_cast %swap3A_291 : vector<1x16xf32> to vector<16xf32>
        %swap3A_293 = vector.shape_cast %max3A_288 : vector<16xf32> to vector<1x16xf32>
        tpu.vector_store %arg16[%swap3A_289, %swap3A_290], %swap3A_293 {strides = array<i32>} : memref<80x128xf32, #tpu.memory_space<vmem>>, vector<1x16xf32>,
        %get3A_294 = arith.index_cast %scan3A_259 : i32 to index
        %get3A_295 = arith.constant 48 : index
        %get3A_296 = tpu.vector_load %arg16[%get3A_294, %get3A_295] {strides = array<i32>} : memref<80x128xf32, #tpu.memory_space<vmem>>, vector<1x16xf32>,
        %get3A_297 = vector.shape_cast %get3A_296 : vector<1x16xf32> to vector<16xf32>
        %max3A_298 = arith.constant 0.000000e+00 : f32
        %max3A_299 = vector.broadcast %max3A_298 : f32 to vector<16xf32>
        %max3A_300 = arith.maximumf %get3A_297, %max3A_299 : vector<16xf32>
        %swap3A_301 = arith.index_cast %scan3A_259 : i32 to index
        %swap3A_302 = arith.constant 48 : index
        %swap3A_303 = tpu.vector_load %arg16[%swap3A_301, %swap3A_302] {strides = array<i32>} : memref<80x128xf32, #tpu.memory_space<vmem>>, vector<1x16xf32>,
        %swap3A_304 = vector.shape_cast %swap3A_303 : vector<1x16xf32> to vector<16xf32>
        %swap3A_305 = vector.shape_cast %max3A_300 : vector<16xf32> to vector<1x16xf32>
        tpu.vector_store %arg16[%swap3A_301, %swap3A_302], %swap3A_305 {strides = array<i32>} : memref<80x128xf32, #tpu.memory_space<vmem>>, vector<1x16xf32>,
        %get3A_306 = arith.index_cast %scan3A_259 : i32 to index
        %get3A_307 = arith.constant 64 : index
        %get3A_308 = tpu.vector_load %arg16[%get3A_306, %get3A_307] {strides = array<i32>} : memref<80x128xf32, #tpu.memory_space<vmem>>, vector<1x16xf32>,
        %get3A_309 = vector.shape_cast %get3A_308 : vector<1x16xf32> to vector<16xf32>
        %max3A_310 = arith.constant 0.000000e+00 : f32
        %max3A_311 = vector.broadcast %max3A_310 : f32 to vector<16xf32>
        %max3A_312 = arith.maximumf %get3A_309, %max3A_311 : vector<16xf32>
        %swap3A_313 = arith.index_cast %scan3A_259 : i32 to index
        %swap3A_314 = arith.constant 64 : index
        %swap3A_315 = tpu.vector_load %arg16[%swap3A_313, %swap3A_314] {strides = array<i32>} : memref<80x128xf32, #tpu.memory_space<vmem>>, vector<1x16xf32>,
        %swap3A_316 = vector.shape_cast %swap3A_315 : vector<1x16xf32> to vector<16xf32>
        %swap3A_317 = vector.shape_cast %max3A_312 : vector<16xf32> to vector<1x16xf32>
        tpu.vector_store %arg16[%swap3A_313, %swap3A_314], %swap3A_317 {strides = array<i32>} : memref<80x128xf32, #tpu.memory_space<vmem>>, vector<1x16xf32>,
        %get3A_318 = arith.index_cast %scan3A_259 : i32 to index
        %get3A_319 = arith.constant 80 : index
        %get3A_320 = tpu.vector_load %arg16[%get3A_318, %get3A_319] {strides = array<i32>} : memref<80x128xf32, #tpu.memory_space<vmem>>, vector<1x16xf32>,
        %get3A_321 = vector.shape_cast %get3A_320 : vector<1x16xf32> to vector<16xf32>
        %max3A_322 = arith.constant 0.000000e+00 : f32
        %max3A_323 = vector.broadcast %max3A_322 : f32 to vector<16xf32>
        %max3A_324 = arith.maximumf %get3A_321, %max3A_323 : vector<16xf32>
        %swap3A_325 = arith.index_cast %scan3A_259 : i32 to index
        %swap3A_326 = arith.constant 80 : index
        %swap3A_327 = tpu.vector_load %arg16[%swap3A_325, %swap3A_326] {strides = array<i32>} : memref<80x128xf32, #tpu.memory_space<vmem>>, vector<1x16xf32>,
        %swap3A_328 = vector.shape_cast %swap3A_327 : vector<1x16xf32> to vector<16xf32>
        %swap3A_329 = vector.shape_cast %max3A_324 : vector<16xf32> to vector<1x16xf32>
        tpu.vector_store %arg16[%swap3A_325, %swap3A_326], %swap3A_329 {strides = array<i32>} : memref<80x128xf32, #tpu.memory_space<vmem>>, vector<1x16xf32>,
        %get3A_330 = arith.index_cast %scan3A_259 : i32 to index
        %get3A_331 = arith.constant 96 : index
        %get3A_332 = tpu.vector_load %arg16[%get3A_330, %get3A_331] {strides = array<i32>} : memref<80x128xf32, #tpu.memory_space<vmem>>, vector<1x16xf32>,
        %get3A_333 = vector.shape_cast %get3A_332 : vector<1x16xf32> to vector<16xf32>
        %max3A_334 = arith.constant 0.000000e+00 : f32
        %max3A_335 = vector.broadcast %max3A_334 : f32 to vector<16xf32>
        %max3A_336 = arith.maximumf %get3A_333, %max3A_335 : vector<16xf32>
        %swap3A_337 = arith.index_cast %scan3A_259 : i32 to index
        %swap3A_338 = arith.constant 96 : index
        %swap3A_339 = tpu.vector_load %arg16[%swap3A_337, %swap3A_338] {strides = array<i32>} : memref<80x128xf32, #tpu.memory_space<vmem>>, vector<1x16xf32>,
        %swap3A_340 = vector.shape_cast %swap3A_339 : vector<1x16xf32> to vector<16xf32>
        %swap3A_341 = vector.shape_cast %max3A_336 : vector<16xf32> to vector<1x16xf32>
        tpu.vector_store %arg16[%swap3A_337, %swap3A_338], %swap3A_341 {strides = array<i32>} : memref<80x128xf32, #tpu.memory_space<vmem>>, vector<1x16xf32>,
        %get3A_342 = arith.index_cast %scan3A_259 : i32 to index
        %get3A_343 = arith.constant 112 : index
        %get3A_344 = tpu.vector_load %arg16[%get3A_342, %get3A_343] {strides = array<i32>} : memref<80x128xf32, #tpu.memory_space<vmem>>, vector<1x16xf32>,
        %get3A_345 = vector.shape_cast %get3A_344 : vector<1x16xf32> to vector<16xf32>
        %max3A_346 = arith.constant 0.000000e+00 : f32
        %max3A_347 = vector.broadcast %max3A_346 : f32 to vector<16xf32>
        %max3A_348 = arith.maximumf %get3A_345, %max3A_347 : vector<16xf32>
        %swap3A_349 = arith.index_cast %scan3A_259 : i32 to index
        %swap3A_350 = arith.constant 112 : index
        %swap3A_351 = tpu.vector_load %arg16[%swap3A_349, %swap3A_350] {strides = array<i32>} : memref<80x128xf32, #tpu.memory_space<vmem>>, vector<1x16xf32>,
        %swap3A_352 = vector.shape_cast %swap3A_351 : vector<1x16xf32> to vector<16xf32>
        %swap3A_353 = vector.shape_cast %max3A_348 : vector<16xf32> to vector<1x16xf32>
        tpu.vector_store %arg16[%swap3A_349, %swap3A_350], %swap3A_353 {strides = array<i32>} : memref<80x128xf32, #tpu.memory_space<vmem>>, vector<1x16xf32>,
        %scan3A_354 = arith.constant 0 : i32
        scf.yield %scan3A_354 : i32
      }
      %scan3A_168 = arith.constant 80 : i32
      "tpu.region"() ({
        %run_scoped3A = tpu.sem_alloc : memref<!tpu.dma_semaphore, #tpu.memory_space<semaphore_mem>>
        %dma_start3A_259 = arith.constant 0 : i32
        %dma_start3A_260 = arith.constant 0 : i32
        %dma_start3A_261 = tpu.memref_slice %arg19[%dma_start3A_259, %dma_start3A_260] : memref<10000x128xf32, #tpu.memory_space<vmem_shared>> -> memref<10000x128xf32, #tpu.memory_space<vmem_shared>>
        tpu.enqueue_indirect_dma source(%arg16 : memref<80x128xf32, #tpu.memory_space<vmem>>) target(%dma_start3A_261 : memref<10000x128xf32, #tpu.memory_space<vmem_shared>>) offsets(%arg12 : memref<80xi32, #tpu.memory_space<vmem>>) semaphore(%run_scoped3A : memref<!tpu.dma_semaphore, #tpu.memory_space<semaphore_mem>>) {add = true}
        %dma_wait3A_262 = arith.constant 0 : i32
        %dma_wait3A_263 = arith.constant 0 : i32
        %dma_wait3A_264 = tpu.memref_slice %arg19[%dma_wait3A_262, %dma_wait3A_263] : memref<10000x128xf32, #tpu.memory_space<vmem_shared>> -> memref<10000x128xf32, #tpu.memory_space<vmem_shared>>
        tpu.wait_indirect_dma semaphore(%run_scoped3A : memref<!tpu.dma_semaphore, #tpu.memory_space<semaphore_mem>>) src(%arg16 : memref<80x128xf32, #tpu.memory_space<vmem>>) dst(%dma_wait3A_264 : memref<10000x128xf32, #tpu.memory_space<vmem_shared>>)
        tpu.yield
      }) : () -> ()
      %add3A_169 = arith.constant 4 : i32
      %add3A_170 = arith.addi %add3A_141, %add3A_169 : i32
      %sub3A_171 = arith.constant 1 : i32
      %sub3A_172 = arith.subi %add3A_170, %sub3A_171 : i32
      %lt3A_173 = arith.constant 125 : i32
      %lt3A_174 = arith.cmpi slt, %sub3A_172, %lt3A_173 : i32
      %convert_element_type3A_175 = arith.extui %lt3A_174 : i1 to i32
      %cond3A_176 = arith.constant 0 : i32
      %cond3A_177 = arith.cmpi ne, %convert_element_type3A_175, %cond3A_176 : i32
      scf.if %cond3A_177 {
        %add3A_259 = arith.constant 4 : i32
        %add3A_260 = arith.addi %add3A_141, %add3A_259 : i32
        %sub3A_261 = arith.constant 1 : i32
        %sub3A_262 = arith.subi %add3A_260, %sub3A_261 : i32
        %mul3A_263 = arith.constant 80 : i32
        %mul3A_264 = arith.muli %sub3A_262, %mul3A_263 : i32
        %add3A_265 = arith.addi %mul3A_2, %mul3A_264 : i32
        %dma_start3A_266 = tpu.memref_slice %arg4[%add3A_265] : memref<320000xi32, #tpu.memory_space<hbm>> -> memref<80xi32, #tpu.memory_space<hbm>>
        %dma_start3A_267 = tpu.memref_slice %arg4[%add3A_265] : memref<320000xi32, #tpu.memory_space<hbm>> -> memref<80xi32, #tpu.memory_space<hbm>>
        tpu.enqueue_dma source(%dma_start3A_267 : memref<80xi32, #tpu.memory_space<hbm>>) target(%arg7 : memref<80xi32, #tpu.memory_space<vmem>>) target_semaphore(%arg20 : memref<!tpu.dma_semaphore, #tpu.memory_space<semaphore_mem>>)
        %dma_start3A_268 = tpu.memref_slice %arg5[%add3A_265] : memref<320000xi32, #tpu.memory_space<hbm>> -> memref<80xi32, #tpu.memory_space<hbm>>
        %dma_start3A_269 = tpu.memref_slice %arg5[%add3A_265] : memref<320000xi32, #tpu.memory_space<hbm>> -> memref<80xi32, #tpu.memory_space<hbm>>
        tpu.enqueue_dma source(%dma_start3A_269 : memref<80xi32, #tpu.memory_space<hbm>>) target(%arg11 : memref<80xi32, #tpu.memory_space<vmem>>) target_semaphore(%arg20 : memref<!tpu.dma_semaphore, #tpu.memory_space<semaphore_mem>>)
        %dma_start3A_270 = arith.constant 0 : i32
        %dma_start3A_271 = tpu.memref_slice %arg3[%add3A_265, %dma_start3A_270] : memref<320000x128xf32, #tpu.memory_space<hbm>> -> memref<80x128xf32, #tpu.memory_space<hbm>>
        %dma_start3A_272 = arith.constant 0 : i32
        %dma_start3A_273 = tpu.memref_slice %arg3[%add3A_265, %dma_start3A_272] : memref<320000x128xf32, #tpu.memory_space<hbm>> -> memref<80x128xf32, #tpu.memory_space<hbm>>
        tpu.enqueue_dma source(%dma_start3A_273 : memref<80x128xf32, #tpu.memory_space<hbm>>) target(%arg15 : memref<80x128xf32, #tpu.memory_space<vmem>>) target_semaphore(%arg24 : memref<!tpu.dma_semaphore, #tpu.memory_space<semaphore_mem>>)
      } else {
      }
      %mul3A_178 = arith.constant 4 : i32
      %mul3A_179 = arith.muli %mul3A_178, %scan3A_98 : i32
      %add3A_180 = arith.constant 2 : i32
      %add3A_181 = arith.addi %mul3A_179, %add3A_180 : i32
      %dma_wait3A_182 = arith.constant 0 : i32
      %dma_wait3A_183 = tpu.memref_slice %arg4[%dma_wait3A_182] : memref<320000xi32, #tpu.memory_space<hbm>> -> memref<80xi32, #tpu.memory_space<hbm>>
      %dma_wait3A_184 = arith.constant 0 : i32
      %dma_wait3A_185 = tpu.memref_slice %arg4[%dma_wait3A_184] : memref<320000xi32, #tpu.memory_space<hbm>> -> memref<80xi32, #tpu.memory_space<hbm>>
      tpu.wait_dma2 semaphore(%arg23 : memref<!tpu.dma_semaphore, #tpu.memory_space<semaphore_mem>>) src(%dma_wait3A_185 : memref<80xi32, #tpu.memory_space<hbm>>) dst(%arg10 : memref<80xi32, #tpu.memory_space<vmem>>)
      %dma_wait3A_186 = arith.constant 0 : i32
      %dma_wait3A_187 = tpu.memref_slice %arg5[%dma_wait3A_186] : memref<320000xi32, #tpu.memory_space<hbm>> -> memref<80xi32, #tpu.memory_space<hbm>>
      %dma_wait3A_188 = arith.constant 0 : i32
      %dma_wait3A_189 = tpu.memref_slice %arg5[%dma_wait3A_188] : memref<320000xi32, #tpu.memory_space<hbm>> -> memref<80xi32, #tpu.memory_space<hbm>>
      tpu.wait_dma2 semaphore(%arg23 : memref<!tpu.dma_semaphore, #tpu.memory_space<semaphore_mem>>) src(%dma_wait3A_189 : memref<80xi32, #tpu.memory_space<hbm>>) dst(%arg14 : memref<80xi32, #tpu.memory_space<vmem>>)
      %dma_wait3A_190 = arith.constant 0 : i32
      %dma_wait3A_191 = arith.constant 0 : i32
      %dma_wait3A_192 = tpu.memref_slice %arg3[%dma_wait3A_190, %dma_wait3A_191] : memref<320000x128xf32, #tpu.memory_space<hbm>> -> memref<80x128xf32, #tpu.memory_space<hbm>>
      %dma_wait3A_193 = arith.constant 0 : i32
      %dma_wait3A_194 = arith.constant 0 : i32
      %dma_wait3A_195 = tpu.memref_slice %arg3[%dma_wait3A_193, %dma_wait3A_194] : memref<320000x128xf32, #tpu.memory_space<hbm>> -> memref<80x128xf32, #tpu.memory_space<hbm>>
      tpu.wait_dma2 semaphore(%arg27 : memref<!tpu.dma_semaphore, #tpu.memory_space<semaphore_mem>>) src(%dma_wait3A_195 : memref<80x128xf32, #tpu.memory_space<hbm>>) dst(%arg18 : memref<80x128xf32, #tpu.memory_space<vmem>>)
      %dma_start3A_196 = arith.constant 0 : i32
      %dma_start3A_197 = arith.constant 0 : i32
      %dma_start3A_198 = tpu.memref_slice %arg2[%dma_start3A_196, %dma_start3A_197] : memref<10000x128xf32, #tpu.memory_space<hbm>> -> memref<10000x128xf32, #tpu.memory_space<hbm>>
      tpu.enqueue_indirect_dma source(%dma_start3A_198 : memref<10000x128xf32, #tpu.memory_space<hbm>>) target(%arg18 : memref<80x128xf32, #tpu.memory_space<vmem>>) offsets(%arg10 : memref<80xi32, #tpu.memory_space<vmem>>) semaphore(%arg31 : memref<!tpu.dma_semaphore, #tpu.memory_space<semaphore_mem>>) {add = true}
      %dma_wait3A_199 = arith.constant 0 : i32
      %dma_wait3A_200 = arith.constant 0 : i32
      %dma_wait3A_201 = tpu.memref_slice %arg2[%dma_wait3A_199, %dma_wait3A_200] : memref<10000x128xf32, #tpu.memory_space<hbm>> -> memref<10000x128xf32, #tpu.memory_space<hbm>>
      tpu.wait_indirect_dma semaphore(%arg30 : memref<!tpu.dma_semaphore, #tpu.memory_space<semaphore_mem>>) src(%dma_wait3A_201 : memref<10000x128xf32, #tpu.memory_space<hbm>>) dst(%arg17 : memref<80x128xf32, #tpu.memory_space<vmem>>)
      %scan3A_202 = arith.constant 0 : i32
      %scan3A_203 = arith.constant 0 : i32
      %scan3A_204 = arith.constant 80 : i32
      %scan3A_205 = arith.addi %scan3A_203, %scan3A_204 : i32
      %scan3A_206 = arith.constant 1 : i32
      %scan3A_207 = scf.for %scan3A_259 = %scan3A_203 to %scan3A_205 step %scan3A_206 iter_args(%scan3A_260 = %scan3A_202) -> (i32)  : i32 {
        %get3A = arith.index_cast %scan3A_259 : i32 to index
        %get3A_261 = arith.constant 0 : index
        %get3A_262 = tpu.vector_load %arg17[%get3A, %get3A_261] {strides = array<i32>} : memref<80x128xf32, #tpu.memory_space<vmem>>, vector<1x16xf32>,
        %get3A_263 = vector.shape_cast %get3A_262 : vector<1x16xf32> to vector<16xf32>
        %max3A = arith.constant 0.000000e+00 : f32
        %max3A_264 = vector.broadcast %max3A : f32 to vector<16xf32>
        %max3A_265 = arith.maximumf %get3A_263, %max3A_264 : vector<16xf32>
        %swap3A = arith.index_cast %scan3A_259 : i32 to index
        %swap3A_266 = arith.constant 0 : index
        %swap3A_267 = tpu.vector_load %arg17[%swap3A, %swap3A_266] {strides = array<i32>} : memref<80x128xf32, #tpu.memory_space<vmem>>, vector<1x16xf32>,
        %swap3A_268 = vector.shape_cast %swap3A_267 : vector<1x16xf32> to vector<16xf32>
        %swap3A_269 = vector.shape_cast %max3A_265 : vector<16xf32> to vector<1x16xf32>
        tpu.vector_store %arg17[%swap3A, %swap3A_266], %swap3A_269 {strides = array<i32>} : memref<80x128xf32, #tpu.memory_space<vmem>>, vector<1x16xf32>,
        %get3A_270 = arith.index_cast %scan3A_259 : i32 to index
        %get3A_271 = arith.constant 16 : index
        %get3A_272 = tpu.vector_load %arg17[%get3A_270, %get3A_271] {strides = array<i32>} : memref<80x128xf32, #tpu.memory_space<vmem>>, vector<1x16xf32>,
        %get3A_273 = vector.shape_cast %get3A_272 : vector<1x16xf32> to vector<16xf32>
        %max3A_274 = arith.constant 0.000000e+00 : f32
        %max3A_275 = vector.broadcast %max3A_274 : f32 to vector<16xf32>
        %max3A_276 = arith.maximumf %get3A_273, %max3A_275 : vector<16xf32>
        %swap3A_277 = arith.index_cast %scan3A_259 : i32 to index
        %swap3A_278 = arith.constant 16 : index
        %swap3A_279 = tpu.vector_load %arg17[%swap3A_277, %swap3A_278] {strides = array<i32>} : memref<80x128xf32, #tpu.memory_space<vmem>>, vector<1x16xf32>,
        %swap3A_280 = vector.shape_cast %swap3A_279 : vector<1x16xf32> to vector<16xf32>
        %swap3A_281 = vector.shape_cast %max3A_276 : vector<16xf32> to vector<1x16xf32>
        tpu.vector_store %arg17[%swap3A_277, %swap3A_278], %swap3A_281 {strides = array<i32>} : memref<80x128xf32, #tpu.memory_space<vmem>>, vector<1x16xf32>,
        %get3A_282 = arith.index_cast %scan3A_259 : i32 to index
        %get3A_283 = arith.constant 32 : index
        %get3A_284 = tpu.vector_load %arg17[%get3A_282, %get3A_283] {strides = array<i32>} : memref<80x128xf32, #tpu.memory_space<vmem>>, vector<1x16xf32>,
        %get3A_285 = vector.shape_cast %get3A_284 : vector<1x16xf32> to vector<16xf32>
        %max3A_286 = arith.constant 0.000000e+00 : f32
        %max3A_287 = vector.broadcast %max3A_286 : f32 to vector<16xf32>
        %max3A_288 = arith.maximumf %get3A_285, %max3A_287 : vector<16xf32>
        %swap3A_289 = arith.index_cast %scan3A_259 : i32 to index
        %swap3A_290 = arith.constant 32 : index
        %swap3A_291 = tpu.vector_load %arg17[%swap3A_289, %swap3A_290] {strides = array<i32>} : memref<80x128xf32, #tpu.memory_space<vmem>>, vector<1x16xf32>,
        %swap3A_292 = vector.shape_cast %swap3A_291 : vector<1x16xf32> to vector<16xf32>
        %swap3A_293 = vector.shape_cast %max3A_288 : vector<16xf32> to vector<1x16xf32>
        tpu.vector_store %arg17[%swap3A_289, %swap3A_290], %swap3A_293 {strides = array<i32>} : memref<80x128xf32, #tpu.memory_space<vmem>>, vector<1x16xf32>,
        %get3A_294 = arith.index_cast %scan3A_259 : i32 to index
        %get3A_295 = arith.constant 48 : index
        %get3A_296 = tpu.vector_load %arg17[%get3A_294, %get3A_295] {strides = array<i32>} : memref<80x128xf32, #tpu.memory_space<vmem>>, vector<1x16xf32>,
        %get3A_297 = vector.shape_cast %get3A_296 : vector<1x16xf32> to vector<16xf32>
        %max3A_298 = arith.constant 0.000000e+00 : f32
        %max3A_299 = vector.broadcast %max3A_298 : f32 to vector<16xf32>
        %max3A_300 = arith.maximumf %get3A_297, %max3A_299 : vector<16xf32>
        %swap3A_301 = arith.index_cast %scan3A_259 : i32 to index
        %swap3A_302 = arith.constant 48 : index
        %swap3A_303 = tpu.vector_load %arg17[%swap3A_301, %swap3A_302] {strides = array<i32>} : memref<80x128xf32, #tpu.memory_space<vmem>>, vector<1x16xf32>,
        %swap3A_304 = vector.shape_cast %swap3A_303 : vector<1x16xf32> to vector<16xf32>
        %swap3A_305 = vector.shape_cast %max3A_300 : vector<16xf32> to vector<1x16xf32>
        tpu.vector_store %arg17[%swap3A_301, %swap3A_302], %swap3A_305 {strides = array<i32>} : memref<80x128xf32, #tpu.memory_space<vmem>>, vector<1x16xf32>,
        %get3A_306 = arith.index_cast %scan3A_259 : i32 to index
        %get3A_307 = arith.constant 64 : index
        %get3A_308 = tpu.vector_load %arg17[%get3A_306, %get3A_307] {strides = array<i32>} : memref<80x128xf32, #tpu.memory_space<vmem>>, vector<1x16xf32>,
        %get3A_309 = vector.shape_cast %get3A_308 : vector<1x16xf32> to vector<16xf32>
        %max3A_310 = arith.constant 0.000000e+00 : f32
        %max3A_311 = vector.broadcast %max3A_310 : f32 to vector<16xf32>
        %max3A_312 = arith.maximumf %get3A_309, %max3A_311 : vector<16xf32>
        %swap3A_313 = arith.index_cast %scan3A_259 : i32 to index
        %swap3A_314 = arith.constant 64 : index
        %swap3A_315 = tpu.vector_load %arg17[%swap3A_313, %swap3A_314] {strides = array<i32>} : memref<80x128xf32, #tpu.memory_space<vmem>>, vector<1x16xf32>,
        %swap3A_316 = vector.shape_cast %swap3A_315 : vector<1x16xf32> to vector<16xf32>
        %swap3A_317 = vector.shape_cast %max3A_312 : vector<16xf32> to vector<1x16xf32>
        tpu.vector_store %arg17[%swap3A_313, %swap3A_314], %swap3A_317 {strides = array<i32>} : memref<80x128xf32, #tpu.memory_space<vmem>>, vector<1x16xf32>,
        %get3A_318 = arith.index_cast %scan3A_259 : i32 to index
        %get3A_319 = arith.constant 80 : index
        %get3A_320 = tpu.vector_load %arg17[%get3A_318, %get3A_319] {strides = array<i32>} : memref<80x128xf32, #tpu.memory_space<vmem>>, vector<1x16xf32>,
        %get3A_321 = vector.shape_cast %get3A_320 : vector<1x16xf32> to vector<16xf32>
        %max3A_322 = arith.constant 0.000000e+00 : f32
        %max3A_323 = vector.broadcast %max3A_322 : f32 to vector<16xf32>
        %max3A_324 = arith.maximumf %get3A_321, %max3A_323 : vector<16xf32>
        %swap3A_325 = arith.index_cast %scan3A_259 : i32 to index
        %swap3A_326 = arith.constant 80 : index
        %swap3A_327 = tpu.vector_load %arg17[%swap3A_325, %swap3A_326] {strides = array<i32>} : memref<80x128xf32, #tpu.memory_space<vmem>>, vector<1x16xf32>,
        %swap3A_328 = vector.shape_cast %swap3A_327 : vector<1x16xf32> to vector<16xf32>
        %swap3A_329 = vector.shape_cast %max3A_324 : vector<16xf32> to vector<1x16xf32>
        tpu.vector_store %arg17[%swap3A_325, %swap3A_326], %swap3A_329 {strides = array<i32>} : memref<80x128xf32, #tpu.memory_space<vmem>>, vector<1x16xf32>,
        %get3A_330 = arith.index_cast %scan3A_259 : i32 to index
        %get3A_331 = arith.constant 96 : index
        %get3A_332 = tpu.vector_load %arg17[%get3A_330, %get3A_331] {strides = array<i32>} : memref<80x128xf32, #tpu.memory_space<vmem>>, vector<1x16xf32>,
        %get3A_333 = vector.shape_cast %get3A_332 : vector<1x16xf32> to vector<16xf32>
        %max3A_334 = arith.constant 0.000000e+00 : f32
        %max3A_335 = vector.broadcast %max3A_334 : f32 to vector<16xf32>
        %max3A_336 = arith.maximumf %get3A_333, %max3A_335 : vector<16xf32>
        %swap3A_337 = arith.index_cast %scan3A_259 : i32 to index
        %swap3A_338 = arith.constant 96 : index
        %swap3A_339 = tpu.vector_load %arg17[%swap3A_337, %swap3A_338] {strides = array<i32>} : memref<80x128xf32, #tpu.memory_space<vmem>>, vector<1x16xf32>,
        %swap3A_340 = vector.shape_cast %swap3A_339 : vector<1x16xf32> to vector<16xf32>
        %swap3A_341 = vector.shape_cast %max3A_336 : vector<16xf32> to vector<1x16xf32>
        tpu.vector_store %arg17[%swap3A_337, %swap3A_338], %swap3A_341 {strides = array<i32>} : memref<80x128xf32, #tpu.memory_space<vmem>>, vector<1x16xf32>,
        %get3A_342 = arith.index_cast %scan3A_259 : i32 to index
        %get3A_343 = arith.constant 112 : index
        %get3A_344 = tpu.vector_load %arg17[%get3A_342, %get3A_343] {strides = array<i32>} : memref<80x128xf32, #tpu.memory_space<vmem>>, vector<1x16xf32>,
        %get3A_345 = vector.shape_cast %get3A_344 : vector<1x16xf32> to vector<16xf32>
        %max3A_346 = arith.constant 0.000000e+00 : f32
        %max3A_347 = vector.broadcast %max3A_346 : f32 to vector<16xf32>
        %max3A_348 = arith.maximumf %get3A_345, %max3A_347 : vector<16xf32>
        %swap3A_349 = arith.index_cast %scan3A_259 : i32 to index
        %swap3A_350 = arith.constant 112 : index
        %swap3A_351 = tpu.vector_load %arg17[%swap3A_349, %swap3A_350] {strides = array<i32>} : memref<80x128xf32, #tpu.memory_space<vmem>>, vector<1x16xf32>,
        %swap3A_352 = vector.shape_cast %swap3A_351 : vector<1x16xf32> to vector<16xf32>
        %swap3A_353 = vector.shape_cast %max3A_348 : vector<16xf32> to vector<1x16xf32>
        tpu.vector_store %arg17[%swap3A_349, %swap3A_350], %swap3A_353 {strides = array<i32>} : memref<80x128xf32, #tpu.memory_space<vmem>>, vector<1x16xf32>,
        %scan3A_354 = arith.constant 0 : i32
        scf.yield %scan3A_354 : i32
      }
      %scan3A_208 = arith.constant 80 : i32
      "tpu.region"() ({
        %run_scoped3A = tpu.sem_alloc : memref<!tpu.dma_semaphore, #tpu.memory_space<semaphore_mem>>
        %dma_start3A_259 = arith.constant 0 : i32
        %dma_start3A_260 = arith.constant 0 : i32
        %dma_start3A_261 = tpu.memref_slice %arg19[%dma_start3A_259, %dma_start3A_260] : memref<10000x128xf32, #tpu.memory_space<vmem_shared>> -> memref<10000x128xf32, #tpu.memory_space<vmem_shared>>
        tpu.enqueue_indirect_dma source(%arg17 : memref<80x128xf32, #tpu.memory_space<vmem>>) target(%dma_start3A_261 : memref<10000x128xf32, #tpu.memory_space<vmem_shared>>) offsets(%arg13 : memref<80xi32, #tpu.memory_space<vmem>>) semaphore(%run_scoped3A : memref<!tpu.dma_semaphore, #tpu.memory_space<semaphore_mem>>) {add = true}
        %dma_wait3A_262 = arith.constant 0 : i32
        %dma_wait3A_263 = arith.constant 0 : i32
        %dma_wait3A_264 = tpu.memref_slice %arg19[%dma_wait3A_262, %dma_wait3A_263] : memref<10000x128xf32, #tpu.memory_space<vmem_shared>> -> memref<10000x128xf32, #tpu.memory_space<vmem_shared>>
        tpu.wait_indirect_dma semaphore(%run_scoped3A : memref<!tpu.dma_semaphore, #tpu.memory_space<semaphore_mem>>) src(%arg17 : memref<80x128xf32, #tpu.memory_space<vmem>>) dst(%dma_wait3A_264 : memref<10000x128xf32, #tpu.memory_space<vmem_shared>>)
        tpu.yield
      }) : () -> ()
      %add3A_209 = arith.constant 4 : i32
      %add3A_210 = arith.addi %add3A_181, %add3A_209 : i32
      %sub3A_211 = arith.constant 1 : i32
      %sub3A_212 = arith.subi %add3A_210, %sub3A_211 : i32
      %lt3A_213 = arith.constant 125 : i32
      %lt3A_214 = arith.cmpi slt, %sub3A_212, %lt3A_213 : i32
      %convert_element_type3A_215 = arith.extui %lt3A_214 : i1 to i32
      %cond3A_216 = arith.constant 0 : i32
      %cond3A_217 = arith.cmpi ne, %convert_element_type3A_215, %cond3A_216 : i32
      scf.if %cond3A_217 {
        %add3A_259 = arith.constant 4 : i32
        %add3A_260 = arith.addi %add3A_181, %add3A_259 : i32
        %sub3A_261 = arith.constant 1 : i32
        %sub3A_262 = arith.subi %add3A_260, %sub3A_261 : i32
        %mul3A_263 = arith.constant 80 : i32
        %mul3A_264 = arith.muli %sub3A_262, %mul3A_263 : i32
        %add3A_265 = arith.addi %mul3A_2, %mul3A_264 : i32
        %dma_start3A_266 = tpu.memref_slice %arg4[%add3A_265] : memref<320000xi32, #tpu.memory_space<hbm>> -> memref<80xi32, #tpu.memory_space<hbm>>
        %dma_start3A_267 = tpu.memref_slice %arg4[%add3A_265] : memref<320000xi32, #tpu.memory_space<hbm>> -> memref<80xi32, #tpu.memory_space<hbm>>
        tpu.enqueue_dma source(%dma_start3A_267 : memref<80xi32, #tpu.memory_space<hbm>>) target(%arg8 : memref<80xi32, #tpu.memory_space<vmem>>) target_semaphore(%arg21 : memref<!tpu.dma_semaphore, #tpu.memory_space<semaphore_mem>>)
        %dma_start3A_268 = tpu.memref_slice %arg5[%add3A_265] : memref<320000xi32, #tpu.memory_space<hbm>> -> memref<80xi32, #tpu.memory_space<hbm>>
        %dma_start3A_269 = tpu.memref_slice %arg5[%add3A_265] : memref<320000xi32, #tpu.memory_space<hbm>> -> memref<80xi32, #tpu.memory_space<hbm>>
        tpu.enqueue_dma source(%dma_start3A_269 : memref<80xi32, #tpu.memory_space<hbm>>) target(%arg12 : memref<80xi32, #tpu.memory_space<vmem>>) target_semaphore(%arg21 : memref<!tpu.dma_semaphore, #tpu.memory_space<semaphore_mem>>)
        %dma_start3A_270 = arith.constant 0 : i32
        %dma_start3A_271 = tpu.memref_slice %arg3[%add3A_265, %dma_start3A_270] : memref<320000x128xf32, #tpu.memory_space<hbm>> -> memref<80x128xf32, #tpu.memory_space<hbm>>
        %dma_start3A_272 = arith.constant 0 : i32
        %dma_start3A_273 = tpu.memref_slice %arg3[%add3A_265, %dma_start3A_272] : memref<320000x128xf32, #tpu.memory_space<hbm>> -> memref<80x128xf32, #tpu.memory_space<hbm>>
        tpu.enqueue_dma source(%dma_start3A_273 : memref<80x128xf32, #tpu.memory_space<hbm>>) target(%arg16 : memref<80x128xf32, #tpu.memory_space<vmem>>) target_semaphore(%arg25 : memref<!tpu.dma_semaphore, #tpu.memory_space<semaphore_mem>>)
      } else {
      }
      %mul3A_218 = arith.constant 4 : i32
      %mul3A_219 = arith.muli %mul3A_218, %scan3A_98 : i32
      %add3A_220 = arith.constant 3 : i32
      %add3A_221 = arith.addi %mul3A_219, %add3A_220 : i32
      %dma_wait3A_222 = arith.constant 0 : i32
      %dma_wait3A_223 = tpu.memref_slice %arg4[%dma_wait3A_222] : memref<320000xi32, #tpu.memory_space<hbm>> -> memref<80xi32, #tpu.memory_space<hbm>>
      %dma_wait3A_224 = arith.constant 0 : i32
      %dma_wait3A_225 = tpu.memref_slice %arg4[%dma_wait3A_224] : memref<320000xi32, #tpu.memory_space<hbm>> -> memref<80xi32, #tpu.memory_space<hbm>>
      tpu.wait_dma2 semaphore(%arg20 : memref<!tpu.dma_semaphore, #tpu.memory_space<semaphore_mem>>) src(%dma_wait3A_225 : memref<80xi32, #tpu.memory_space<hbm>>) dst(%arg7 : memref<80xi32, #tpu.memory_space<vmem>>)
      %dma_wait3A_226 = arith.constant 0 : i32
      %dma_wait3A_227 = tpu.memref_slice %arg5[%dma_wait3A_226] : memref<320000xi32, #tpu.memory_space<hbm>> -> memref<80xi32, #tpu.memory_space<hbm>>
      %dma_wait3A_228 = arith.constant 0 : i32
      %dma_wait3A_229 = tpu.memref_slice %arg5[%dma_wait3A_228] : memref<320000xi32, #tpu.memory_space<hbm>> -> memref<80xi32, #tpu.memory_space<hbm>>
      tpu.wait_dma2 semaphore(%arg20 : memref<!tpu.dma_semaphore, #tpu.memory_space<semaphore_mem>>) src(%dma_wait3A_229 : memref<80xi32, #tpu.memory_space<hbm>>) dst(%arg11 : memref<80xi32, #tpu.memory_space<vmem>>)
      %dma_wait3A_230 = arith.constant 0 : i32
      %dma_wait3A_231 = arith.constant 0 : i32
      %dma_wait3A_232 = tpu.memref_slice %arg3[%dma_wait3A_230, %dma_wait3A_231] : memref<320000x128xf32, #tpu.memory_space<hbm>> -> memref<80x128xf32, #tpu.memory_space<hbm>>
      %dma_wait3A_233 = arith.constant 0 : i32
      %dma_wait3A_234 = arith.constant 0 : i32
      %dma_wait3A_235 = tpu.memref_slice %arg3[%dma_wait3A_233, %dma_wait3A_234] : memref<320000x128xf32, #tpu.memory_space<hbm>> -> memref<80x128xf32, #tpu.memory_space<hbm>>
      tpu.wait_dma2 semaphore(%arg24 : memref<!tpu.dma_semaphore, #tpu.memory_space<semaphore_mem>>) src(%dma_wait3A_235 : memref<80x128xf32, #tpu.memory_space<hbm>>) dst(%arg15 : memref<80x128xf32, #tpu.memory_space<vmem>>)
      %dma_start3A_236 = arith.constant 0 : i32
      %dma_start3A_237 = arith.constant 0 : i32
      %dma_start3A_238 = tpu.memref_slice %arg2[%dma_start3A_236, %dma_start3A_237] : memref<10000x128xf32, #tpu.memory_space<hbm>> -> memref<10000x128xf32, #tpu.memory_space<hbm>>
      tpu.enqueue_indirect_dma source(%dma_start3A_238 : memref<10000x128xf32, #tpu.memory_space<hbm>>) target(%arg15 : memref<80x128xf32, #tpu.memory_space<vmem>>) offsets(%arg7 : memref<80xi32, #tpu.memory_space<vmem>>) semaphore(%arg28 : memref<!tpu.dma_semaphore, #tpu.memory_space<semaphore_mem>>) {add = true}
      %dma_wait3A_239 = arith.constant 0 : i32
      %dma_wait3A_240 = arith.constant 0 : i32
      %dma_wait3A_241 = tpu.memref_slice %arg2[%dma_wait3A_239, %dma_wait3A_240] : memref<10000x128xf32, #tpu.memory_space<hbm>> -> memref<10000x128xf32, #tpu.memory_space<hbm>>
      tpu.wait_indirect_dma semaphore(%arg31 : memref<!tpu.dma_semaphore, #tpu.memory_space<semaphore_mem>>) src(%dma_wait3A_241 : memref<10000x128xf32, #tpu.memory_space<hbm>>) dst(%arg18 : memref<80x128xf32, #tpu.memory_space<vmem>>)
      %scan3A_242 = arith.constant 0 : i32
      %scan3A_243 = arith.constant 0 : i32
      %scan3A_244 = arith.constant 80 : i32
      %scan3A_245 = arith.addi %scan3A_243, %scan3A_244 : i32
      %scan3A_246 = arith.constant 1 : i32
      %scan3A_247 = scf.for %scan3A_259 = %scan3A_243 to %scan3A_245 step %scan3A_246 iter_args(%scan3A_260 = %scan3A_242) -> (i32)  : i32 {
        %get3A = arith.index_cast %scan3A_259 : i32 to index
        %get3A_261 = arith.constant 0 : index
        %get3A_262 = tpu.vector_load %arg18[%get3A, %get3A_261] {strides = array<i32>} : memref<80x128xf32, #tpu.memory_space<vmem>>, vector<1x16xf32>,
        %get3A_263 = vector.shape_cast %get3A_262 : vector<1x16xf32> to vector<16xf32>
        %max3A = arith.constant 0.000000e+00 : f32
        %max3A_264 = vector.broadcast %max3A : f32 to vector<16xf32>
        %max3A_265 = arith.maximumf %get3A_263, %max3A_264 : vector<16xf32>
        %swap3A = arith.index_cast %scan3A_259 : i32 to index
        %swap3A_266 = arith.constant 0 : index
        %swap3A_267 = tpu.vector_load %arg18[%swap3A, %swap3A_266] {strides = array<i32>} : memref<80x128xf32, #tpu.memory_space<vmem>>, vector<1x16xf32>,
        %swap3A_268 = vector.shape_cast %swap3A_267 : vector<1x16xf32> to vector<16xf32>
        %swap3A_269 = vector.shape_cast %max3A_265 : vector<16xf32> to vector<1x16xf32>
        tpu.vector_store %arg18[%swap3A, %swap3A_266], %swap3A_269 {strides = array<i32>} : memref<80x128xf32, #tpu.memory_space<vmem>>, vector<1x16xf32>,
        %get3A_270 = arith.index_cast %scan3A_259 : i32 to index
        %get3A_271 = arith.constant 16 : index
        %get3A_272 = tpu.vector_load %arg18[%get3A_270, %get3A_271] {strides = array<i32>} : memref<80x128xf32, #tpu.memory_space<vmem>>, vector<1x16xf32>,
        %get3A_273 = vector.shape_cast %get3A_272 : vector<1x16xf32> to vector<16xf32>
        %max3A_274 = arith.constant 0.000000e+00 : f32
        %max3A_275 = vector.broadcast %max3A_274 : f32 to vector<16xf32>
        %max3A_276 = arith.maximumf %get3A_273, %max3A_275 : vector<16xf32>
        %swap3A_277 = arith.index_cast %scan3A_259 : i32 to index
        %swap3A_278 = arith.constant 16 : index
        %swap3A_279 = tpu.vector_load %arg18[%swap3A_277, %swap3A_278] {strides = array<i32>} : memref<80x128xf32, #tpu.memory_space<vmem>>, vector<1x16xf32>,
        %swap3A_280 = vector.shape_cast %swap3A_279 : vector<1x16xf32> to vector<16xf32>
        %swap3A_281 = vector.shape_cast %max3A_276 : vector<16xf32> to vector<1x16xf32>
        tpu.vector_store %arg18[%swap3A_277, %swap3A_278], %swap3A_281 {strides = array<i32>} : memref<80x128xf32, #tpu.memory_space<vmem>>, vector<1x16xf32>,
        %get3A_282 = arith.index_cast %scan3A_259 : i32 to index
        %get3A_283 = arith.constant 32 : index
        %get3A_284 = tpu.vector_load %arg18[%get3A_282, %get3A_283] {strides = array<i32>} : memref<80x128xf32, #tpu.memory_space<vmem>>, vector<1x16xf32>,
        %get3A_285 = vector.shape_cast %get3A_284 : vector<1x16xf32> to vector<16xf32>
        %max3A_286 = arith.constant 0.000000e+00 : f32
        %max3A_287 = vector.broadcast %max3A_286 : f32 to vector<16xf32>
        %max3A_288 = arith.maximumf %get3A_285, %max3A_287 : vector<16xf32>
        %swap3A_289 = arith.index_cast %scan3A_259 : i32 to index
        %swap3A_290 = arith.constant 32 : index
        %swap3A_291 = tpu.vector_load %arg18[%swap3A_289, %swap3A_290] {strides = array<i32>} : memref<80x128xf32, #tpu.memory_space<vmem>>, vector<1x16xf32>,
        %swap3A_292 = vector.shape_cast %swap3A_291 : vector<1x16xf32> to vector<16xf32>
        %swap3A_293 = vector.shape_cast %max3A_288 : vector<16xf32> to vector<1x16xf32>
        tpu.vector_store %arg18[%swap3A_289, %swap3A_290], %swap3A_293 {strides = array<i32>} : memref<80x128xf32, #tpu.memory_space<vmem>>, vector<1x16xf32>,
        %get3A_294 = arith.index_cast %scan3A_259 : i32 to index
        %get3A_295 = arith.constant 48 : index
        %get3A_296 = tpu.vector_load %arg18[%get3A_294, %get3A_295] {strides = array<i32>} : memref<80x128xf32, #tpu.memory_space<vmem>>, vector<1x16xf32>,
        %get3A_297 = vector.shape_cast %get3A_296 : vector<1x16xf32> to vector<16xf32>
        %max3A_298 = arith.constant 0.000000e+00 : f32
        %max3A_299 = vector.broadcast %max3A_298 : f32 to vector<16xf32>
        %max3A_300 = arith.maximumf %get3A_297, %max3A_299 : vector<16xf32>
        %swap3A_301 = arith.index_cast %scan3A_259 : i32 to index
        %swap3A_302 = arith.constant 48 : index
        %swap3A_303 = tpu.vector_load %arg18[%swap3A_301, %swap3A_302] {strides = array<i32>} : memref<80x128xf32, #tpu.memory_space<vmem>>, vector<1x16xf32>,
        %swap3A_304 = vector.shape_cast %swap3A_303 : vector<1x16xf32> to vector<16xf32>
        %swap3A_305 = vector.shape_cast %max3A_300 : vector<16xf32> to vector<1x16xf32>
        tpu.vector_store %arg18[%swap3A_301, %swap3A_302], %swap3A_305 {strides = array<i32>} : memref<80x128xf32, #tpu.memory_space<vmem>>, vector<1x16xf32>,
        %get3A_306 = arith.index_cast %scan3A_259 : i32 to index
        %get3A_307 = arith.constant 64 : index
        %get3A_308 = tpu.vector_load %arg18[%get3A_306, %get3A_307] {strides = array<i32>} : memref<80x128xf32, #tpu.memory_space<vmem>>, vector<1x16xf32>,
        %get3A_309 = vector.shape_cast %get3A_308 : vector<1x16xf32> to vector<16xf32>
        %max3A_310 = arith.constant 0.000000e+00 : f32
        %max3A_311 = vector.broadcast %max3A_310 : f32 to vector<16xf32>
        %max3A_312 = arith.maximumf %get3A_309, %max3A_311 : vector<16xf32>
        %swap3A_313 = arith.index_cast %scan3A_259 : i32 to index
        %swap3A_314 = arith.constant 64 : index
        %swap3A_315 = tpu.vector_load %arg18[%swap3A_313, %swap3A_314] {strides = array<i32>} : memref<80x128xf32, #tpu.memory_space<vmem>>, vector<1x16xf32>,
        %swap3A_316 = vector.shape_cast %swap3A_315 : vector<1x16xf32> to vector<16xf32>
        %swap3A_317 = vector.shape_cast %max3A_312 : vector<16xf32> to vector<1x16xf32>
        tpu.vector_store %arg18[%swap3A_313, %swap3A_314], %swap3A_317 {strides = array<i32>} : memref<80x128xf32, #tpu.memory_space<vmem>>, vector<1x16xf32>,
        %get3A_318 = arith.index_cast %scan3A_259 : i32 to index
        %get3A_319 = arith.constant 80 : index
        %get3A_320 = tpu.vector_load %arg18[%get3A_318, %get3A_319] {strides = array<i32>} : memref<80x128xf32, #tpu.memory_space<vmem>>, vector<1x16xf32>,
        %get3A_321 = vector.shape_cast %get3A_320 : vector<1x16xf32> to vector<16xf32>
        %max3A_322 = arith.constant 0.000000e+00 : f32
        %max3A_323 = vector.broadcast %max3A_322 : f32 to vector<16xf32>
        %max3A_324 = arith.maximumf %get3A_321, %max3A_323 : vector<16xf32>
        %swap3A_325 = arith.index_cast %scan3A_259 : i32 to index
        %swap3A_326 = arith.constant 80 : index
        %swap3A_327 = tpu.vector_load %arg18[%swap3A_325, %swap3A_326] {strides = array<i32>} : memref<80x128xf32, #tpu.memory_space<vmem>>, vector<1x16xf32>,
        %swap3A_328 = vector.shape_cast %swap3A_327 : vector<1x16xf32> to vector<16xf32>
        %swap3A_329 = vector.shape_cast %max3A_324 : vector<16xf32> to vector<1x16xf32>
        tpu.vector_store %arg18[%swap3A_325, %swap3A_326], %swap3A_329 {strides = array<i32>} : memref<80x128xf32, #tpu.memory_space<vmem>>, vector<1x16xf32>,
        %get3A_330 = arith.index_cast %scan3A_259 : i32 to index
        %get3A_331 = arith.constant 96 : index
        %get3A_332 = tpu.vector_load %arg18[%get3A_330, %get3A_331] {strides = array<i32>} : memref<80x128xf32, #tpu.memory_space<vmem>>, vector<1x16xf32>,
        %get3A_333 = vector.shape_cast %get3A_332 : vector<1x16xf32> to vector<16xf32>
        %max3A_334 = arith.constant 0.000000e+00 : f32
        %max3A_335 = vector.broadcast %max3A_334 : f32 to vector<16xf32>
        %max3A_336 = arith.maximumf %get3A_333, %max3A_335 : vector<16xf32>
        %swap3A_337 = arith.index_cast %scan3A_259 : i32 to index
        %swap3A_338 = arith.constant 96 : index
        %swap3A_339 = tpu.vector_load %arg18[%swap3A_337, %swap3A_338] {strides = array<i32>} : memref<80x128xf32, #tpu.memory_space<vmem>>, vector<1x16xf32>,
        %swap3A_340 = vector.shape_cast %swap3A_339 : vector<1x16xf32> to vector<16xf32>
        %swap3A_341 = vector.shape_cast %max3A_336 : vector<16xf32> to vector<1x16xf32>
        tpu.vector_store %arg18[%swap3A_337, %swap3A_338], %swap3A_341 {strides = array<i32>} : memref<80x128xf32, #tpu.memory_space<vmem>>, vector<1x16xf32>,
        %get3A_342 = arith.index_cast %scan3A_259 : i32 to index
        %get3A_343 = arith.constant 112 : index
        %get3A_344 = tpu.vector_load %arg18[%get3A_342, %get3A_343] {strides = array<i32>} : memref<80x128xf32, #tpu.memory_space<vmem>>, vector<1x16xf32>,
        %get3A_345 = vector.shape_cast %get3A_344 : vector<1x16xf32> to vector<16xf32>
        %max3A_346 = arith.constant 0.000000e+00 : f32
        %max3A_347 = vector.broadcast %max3A_346 : f32 to vector<16xf32>
        %max3A_348 = arith.maximumf %get3A_345, %max3A_347 : vector<16xf32>
        %swap3A_349 = arith.index_cast %scan3A_259 : i32 to index
        %swap3A_350 = arith.constant 112 : index
        %swap3A_351 = tpu.vector_load %arg18[%swap3A_349, %swap3A_350] {strides = array<i32>} : memref<80x128xf32, #tpu.memory_space<vmem>>, vector<1x16xf32>,
        %swap3A_352 = vector.shape_cast %swap3A_351 : vector<1x16xf32> to vector<16xf32>
        %swap3A_353 = vector.shape_cast %max3A_348 : vector<16xf32> to vector<1x16xf32>
        tpu.vector_store %arg18[%swap3A_349, %swap3A_350], %swap3A_353 {strides = array<i32>} : memref<80x128xf32, #tpu.memory_space<vmem>>, vector<1x16xf32>,
        %scan3A_354 = arith.constant 0 : i32
        scf.yield %scan3A_354 : i32
      }
      %scan3A_248 = arith.constant 80 : i32
      "tpu.region"() ({
        %run_scoped3A = tpu.sem_alloc : memref<!tpu.dma_semaphore, #tpu.memory_space<semaphore_mem>>
        %dma_start3A_259 = arith.constant 0 : i32
        %dma_start3A_260 = arith.constant 0 : i32
        %dma_start3A_261 = tpu.memref_slice %arg19[%dma_start3A_259, %dma_start3A_260] : memref<10000x128xf32, #tpu.memory_space<vmem_shared>> -> memref<10000x128xf32, #tpu.memory_space<vmem_shared>>
        tpu.enqueue_indirect_dma source(%arg18 : memref<80x128xf32, #tpu.memory_space<vmem>>) target(%dma_start3A_261 : memref<10000x128xf32, #tpu.memory_space<vmem_shared>>) offsets(%arg14 : memref<80xi32, #tpu.memory_space<vmem>>) semaphore(%run_scoped3A : memref<!tpu.dma_semaphore, #tpu.memory_space<semaphore_mem>>) {add = true}
        %dma_wait3A_262 = arith.constant 0 : i32
        %dma_wait3A_263 = arith.constant 0 : i32
        %dma_wait3A_264 = tpu.memref_slice %arg19[%dma_wait3A_262, %dma_wait3A_263] : memref<10000x128xf32, #tpu.memory_space<vmem_shared>> -> memref<10000x128xf32, #tpu.memory_space<vmem_shared>>
        tpu.wait_indirect_dma semaphore(%run_scoped3A : memref<!tpu.dma_semaphore, #tpu.memory_space<semaphore_mem>>) src(%arg18 : memref<80x128xf32, #tpu.memory_space<vmem>>) dst(%dma_wait3A_264 : memref<10000x128xf32, #tpu.memory_space<vmem_shared>>)
        tpu.yield
      }) : () -> ()
      %add3A_249 = arith.constant 4 : i32
      %add3A_250 = arith.addi %add3A_221, %add3A_249 : i32
      %sub3A_251 = arith.constant 1 : i32
      %sub3A_252 = arith.subi %add3A_250, %sub3A_251 : i32
      %lt3A_253 = arith.constant 125 : i32
      %lt3A_254 = arith.cmpi slt, %sub3A_252, %lt3A_253 : i32
      %convert_element_type3A_255 = arith.extui %lt3A_254 : i1 to i32
      %cond3A_256 = arith.constant 0 : i32
      %cond3A_257 = arith.cmpi ne, %convert_element_type3A_255, %cond3A_256 : i32
      scf.if %cond3A_257 {
        %add3A_259 = arith.constant 4 : i32
        %add3A_260 = arith.addi %add3A_221, %add3A_259 : i32
        %sub3A_261 = arith.constant 1 : i32
        %sub3A_262 = arith.subi %add3A_260, %sub3A_261 : i32
        %mul3A_263 = arith.constant 80 : i32
        %mul3A_264 = arith.muli %sub3A_262, %mul3A_263 : i32
        %add3A_265 = arith.addi %mul3A_2, %mul3A_264 : i32
        %dma_start3A_266 = tpu.memref_slice %arg4[%add3A_265] : memref<320000xi32, #tpu.memory_space<hbm>> -> memref<80xi32, #tpu.memory_space<hbm>>
        %dma_start3A_267 = tpu.memref_slice %arg4[%add3A_265] : memref<320000xi32, #tpu.memory_space<hbm>> -> memref<80xi32, #tpu.memory_space<hbm>>
        tpu.enqueue_dma source(%dma_start3A_267 : memref<80xi32, #tpu.memory_space<hbm>>) target(%arg9 : memref<80xi32, #tpu.memory_space<vmem>>) target_semaphore(%arg22 : memref<!tpu.dma_semaphore, #tpu.memory_space<semaphore_mem>>)
        %dma_start3A_268 = tpu.memref_slice %arg5[%add3A_265] : memref<320000xi32, #tpu.memory_space<hbm>> -> memref<80xi32, #tpu.memory_space<hbm>>
        %dma_start3A_269 = tpu.memref_slice %arg5[%add3A_265] : memref<320000xi32, #tpu.memory_space<hbm>> -> memref<80xi32, #tpu.memory_space<hbm>>
        tpu.enqueue_dma source(%dma_start3A_269 : memref<80xi32, #tpu.memory_space<hbm>>) target(%arg13 : memref<80xi32, #tpu.memory_space<vmem>>) target_semaphore(%arg22 : memref<!tpu.dma_semaphore, #tpu.memory_space<semaphore_mem>>)
        %dma_start3A_270 = arith.constant 0 : i32
        %dma_start3A_271 = tpu.memref_slice %arg3[%add3A_265, %dma_start3A_270] : memref<320000x128xf32, #tpu.memory_space<hbm>> -> memref<80x128xf32, #tpu.memory_space<hbm>>
        %dma_start3A_272 = arith.constant 0 : i32
        %dma_start3A_273 = tpu.memref_slice %arg3[%add3A_265, %dma_start3A_272] : memref<320000x128xf32, #tpu.memory_space<hbm>> -> memref<80x128xf32, #tpu.memory_space<hbm>>
        tpu.enqueue_dma source(%dma_start3A_273 : memref<80x128xf32, #tpu.memory_space<hbm>>) target(%arg17 : memref<80x128xf32, #tpu.memory_space<vmem>>) target_semaphore(%arg26 : memref<!tpu.dma_semaphore, #tpu.memory_space<semaphore_mem>>)
      } else {
      }
      %scan3A_258 = arith.constant 0 : i32
      scf.yield %scan3A_258 : i32
    }
    %scan3A_81 = arith.constant 31 : i32
    %dma_wait3A_82 = arith.constant 0 : i32
    %dma_wait3A_83 = arith.constant 0 : i32
    %dma_wait3A_84 = tpu.memref_slice %arg2[%dma_wait3A_82, %dma_wait3A_83] : memref<10000x128xf32, #tpu.memory_space<hbm>> -> memref<10000x128xf32, #tpu.memory_space<hbm>>
    tpu.wait_indirect_dma semaphore(%arg28 : memref<!tpu.dma_semaphore, #tpu.memory_space<semaphore_mem>>) src(%dma_wait3A_84 : memref<10000x128xf32, #tpu.memory_space<hbm>>) dst(%arg15 : memref<80x128xf32, #tpu.memory_space<vmem>>)
    %scan3A_85 = arith.constant 0 : i32
    %scan3A_86 = arith.constant 0 : i32
    %scan3A_87 = arith.constant 80 : i32
    %scan3A_88 = arith.addi %scan3A_86, %scan3A_87 : i32
    %scan3A_89 = arith.constant 1 : i32
    %scan3A_90 = scf.for %scan3A_98 = %scan3A_86 to %scan3A_88 step %scan3A_89 iter_args(%scan3A_99 = %scan3A_85) -> (i32)  : i32 {
      %get3A = arith.index_cast %scan3A_98 : i32 to index
      %get3A_100 = arith.constant 0 : index
      %get3A_101 = tpu.vector_load %arg15[%get3A, %get3A_100] {strides = array<i32>} : memref<80x128xf32, #tpu.memory_space<vmem>>, vector<1x16xf32>,
      %get3A_102 = vector.shape_cast %get3A_101 : vector<1x16xf32> to vector<16xf32>
      %max3A = arith.constant 0.000000e+00 : f32
      %max3A_103 = vector.broadcast %max3A : f32 to vector<16xf32>
      %max3A_104 = arith.maximumf %get3A_102, %max3A_103 : vector<16xf32>
      %swap3A = arith.index_cast %scan3A_98 : i32 to index
      %swap3A_105 = arith.constant 0 : index
      %swap3A_106 = tpu.vector_load %arg15[%swap3A, %swap3A_105] {strides = array<i32>} : memref<80x128xf32, #tpu.memory_space<vmem>>, vector<1x16xf32>,
      %swap3A_107 = vector.shape_cast %swap3A_106 : vector<1x16xf32> to vector<16xf32>
      %swap3A_108 = vector.shape_cast %max3A_104 : vector<16xf32> to vector<1x16xf32>
      tpu.vector_store %arg15[%swap3A, %swap3A_105], %swap3A_108 {strides = array<i32>} : memref<80x128xf32, #tpu.memory_space<vmem>>, vector<1x16xf32>,
      %get3A_109 = arith.index_cast %scan3A_98 : i32 to index
      %get3A_110 = arith.constant 16 : index
      %get3A_111 = tpu.vector_load %arg15[%get3A_109, %get3A_110] {strides = array<i32>} : memref<80x128xf32, #tpu.memory_space<vmem>>, vector<1x16xf32>,
      %get3A_112 = vector.shape_cast %get3A_111 : vector<1x16xf32> to vector<16xf32>
      %max3A_113 = arith.constant 0.000000e+00 : f32
      %max3A_114 = vector.broadcast %max3A_113 : f32 to vector<16xf32>
      %max3A_115 = arith.maximumf %get3A_112, %max3A_114 : vector<16xf32>
      %swap3A_116 = arith.index_cast %scan3A_98 : i32 to index
      %swap3A_117 = arith.constant 16 : index
      %swap3A_118 = tpu.vector_load %arg15[%swap3A_116, %swap3A_117] {strides = array<i32>} : memref<80x128xf32, #tpu.memory_space<vmem>>, vector<1x16xf32>,
      %swap3A_119 = vector.shape_cast %swap3A_118 : vector<1x16xf32> to vector<16xf32>
      %swap3A_120 = vector.shape_cast %max3A_115 : vector<16xf32> to vector<1x16xf32>
      tpu.vector_store %arg15[%swap3A_116, %swap3A_117], %swap3A_120 {strides = array<i32>} : memref<80x128xf32, #tpu.memory_space<vmem>>, vector<1x16xf32>,
      %get3A_121 = arith.index_cast %scan3A_98 : i32 to index
      %get3A_122 = arith.constant 32 : index
      %get3A_123 = tpu.vector_load %arg15[%get3A_121, %get3A_122] {strides = array<i32>} : memref<80x128xf32, #tpu.memory_space<vmem>>, vector<1x16xf32>,
      %get3A_124 = vector.shape_cast %get3A_123 : vector<1x16xf32> to vector<16xf32>
      %max3A_125 = arith.constant 0.000000e+00 : f32
      %max3A_126 = vector.broadcast %max3A_125 : f32 to vector<16xf32>
      %max3A_127 = arith.maximumf %get3A_124, %max3A_126 : vector<16xf32>
      %swap3A_128 = arith.index_cast %scan3A_98 : i32 to index
      %swap3A_129 = arith.constant 32 : index
      %swap3A_130 = tpu.vector_load %arg15[%swap3A_128, %swap3A_129] {strides = array<i32>} : memref<80x128xf32, #tpu.memory_space<vmem>>, vector<1x16xf32>,
      %swap3A_131 = vector.shape_cast %swap3A_130 : vector<1x16xf32> to vector<16xf32>
      %swap3A_132 = vector.shape_cast %max3A_127 : vector<16xf32> to vector<1x16xf32>
      tpu.vector_store %arg15[%swap3A_128, %swap3A_129], %swap3A_132 {strides = array<i32>} : memref<80x128xf32, #tpu.memory_space<vmem>>, vector<1x16xf32>,
      %get3A_133 = arith.index_cast %scan3A_98 : i32 to index
      %get3A_134 = arith.constant 48 : index
      %get3A_135 = tpu.vector_load %arg15[%get3A_133, %get3A_134] {strides = array<i32>} : memref<80x128xf32, #tpu.memory_space<vmem>>, vector<1x16xf32>,
      %get3A_136 = vector.shape_cast %get3A_135 : vector<1x16xf32> to vector<16xf32>
      %max3A_137 = arith.constant 0.000000e+00 : f32
      %max3A_138 = vector.broadcast %max3A_137 : f32 to vector<16xf32>
      %max3A_139 = arith.maximumf %get3A_136, %max3A_138 : vector<16xf32>
      %swap3A_140 = arith.index_cast %scan3A_98 : i32 to index
      %swap3A_141 = arith.constant 48 : index
      %swap3A_142 = tpu.vector_load %arg15[%swap3A_140, %swap3A_141] {strides = array<i32>} : memref<80x128xf32, #tpu.memory_space<vmem>>, vector<1x16xf32>,
      %swap3A_143 = vector.shape_cast %swap3A_142 : vector<1x16xf32> to vector<16xf32>
      %swap3A_144 = vector.shape_cast %max3A_139 : vector<16xf32> to vector<1x16xf32>
      tpu.vector_store %arg15[%swap3A_140, %swap3A_141], %swap3A_144 {strides = array<i32>} : memref<80x128xf32, #tpu.memory_space<vmem>>, vector<1x16xf32>,
      %get3A_145 = arith.index_cast %scan3A_98 : i32 to index
      %get3A_146 = arith.constant 64 : index
      %get3A_147 = tpu.vector_load %arg15[%get3A_145, %get3A_146] {strides = array<i32>} : memref<80x128xf32, #tpu.memory_space<vmem>>, vector<1x16xf32>,
      %get3A_148 = vector.shape_cast %get3A_147 : vector<1x16xf32> to vector<16xf32>
      %max3A_149 = arith.constant 0.000000e+00 : f32
      %max3A_150 = vector.broadcast %max3A_149 : f32 to vector<16xf32>
      %max3A_151 = arith.maximumf %get3A_148, %max3A_150 : vector<16xf32>
      %swap3A_152 = arith.index_cast %scan3A_98 : i32 to index
      %swap3A_153 = arith.constant 64 : index
      %swap3A_154 = tpu.vector_load %arg15[%swap3A_152, %swap3A_153] {strides = array<i32>} : memref<80x128xf32, #tpu.memory_space<vmem>>, vector<1x16xf32>,
      %swap3A_155 = vector.shape_cast %swap3A_154 : vector<1x16xf32> to vector<16xf32>
      %swap3A_156 = vector.shape_cast %max3A_151 : vector<16xf32> to vector<1x16xf32>
      tpu.vector_store %arg15[%swap3A_152, %swap3A_153], %swap3A_156 {strides = array<i32>} : memref<80x128xf32, #tpu.memory_space<vmem>>, vector<1x16xf32>,
      %get3A_157 = arith.index_cast %scan3A_98 : i32 to index
      %get3A_158 = arith.constant 80 : index
      %get3A_159 = tpu.vector_load %arg15[%get3A_157, %get3A_158] {strides = array<i32>} : memref<80x128xf32, #tpu.memory_space<vmem>>, vector<1x16xf32>,
      %get3A_160 = vector.shape_cast %get3A_159 : vector<1x16xf32> to vector<16xf32>
      %max3A_161 = arith.constant 0.000000e+00 : f32
      %max3A_162 = vector.broadcast %max3A_161 : f32 to vector<16xf32>
      %max3A_163 = arith.maximumf %get3A_160, %max3A_162 : vector<16xf32>
      %swap3A_164 = arith.index_cast %scan3A_98 : i32 to index
      %swap3A_165 = arith.constant 80 : index
      %swap3A_166 = tpu.vector_load %arg15[%swap3A_164, %swap3A_165] {strides = array<i32>} : memref<80x128xf32, #tpu.memory_space<vmem>>, vector<1x16xf32>,
      %swap3A_167 = vector.shape_cast %swap3A_166 : vector<1x16xf32> to vector<16xf32>
      %swap3A_168 = vector.shape_cast %max3A_163 : vector<16xf32> to vector<1x16xf32>
      tpu.vector_store %arg15[%swap3A_164, %swap3A_165], %swap3A_168 {strides = array<i32>} : memref<80x128xf32, #tpu.memory_space<vmem>>, vector<1x16xf32>,
      %get3A_169 = arith.index_cast %scan3A_98 : i32 to index
      %get3A_170 = arith.constant 96 : index
      %get3A_171 = tpu.vector_load %arg15[%get3A_169, %get3A_170] {strides = array<i32>} : memref<80x128xf32, #tpu.memory_space<vmem>>, vector<1x16xf32>,
      %get3A_172 = vector.shape_cast %get3A_171 : vector<1x16xf32> to vector<16xf32>
      %max3A_173 = arith.constant 0.000000e+00 : f32
      %max3A_174 = vector.broadcast %max3A_173 : f32 to vector<16xf32>
      %max3A_175 = arith.maximumf %get3A_172, %max3A_174 : vector<16xf32>
      %swap3A_176 = arith.index_cast %scan3A_98 : i32 to index
      %swap3A_177 = arith.constant 96 : index
      %swap3A_178 = tpu.vector_load %arg15[%swap3A_176, %swap3A_177] {strides = array<i32>} : memref<80x128xf32, #tpu.memory_space<vmem>>, vector<1x16xf32>,
      %swap3A_179 = vector.shape_cast %swap3A_178 : vector<1x16xf32> to vector<16xf32>
      %swap3A_180 = vector.shape_cast %max3A_175 : vector<16xf32> to vector<1x16xf32>
      tpu.vector_store %arg15[%swap3A_176, %swap3A_177], %swap3A_180 {strides = array<i32>} : memref<80x128xf32, #tpu.memory_space<vmem>>, vector<1x16xf32>,
      %get3A_181 = arith.index_cast %scan3A_98 : i32 to index
      %get3A_182 = arith.constant 112 : index
      %get3A_183 = tpu.vector_load %arg15[%get3A_181, %get3A_182] {strides = array<i32>} : memref<80x128xf32, #tpu.memory_space<vmem>>, vector<1x16xf32>,
      %get3A_184 = vector.shape_cast %get3A_183 : vector<1x16xf32> to vector<16xf32>
      %max3A_185 = arith.constant 0.000000e+00 : f32
      %max3A_186 = vector.broadcast %max3A_185 : f32 to vector<16xf32>
      %max3A_187 = arith.maximumf %get3A_184, %max3A_186 : vector<16xf32>
      %swap3A_188 = arith.index_cast %scan3A_98 : i32 to index
      %swap3A_189 = arith.constant 112 : index
      %swap3A_190 = tpu.vector_load %arg15[%swap3A_188, %swap3A_189] {strides = array<i32>} : memref<80x128xf32, #tpu.memory_space<vmem>>, vector<1x16xf32>,
      %swap3A_191 = vector.shape_cast %swap3A_190 : vector<1x16xf32> to vector<16xf32>
      %swap3A_192 = vector.shape_cast %max3A_187 : vector<16xf32> to vector<1x16xf32>
      tpu.vector_store %arg15[%swap3A_188, %swap3A_189], %swap3A_192 {strides = array<i32>} : memref<80x128xf32, #tpu.memory_space<vmem>>, vector<1x16xf32>,
      %scan3A_193 = arith.constant 0 : i32
      scf.yield %scan3A_193 : i32
    }
    %scan3A_91 = arith.constant 80 : i32
    "tpu.region"() ({
      %run_scoped3A = tpu.sem_alloc : memref<!tpu.dma_semaphore, #tpu.memory_space<semaphore_mem>>
      %dma_start3A_98 = arith.constant 0 : i32
      %dma_start3A_99 = arith.constant 0 : i32
      %dma_start3A_100 = tpu.memref_slice %arg19[%dma_start3A_98, %dma_start3A_99] : memref<10000x128xf32, #tpu.memory_space<vmem_shared>> -> memref<10000x128xf32, #tpu.memory_space<vmem_shared>>
      tpu.enqueue_indirect_dma source(%arg15 : memref<80x128xf32, #tpu.memory_space<vmem>>) target(%dma_start3A_100 : memref<10000x128xf32, #tpu.memory_space<vmem_shared>>) offsets(%arg11 : memref<80xi32, #tpu.memory_space<vmem>>) semaphore(%run_scoped3A : memref<!tpu.dma_semaphore, #tpu.memory_space<semaphore_mem>>) {add = true}
      %dma_wait3A_101 = arith.constant 0 : i32
      %dma_wait3A_102 = arith.constant 0 : i32
      %dma_wait3A_103 = tpu.memref_slice %arg19[%dma_wait3A_101, %dma_wait3A_102] : memref<10000x128xf32, #tpu.memory_space<vmem_shared>> -> memref<10000x128xf32, #tpu.memory_space<vmem_shared>>
      tpu.wait_indirect_dma semaphore(%run_scoped3A : memref<!tpu.dma_semaphore, #tpu.memory_space<semaphore_mem>>) src(%arg15 : memref<80x128xf32, #tpu.memory_space<vmem>>) dst(%dma_wait3A_103 : memref<10000x128xf32, #tpu.memory_space<vmem_shared>>)
      tpu.yield
    }) : () -> ()
    %barrier3A_92 = arith.constant 0 : index
    tpu.barrier barrier_id(%barrier3A_92)
    "tpu.region"() ({
      %run_scoped3A = tpu.sem_alloc : memref<!tpu.dma_semaphore, #tpu.memory_space<semaphore_mem>>
      %dma_start3A_98 = arith.constant 0 : i32
      %dma_start3A_99 = tpu.memref_slice %arg6[%arg0, %mul3A_4, %dma_start3A_98] : memref<2x10000x128xf32, #tpu.memory_space<hbm>> -> memref<1x624x128xf32, #tpu.memory_space<hbm>>
      %dma_start3A_100 = tpu.memref_squeeze %dma_start3A_99 : memref<1x624x128xf32, #tpu.memory_space<hbm>> -> memref<624x128xf32, #tpu.memory_space<hbm>>
      %dma_start3A_101 = arith.constant 0 : i32
      %dma_start3A_102 = tpu.memref_slice %arg19[%mul3A_4, %dma_start3A_101] : memref<10000x128xf32, #tpu.memory_space<vmem_shared>> -> memref<624x128xf32, #tpu.memory_space<vmem_shared>>
      tpu.enqueue_dma source(%dma_start3A_102 : memref<624x128xf32, #tpu.memory_space<vmem_shared>>) target(%dma_start3A_100 : memref<624x128xf32, #tpu.memory_space<hbm>>) target_semaphore(%run_scoped3A : memref<!tpu.dma_semaphore, #tpu.memory_space<semaphore_mem>>)
      %dma_wait3A_103 = arith.constant 0 : i32
      %dma_wait3A_104 = tpu.memref_slice %arg6[%arg0, %mul3A_4, %dma_wait3A_103] : memref<2x10000x128xf32, #tpu.memory_space<hbm>> -> memref<1x624x128xf32, #tpu.memory_space<hbm>>
      %dma_wait3A_105 = tpu.memref_squeeze %dma_wait3A_104 : memref<1x624x128xf32, #tpu.memory_space<hbm>> -> memref<624x128xf32, #tpu.memory_space<hbm>>
      %dma_wait3A_106 = arith.constant 0 : i32
      %dma_wait3A_107 = tpu.memref_slice %arg19[%mul3A_4, %dma_wait3A_106] : memref<10000x128xf32, #tpu.memory_space<vmem_shared>> -> memref<624x128xf32, #tpu.memory_space<vmem_shared>>
      tpu.wait_dma2 semaphore(%run_scoped3A : memref<!tpu.dma_semaphore, #tpu.memory_space<semaphore_mem>>) src(%dma_wait3A_107 : memref<624x128xf32, #tpu.memory_space<vmem_shared>>) dst(%dma_wait3A_105 : memref<624x128xf32, #tpu.memory_space<hbm>>)
      tpu.yield
    }) : () -> ()
    %eq3A_93 = arith.constant 15 : i32
    %eq3A_94 = arith.cmpi eq, %arg1, %eq3A_93 : i32
    %convert_element_type3A_95 = arith.extui %eq3A_94 : i1 to i32
    %cond3A_96 = arith.constant 0 : i32
    %cond3A_97 = arith.cmpi ne, %convert_element_type3A_95, %cond3A_96 : i32
    scf.if %cond3A_97 {
      "tpu.region"() ({
        %run_scoped3A = tpu.sem_alloc : memref<!tpu.dma_semaphore, #tpu.memory_space<semaphore_mem>>
        %dma_start3A_98 = arith.constant 9984 : i32
        %dma_start3A_99 = arith.constant 0 : i32
        %dma_start3A_100 = tpu.memref_slice %arg6[%arg0, %dma_start3A_98, %dma_start3A_99] : memref<2x10000x128xf32, #tpu.memory_space<hbm>> -> memref<1x16x128xf32, #tpu.memory_space<hbm>>
        %dma_start3A_101 = tpu.memref_squeeze %dma_start3A_100 : memref<1x16x128xf32, #tpu.memory_space<hbm>> -> memref<16x128xf32, #tpu.memory_space<hbm>>
        %dma_start3A_102 = arith.constant 9984 : i32
        %dma_start3A_103 = arith.constant 0 : i32
        %dma_start3A_104 = tpu.memref_slice %arg19[%dma_start3A_102, %dma_start3A_103] : memref<10000x128xf32, #tpu.memory_space<vmem_shared>> -> memref<16x128xf32, #tpu.memory_space<vmem_shared>>
        tpu.enqueue_dma source(%dma_start3A_104 : memref<16x128xf32, #tpu.memory_space<vmem_shared>>) target(%dma_start3A_101 : memref<16x128xf32, #tpu.memory_space<hbm>>) target_semaphore(%run_scoped3A : memref<!tpu.dma_semaphore, #tpu.memory_space<semaphore_mem>>)
        %dma_wait3A_105 = arith.constant 9984 : i32
        %dma_wait3A_106 = arith.constant 0 : i32
        %dma_wait3A_107 = tpu.memref_slice %arg6[%arg0, %dma_wait3A_105, %dma_wait3A_106] : memref<2x10000x128xf32, #tpu.memory_space<hbm>> -> memref<1x16x128xf32, #tpu.memory_space<hbm>>
        %dma_wait3A_108 = tpu.memref_squeeze %dma_wait3A_107 : memref<1x16x128xf32, #tpu.memory_space<hbm>> -> memref<16x128xf32, #tpu.memory_space<hbm>>
        %dma_wait3A_109 = arith.constant 9984 : i32
        %dma_wait3A_110 = arith.constant 0 : i32
        %dma_wait3A_111 = tpu.memref_slice %arg19[%dma_wait3A_109, %dma_wait3A_110] : memref<10000x128xf32, #tpu.memory_space<vmem_shared>> -> memref<16x128xf32, #tpu.memory_space<vmem_shared>>
        tpu.wait_dma2 semaphore(%run_scoped3A : memref<!tpu.dma_semaphore, #tpu.memory_space<semaphore_mem>>) src(%dma_wait3A_111 : memref<16x128xf32, #tpu.memory_space<vmem_shared>>) dst(%dma_wait3A_108 : memref<16x128xf32, #tpu.memory_space<hbm>>)
        tpu.yield
      }) : () -> ()
    } else {
    }
    return
  }
}

#map = affine_map<(d0, d1) -> (0, 0)>
#map1 = affine_map<(d0, d1) -> (0)>
#map2 = affine_map<(d0, d1) -> (0, 0, 0)>
module attributes {stable_mosaic.version = 14 : i64} {
  func.func @edge_agg(%arg0: i32, %arg1: i32, %arg2: memref<10000x128xf32, #tpu.memory_space<hbm>>, %arg3: memref<320000x128xf32, #tpu.memory_space<hbm>>, %arg4: memref<320000xi32, #tpu.memory_space<hbm>>, %arg5: memref<320000xi32, #tpu.memory_space<hbm>>, %arg6: memref<2x10000x128xf32, #tpu.memory_space<hbm>>, %arg7: memref<80xi32, #tpu.memory_space<vmem>>, %arg8: memref<80xi32, #tpu.memory_space<vmem>>, %arg9: memref<80xi32, #tpu.memory_space<vmem>>, %arg10: memref<80xi32, #tpu.memory_space<vmem>>, %arg11: memref<80xi32, #tpu.memory_space<vmem>>, %arg12: memref<80xi32, #tpu.memory_space<vmem>>, %arg13: memref<80xi32, #tpu.memory_space<vmem>>, %arg14: memref<80xi32, #tpu.memory_space<vmem>>, %arg15: memref<80x128xf32, #tpu.memory_space<vmem>>, %arg16: memref<80x128xf32, #tpu.memory_space<vmem>>, %arg17: memref<80x128xf32, #tpu.memory_space<vmem>>, %arg18: memref<80x128xf32, #tpu.memory_space<vmem>>, %arg19: memref<10000x128xf32, #tpu.memory_space<vmem_shared>>, %arg20: memref<!tpu.dma_semaphore, #tpu.memory_space<semaphore_mem>>, %arg21: memref<!tpu.dma_semaphore, #tpu.memory_space<semaphore_mem>>, %arg22: memref<!tpu.dma_semaphore, #tpu.memory_space<semaphore_mem>>, %arg23: memref<!tpu.dma_semaphore, #tpu.memory_space<semaphore_mem>>, %arg24: memref<!tpu.dma_semaphore, #tpu.memory_space<semaphore_mem>>, %arg25: memref<!tpu.dma_semaphore, #tpu.memory_space<semaphore_mem>>, %arg26: memref<!tpu.dma_semaphore, #tpu.memory_space<semaphore_mem>>, %arg27: memref<!tpu.dma_semaphore, #tpu.memory_space<semaphore_mem>>, %arg28: memref<!tpu.dma_semaphore, #tpu.memory_space<semaphore_mem>>, %arg29: memref<!tpu.dma_semaphore, #tpu.memory_space<semaphore_mem>>, %arg30: memref<!tpu.dma_semaphore, #tpu.memory_space<semaphore_mem>>, %arg31: memref<!tpu.dma_semaphore, #tpu.memory_space<semaphore_mem>>) attributes {dimension_semantics = [#tpu.dimension_semantics<core_parallel>, #tpu.dimension_semantics<subcore_parallel>], iteration_bounds = array<i64: 2, 16>, scalar_prefetch = 0 : i64, scratch_operands = 25 : i64, tpu.core_type = #tpu.core_type<sc_vector_subcore>, window_params = [{transform_indices = #map}, {transform_indices = #map}, {transform_indices = #map1}, {transform_indices = #map1}, {transform_indices = #map2}]} {
    %mul3A = arith.constant 16 : i32
    %mul3A_0 = arith.muli %arg0, %mul3A : i32
    %add3A = arith.addi %mul3A_0, %arg1 : i32
    %mul3A_1 = arith.constant 10000 : i32
    %mul3A_2 = arith.muli %add3A, %mul3A_1 : i32
    %mul3A_3 = arith.constant 624 : i32
    %mul3A_4 = arith.muli %arg1, %mul3A_3 : i32
    %broadcast_in_dim3A = arith.constant 0.000000e+00 : f32
    %broadcast_in_dim3A_5 = vector.broadcast %broadcast_in_dim3A : f32 to vector<16xf32>
    %scan3A = arith.constant 0 : i32
    %scan3A_6 = arith.constant 0 : i32
    %scan3A_7 = arith.constant 80 : i32
    %scan3A_8 = arith.addi %scan3A_6, %scan3A_7 : i32
    %scan3A_9 = arith.constant 1 : i32
    %scan3A_10 = scf.for %scan3A_98 = %scan3A_6 to %scan3A_8 step %scan3A_9 iter_args(%scan3A_99 = %scan3A) -> (i32)  : i32 {
      %swap3A = arith.index_cast %scan3A_98 : i32 to index
      %swap3A_100 = arith.constant 0 : index
      %swap3A_101 = tpu.vector_load %arg15[%swap3A, %swap3A_100] {strides = array<i32>} : memref<80x128xf32, #tpu.memory_space<vmem>>, vector<1x16xf32>,
      %swap3A_102 = vector.shape_cast %swap3A_101 : vector<1x16xf32> to vector<16xf32>
      %swap3A_103 = vector.shape_cast %broadcast_in_dim3A_5 : vector<16xf32> to vector<1x16xf32>
      tpu.vector_store %arg15[%swap3A, %swap3A_100], %swap3A_103 {strides = array<i32>} : memref<80x128xf32, #tpu.memory_space<vmem>>, vector<1x16xf32>,
      %swap3A_104 = arith.index_cast %scan3A_98 : i32 to index
      %swap3A_105 = arith.constant 16 : index
      %swap3A_106 = tpu.vector_load %arg15[%swap3A_104, %swap3A_105] {strides = array<i32>} : memref<80x128xf32, #tpu.memory_space<vmem>>, vector<1x16xf32>,
      %swap3A_107 = vector.shape_cast %swap3A_106 : vector<1x16xf32> to vector<16xf32>
      %swap3A_108 = vector.shape_cast %broadcast_in_dim3A_5 : vector<16xf32> to vector<1x16xf32>
      tpu.vector_store %arg15[%swap3A_104, %swap3A_105], %swap3A_108 {strides = array<i32>} : memref<80x128xf32, #tpu.memory_space<vmem>>, vector<1x16xf32>,
      %swap3A_109 = arith.index_cast %scan3A_98 : i32 to index
      %swap3A_110 = arith.constant 32 : index
      %swap3A_111 = tpu.vector_load %arg15[%swap3A_109, %swap3A_110] {strides = array<i32>} : memref<80x128xf32, #tpu.memory_space<vmem>>, vector<1x16xf32>,
      %swap3A_112 = vector.shape_cast %swap3A_111 : vector<1x16xf32> to vector<16xf32>
      %swap3A_113 = vector.shape_cast %broadcast_in_dim3A_5 : vector<16xf32> to vector<1x16xf32>
      tpu.vector_store %arg15[%swap3A_109, %swap3A_110], %swap3A_113 {strides = array<i32>} : memref<80x128xf32, #tpu.memory_space<vmem>>, vector<1x16xf32>,
      %swap3A_114 = arith.index_cast %scan3A_98 : i32 to index
      %swap3A_115 = arith.constant 48 : index
      %swap3A_116 = tpu.vector_load %arg15[%swap3A_114, %swap3A_115] {strides = array<i32>} : memref<80x128xf32, #tpu.memory_space<vmem>>, vector<1x16xf32>,
      %swap3A_117 = vector.shape_cast %swap3A_116 : vector<1x16xf32> to vector<16xf32>
      %swap3A_118 = vector.shape_cast %broadcast_in_dim3A_5 : vector<16xf32> to vector<1x16xf32>
      tpu.vector_store %arg15[%swap3A_114, %swap3A_115], %swap3A_118 {strides = array<i32>} : memref<80x128xf32, #tpu.memory_space<vmem>>, vector<1x16xf32>,
      %swap3A_119 = arith.index_cast %scan3A_98 : i32 to index
      %swap3A_120 = arith.constant 64 : index
      %swap3A_121 = tpu.vector_load %arg15[%swap3A_119, %swap3A_120] {strides = array<i32>} : memref<80x128xf32, #tpu.memory_space<vmem>>, vector<1x16xf32>,
      %swap3A_122 = vector.shape_cast %swap3A_121 : vector<1x16xf32> to vector<16xf32>
      %swap3A_123 = vector.shape_cast %broadcast_in_dim3A_5 : vector<16xf32> to vector<1x16xf32>
      tpu.vector_store %arg15[%swap3A_119, %swap3A_120], %swap3A_123 {strides = array<i32>} : memref<80x128xf32, #tpu.memory_space<vmem>>, vector<1x16xf32>,
      %swap3A_124 = arith.index_cast %scan3A_98 : i32 to index
      %swap3A_125 = arith.constant 80 : index
      %swap3A_126 = tpu.vector_load %arg15[%swap3A_124, %swap3A_125] {strides = array<i32>} : memref<80x128xf32, #tpu.memory_space<vmem>>, vector<1x16xf32>,
      %swap3A_127 = vector.shape_cast %swap3A_126 : vector<1x16xf32> to vector<16xf32>
      %swap3A_128 = vector.shape_cast %broadcast_in_dim3A_5 : vector<16xf32> to vector<1x16xf32>
      tpu.vector_store %arg15[%swap3A_124, %swap3A_125], %swap3A_128 {strides = array<i32>} : memref<80x128xf32, #tpu.memory_space<vmem>>, vector<1x16xf32>,
      %swap3A_129 = arith.index_cast %scan3A_98 : i32 to index
      %swap3A_130 = arith.constant 96 : index
      %swap3A_131 = tpu.vector_load %arg15[%swap3A_129, %swap3A_130] {strides = array<i32>} : memref<80x128xf32, #tpu.memory_space<vmem>>, vector<1x16xf32>,
      %swap3A_132 = vector.shape_cast %swap3A_131 : vector<1x16xf32> to vector<16xf32>
      %swap3A_133 = vector.shape_cast %broadcast_in_dim3A_5 : vector<16xf32> to vector<1x16xf32>
      tpu.vector_store %arg15[%swap3A_129, %swap3A_130], %swap3A_133 {strides = array<i32>} : memref<80x128xf32, #tpu.memory_space<vmem>>, vector<1x16xf32>,
      %swap3A_134 = arith.index_cast %scan3A_98 : i32 to index
      %swap3A_135 = arith.constant 112 : index
      %swap3A_136 = tpu.vector_load %arg15[%swap3A_134, %swap3A_135] {strides = array<i32>} : memref<80x128xf32, #tpu.memory_space<vmem>>, vector<1x16xf32>,
      %swap3A_137 = vector.shape_cast %swap3A_136 : vector<1x16xf32> to vector<16xf32>
      %swap3A_138 = vector.shape_cast %broadcast_in_dim3A_5 : vector<16xf32> to vector<1x16xf32>
      tpu.vector_store %arg15[%swap3A_134, %swap3A_135], %swap3A_138 {strides = array<i32>} : memref<80x128xf32, #tpu.memory_space<vmem>>, vector<1x16xf32>,
      %scan3A_139 = arith.constant 0 : i32
      scf.yield %scan3A_139 : i32
    }
    %scan3A_11 = arith.constant 80 : i32
    %add3A_12 = arith.constant 0 : i32
    %add3A_13 = arith.addi %mul3A_4, %add3A_12 : i32
    "tpu.region"() ({
      %run_scoped3A = tpu.sem_alloc : memref<!tpu.dma_semaphore, #tpu.memory_space<semaphore_mem>>
      %dma_start3A_98 = arith.constant 0 : i32
      %dma_start3A_99 = tpu.memref_slice %arg19[%add3A_13, %dma_start3A_98] : memref<10000x128xf32, #tpu.memory_space<vmem_shared>> -> memref<80x128xf32, #tpu.memory_space<vmem_shared>>
      %dma_start3A_100 = arith.constant 0 : i32
      %dma_start3A_101 = tpu.memref_slice %arg19[%add3A_13, %dma_start3A_100] : memref<10000x128xf32, #tpu.memory_space<vmem_shared>> -> memref<80x128xf32, #tpu.memory_space<vmem_shared>>
      tpu.enqueue_dma source(%arg15 : memref<80x128xf32, #tpu.memory_space<vmem>>) target(%dma_start3A_101 : memref<80x128xf32, #tpu.memory_space<vmem_shared>>) target_semaphore(%run_scoped3A : memref<!tpu.dma_semaphore, #tpu.memory_space<semaphore_mem>>)
      %dma_wait3A_102 = arith.constant 0 : i32
      %dma_wait3A_103 = tpu.memref_slice %arg19[%add3A_13, %dma_wait3A_102] : memref<10000x128xf32, #tpu.memory_space<vmem_shared>> -> memref<80x128xf32, #tpu.memory_space<vmem_shared>>
      %dma_wait3A_104 = arith.constant 0 : i32
      %dma_wait3A_105 = tpu.memref_slice %arg19[%add3A_13, %dma_wait3A_104] : memref<10000x128xf32, #tpu.memory_space<vmem_shared>> -> memref<80x128xf32, #tpu.memory_space<vmem_shared>>
      tpu.wait_dma2 semaphore(%run_scoped3A : memref<!tpu.dma_semaphore, #tpu.memory_space<semaphore_mem>>) src(%arg15 : memref<80x128xf32, #tpu.memory_space<vmem>>) dst(%dma_wait3A_105 : memref<80x128xf32, #tpu.memory_space<vmem_shared>>)
      tpu.yield
    }) : () -> ()
    %add3A_14 = arith.constant 80 : i32
    %add3A_15 = arith.addi %mul3A_4, %add3A_14 : i32
    "tpu.region"() ({
      %run_scoped3A = tpu.sem_alloc : memref<!tpu.dma_semaphore, #tpu.memory_space<semaphore_mem>>
      %dma_start3A_98 = arith.constant 0 : i32
      %dma_start3A_99 = tpu.memref_slice %arg19[%add3A_15, %dma_start3A_98] : memref<10000x128xf32, #tpu.memory_space<vmem_shared>> -> memref<80x128xf32, #tpu.memory_space<vmem_shared>>
      %dma_start3A_100 = arith.constant 0 : i32
      %dma_start3A_101 = tpu.memref_slice %arg19[%add3A_15, %dma_start3A_100] : memref<10000x128xf32, #tpu.memory_space<vmem_shared>> -> memref<80x128xf32, #tpu.memory_space<vmem_shared>>
      tpu.enqueue_dma source(%arg15 : memref<80x128xf32, #tpu.memory_space<vmem>>) target(%dma_start3A_101 : memref<80x128xf32, #tpu.memory_space<vmem_shared>>) target_semaphore(%run_scoped3A : memref<!tpu.dma_semaphore, #tpu.memory_space<semaphore_mem>>)
      %dma_wait3A_102 = arith.constant 0 : i32
      %dma_wait3A_103 = tpu.memref_slice %arg19[%add3A_15, %dma_wait3A_102] : memref<10000x128xf32, #tpu.memory_space<vmem_shared>> -> memref<80x128xf32, #tpu.memory_space<vmem_shared>>
      %dma_wait3A_104 = arith.constant 0 : i32
      %dma_wait3A_105 = tpu.memref_slice %arg19[%add3A_15, %dma_wait3A_104] : memref<10000x128xf32, #tpu.memory_space<vmem_shared>> -> memref<80x128xf32, #tpu.memory_space<vmem_shared>>
      tpu.wait_dma2 semaphore(%run_scoped3A : memref<!tpu.dma_semaphore, #tpu.memory_space<semaphore_mem>>) src(%arg15 : memref<80x128xf32, #tpu.memory_space<vmem>>) dst(%dma_wait3A_105 : memref<80x128xf32, #tpu.memory_space<vmem_shared>>)
      tpu.yield
    }) : () -> ()
    %add3A_16 = arith.constant 160 : i32
    %add3A_17 = arith.addi %mul3A_4, %add3A_16 : i32
    "tpu.region"() ({
      %run_scoped3A = tpu.sem_alloc : memref<!tpu.dma_semaphore, #tpu.memory_space<semaphore_mem>>
      %dma_start3A_98 = arith.constant 0 : i32
      %dma_start3A_99 = tpu.memref_slice %arg19[%add3A_17, %dma_start3A_98] : memref<10000x128xf32, #tpu.memory_space<vmem_shared>> -> memref<80x128xf32, #tpu.memory_space<vmem_shared>>
      %dma_start3A_100 = arith.constant 0 : i32
      %dma_start3A_101 = tpu.memref_slice %arg19[%add3A_17, %dma_start3A_100] : memref<10000x128xf32, #tpu.memory_space<vmem_shared>> -> memref<80x128xf32, #tpu.memory_space<vmem_shared>>
      tpu.enqueue_dma source(%arg15 : memref<80x128xf32, #tpu.memory_space<vmem>>) target(%dma_start3A_101 : memref<80x128xf32, #tpu.memory_space<vmem_shared>>) target_semaphore(%run_scoped3A : memref<!tpu.dma_semaphore, #tpu.memory_space<semaphore_mem>>)
      %dma_wait3A_102 = arith.constant 0 : i32
      %dma_wait3A_103 = tpu.memref_slice %arg19[%add3A_17, %dma_wait3A_102] : memref<10000x128xf32, #tpu.memory_space<vmem_shared>> -> memref<80x128xf32, #tpu.memory_space<vmem_shared>>
      %dma_wait3A_104 = arith.constant 0 : i32
      %dma_wait3A_105 = tpu.memref_slice %arg19[%add3A_17, %dma_wait3A_104] : memref<10000x128xf32, #tpu.memory_space<vmem_shared>> -> memref<80x128xf32, #tpu.memory_space<vmem_shared>>
      tpu.wait_dma2 semaphore(%run_scoped3A : memref<!tpu.dma_semaphore, #tpu.memory_space<semaphore_mem>>) src(%arg15 : memref<80x128xf32, #tpu.memory_space<vmem>>) dst(%dma_wait3A_105 : memref<80x128xf32, #tpu.memory_space<vmem_shared>>)
      tpu.yield
    }) : () -> ()
    %add3A_18 = arith.constant 240 : i32
    %add3A_19 = arith.addi %mul3A_4, %add3A_18 : i32
    "tpu.region"() ({
      %run_scoped3A = tpu.sem_alloc : memref<!tpu.dma_semaphore, #tpu.memory_space<semaphore_mem>>
      %dma_start3A_98 = arith.constant 0 : i32
      %dma_start3A_99 = tpu.memref_slice %arg19[%add3A_19, %dma_start3A_98] : memref<10000x128xf32, #tpu.memory_space<vmem_shared>> -> memref<80x128xf32, #tpu.memory_space<vmem_shared>>
      %dma_start3A_100 = arith.constant 0 : i32
      %dma_start3A_101 = tpu.memref_slice %arg19[%add3A_19, %dma_start3A_100] : memref<10000x128xf32, #tpu.memory_space<vmem_shared>> -> memref<80x128xf32, #tpu.memory_space<vmem_shared>>
      tpu.enqueue_dma source(%arg15 : memref<80x128xf32, #tpu.memory_space<vmem>>) target(%dma_start3A_101 : memref<80x128xf32, #tpu.memory_space<vmem_shared>>) target_semaphore(%run_scoped3A : memref<!tpu.dma_semaphore, #tpu.memory_space<semaphore_mem>>)
      %dma_wait3A_102 = arith.constant 0 : i32
      %dma_wait3A_103 = tpu.memref_slice %arg19[%add3A_19, %dma_wait3A_102] : memref<10000x128xf32, #tpu.memory_space<vmem_shared>> -> memref<80x128xf32, #tpu.memory_space<vmem_shared>>
      %dma_wait3A_104 = arith.constant 0 : i32
      %dma_wait3A_105 = tpu.memref_slice %arg19[%add3A_19, %dma_wait3A_104] : memref<10000x128xf32, #tpu.memory_space<vmem_shared>> -> memref<80x128xf32, #tpu.memory_space<vmem_shared>>
      tpu.wait_dma2 semaphore(%run_scoped3A : memref<!tpu.dma_semaphore, #tpu.memory_space<semaphore_mem>>) src(%arg15 : memref<80x128xf32, #tpu.memory_space<vmem>>) dst(%dma_wait3A_105 : memref<80x128xf32, #tpu.memory_space<vmem_shared>>)
      tpu.yield
    }) : () -> ()
    %add3A_20 = arith.constant 320 : i32
    %add3A_21 = arith.addi %mul3A_4, %add3A_20 : i32
    "tpu.region"() ({
      %run_scoped3A = tpu.sem_alloc : memref<!tpu.dma_semaphore, #tpu.memory_space<semaphore_mem>>
      %dma_start3A_98 = arith.constant 0 : i32
      %dma_start3A_99 = tpu.memref_slice %arg19[%add3A_21, %dma_start3A_98] : memref<10000x128xf32, #tpu.memory_space<vmem_shared>> -> memref<80x128xf32, #tpu.memory_space<vmem_shared>>
      %dma_start3A_100 = arith.constant 0 : i32
      %dma_start3A_101 = tpu.memref_slice %arg19[%add3A_21, %dma_start3A_100] : memref<10000x128xf32, #tpu.memory_space<vmem_shared>> -> memref<80x128xf32, #tpu.memory_space<vmem_shared>>
      tpu.enqueue_dma source(%arg15 : memref<80x128xf32, #tpu.memory_space<vmem>>) target(%dma_start3A_101 : memref<80x128xf32, #tpu.memory_space<vmem_shared>>) target_semaphore(%run_scoped3A : memref<!tpu.dma_semaphore, #tpu.memory_space<semaphore_mem>>)
      %dma_wait3A_102 = arith.constant 0 : i32
      %dma_wait3A_103 = tpu.memref_slice %arg19[%add3A_21, %dma_wait3A_102] : memref<10000x128xf32, #tpu.memory_space<vmem_shared>> -> memref<80x128xf32, #tpu.memory_space<vmem_shared>>
      %dma_wait3A_104 = arith.constant 0 : i32
      %dma_wait3A_105 = tpu.memref_slice %arg19[%add3A_21, %dma_wait3A_104] : memref<10000x128xf32, #tpu.memory_space<vmem_shared>> -> memref<80x128xf32, #tpu.memory_space<vmem_shared>>
      tpu.wait_dma2 semaphore(%run_scoped3A : memref<!tpu.dma_semaphore, #tpu.memory_space<semaphore_mem>>) src(%arg15 : memref<80x128xf32, #tpu.memory_space<vmem>>) dst(%dma_wait3A_105 : memref<80x128xf32, #tpu.memory_space<vmem_shared>>)
      tpu.yield
    }) : () -> ()
    %add3A_22 = arith.constant 400 : i32
    %add3A_23 = arith.addi %mul3A_4, %add3A_22 : i32
    "tpu.region"() ({
      %run_scoped3A = tpu.sem_alloc : memref<!tpu.dma_semaphore, #tpu.memory_space<semaphore_mem>>
      %dma_start3A_98 = arith.constant 0 : i32
      %dma_start3A_99 = tpu.memref_slice %arg19[%add3A_23, %dma_start3A_98] : memref<10000x128xf32, #tpu.memory_space<vmem_shared>> -> memref<80x128xf32, #tpu.memory_space<vmem_shared>>
      %dma_start3A_100 = arith.constant 0 : i32
      %dma_start3A_101 = tpu.memref_slice %arg19[%add3A_23, %dma_start3A_100] : memref<10000x128xf32, #tpu.memory_space<vmem_shared>> -> memref<80x128xf32, #tpu.memory_space<vmem_shared>>
      tpu.enqueue_dma source(%arg15 : memref<80x128xf32, #tpu.memory_space<vmem>>) target(%dma_start3A_101 : memref<80x128xf32, #tpu.memory_space<vmem_shared>>) target_semaphore(%run_scoped3A : memref<!tpu.dma_semaphore, #tpu.memory_space<semaphore_mem>>)
      %dma_wait3A_102 = arith.constant 0 : i32
      %dma_wait3A_103 = tpu.memref_slice %arg19[%add3A_23, %dma_wait3A_102] : memref<10000x128xf32, #tpu.memory_space<vmem_shared>> -> memref<80x128xf32, #tpu.memory_space<vmem_shared>>
      %dma_wait3A_104 = arith.constant 0 : i32
      %dma_wait3A_105 = tpu.memref_slice %arg19[%add3A_23, %dma_wait3A_104] : memref<10000x128xf32, #tpu.memory_space<vmem_shared>> -> memref<80x128xf32, #tpu.memory_space<vmem_shared>>
      tpu.wait_dma2 semaphore(%run_scoped3A : memref<!tpu.dma_semaphore, #tpu.memory_space<semaphore_mem>>) src(%arg15 : memref<80x128xf32, #tpu.memory_space<vmem>>) dst(%dma_wait3A_105 : memref<80x128xf32, #tpu.memory_space<vmem_shared>>)
      tpu.yield
    }) : () -> ()
    %add3A_24 = arith.constant 480 : i32
    %add3A_25 = arith.addi %mul3A_4, %add3A_24 : i32
    "tpu.region"() ({
      %run_scoped3A = tpu.sem_alloc : memref<!tpu.dma_semaphore, #tpu.memory_space<semaphore_mem>>
      %dma_start3A_98 = arith.constant 0 : i32
      %dma_start3A_99 = tpu.memref_slice %arg19[%add3A_25, %dma_start3A_98] : memref<10000x128xf32, #tpu.memory_space<vmem_shared>> -> memref<80x128xf32, #tpu.memory_space<vmem_shared>>
      %dma_start3A_100 = arith.constant 0 : i32
      %dma_start3A_101 = tpu.memref_slice %arg19[%add3A_25, %dma_start3A_100] : memref<10000x128xf32, #tpu.memory_space<vmem_shared>> -> memref<80x128xf32, #tpu.memory_space<vmem_shared>>
      tpu.enqueue_dma source(%arg15 : memref<80x128xf32, #tpu.memory_space<vmem>>) target(%dma_start3A_101 : memref<80x128xf32, #tpu.memory_space<vmem_shared>>) target_semaphore(%run_scoped3A : memref<!tpu.dma_semaphore, #tpu.memory_space<semaphore_mem>>)
      %dma_wait3A_102 = arith.constant 0 : i32
      %dma_wait3A_103 = tpu.memref_slice %arg19[%add3A_25, %dma_wait3A_102] : memref<10000x128xf32, #tpu.memory_space<vmem_shared>> -> memref<80x128xf32, #tpu.memory_space<vmem_shared>>
      %dma_wait3A_104 = arith.constant 0 : i32
      %dma_wait3A_105 = tpu.memref_slice %arg19[%add3A_25, %dma_wait3A_104] : memref<10000x128xf32, #tpu.memory_space<vmem_shared>> -> memref<80x128xf32, #tpu.memory_space<vmem_shared>>
      tpu.wait_dma2 semaphore(%run_scoped3A : memref<!tpu.dma_semaphore, #tpu.memory_space<semaphore_mem>>) src(%arg15 : memref<80x128xf32, #tpu.memory_space<vmem>>) dst(%dma_wait3A_105 : memref<80x128xf32, #tpu.memory_space<vmem_shared>>)
      tpu.yield
    }) : () -> ()
    %add3A_26 = arith.constant 560 : i32
    %add3A_27 = arith.addi %mul3A_4, %add3A_26 : i32
    "tpu.region"() ({
      %run_scoped3A = tpu.sem_alloc : memref<!tpu.dma_semaphore, #tpu.memory_space<semaphore_mem>>
      %dma_start3A_98 = arith.constant 0 : i32
      %dma_start3A_99 = arith.constant 0 : i32
      %dma_start3A_100 = tpu.memref_slice %arg15[%dma_start3A_98, %dma_start3A_99] : memref<80x128xf32, #tpu.memory_space<vmem>> -> memref<64x128xf32, #tpu.memory_space<vmem>>
      %dma_start3A_101 = arith.constant 0 : i32
      %dma_start3A_102 = tpu.memref_slice %arg19[%add3A_27, %dma_start3A_101] : memref<10000x128xf32, #tpu.memory_space<vmem_shared>> -> memref<64x128xf32, #tpu.memory_space<vmem_shared>>
      %dma_start3A_103 = arith.constant 0 : i32
      %dma_start3A_104 = tpu.memref_slice %arg19[%add3A_27, %dma_start3A_103] : memref<10000x128xf32, #tpu.memory_space<vmem_shared>> -> memref<64x128xf32, #tpu.memory_space<vmem_shared>>
      %dma_start3A_105 = arith.constant 0 : i32
      %dma_start3A_106 = arith.constant 0 : i32
      %dma_start3A_107 = tpu.memref_slice %arg15[%dma_start3A_105, %dma_start3A_106] : memref<80x128xf32, #tpu.memory_space<vmem>> -> memref<64x128xf32, #tpu.memory_space<vmem>>
      tpu.enqueue_dma source(%dma_start3A_107 : memref<64x128xf32, #tpu.memory_space<vmem>>) target(%dma_start3A_104 : memref<64x128xf32, #tpu.memory_space<vmem_shared>>) target_semaphore(%run_scoped3A : memref<!tpu.dma_semaphore, #tpu.memory_space<semaphore_mem>>)
      %dma_wait3A_108 = arith.constant 0 : i32
      %dma_wait3A_109 = arith.constant 0 : i32
      %dma_wait3A_110 = tpu.memref_slice %arg15[%dma_wait3A_108, %dma_wait3A_109] : memref<80x128xf32, #tpu.memory_space<vmem>> -> memref<64x128xf32, #tpu.memory_space<vmem>>
      %dma_wait3A_111 = arith.constant 0 : i32
      %dma_wait3A_112 = tpu.memref_slice %arg19[%add3A_27, %dma_wait3A_111] : memref<10000x128xf32, #tpu.memory_space<vmem_shared>> -> memref<64x128xf32, #tpu.memory_space<vmem_shared>>
      %dma_wait3A_113 = arith.constant 0 : i32
      %dma_wait3A_114 = tpu.memref_slice %arg19[%add3A_27, %dma_wait3A_113] : memref<10000x128xf32, #tpu.memory_space<vmem_shared>> -> memref<64x128xf32, #tpu.memory_space<vmem_shared>>
      %dma_wait3A_115 = arith.constant 0 : i32
      %dma_wait3A_116 = arith.constant 0 : i32
      %dma_wait3A_117 = tpu.memref_slice %arg15[%dma_wait3A_115, %dma_wait3A_116] : memref<80x128xf32, #tpu.memory_space<vmem>> -> memref<64x128xf32, #tpu.memory_space<vmem>>
      tpu.wait_dma2 semaphore(%run_scoped3A : memref<!tpu.dma_semaphore, #tpu.memory_space<semaphore_mem>>) src(%dma_wait3A_117 : memref<64x128xf32, #tpu.memory_space<vmem>>) dst(%dma_wait3A_114 : memref<64x128xf32, #tpu.memory_space<vmem_shared>>)
      tpu.yield
    }) : () -> ()
    %eq3A = arith.constant 15 : i32
    %eq3A_28 = arith.cmpi eq, %arg1, %eq3A : i32
    %convert_element_type3A = arith.extui %eq3A_28 : i1 to i32
    %cond3A = arith.constant 0 : i32
    %cond3A_29 = arith.cmpi ne, %convert_element_type3A, %cond3A : i32
    scf.if %cond3A_29 {
      "tpu.region"() ({
        %run_scoped3A = tpu.sem_alloc : memref<!tpu.dma_semaphore, #tpu.memory_space<semaphore_mem>>
        %dma_start3A_98 = arith.constant 0 : i32
        %dma_start3A_99 = arith.constant 0 : i32
        %dma_start3A_100 = tpu.memref_slice %arg15[%dma_start3A_98, %dma_start3A_99] : memref<80x128xf32, #tpu.memory_space<vmem>> -> memref<16x128xf32, #tpu.memory_space<vmem>>
        %dma_start3A_101 = arith.constant 9984 : i32
        %dma_start3A_102 = arith.constant 0 : i32
        %dma_start3A_103 = tpu.memref_slice %arg19[%dma_start3A_101, %dma_start3A_102] : memref<10000x128xf32, #tpu.memory_space<vmem_shared>> -> memref<16x128xf32, #tpu.memory_space<vmem_shared>>
        %dma_start3A_104 = arith.constant 9984 : i32
        %dma_start3A_105 = arith.constant 0 : i32
        %dma_start3A_106 = tpu.memref_slice %arg19[%dma_start3A_104, %dma_start3A_105] : memref<10000x128xf32, #tpu.memory_space<vmem_shared>> -> memref<16x128xf32, #tpu.memory_space<vmem_shared>>
        %dma_start3A_107 = arith.constant 0 : i32
        %dma_start3A_108 = arith.constant 0 : i32
        %dma_start3A_109 = tpu.memref_slice %arg15[%dma_start3A_107, %dma_start3A_108] : memref<80x128xf32, #tpu.memory_space<vmem>> -> memref<16x128xf32, #tpu.memory_space<vmem>>
        tpu.enqueue_dma source(%dma_start3A_109 : memref<16x128xf32, #tpu.memory_space<vmem>>) target(%dma_start3A_106 : memref<16x128xf32, #tpu.memory_space<vmem_shared>>) target_semaphore(%run_scoped3A : memref<!tpu.dma_semaphore, #tpu.memory_space<semaphore_mem>>)
        %dma_wait3A_110 = arith.constant 0 : i32
        %dma_wait3A_111 = arith.constant 0 : i32
        %dma_wait3A_112 = tpu.memref_slice %arg15[%dma_wait3A_110, %dma_wait3A_111] : memref<80x128xf32, #tpu.memory_space<vmem>> -> memref<16x128xf32, #tpu.memory_space<vmem>>
        %dma_wait3A_113 = arith.constant 9984 : i32
        %dma_wait3A_114 = arith.constant 0 : i32
        %dma_wait3A_115 = tpu.memref_slice %arg19[%dma_wait3A_113, %dma_wait3A_114] : memref<10000x128xf32, #tpu.memory_space<vmem_shared>> -> memref<16x128xf32, #tpu.memory_space<vmem_shared>>
        %dma_wait3A_116 = arith.constant 9984 : i32
        %dma_wait3A_117 = arith.constant 0 : i32
        %dma_wait3A_118 = tpu.memref_slice %arg19[%dma_wait3A_116, %dma_wait3A_117] : memref<10000x128xf32, #tpu.memory_space<vmem_shared>> -> memref<16x128xf32, #tpu.memory_space<vmem_shared>>
        %dma_wait3A_119 = arith.constant 0 : i32
        %dma_wait3A_120 = arith.constant 0 : i32
        %dma_wait3A_121 = tpu.memref_slice %arg15[%dma_wait3A_119, %dma_wait3A_120] : memref<80x128xf32, #tpu.memory_space<vmem>> -> memref<16x128xf32, #tpu.memory_space<vmem>>
        tpu.wait_dma2 semaphore(%run_scoped3A : memref<!tpu.dma_semaphore, #tpu.memory_space<semaphore_mem>>) src(%dma_wait3A_121 : memref<16x128xf32, #tpu.memory_space<vmem>>) dst(%dma_wait3A_118 : memref<16x128xf32, #tpu.memory_space<vmem_shared>>)
        tpu.yield
      }) : () -> ()
    } else {
    }
    %barrier3A = arith.constant 0 : index
    tpu.barrier barrier_id(%barrier3A)
    %add3A_30 = arith.constant 0 : i32
    %add3A_31 = arith.addi %mul3A_2, %add3A_30 : i32
    %dma_start3A = tpu.memref_slice %arg4[%add3A_31] : memref<320000xi32, #tpu.memory_space<hbm>> -> memref<80xi32, #tpu.memory_space<hbm>>
    %dma_start3A_32 = tpu.memref_slice %arg4[%add3A_31] : memref<320000xi32, #tpu.memory_space<hbm>> -> memref<80xi32, #tpu.memory_space<hbm>>
    tpu.enqueue_dma source(%dma_start3A_32 : memref<80xi32, #tpu.memory_space<hbm>>) target(%arg7 : memref<80xi32, #tpu.memory_space<vmem>>) target_semaphore(%arg20 : memref<!tpu.dma_semaphore, #tpu.memory_space<semaphore_mem>>)
    %dma_start3A_33 = tpu.memref_slice %arg5[%add3A_31] : memref<320000xi32, #tpu.memory_space<hbm>> -> memref<80xi32, #tpu.memory_space<hbm>>
    %dma_start3A_34 = tpu.memref_slice %arg5[%add3A_31] : memref<320000xi32, #tpu.memory_space<hbm>> -> memref<80xi32, #tpu.memory_space<hbm>>
    tpu.enqueue_dma source(%dma_start3A_34 : memref<80xi32, #tpu.memory_space<hbm>>) target(%arg11 : memref<80xi32, #tpu.memory_space<vmem>>) target_semaphore(%arg20 : memref<!tpu.dma_semaphore, #tpu.memory_space<semaphore_mem>>)
    %dma_start3A_35 = arith.constant 0 : i32
    %dma_start3A_36 = tpu.memref_slice %arg3[%add3A_31, %dma_start3A_35] : memref<320000x128xf32, #tpu.memory_space<hbm>> -> memref<80x128xf32, #tpu.memory_space<hbm>>
    %dma_start3A_37 = arith.constant 0 : i32
    %dma_start3A_38 = tpu.memref_slice %arg3[%add3A_31, %dma_start3A_37] : memref<320000x128xf32, #tpu.memory_space<hbm>> -> memref<80x128xf32, #tpu.memory_space<hbm>>
    tpu.enqueue_dma source(%dma_start3A_38 : memref<80x128xf32, #tpu.memory_space<hbm>>) target(%arg15 : memref<80x128xf32, #tpu.memory_space<vmem>>) target_semaphore(%arg24 : memref<!tpu.dma_semaphore, #tpu.memory_space<semaphore_mem>>)
    %dma_wait3A = arith.constant 0 : i32
    %dma_wait3A_39 = tpu.memref_slice %arg4[%dma_wait3A] : memref<320000xi32, #tpu.memory_space<hbm>> -> memref<80xi32, #tpu.memory_space<hbm>>
    %dma_wait3A_40 = arith.constant 0 : i32
    %dma_wait3A_41 = tpu.memref_slice %arg4[%dma_wait3A_40] : memref<320000xi32, #tpu.memory_space<hbm>> -> memref<80xi32, #tpu.memory_space<hbm>>
    tpu.wait_dma2 semaphore(%arg20 : memref<!tpu.dma_semaphore, #tpu.memory_space<semaphore_mem>>) src(%dma_wait3A_41 : memref<80xi32, #tpu.memory_space<hbm>>) dst(%arg7 : memref<80xi32, #tpu.memory_space<vmem>>)
    %dma_wait3A_42 = arith.constant 0 : i32
    %dma_wait3A_43 = tpu.memref_slice %arg5[%dma_wait3A_42] : memref<320000xi32, #tpu.memory_space<hbm>> -> memref<80xi32, #tpu.memory_space<hbm>>
    %dma_wait3A_44 = arith.constant 0 : i32
    %dma_wait3A_45 = tpu.memref_slice %arg5[%dma_wait3A_44] : memref<320000xi32, #tpu.memory_space<hbm>> -> memref<80xi32, #tpu.memory_space<hbm>>
    tpu.wait_dma2 semaphore(%arg20 : memref<!tpu.dma_semaphore, #tpu.memory_space<semaphore_mem>>) src(%dma_wait3A_45 : memref<80xi32, #tpu.memory_space<hbm>>) dst(%arg11 : memref<80xi32, #tpu.memory_space<vmem>>)
    %dma_wait3A_46 = arith.constant 0 : i32
    %dma_wait3A_47 = arith.constant 0 : i32
    %dma_wait3A_48 = tpu.memref_slice %arg3[%dma_wait3A_46, %dma_wait3A_47] : memref<320000x128xf32, #tpu.memory_space<hbm>> -> memref<80x128xf32, #tpu.memory_space<hbm>>
    %dma_wait3A_49 = arith.constant 0 : i32
    %dma_wait3A_50 = arith.constant 0 : i32
    %dma_wait3A_51 = tpu.memref_slice %arg3[%dma_wait3A_49, %dma_wait3A_50] : memref<320000x128xf32, #tpu.memory_space<hbm>> -> memref<80x128xf32, #tpu.memory_space<hbm>>
    tpu.wait_dma2 semaphore(%arg24 : memref<!tpu.dma_semaphore, #tpu.memory_space<semaphore_mem>>) src(%dma_wait3A_51 : memref<80x128xf32, #tpu.memory_space<hbm>>) dst(%arg15 : memref<80x128xf32, #tpu.memory_space<vmem>>)
    %dma_start3A_52 = arith.constant 0 : i32
    %dma_start3A_53 = arith.constant 0 : i32
    %dma_start3A_54 = tpu.memref_slice %arg2[%dma_start3A_52, %dma_start3A_53] : memref<10000x128xf32, #tpu.memory_space<hbm>> -> memref<10000x128xf32, #tpu.memory_space<hbm>>
    tpu.enqueue_indirect_dma source(%dma_start3A_54 : memref<10000x128xf32, #tpu.memory_space<hbm>>) target(%arg15 : memref<80x128xf32, #tpu.memory_space<vmem>>) offsets(%arg7 : memref<80xi32, #tpu.memory_space<vmem>>) semaphore(%arg28 : memref<!tpu.dma_semaphore, #tpu.memory_space<semaphore_mem>>) {add = true}
    %add3A_55 = arith.constant 80 : i32
    %add3A_56 = arith.addi %mul3A_2, %add3A_55 : i32
    %dma_start3A_57 = tpu.memref_slice %arg4[%add3A_56] : memref<320000xi32, #tpu.memory_space<hbm>> -> memref<80xi32, #tpu.memory_space<hbm>>
    %dma_start3A_58 = tpu.memref_slice %arg4[%add3A_56] : memref<320000xi32, #tpu.memory_space<hbm>> -> memref<80xi32, #tpu.memory_space<hbm>>
    tpu.enqueue_dma source(%dma_start3A_58 : memref<80xi32, #tpu.memory_space<hbm>>) target(%arg8 : memref<80xi32, #tpu.memory_space<vmem>>) target_semaphore(%arg21 : memref<!tpu.dma_semaphore, #tpu.memory_space<semaphore_mem>>)
    %dma_start3A_59 = tpu.memref_slice %arg5[%add3A_56] : memref<320000xi32, #tpu.memory_space<hbm>> -> memref<80xi32, #tpu.memory_space<hbm>>
    %dma_start3A_60 = tpu.memref_slice %arg5[%add3A_56] : memref<320000xi32, #tpu.memory_space<hbm>> -> memref<80xi32, #tpu.memory_space<hbm>>
    tpu.enqueue_dma source(%dma_start3A_60 : memref<80xi32, #tpu.memory_space<hbm>>) target(%arg12 : memref<80xi32, #tpu.memory_space<vmem>>) target_semaphore(%arg21 : memref<!tpu.dma_semaphore, #tpu.memory_space<semaphore_mem>>)
    %dma_start3A_61 = arith.constant 0 : i32
    %dma_start3A_62 = tpu.memref_slice %arg3[%add3A_56, %dma_start3A_61] : memref<320000x128xf32, #tpu.memory_space<hbm>> -> memref<80x128xf32, #tpu.memory_space<hbm>>
    %dma_start3A_63 = arith.constant 0 : i32
    %dma_start3A_64 = tpu.memref_slice %arg3[%add3A_56, %dma_start3A_63] : memref<320000x128xf32, #tpu.memory_space<hbm>> -> memref<80x128xf32, #tpu.memory_space<hbm>>
    tpu.enqueue_dma source(%dma_start3A_64 : memref<80x128xf32, #tpu.memory_space<hbm>>) target(%arg16 : memref<80x128xf32, #tpu.memory_space<vmem>>) target_semaphore(%arg25 : memref<!tpu.dma_semaphore, #tpu.memory_space<semaphore_mem>>)
    %add3A_65 = arith.constant 160 : i32
    %add3A_66 = arith.addi %mul3A_2, %add3A_65 : i32
    %dma_start3A_67 = tpu.memref_slice %arg4[%add3A_66] : memref<320000xi32, #tpu.memory_space<hbm>> -> memref<80xi32, #tpu.memory_space<hbm>>
    %dma_start3A_68 = tpu.memref_slice %arg4[%add3A_66] : memref<320000xi32, #tpu.memory_space<hbm>> -> memref<80xi32, #tpu.memory_space<hbm>>
    tpu.enqueue_dma source(%dma_start3A_68 : memref<80xi32, #tpu.memory_space<hbm>>) target(%arg9 : memref<80xi32, #tpu.memory_space<vmem>>) target_semaphore(%arg22 : memref<!tpu.dma_semaphore, #tpu.memory_space<semaphore_mem>>)
    %dma_start3A_69 = tpu.memref_slice %arg5[%add3A_66] : memref<320000xi32, #tpu.memory_space<hbm>> -> memref<80xi32, #tpu.memory_space<hbm>>
    %dma_start3A_70 = tpu.memref_slice %arg5[%add3A_66] : memref<320000xi32, #tpu.memory_space<hbm>> -> memref<80xi32, #tpu.memory_space<hbm>>
    tpu.enqueue_dma source(%dma_start3A_70 : memref<80xi32, #tpu.memory_space<hbm>>) target(%arg13 : memref<80xi32, #tpu.memory_space<vmem>>) target_semaphore(%arg22 : memref<!tpu.dma_semaphore, #tpu.memory_space<semaphore_mem>>)
    %dma_start3A_71 = arith.constant 0 : i32
    %dma_start3A_72 = tpu.memref_slice %arg3[%add3A_66, %dma_start3A_71] : memref<320000x128xf32, #tpu.memory_space<hbm>> -> memref<80x128xf32, #tpu.memory_space<hbm>>
    %dma_start3A_73 = arith.constant 0 : i32
    %dma_start3A_74 = tpu.memref_slice %arg3[%add3A_66, %dma_start3A_73] : memref<320000x128xf32, #tpu.memory_space<hbm>> -> memref<80x128xf32, #tpu.memory_space<hbm>>
    tpu.enqueue_dma source(%dma_start3A_74 : memref<80x128xf32, #tpu.memory_space<hbm>>) target(%arg17 : memref<80x128xf32, #tpu.memory_space<vmem>>) target_semaphore(%arg26 : memref<!tpu.dma_semaphore, #tpu.memory_space<semaphore_mem>>)
    %scan3A_75 = arith.constant 0 : i32
    %scan3A_76 = arith.constant 0 : i32
    %scan3A_77 = arith.constant 31 : i32
    %scan3A_78 = arith.addi %scan3A_76, %scan3A_77 : i32
    %scan3A_79 = arith.constant 1 : i32
    %scan3A_80 = scf.for %scan3A_98 = %scan3A_76 to %scan3A_78 step %scan3A_79 iter_args(%scan3A_99 = %scan3A_75) -> (i32)  : i32 {
      %mul3A_100 = arith.constant 4 : i32
      %mul3A_101 = arith.muli %mul3A_100, %scan3A_98 : i32
      %add3A_102 = arith.constant 0 : i32
      %add3A_103 = arith.addi %mul3A_101, %add3A_102 : i32
      %dma_wait3A_104 = arith.constant 0 : i32
      %dma_wait3A_105 = tpu.memref_slice %arg4[%dma_wait3A_104] : memref<320000xi32, #tpu.memory_space<hbm>> -> memref<80xi32, #tpu.memory_space<hbm>>
      %dma_wait3A_106 = arith.constant 0 : i32
      %dma_wait3A_107 = tpu.memref_slice %arg4[%dma_wait3A_106] : memref<320000xi32, #tpu.memory_space<hbm>> -> memref<80xi32, #tpu.memory_space<hbm>>
      tpu.wait_dma2 semaphore(%arg21 : memref<!tpu.dma_semaphore, #tpu.memory_space<semaphore_mem>>) src(%dma_wait3A_107 : memref<80xi32, #tpu.memory_space<hbm>>) dst(%arg8 : memref<80xi32, #tpu.memory_space<vmem>>)
      %dma_wait3A_108 = arith.constant 0 : i32
      %dma_wait3A_109 = tpu.memref_slice %arg5[%dma_wait3A_108] : memref<320000xi32, #tpu.memory_space<hbm>> -> memref<80xi32, #tpu.memory_space<hbm>>
      %dma_wait3A_110 = arith.constant 0 : i32
      %dma_wait3A_111 = tpu.memref_slice %arg5[%dma_wait3A_110] : memref<320000xi32, #tpu.memory_space<hbm>> -> memref<80xi32, #tpu.memory_space<hbm>>
      tpu.wait_dma2 semaphore(%arg21 : memref<!tpu.dma_semaphore, #tpu.memory_space<semaphore_mem>>) src(%dma_wait3A_111 : memref<80xi32, #tpu.memory_space<hbm>>) dst(%arg12 : memref<80xi32, #tpu.memory_space<vmem>>)
      %dma_wait3A_112 = arith.constant 0 : i32
      %dma_wait3A_113 = arith.constant 0 : i32
      %dma_wait3A_114 = tpu.memref_slice %arg3[%dma_wait3A_112, %dma_wait3A_113] : memref<320000x128xf32, #tpu.memory_space<hbm>> -> memref<80x128xf32, #tpu.memory_space<hbm>>
      %dma_wait3A_115 = arith.constant 0 : i32
      %dma_wait3A_116 = arith.constant 0 : i32
      %dma_wait3A_117 = tpu.memref_slice %arg3[%dma_wait3A_115, %dma_wait3A_116] : memref<320000x128xf32, #tpu.memory_space<hbm>> -> memref<80x128xf32, #tpu.memory_space<hbm>>
      tpu.wait_dma2 semaphore(%arg25 : memref<!tpu.dma_semaphore, #tpu.memory_space<semaphore_mem>>) src(%dma_wait3A_117 : memref<80x128xf32, #tpu.memory_space<hbm>>) dst(%arg16 : memref<80x128xf32, #tpu.memory_space<vmem>>)
      %dma_start3A_118 = arith.constant 0 : i32
      %dma_start3A_119 = arith.constant 0 : i32
      %dma_start3A_120 = tpu.memref_slice %arg2[%dma_start3A_118, %dma_start3A_119] : memref<10000x128xf32, #tpu.memory_space<hbm>> -> memref<10000x128xf32, #tpu.memory_space<hbm>>
      tpu.enqueue_indirect_dma source(%dma_start3A_120 : memref<10000x128xf32, #tpu.memory_space<hbm>>) target(%arg16 : memref<80x128xf32, #tpu.memory_space<vmem>>) offsets(%arg8 : memref<80xi32, #tpu.memory_space<vmem>>) semaphore(%arg29 : memref<!tpu.dma_semaphore, #tpu.memory_space<semaphore_mem>>) {add = true}
      %dma_wait3A_121 = arith.constant 0 : i32
      %dma_wait3A_122 = arith.constant 0 : i32
      %dma_wait3A_123 = tpu.memref_slice %arg2[%dma_wait3A_121, %dma_wait3A_122] : memref<10000x128xf32, #tpu.memory_space<hbm>> -> memref<10000x128xf32, #tpu.memory_space<hbm>>
      tpu.wait_indirect_dma semaphore(%arg28 : memref<!tpu.dma_semaphore, #tpu.memory_space<semaphore_mem>>) src(%dma_wait3A_123 : memref<10000x128xf32, #tpu.memory_space<hbm>>) dst(%arg15 : memref<80x128xf32, #tpu.memory_space<vmem>>)
      %scan3A_124 = arith.constant 0 : i32
      %scan3A_125 = arith.constant 0 : i32
      %scan3A_126 = arith.constant 80 : i32
      %scan3A_127 = arith.addi %scan3A_125, %scan3A_126 : i32
      %scan3A_128 = arith.constant 1 : i32
      %scan3A_129 = scf.for %scan3A_259 = %scan3A_125 to %scan3A_127 step %scan3A_128 iter_args(%scan3A_260 = %scan3A_124) -> (i32)  : i32 {
        %get3A = arith.index_cast %scan3A_259 : i32 to index
        %get3A_261 = arith.constant 0 : index
        %get3A_262 = tpu.vector_load %arg15[%get3A, %get3A_261] {strides = array<i32>} : memref<80x128xf32, #tpu.memory_space<vmem>>, vector<1x16xf32>,
        %get3A_263 = vector.shape_cast %get3A_262 : vector<1x16xf32> to vector<16xf32>
        %max3A = arith.constant 0.000000e+00 : f32
        %max3A_264 = vector.broadcast %max3A : f32 to vector<16xf32>
        %max3A_265 = arith.maximumf %get3A_263, %max3A_264 : vector<16xf32>
        %swap3A = arith.index_cast %scan3A_259 : i32 to index
        %swap3A_266 = arith.constant 0 : index
        %swap3A_267 = tpu.vector_load %arg15[%swap3A, %swap3A_266] {strides = array<i32>} : memref<80x128xf32, #tpu.memory_space<vmem>>, vector<1x16xf32>,
        %swap3A_268 = vector.shape_cast %swap3A_267 : vector<1x16xf32> to vector<16xf32>
        %swap3A_269 = vector.shape_cast %max3A_265 : vector<16xf32> to vector<1x16xf32>
        tpu.vector_store %arg15[%swap3A, %swap3A_266], %swap3A_269 {strides = array<i32>} : memref<80x128xf32, #tpu.memory_space<vmem>>, vector<1x16xf32>,
        %get3A_270 = arith.index_cast %scan3A_259 : i32 to index
        %get3A_271 = arith.constant 16 : index
        %get3A_272 = tpu.vector_load %arg15[%get3A_270, %get3A_271] {strides = array<i32>} : memref<80x128xf32, #tpu.memory_space<vmem>>, vector<1x16xf32>,
        %get3A_273 = vector.shape_cast %get3A_272 : vector<1x16xf32> to vector<16xf32>
        %max3A_274 = arith.constant 0.000000e+00 : f32
        %max3A_275 = vector.broadcast %max3A_274 : f32 to vector<16xf32>
        %max3A_276 = arith.maximumf %get3A_273, %max3A_275 : vector<16xf32>
        %swap3A_277 = arith.index_cast %scan3A_259 : i32 to index
        %swap3A_278 = arith.constant 16 : index
        %swap3A_279 = tpu.vector_load %arg15[%swap3A_277, %swap3A_278] {strides = array<i32>} : memref<80x128xf32, #tpu.memory_space<vmem>>, vector<1x16xf32>,
        %swap3A_280 = vector.shape_cast %swap3A_279 : vector<1x16xf32> to vector<16xf32>
        %swap3A_281 = vector.shape_cast %max3A_276 : vector<16xf32> to vector<1x16xf32>
        tpu.vector_store %arg15[%swap3A_277, %swap3A_278], %swap3A_281 {strides = array<i32>} : memref<80x128xf32, #tpu.memory_space<vmem>>, vector<1x16xf32>,
        %get3A_282 = arith.index_cast %scan3A_259 : i32 to index
        %get3A_283 = arith.constant 32 : index
        %get3A_284 = tpu.vector_load %arg15[%get3A_282, %get3A_283] {strides = array<i32>} : memref<80x128xf32, #tpu.memory_space<vmem>>, vector<1x16xf32>,
        %get3A_285 = vector.shape_cast %get3A_284 : vector<1x16xf32> to vector<16xf32>
        %max3A_286 = arith.constant 0.000000e+00 : f32
        %max3A_287 = vector.broadcast %max3A_286 : f32 to vector<16xf32>
        %max3A_288 = arith.maximumf %get3A_285, %max3A_287 : vector<16xf32>
        %swap3A_289 = arith.index_cast %scan3A_259 : i32 to index
        %swap3A_290 = arith.constant 32 : index
        %swap3A_291 = tpu.vector_load %arg15[%swap3A_289, %swap3A_290] {strides = array<i32>} : memref<80x128xf32, #tpu.memory_space<vmem>>, vector<1x16xf32>,
        %swap3A_292 = vector.shape_cast %swap3A_291 : vector<1x16xf32> to vector<16xf32>
        %swap3A_293 = vector.shape_cast %max3A_288 : vector<16xf32> to vector<1x16xf32>
        tpu.vector_store %arg15[%swap3A_289, %swap3A_290], %swap3A_293 {strides = array<i32>} : memref<80x128xf32, #tpu.memory_space<vmem>>, vector<1x16xf32>,
        %get3A_294 = arith.index_cast %scan3A_259 : i32 to index
        %get3A_295 = arith.constant 48 : index
        %get3A_296 = tpu.vector_load %arg15[%get3A_294, %get3A_295] {strides = array<i32>} : memref<80x128xf32, #tpu.memory_space<vmem>>, vector<1x16xf32>,
        %get3A_297 = vector.shape_cast %get3A_296 : vector<1x16xf32> to vector<16xf32>
        %max3A_298 = arith.constant 0.000000e+00 : f32
        %max3A_299 = vector.broadcast %max3A_298 : f32 to vector<16xf32>
        %max3A_300 = arith.maximumf %get3A_297, %max3A_299 : vector<16xf32>
        %swap3A_301 = arith.index_cast %scan3A_259 : i32 to index
        %swap3A_302 = arith.constant 48 : index
        %swap3A_303 = tpu.vector_load %arg15[%swap3A_301, %swap3A_302] {strides = array<i32>} : memref<80x128xf32, #tpu.memory_space<vmem>>, vector<1x16xf32>,
        %swap3A_304 = vector.shape_cast %swap3A_303 : vector<1x16xf32> to vector<16xf32>
        %swap3A_305 = vector.shape_cast %max3A_300 : vector<16xf32> to vector<1x16xf32>
        tpu.vector_store %arg15[%swap3A_301, %swap3A_302], %swap3A_305 {strides = array<i32>} : memref<80x128xf32, #tpu.memory_space<vmem>>, vector<1x16xf32>,
        %get3A_306 = arith.index_cast %scan3A_259 : i32 to index
        %get3A_307 = arith.constant 64 : index
        %get3A_308 = tpu.vector_load %arg15[%get3A_306, %get3A_307] {strides = array<i32>} : memref<80x128xf32, #tpu.memory_space<vmem>>, vector<1x16xf32>,
        %get3A_309 = vector.shape_cast %get3A_308 : vector<1x16xf32> to vector<16xf32>
        %max3A_310 = arith.constant 0.000000e+00 : f32
        %max3A_311 = vector.broadcast %max3A_310 : f32 to vector<16xf32>
        %max3A_312 = arith.maximumf %get3A_309, %max3A_311 : vector<16xf32>
        %swap3A_313 = arith.index_cast %scan3A_259 : i32 to index
        %swap3A_314 = arith.constant 64 : index
        %swap3A_315 = tpu.vector_load %arg15[%swap3A_313, %swap3A_314] {strides = array<i32>} : memref<80x128xf32, #tpu.memory_space<vmem>>, vector<1x16xf32>,
        %swap3A_316 = vector.shape_cast %swap3A_315 : vector<1x16xf32> to vector<16xf32>
        %swap3A_317 = vector.shape_cast %max3A_312 : vector<16xf32> to vector<1x16xf32>
        tpu.vector_store %arg15[%swap3A_313, %swap3A_314], %swap3A_317 {strides = array<i32>} : memref<80x128xf32, #tpu.memory_space<vmem>>, vector<1x16xf32>,
        %get3A_318 = arith.index_cast %scan3A_259 : i32 to index
        %get3A_319 = arith.constant 80 : index
        %get3A_320 = tpu.vector_load %arg15[%get3A_318, %get3A_319] {strides = array<i32>} : memref<80x128xf32, #tpu.memory_space<vmem>>, vector<1x16xf32>,
        %get3A_321 = vector.shape_cast %get3A_320 : vector<1x16xf32> to vector<16xf32>
        %max3A_322 = arith.constant 0.000000e+00 : f32
        %max3A_323 = vector.broadcast %max3A_322 : f32 to vector<16xf32>
        %max3A_324 = arith.maximumf %get3A_321, %max3A_323 : vector<16xf32>
        %swap3A_325 = arith.index_cast %scan3A_259 : i32 to index
        %swap3A_326 = arith.constant 80 : index
        %swap3A_327 = tpu.vector_load %arg15[%swap3A_325, %swap3A_326] {strides = array<i32>} : memref<80x128xf32, #tpu.memory_space<vmem>>, vector<1x16xf32>,
        %swap3A_328 = vector.shape_cast %swap3A_327 : vector<1x16xf32> to vector<16xf32>
        %swap3A_329 = vector.shape_cast %max3A_324 : vector<16xf32> to vector<1x16xf32>
        tpu.vector_store %arg15[%swap3A_325, %swap3A_326], %swap3A_329 {strides = array<i32>} : memref<80x128xf32, #tpu.memory_space<vmem>>, vector<1x16xf32>,
        %get3A_330 = arith.index_cast %scan3A_259 : i32 to index
        %get3A_331 = arith.constant 96 : index
        %get3A_332 = tpu.vector_load %arg15[%get3A_330, %get3A_331] {strides = array<i32>} : memref<80x128xf32, #tpu.memory_space<vmem>>, vector<1x16xf32>,
        %get3A_333 = vector.shape_cast %get3A_332 : vector<1x16xf32> to vector<16xf32>
        %max3A_334 = arith.constant 0.000000e+00 : f32
        %max3A_335 = vector.broadcast %max3A_334 : f32 to vector<16xf32>
        %max3A_336 = arith.maximumf %get3A_333, %max3A_335 : vector<16xf32>
        %swap3A_337 = arith.index_cast %scan3A_259 : i32 to index
        %swap3A_338 = arith.constant 96 : index
        %swap3A_339 = tpu.vector_load %arg15[%swap3A_337, %swap3A_338] {strides = array<i32>} : memref<80x128xf32, #tpu.memory_space<vmem>>, vector<1x16xf32>,
        %swap3A_340 = vector.shape_cast %swap3A_339 : vector<1x16xf32> to vector<16xf32>
        %swap3A_341 = vector.shape_cast %max3A_336 : vector<16xf32> to vector<1x16xf32>
        tpu.vector_store %arg15[%swap3A_337, %swap3A_338], %swap3A_341 {strides = array<i32>} : memref<80x128xf32, #tpu.memory_space<vmem>>, vector<1x16xf32>,
        %get3A_342 = arith.index_cast %scan3A_259 : i32 to index
        %get3A_343 = arith.constant 112 : index
        %get3A_344 = tpu.vector_load %arg15[%get3A_342, %get3A_343] {strides = array<i32>} : memref<80x128xf32, #tpu.memory_space<vmem>>, vector<1x16xf32>,
        %get3A_345 = vector.shape_cast %get3A_344 : vector<1x16xf32> to vector<16xf32>
        %max3A_346 = arith.constant 0.000000e+00 : f32
        %max3A_347 = vector.broadcast %max3A_346 : f32 to vector<16xf32>
        %max3A_348 = arith.maximumf %get3A_345, %max3A_347 : vector<16xf32>
        %swap3A_349 = arith.index_cast %scan3A_259 : i32 to index
        %swap3A_350 = arith.constant 112 : index
        %swap3A_351 = tpu.vector_load %arg15[%swap3A_349, %swap3A_350] {strides = array<i32>} : memref<80x128xf32, #tpu.memory_space<vmem>>, vector<1x16xf32>,
        %swap3A_352 = vector.shape_cast %swap3A_351 : vector<1x16xf32> to vector<16xf32>
        %swap3A_353 = vector.shape_cast %max3A_348 : vector<16xf32> to vector<1x16xf32>
        tpu.vector_store %arg15[%swap3A_349, %swap3A_350], %swap3A_353 {strides = array<i32>} : memref<80x128xf32, #tpu.memory_space<vmem>>, vector<1x16xf32>,
        %scan3A_354 = arith.constant 0 : i32
        scf.yield %scan3A_354 : i32
      }
      %scan3A_130 = arith.constant 80 : i32
      "tpu.region"() ({
        %run_scoped3A = tpu.sem_alloc : memref<!tpu.dma_semaphore, #tpu.memory_space<semaphore_mem>>
        %dma_start3A_259 = arith.constant 0 : i32
        %dma_start3A_260 = arith.constant 0 : i32
        %dma_start3A_261 = tpu.memref_slice %arg19[%dma_start3A_259, %dma_start3A_260] : memref<10000x128xf32, #tpu.memory_space<vmem_shared>> -> memref<10000x128xf32, #tpu.memory_space<vmem_shared>>
        tpu.enqueue_indirect_dma source(%arg15 : memref<80x128xf32, #tpu.memory_space<vmem>>) target(%dma_start3A_261 : memref<10000x128xf32, #tpu.memory_space<vmem_shared>>) offsets(%arg11 : memref<80xi32, #tpu.memory_space<vmem>>) semaphore(%run_scoped3A : memref<!tpu.dma_semaphore, #tpu.memory_space<semaphore_mem>>) {add = true}
        %dma_wait3A_262 = arith.constant 0 : i32
        %dma_wait3A_263 = arith.constant 0 : i32
        %dma_wait3A_264 = tpu.memref_slice %arg19[%dma_wait3A_262, %dma_wait3A_263] : memref<10000x128xf32, #tpu.memory_space<vmem_shared>> -> memref<10000x128xf32, #tpu.memory_space<vmem_shared>>
        tpu.wait_indirect_dma semaphore(%run_scoped3A : memref<!tpu.dma_semaphore, #tpu.memory_space<semaphore_mem>>) src(%arg15 : memref<80x128xf32, #tpu.memory_space<vmem>>) dst(%dma_wait3A_264 : memref<10000x128xf32, #tpu.memory_space<vmem_shared>>)
        tpu.yield
      }) : () -> ()
      %add3A_131 = arith.constant 4 : i32
      %add3A_132 = arith.addi %add3A_103, %add3A_131 : i32
      %sub3A = arith.constant 1 : i32
      %sub3A_133 = arith.subi %add3A_132, %sub3A : i32
      %lt3A = arith.constant 125 : i32
      %lt3A_134 = arith.cmpi slt, %sub3A_133, %lt3A : i32
      %convert_element_type3A_135 = arith.extui %lt3A_134 : i1 to i32
      %cond3A_136 = arith.constant 0 : i32
      %cond3A_137 = arith.cmpi ne, %convert_element_type3A_135, %cond3A_136 : i32
      scf.if %cond3A_137 {
        %add3A_259 = arith.constant 4 : i32
        %add3A_260 = arith.addi %add3A_103, %add3A_259 : i32
        %sub3A_261 = arith.constant 1 : i32
        %sub3A_262 = arith.subi %add3A_260, %sub3A_261 : i32
        %mul3A_263 = arith.constant 80 : i32
        %mul3A_264 = arith.muli %sub3A_262, %mul3A_263 : i32
        %add3A_265 = arith.addi %mul3A_2, %mul3A_264 : i32
        %dma_start3A_266 = tpu.memref_slice %arg4[%add3A_265] : memref<320000xi32, #tpu.memory_space<hbm>> -> memref<80xi32, #tpu.memory_space<hbm>>
        %dma_start3A_267 = tpu.memref_slice %arg4[%add3A_265] : memref<320000xi32, #tpu.memory_space<hbm>> -> memref<80xi32, #tpu.memory_space<hbm>>
        tpu.enqueue_dma source(%dma_start3A_267 : memref<80xi32, #tpu.memory_space<hbm>>) target(%arg10 : memref<80xi32, #tpu.memory_space<vmem>>) target_semaphore(%arg23 : memref<!tpu.dma_semaphore, #tpu.memory_space<semaphore_mem>>)
        %dma_start3A_268 = tpu.memref_slice %arg5[%add3A_265] : memref<320000xi32, #tpu.memory_space<hbm>> -> memref<80xi32, #tpu.memory_space<hbm>>
        %dma_start3A_269 = tpu.memref_slice %arg5[%add3A_265] : memref<320000xi32, #tpu.memory_space<hbm>> -> memref<80xi32, #tpu.memory_space<hbm>>
        tpu.enqueue_dma source(%dma_start3A_269 : memref<80xi32, #tpu.memory_space<hbm>>) target(%arg14 : memref<80xi32, #tpu.memory_space<vmem>>) target_semaphore(%arg23 : memref<!tpu.dma_semaphore, #tpu.memory_space<semaphore_mem>>)
        %dma_start3A_270 = arith.constant 0 : i32
        %dma_start3A_271 = tpu.memref_slice %arg3[%add3A_265, %dma_start3A_270] : memref<320000x128xf32, #tpu.memory_space<hbm>> -> memref<80x128xf32, #tpu.memory_space<hbm>>
        %dma_start3A_272 = arith.constant 0 : i32
        %dma_start3A_273 = tpu.memref_slice %arg3[%add3A_265, %dma_start3A_272] : memref<320000x128xf32, #tpu.memory_space<hbm>> -> memref<80x128xf32, #tpu.memory_space<hbm>>
        tpu.enqueue_dma source(%dma_start3A_273 : memref<80x128xf32, #tpu.memory_space<hbm>>) target(%arg18 : memref<80x128xf32, #tpu.memory_space<vmem>>) target_semaphore(%arg27 : memref<!tpu.dma_semaphore, #tpu.memory_space<semaphore_mem>>)
      } else {
      }
      %mul3A_138 = arith.constant 4 : i32
      %mul3A_139 = arith.muli %mul3A_138, %scan3A_98 : i32
      %add3A_140 = arith.constant 1 : i32
      %add3A_141 = arith.addi %mul3A_139, %add3A_140 : i32
      %dma_wait3A_142 = arith.constant 0 : i32
      %dma_wait3A_143 = tpu.memref_slice %arg4[%dma_wait3A_142] : memref<320000xi32, #tpu.memory_space<hbm>> -> memref<80xi32, #tpu.memory_space<hbm>>
      %dma_wait3A_144 = arith.constant 0 : i32
      %dma_wait3A_145 = tpu.memref_slice %arg4[%dma_wait3A_144] : memref<320000xi32, #tpu.memory_space<hbm>> -> memref<80xi32, #tpu.memory_space<hbm>>
      tpu.wait_dma2 semaphore(%arg22 : memref<!tpu.dma_semaphore, #tpu.memory_space<semaphore_mem>>) src(%dma_wait3A_145 : memref<80xi32, #tpu.memory_space<hbm>>) dst(%arg9 : memref<80xi32, #tpu.memory_space<vmem>>)
      %dma_wait3A_146 = arith.constant 0 : i32
      %dma_wait3A_147 = tpu.memref_slice %arg5[%dma_wait3A_146] : memref<320000xi32, #tpu.memory_space<hbm>> -> memref<80xi32, #tpu.memory_space<hbm>>
      %dma_wait3A_148 = arith.constant 0 : i32
      %dma_wait3A_149 = tpu.memref_slice %arg5[%dma_wait3A_148] : memref<320000xi32, #tpu.memory_space<hbm>> -> memref<80xi32, #tpu.memory_space<hbm>>
      tpu.wait_dma2 semaphore(%arg22 : memref<!tpu.dma_semaphore, #tpu.memory_space<semaphore_mem>>) src(%dma_wait3A_149 : memref<80xi32, #tpu.memory_space<hbm>>) dst(%arg13 : memref<80xi32, #tpu.memory_space<vmem>>)
      %dma_wait3A_150 = arith.constant 0 : i32
      %dma_wait3A_151 = arith.constant 0 : i32
      %dma_wait3A_152 = tpu.memref_slice %arg3[%dma_wait3A_150, %dma_wait3A_151] : memref<320000x128xf32, #tpu.memory_space<hbm>> -> memref<80x128xf32, #tpu.memory_space<hbm>>
      %dma_wait3A_153 = arith.constant 0 : i32
      %dma_wait3A_154 = arith.constant 0 : i32
      %dma_wait3A_155 = tpu.memref_slice %arg3[%dma_wait3A_153, %dma_wait3A_154] : memref<320000x128xf32, #tpu.memory_space<hbm>> -> memref<80x128xf32, #tpu.memory_space<hbm>>
      tpu.wait_dma2 semaphore(%arg26 : memref<!tpu.dma_semaphore, #tpu.memory_space<semaphore_mem>>) src(%dma_wait3A_155 : memref<80x128xf32, #tpu.memory_space<hbm>>) dst(%arg17 : memref<80x128xf32, #tpu.memory_space<vmem>>)
      %dma_start3A_156 = arith.constant 0 : i32
      %dma_start3A_157 = arith.constant 0 : i32
      %dma_start3A_158 = tpu.memref_slice %arg2[%dma_start3A_156, %dma_start3A_157] : memref<10000x128xf32, #tpu.memory_space<hbm>> -> memref<10000x128xf32, #tpu.memory_space<hbm>>
      tpu.enqueue_indirect_dma source(%dma_start3A_158 : memref<10000x128xf32, #tpu.memory_space<hbm>>) target(%arg17 : memref<80x128xf32, #tpu.memory_space<vmem>>) offsets(%arg9 : memref<80xi32, #tpu.memory_space<vmem>>) semaphore(%arg30 : memref<!tpu.dma_semaphore, #tpu.memory_space<semaphore_mem>>) {add = true}
      %dma_wait3A_159 = arith.constant 0 : i32
      %dma_wait3A_160 = arith.constant 0 : i32
      %dma_wait3A_161 = tpu.memref_slice %arg2[%dma_wait3A_159, %dma_wait3A_160] : memref<10000x128xf32, #tpu.memory_space<hbm>> -> memref<10000x128xf32, #tpu.memory_space<hbm>>
      tpu.wait_indirect_dma semaphore(%arg29 : memref<!tpu.dma_semaphore, #tpu.memory_space<semaphore_mem>>) src(%dma_wait3A_161 : memref<10000x128xf32, #tpu.memory_space<hbm>>) dst(%arg16 : memref<80x128xf32, #tpu.memory_space<vmem>>)
      %scan3A_162 = arith.constant 0 : i32
      %scan3A_163 = arith.constant 0 : i32
      %scan3A_164 = arith.constant 80 : i32
      %scan3A_165 = arith.addi %scan3A_163, %scan3A_164 : i32
      %scan3A_166 = arith.constant 1 : i32
      %scan3A_167 = scf.for %scan3A_259 = %scan3A_163 to %scan3A_165 step %scan3A_166 iter_args(%scan3A_260 = %scan3A_162) -> (i32)  : i32 {
        %get3A = arith.index_cast %scan3A_259 : i32 to index
        %get3A_261 = arith.constant 0 : index
        %get3A_262 = tpu.vector_load %arg16[%get3A, %get3A_261] {strides = array<i32>} : memref<80x128xf32, #tpu.memory_space<vmem>>, vector<1x16xf32>,
        %get3A_263 = vector.shape_cast %get3A_262 : vector<1x16xf32> to vector<16xf32>
        %max3A = arith.constant 0.000000e+00 : f32
        %max3A_264 = vector.broadcast %max3A : f32 to vector<16xf32>
        %max3A_265 = arith.maximumf %get3A_263, %max3A_264 : vector<16xf32>
        %swap3A = arith.index_cast %scan3A_259 : i32 to index
        %swap3A_266 = arith.constant 0 : index
        %swap3A_267 = tpu.vector_load %arg16[%swap3A, %swap3A_266] {strides = array<i32>} : memref<80x128xf32, #tpu.memory_space<vmem>>, vector<1x16xf32>,
        %swap3A_268 = vector.shape_cast %swap3A_267 : vector<1x16xf32> to vector<16xf32>
        %swap3A_269 = vector.shape_cast %max3A_265 : vector<16xf32> to vector<1x16xf32>
        tpu.vector_store %arg16[%swap3A, %swap3A_266], %swap3A_269 {strides = array<i32>} : memref<80x128xf32, #tpu.memory_space<vmem>>, vector<1x16xf32>,
        %get3A_270 = arith.index_cast %scan3A_259 : i32 to index
        %get3A_271 = arith.constant 16 : index
        %get3A_272 = tpu.vector_load %arg16[%get3A_270, %get3A_271] {strides = array<i32>} : memref<80x128xf32, #tpu.memory_space<vmem>>, vector<1x16xf32>,
        %get3A_273 = vector.shape_cast %get3A_272 : vector<1x16xf32> to vector<16xf32>
        %max3A_274 = arith.constant 0.000000e+00 : f32
        %max3A_275 = vector.broadcast %max3A_274 : f32 to vector<16xf32>
        %max3A_276 = arith.maximumf %get3A_273, %max3A_275 : vector<16xf32>
        %swap3A_277 = arith.index_cast %scan3A_259 : i32 to index
        %swap3A_278 = arith.constant 16 : index
        %swap3A_279 = tpu.vector_load %arg16[%swap3A_277, %swap3A_278] {strides = array<i32>} : memref<80x128xf32, #tpu.memory_space<vmem>>, vector<1x16xf32>,
        %swap3A_280 = vector.shape_cast %swap3A_279 : vector<1x16xf32> to vector<16xf32>
        %swap3A_281 = vector.shape_cast %max3A_276 : vector<16xf32> to vector<1x16xf32>
        tpu.vector_store %arg16[%swap3A_277, %swap3A_278], %swap3A_281 {strides = array<i32>} : memref<80x128xf32, #tpu.memory_space<vmem>>, vector<1x16xf32>,
        %get3A_282 = arith.index_cast %scan3A_259 : i32 to index
        %get3A_283 = arith.constant 32 : index
        %get3A_284 = tpu.vector_load %arg16[%get3A_282, %get3A_283] {strides = array<i32>} : memref<80x128xf32, #tpu.memory_space<vmem>>, vector<1x16xf32>,
        %get3A_285 = vector.shape_cast %get3A_284 : vector<1x16xf32> to vector<16xf32>
        %max3A_286 = arith.constant 0.000000e+00 : f32
        %max3A_287 = vector.broadcast %max3A_286 : f32 to vector<16xf32>
        %max3A_288 = arith.maximumf %get3A_285, %max3A_287 : vector<16xf32>
        %swap3A_289 = arith.index_cast %scan3A_259 : i32 to index
        %swap3A_290 = arith.constant 32 : index
        %swap3A_291 = tpu.vector_load %arg16[%swap3A_289, %swap3A_290] {strides = array<i32>} : memref<80x128xf32, #tpu.memory_space<vmem>>, vector<1x16xf32>,
        %swap3A_292 = vector.shape_cast %swap3A_291 : vector<1x16xf32> to vector<16xf32>
        %swap3A_293 = vector.shape_cast %max3A_288 : vector<16xf32> to vector<1x16xf32>
        tpu.vector_store %arg16[%swap3A_289, %swap3A_290], %swap3A_293 {strides = array<i32>} : memref<80x128xf32, #tpu.memory_space<vmem>>, vector<1x16xf32>,
        %get3A_294 = arith.index_cast %scan3A_259 : i32 to index
        %get3A_295 = arith.constant 48 : index
        %get3A_296 = tpu.vector_load %arg16[%get3A_294, %get3A_295] {strides = array<i32>} : memref<80x128xf32, #tpu.memory_space<vmem>>, vector<1x16xf32>,
        %get3A_297 = vector.shape_cast %get3A_296 : vector<1x16xf32> to vector<16xf32>
        %max3A_298 = arith.constant 0.000000e+00 : f32
        %max3A_299 = vector.broadcast %max3A_298 : f32 to vector<16xf32>
        %max3A_300 = arith.maximumf %get3A_297, %max3A_299 : vector<16xf32>
        %swap3A_301 = arith.index_cast %scan3A_259 : i32 to index
        %swap3A_302 = arith.constant 48 : index
        %swap3A_303 = tpu.vector_load %arg16[%swap3A_301, %swap3A_302] {strides = array<i32>} : memref<80x128xf32, #tpu.memory_space<vmem>>, vector<1x16xf32>,
        %swap3A_304 = vector.shape_cast %swap3A_303 : vector<1x16xf32> to vector<16xf32>
        %swap3A_305 = vector.shape_cast %max3A_300 : vector<16xf32> to vector<1x16xf32>
        tpu.vector_store %arg16[%swap3A_301, %swap3A_302], %swap3A_305 {strides = array<i32>} : memref<80x128xf32, #tpu.memory_space<vmem>>, vector<1x16xf32>,
        %get3A_306 = arith.index_cast %scan3A_259 : i32 to index
        %get3A_307 = arith.constant 64 : index
        %get3A_308 = tpu.vector_load %arg16[%get3A_306, %get3A_307] {strides = array<i32>} : memref<80x128xf32, #tpu.memory_space<vmem>>, vector<1x16xf32>,
        %get3A_309 = vector.shape_cast %get3A_308 : vector<1x16xf32> to vector<16xf32>
        %max3A_310 = arith.constant 0.000000e+00 : f32
        %max3A_311 = vector.broadcast %max3A_310 : f32 to vector<16xf32>
        %max3A_312 = arith.maximumf %get3A_309, %max3A_311 : vector<16xf32>
        %swap3A_313 = arith.index_cast %scan3A_259 : i32 to index
        %swap3A_314 = arith.constant 64 : index
        %swap3A_315 = tpu.vector_load %arg16[%swap3A_313, %swap3A_314] {strides = array<i32>} : memref<80x128xf32, #tpu.memory_space<vmem>>, vector<1x16xf32>,
        %swap3A_316 = vector.shape_cast %swap3A_315 : vector<1x16xf32> to vector<16xf32>
        %swap3A_317 = vector.shape_cast %max3A_312 : vector<16xf32> to vector<1x16xf32>
        tpu.vector_store %arg16[%swap3A_313, %swap3A_314], %swap3A_317 {strides = array<i32>} : memref<80x128xf32, #tpu.memory_space<vmem>>, vector<1x16xf32>,
        %get3A_318 = arith.index_cast %scan3A_259 : i32 to index
        %get3A_319 = arith.constant 80 : index
        %get3A_320 = tpu.vector_load %arg16[%get3A_318, %get3A_319] {strides = array<i32>} : memref<80x128xf32, #tpu.memory_space<vmem>>, vector<1x16xf32>,
        %get3A_321 = vector.shape_cast %get3A_320 : vector<1x16xf32> to vector<16xf32>
        %max3A_322 = arith.constant 0.000000e+00 : f32
        %max3A_323 = vector.broadcast %max3A_322 : f32 to vector<16xf32>
        %max3A_324 = arith.maximumf %get3A_321, %max3A_323 : vector<16xf32>
        %swap3A_325 = arith.index_cast %scan3A_259 : i32 to index
        %swap3A_326 = arith.constant 80 : index
        %swap3A_327 = tpu.vector_load %arg16[%swap3A_325, %swap3A_326] {strides = array<i32>} : memref<80x128xf32, #tpu.memory_space<vmem>>, vector<1x16xf32>,
        %swap3A_328 = vector.shape_cast %swap3A_327 : vector<1x16xf32> to vector<16xf32>
        %swap3A_329 = vector.shape_cast %max3A_324 : vector<16xf32> to vector<1x16xf32>
        tpu.vector_store %arg16[%swap3A_325, %swap3A_326], %swap3A_329 {strides = array<i32>} : memref<80x128xf32, #tpu.memory_space<vmem>>, vector<1x16xf32>,
        %get3A_330 = arith.index_cast %scan3A_259 : i32 to index
        %get3A_331 = arith.constant 96 : index
        %get3A_332 = tpu.vector_load %arg16[%get3A_330, %get3A_331] {strides = array<i32>} : memref<80x128xf32, #tpu.memory_space<vmem>>, vector<1x16xf32>,
        %get3A_333 = vector.shape_cast %get3A_332 : vector<1x16xf32> to vector<16xf32>
        %max3A_334 = arith.constant 0.000000e+00 : f32
        %max3A_335 = vector.broadcast %max3A_334 : f32 to vector<16xf32>
        %max3A_336 = arith.maximumf %get3A_333, %max3A_335 : vector<16xf32>
        %swap3A_337 = arith.index_cast %scan3A_259 : i32 to index
        %swap3A_338 = arith.constant 96 : index
        %swap3A_339 = tpu.vector_load %arg16[%swap3A_337, %swap3A_338] {strides = array<i32>} : memref<80x128xf32, #tpu.memory_space<vmem>>, vector<1x16xf32>,
        %swap3A_340 = vector.shape_cast %swap3A_339 : vector<1x16xf32> to vector<16xf32>
        %swap3A_341 = vector.shape_cast %max3A_336 : vector<16xf32> to vector<1x16xf32>
        tpu.vector_store %arg16[%swap3A_337, %swap3A_338], %swap3A_341 {strides = array<i32>} : memref<80x128xf32, #tpu.memory_space<vmem>>, vector<1x16xf32>,
        %get3A_342 = arith.index_cast %scan3A_259 : i32 to index
        %get3A_343 = arith.constant 112 : index
        %get3A_344 = tpu.vector_load %arg16[%get3A_342, %get3A_343] {strides = array<i32>} : memref<80x128xf32, #tpu.memory_space<vmem>>, vector<1x16xf32>,
        %get3A_345 = vector.shape_cast %get3A_344 : vector<1x16xf32> to vector<16xf32>
        %max3A_346 = arith.constant 0.000000e+00 : f32
        %max3A_347 = vector.broadcast %max3A_346 : f32 to vector<16xf32>
        %max3A_348 = arith.maximumf %get3A_345, %max3A_347 : vector<16xf32>
        %swap3A_349 = arith.index_cast %scan3A_259 : i32 to index
        %swap3A_350 = arith.constant 112 : index
        %swap3A_351 = tpu.vector_load %arg16[%swap3A_349, %swap3A_350] {strides = array<i32>} : memref<80x128xf32, #tpu.memory_space<vmem>>, vector<1x16xf32>,
        %swap3A_352 = vector.shape_cast %swap3A_351 : vector<1x16xf32> to vector<16xf32>
        %swap3A_353 = vector.shape_cast %max3A_348 : vector<16xf32> to vector<1x16xf32>
        tpu.vector_store %arg16[%swap3A_349, %swap3A_350], %swap3A_353 {strides = array<i32>} : memref<80x128xf32, #tpu.memory_space<vmem>>, vector<1x16xf32>,
        %scan3A_354 = arith.constant 0 : i32
        scf.yield %scan3A_354 : i32
      }
      %scan3A_168 = arith.constant 80 : i32
      "tpu.region"() ({
        %run_scoped3A = tpu.sem_alloc : memref<!tpu.dma_semaphore, #tpu.memory_space<semaphore_mem>>
        %dma_start3A_259 = arith.constant 0 : i32
        %dma_start3A_260 = arith.constant 0 : i32
        %dma_start3A_261 = tpu.memref_slice %arg19[%dma_start3A_259, %dma_start3A_260] : memref<10000x128xf32, #tpu.memory_space<vmem_shared>> -> memref<10000x128xf32, #tpu.memory_space<vmem_shared>>
        tpu.enqueue_indirect_dma source(%arg16 : memref<80x128xf32, #tpu.memory_space<vmem>>) target(%dma_start3A_261 : memref<10000x128xf32, #tpu.memory_space<vmem_shared>>) offsets(%arg12 : memref<80xi32, #tpu.memory_space<vmem>>) semaphore(%run_scoped3A : memref<!tpu.dma_semaphore, #tpu.memory_space<semaphore_mem>>) {add = true}
        %dma_wait3A_262 = arith.constant 0 : i32
        %dma_wait3A_263 = arith.constant 0 : i32
        %dma_wait3A_264 = tpu.memref_slice %arg19[%dma_wait3A_262, %dma_wait3A_263] : memref<10000x128xf32, #tpu.memory_space<vmem_shared>> -> memref<10000x128xf32, #tpu.memory_space<vmem_shared>>
        tpu.wait_indirect_dma semaphore(%run_scoped3A : memref<!tpu.dma_semaphore, #tpu.memory_space<semaphore_mem>>) src(%arg16 : memref<80x128xf32, #tpu.memory_space<vmem>>) dst(%dma_wait3A_264 : memref<10000x128xf32, #tpu.memory_space<vmem_shared>>)
        tpu.yield
      }) : () -> ()
      %add3A_169 = arith.constant 4 : i32
      %add3A_170 = arith.addi %add3A_141, %add3A_169 : i32
      %sub3A_171 = arith.constant 1 : i32
      %sub3A_172 = arith.subi %add3A_170, %sub3A_171 : i32
      %lt3A_173 = arith.constant 125 : i32
      %lt3A_174 = arith.cmpi slt, %sub3A_172, %lt3A_173 : i32
      %convert_element_type3A_175 = arith.extui %lt3A_174 : i1 to i32
      %cond3A_176 = arith.constant 0 : i32
      %cond3A_177 = arith.cmpi ne, %convert_element_type3A_175, %cond3A_176 : i32
      scf.if %cond3A_177 {
        %add3A_259 = arith.constant 4 : i32
        %add3A_260 = arith.addi %add3A_141, %add3A_259 : i32
        %sub3A_261 = arith.constant 1 : i32
        %sub3A_262 = arith.subi %add3A_260, %sub3A_261 : i32
        %mul3A_263 = arith.constant 80 : i32
        %mul3A_264 = arith.muli %sub3A_262, %mul3A_263 : i32
        %add3A_265 = arith.addi %mul3A_2, %mul3A_264 : i32
        %dma_start3A_266 = tpu.memref_slice %arg4[%add3A_265] : memref<320000xi32, #tpu.memory_space<hbm>> -> memref<80xi32, #tpu.memory_space<hbm>>
        %dma_start3A_267 = tpu.memref_slice %arg4[%add3A_265] : memref<320000xi32, #tpu.memory_space<hbm>> -> memref<80xi32, #tpu.memory_space<hbm>>
        tpu.enqueue_dma source(%dma_start3A_267 : memref<80xi32, #tpu.memory_space<hbm>>) target(%arg7 : memref<80xi32, #tpu.memory_space<vmem>>) target_semaphore(%arg20 : memref<!tpu.dma_semaphore, #tpu.memory_space<semaphore_mem>>)
        %dma_start3A_268 = tpu.memref_slice %arg5[%add3A_265] : memref<320000xi32, #tpu.memory_space<hbm>> -> memref<80xi32, #tpu.memory_space<hbm>>
        %dma_start3A_269 = tpu.memref_slice %arg5[%add3A_265] : memref<320000xi32, #tpu.memory_space<hbm>> -> memref<80xi32, #tpu.memory_space<hbm>>
        tpu.enqueue_dma source(%dma_start3A_269 : memref<80xi32, #tpu.memory_space<hbm>>) target(%arg11 : memref<80xi32, #tpu.memory_space<vmem>>) target_semaphore(%arg20 : memref<!tpu.dma_semaphore, #tpu.memory_space<semaphore_mem>>)
        %dma_start3A_270 = arith.constant 0 : i32
        %dma_start3A_271 = tpu.memref_slice %arg3[%add3A_265, %dma_start3A_270] : memref<320000x128xf32, #tpu.memory_space<hbm>> -> memref<80x128xf32, #tpu.memory_space<hbm>>
        %dma_start3A_272 = arith.constant 0 : i32
        %dma_start3A_273 = tpu.memref_slice %arg3[%add3A_265, %dma_start3A_272] : memref<320000x128xf32, #tpu.memory_space<hbm>> -> memref<80x128xf32, #tpu.memory_space<hbm>>
        tpu.enqueue_dma source(%dma_start3A_273 : memref<80x128xf32, #tpu.memory_space<hbm>>) target(%arg15 : memref<80x128xf32, #tpu.memory_space<vmem>>) target_semaphore(%arg24 : memref<!tpu.dma_semaphore, #tpu.memory_space<semaphore_mem>>)
      } else {
      }
      %mul3A_178 = arith.constant 4 : i32
      %mul3A_179 = arith.muli %mul3A_178, %scan3A_98 : i32
      %add3A_180 = arith.constant 2 : i32
      %add3A_181 = arith.addi %mul3A_179, %add3A_180 : i32
      %dma_wait3A_182 = arith.constant 0 : i32
      %dma_wait3A_183 = tpu.memref_slice %arg4[%dma_wait3A_182] : memref<320000xi32, #tpu.memory_space<hbm>> -> memref<80xi32, #tpu.memory_space<hbm>>
      %dma_wait3A_184 = arith.constant 0 : i32
      %dma_wait3A_185 = tpu.memref_slice %arg4[%dma_wait3A_184] : memref<320000xi32, #tpu.memory_space<hbm>> -> memref<80xi32, #tpu.memory_space<hbm>>
      tpu.wait_dma2 semaphore(%arg23 : memref<!tpu.dma_semaphore, #tpu.memory_space<semaphore_mem>>) src(%dma_wait3A_185 : memref<80xi32, #tpu.memory_space<hbm>>) dst(%arg10 : memref<80xi32, #tpu.memory_space<vmem>>)
      %dma_wait3A_186 = arith.constant 0 : i32
      %dma_wait3A_187 = tpu.memref_slice %arg5[%dma_wait3A_186] : memref<320000xi32, #tpu.memory_space<hbm>> -> memref<80xi32, #tpu.memory_space<hbm>>
      %dma_wait3A_188 = arith.constant 0 : i32
      %dma_wait3A_189 = tpu.memref_slice %arg5[%dma_wait3A_188] : memref<320000xi32, #tpu.memory_space<hbm>> -> memref<80xi32, #tpu.memory_space<hbm>>
      tpu.wait_dma2 semaphore(%arg23 : memref<!tpu.dma_semaphore, #tpu.memory_space<semaphore_mem>>) src(%dma_wait3A_189 : memref<80xi32, #tpu.memory_space<hbm>>) dst(%arg14 : memref<80xi32, #tpu.memory_space<vmem>>)
      %dma_wait3A_190 = arith.constant 0 : i32
      %dma_wait3A_191 = arith.constant 0 : i32
      %dma_wait3A_192 = tpu.memref_slice %arg3[%dma_wait3A_190, %dma_wait3A_191] : memref<320000x128xf32, #tpu.memory_space<hbm>> -> memref<80x128xf32, #tpu.memory_space<hbm>>
      %dma_wait3A_193 = arith.constant 0 : i32
      %dma_wait3A_194 = arith.constant 0 : i32
      %dma_wait3A_195 = tpu.memref_slice %arg3[%dma_wait3A_193, %dma_wait3A_194] : memref<320000x128xf32, #tpu.memory_space<hbm>> -> memref<80x128xf32, #tpu.memory_space<hbm>>
      tpu.wait_dma2 semaphore(%arg27 : memref<!tpu.dma_semaphore, #tpu.memory_space<semaphore_mem>>) src(%dma_wait3A_195 : memref<80x128xf32, #tpu.memory_space<hbm>>) dst(%arg18 : memref<80x128xf32, #tpu.memory_space<vmem>>)
      %dma_start3A_196 = arith.constant 0 : i32
      %dma_start3A_197 = arith.constant 0 : i32
      %dma_start3A_198 = tpu.memref_slice %arg2[%dma_start3A_196, %dma_start3A_197] : memref<10000x128xf32, #tpu.memory_space<hbm>> -> memref<10000x128xf32, #tpu.memory_space<hbm>>
      tpu.enqueue_indirect_dma source(%dma_start3A_198 : memref<10000x128xf32, #tpu.memory_space<hbm>>) target(%arg18 : memref<80x128xf32, #tpu.memory_space<vmem>>) offsets(%arg10 : memref<80xi32, #tpu.memory_space<vmem>>) semaphore(%arg31 : memref<!tpu.dma_semaphore, #tpu.memory_space<semaphore_mem>>) {add = true}
      %dma_wait3A_199 = arith.constant 0 : i32
      %dma_wait3A_200 = arith.constant 0 : i32
      %dma_wait3A_201 = tpu.memref_slice %arg2[%dma_wait3A_199, %dma_wait3A_200] : memref<10000x128xf32, #tpu.memory_space<hbm>> -> memref<10000x128xf32, #tpu.memory_space<hbm>>
      tpu.wait_indirect_dma semaphore(%arg30 : memref<!tpu.dma_semaphore, #tpu.memory_space<semaphore_mem>>) src(%dma_wait3A_201 : memref<10000x128xf32, #tpu.memory_space<hbm>>) dst(%arg17 : memref<80x128xf32, #tpu.memory_space<vmem>>)
      %scan3A_202 = arith.constant 0 : i32
      %scan3A_203 = arith.constant 0 : i32
      %scan3A_204 = arith.constant 80 : i32
      %scan3A_205 = arith.addi %scan3A_203, %scan3A_204 : i32
      %scan3A_206 = arith.constant 1 : i32
      %scan3A_207 = scf.for %scan3A_259 = %scan3A_203 to %scan3A_205 step %scan3A_206 iter_args(%scan3A_260 = %scan3A_202) -> (i32)  : i32 {
        %get3A = arith.index_cast %scan3A_259 : i32 to index
        %get3A_261 = arith.constant 0 : index
        %get3A_262 = tpu.vector_load %arg17[%get3A, %get3A_261] {strides = array<i32>} : memref<80x128xf32, #tpu.memory_space<vmem>>, vector<1x16xf32>,
        %get3A_263 = vector.shape_cast %get3A_262 : vector<1x16xf32> to vector<16xf32>
        %max3A = arith.constant 0.000000e+00 : f32
        %max3A_264 = vector.broadcast %max3A : f32 to vector<16xf32>
        %max3A_265 = arith.maximumf %get3A_263, %max3A_264 : vector<16xf32>
        %swap3A = arith.index_cast %scan3A_259 : i32 to index
        %swap3A_266 = arith.constant 0 : index
        %swap3A_267 = tpu.vector_load %arg17[%swap3A, %swap3A_266] {strides = array<i32>} : memref<80x128xf32, #tpu.memory_space<vmem>>, vector<1x16xf32>,
        %swap3A_268 = vector.shape_cast %swap3A_267 : vector<1x16xf32> to vector<16xf32>
        %swap3A_269 = vector.shape_cast %max3A_265 : vector<16xf32> to vector<1x16xf32>
        tpu.vector_store %arg17[%swap3A, %swap3A_266], %swap3A_269 {strides = array<i32>} : memref<80x128xf32, #tpu.memory_space<vmem>>, vector<1x16xf32>,
        %get3A_270 = arith.index_cast %scan3A_259 : i32 to index
        %get3A_271 = arith.constant 16 : index
        %get3A_272 = tpu.vector_load %arg17[%get3A_270, %get3A_271] {strides = array<i32>} : memref<80x128xf32, #tpu.memory_space<vmem>>, vector<1x16xf32>,
        %get3A_273 = vector.shape_cast %get3A_272 : vector<1x16xf32> to vector<16xf32>
        %max3A_274 = arith.constant 0.000000e+00 : f32
        %max3A_275 = vector.broadcast %max3A_274 : f32 to vector<16xf32>
        %max3A_276 = arith.maximumf %get3A_273, %max3A_275 : vector<16xf32>
        %swap3A_277 = arith.index_cast %scan3A_259 : i32 to index
        %swap3A_278 = arith.constant 16 : index
        %swap3A_279 = tpu.vector_load %arg17[%swap3A_277, %swap3A_278] {strides = array<i32>} : memref<80x128xf32, #tpu.memory_space<vmem>>, vector<1x16xf32>,
        %swap3A_280 = vector.shape_cast %swap3A_279 : vector<1x16xf32> to vector<16xf32>
        %swap3A_281 = vector.shape_cast %max3A_276 : vector<16xf32> to vector<1x16xf32>
        tpu.vector_store %arg17[%swap3A_277, %swap3A_278], %swap3A_281 {strides = array<i32>} : memref<80x128xf32, #tpu.memory_space<vmem>>, vector<1x16xf32>,
        %get3A_282 = arith.index_cast %scan3A_259 : i32 to index
        %get3A_283 = arith.constant 32 : index
        %get3A_284 = tpu.vector_load %arg17[%get3A_282, %get3A_283] {strides = array<i32>} : memref<80x128xf32, #tpu.memory_space<vmem>>, vector<1x16xf32>,
        %get3A_285 = vector.shape_cast %get3A_284 : vector<1x16xf32> to vector<16xf32>
        %max3A_286 = arith.constant 0.000000e+00 : f32
        %max3A_287 = vector.broadcast %max3A_286 : f32 to vector<16xf32>
        %max3A_288 = arith.maximumf %get3A_285, %max3A_287 : vector<16xf32>
        %swap3A_289 = arith.index_cast %scan3A_259 : i32 to index
        %swap3A_290 = arith.constant 32 : index
        %swap3A_291 = tpu.vector_load %arg17[%swap3A_289, %swap3A_290] {strides = array<i32>} : memref<80x128xf32, #tpu.memory_space<vmem>>, vector<1x16xf32>,
        %swap3A_292 = vector.shape_cast %swap3A_291 : vector<1x16xf32> to vector<16xf32>
        %swap3A_293 = vector.shape_cast %max3A_288 : vector<16xf32> to vector<1x16xf32>
        tpu.vector_store %arg17[%swap3A_289, %swap3A_290], %swap3A_293 {strides = array<i32>} : memref<80x128xf32, #tpu.memory_space<vmem>>, vector<1x16xf32>,
        %get3A_294 = arith.index_cast %scan3A_259 : i32 to index
        %get3A_295 = arith.constant 48 : index
        %get3A_296 = tpu.vector_load %arg17[%get3A_294, %get3A_295] {strides = array<i32>} : memref<80x128xf32, #tpu.memory_space<vmem>>, vector<1x16xf32>,
        %get3A_297 = vector.shape_cast %get3A_296 : vector<1x16xf32> to vector<16xf32>
        %max3A_298 = arith.constant 0.000000e+00 : f32
        %max3A_299 = vector.broadcast %max3A_298 : f32 to vector<16xf32>
        %max3A_300 = arith.maximumf %get3A_297, %max3A_299 : vector<16xf32>
        %swap3A_301 = arith.index_cast %scan3A_259 : i32 to index
        %swap3A_302 = arith.constant 48 : index
        %swap3A_303 = tpu.vector_load %arg17[%swap3A_301, %swap3A_302] {strides = array<i32>} : memref<80x128xf32, #tpu.memory_space<vmem>>, vector<1x16xf32>,
        %swap3A_304 = vector.shape_cast %swap3A_303 : vector<1x16xf32> to vector<16xf32>
        %swap3A_305 = vector.shape_cast %max3A_300 : vector<16xf32> to vector<1x16xf32>
        tpu.vector_store %arg17[%swap3A_301, %swap3A_302], %swap3A_305 {strides = array<i32>} : memref<80x128xf32, #tpu.memory_space<vmem>>, vector<1x16xf32>,
        %get3A_306 = arith.index_cast %scan3A_259 : i32 to index
        %get3A_307 = arith.constant 64 : index
        %get3A_308 = tpu.vector_load %arg17[%get3A_306, %get3A_307] {strides = array<i32>} : memref<80x128xf32, #tpu.memory_space<vmem>>, vector<1x16xf32>,
        %get3A_309 = vector.shape_cast %get3A_308 : vector<1x16xf32> to vector<16xf32>
        %max3A_310 = arith.constant 0.000000e+00 : f32
        %max3A_311 = vector.broadcast %max3A_310 : f32 to vector<16xf32>
        %max3A_312 = arith.maximumf %get3A_309, %max3A_311 : vector<16xf32>
        %swap3A_313 = arith.index_cast %scan3A_259 : i32 to index
        %swap3A_314 = arith.constant 64 : index
        %swap3A_315 = tpu.vector_load %arg17[%swap3A_313, %swap3A_314] {strides = array<i32>} : memref<80x128xf32, #tpu.memory_space<vmem>>, vector<1x16xf32>,
        %swap3A_316 = vector.shape_cast %swap3A_315 : vector<1x16xf32> to vector<16xf32>
        %swap3A_317 = vector.shape_cast %max3A_312 : vector<16xf32> to vector<1x16xf32>
        tpu.vector_store %arg17[%swap3A_313, %swap3A_314], %swap3A_317 {strides = array<i32>} : memref<80x128xf32, #tpu.memory_space<vmem>>, vector<1x16xf32>,
        %get3A_318 = arith.index_cast %scan3A_259 : i32 to index
        %get3A_319 = arith.constant 80 : index
        %get3A_320 = tpu.vector_load %arg17[%get3A_318, %get3A_319] {strides = array<i32>} : memref<80x128xf32, #tpu.memory_space<vmem>>, vector<1x16xf32>,
        %get3A_321 = vector.shape_cast %get3A_320 : vector<1x16xf32> to vector<16xf32>
        %max3A_322 = arith.constant 0.000000e+00 : f32
        %max3A_323 = vector.broadcast %max3A_322 : f32 to vector<16xf32>
        %max3A_324 = arith.maximumf %get3A_321, %max3A_323 : vector<16xf32>
        %swap3A_325 = arith.index_cast %scan3A_259 : i32 to index
        %swap3A_326 = arith.constant 80 : index
        %swap3A_327 = tpu.vector_load %arg17[%swap3A_325, %swap3A_326] {strides = array<i32>} : memref<80x128xf32, #tpu.memory_space<vmem>>, vector<1x16xf32>,
        %swap3A_328 = vector.shape_cast %swap3A_327 : vector<1x16xf32> to vector<16xf32>
        %swap3A_329 = vector.shape_cast %max3A_324 : vector<16xf32> to vector<1x16xf32>
        tpu.vector_store %arg17[%swap3A_325, %swap3A_326], %swap3A_329 {strides = array<i32>} : memref<80x128xf32, #tpu.memory_space<vmem>>, vector<1x16xf32>,
        %get3A_330 = arith.index_cast %scan3A_259 : i32 to index
        %get3A_331 = arith.constant 96 : index
        %get3A_332 = tpu.vector_load %arg17[%get3A_330, %get3A_331] {strides = array<i32>} : memref<80x128xf32, #tpu.memory_space<vmem>>, vector<1x16xf32>,
        %get3A_333 = vector.shape_cast %get3A_332 : vector<1x16xf32> to vector<16xf32>
        %max3A_334 = arith.constant 0.000000e+00 : f32
        %max3A_335 = vector.broadcast %max3A_334 : f32 to vector<16xf32>
        %max3A_336 = arith.maximumf %get3A_333, %max3A_335 : vector<16xf32>
        %swap3A_337 = arith.index_cast %scan3A_259 : i32 to index
        %swap3A_338 = arith.constant 96 : index
        %swap3A_339 = tpu.vector_load %arg17[%swap3A_337, %swap3A_338] {strides = array<i32>} : memref<80x128xf32, #tpu.memory_space<vmem>>, vector<1x16xf32>,
        %swap3A_340 = vector.shape_cast %swap3A_339 : vector<1x16xf32> to vector<16xf32>
        %swap3A_341 = vector.shape_cast %max3A_336 : vector<16xf32> to vector<1x16xf32>
        tpu.vector_store %arg17[%swap3A_337, %swap3A_338], %swap3A_341 {strides = array<i32>} : memref<80x128xf32, #tpu.memory_space<vmem>>, vector<1x16xf32>,
        %get3A_342 = arith.index_cast %scan3A_259 : i32 to index
        %get3A_343 = arith.constant 112 : index
        %get3A_344 = tpu.vector_load %arg17[%get3A_342, %get3A_343] {strides = array<i32>} : memref<80x128xf32, #tpu.memory_space<vmem>>, vector<1x16xf32>,
        %get3A_345 = vector.shape_cast %get3A_344 : vector<1x16xf32> to vector<16xf32>
        %max3A_346 = arith.constant 0.000000e+00 : f32
        %max3A_347 = vector.broadcast %max3A_346 : f32 to vector<16xf32>
        %max3A_348 = arith.maximumf %get3A_345, %max3A_347 : vector<16xf32>
        %swap3A_349 = arith.index_cast %scan3A_259 : i32 to index
        %swap3A_350 = arith.constant 112 : index
        %swap3A_351 = tpu.vector_load %arg17[%swap3A_349, %swap3A_350] {strides = array<i32>} : memref<80x128xf32, #tpu.memory_space<vmem>>, vector<1x16xf32>,
        %swap3A_352 = vector.shape_cast %swap3A_351 : vector<1x16xf32> to vector<16xf32>
        %swap3A_353 = vector.shape_cast %max3A_348 : vector<16xf32> to vector<1x16xf32>
        tpu.vector_store %arg17[%swap3A_349, %swap3A_350], %swap3A_353 {strides = array<i32>} : memref<80x128xf32, #tpu.memory_space<vmem>>, vector<1x16xf32>,
        %scan3A_354 = arith.constant 0 : i32
        scf.yield %scan3A_354 : i32
      }
      %scan3A_208 = arith.constant 80 : i32
      "tpu.region"() ({
        %run_scoped3A = tpu.sem_alloc : memref<!tpu.dma_semaphore, #tpu.memory_space<semaphore_mem>>
        %dma_start3A_259 = arith.constant 0 : i32
        %dma_start3A_260 = arith.constant 0 : i32
        %dma_start3A_261 = tpu.memref_slice %arg19[%dma_start3A_259, %dma_start3A_260] : memref<10000x128xf32, #tpu.memory_space<vmem_shared>> -> memref<10000x128xf32, #tpu.memory_space<vmem_shared>>
        tpu.enqueue_indirect_dma source(%arg17 : memref<80x128xf32, #tpu.memory_space<vmem>>) target(%dma_start3A_261 : memref<10000x128xf32, #tpu.memory_space<vmem_shared>>) offsets(%arg13 : memref<80xi32, #tpu.memory_space<vmem>>) semaphore(%run_scoped3A : memref<!tpu.dma_semaphore, #tpu.memory_space<semaphore_mem>>) {add = true}
        %dma_wait3A_262 = arith.constant 0 : i32
        %dma_wait3A_263 = arith.constant 0 : i32
        %dma_wait3A_264 = tpu.memref_slice %arg19[%dma_wait3A_262, %dma_wait3A_263] : memref<10000x128xf32, #tpu.memory_space<vmem_shared>> -> memref<10000x128xf32, #tpu.memory_space<vmem_shared>>
        tpu.wait_indirect_dma semaphore(%run_scoped3A : memref<!tpu.dma_semaphore, #tpu.memory_space<semaphore_mem>>) src(%arg17 : memref<80x128xf32, #tpu.memory_space<vmem>>) dst(%dma_wait3A_264 : memref<10000x128xf32, #tpu.memory_space<vmem_shared>>)
        tpu.yield
      }) : () -> ()
      %add3A_209 = arith.constant 4 : i32
      %add3A_210 = arith.addi %add3A_181, %add3A_209 : i32
      %sub3A_211 = arith.constant 1 : i32
      %sub3A_212 = arith.subi %add3A_210, %sub3A_211 : i32
      %lt3A_213 = arith.constant 125 : i32
      %lt3A_214 = arith.cmpi slt, %sub3A_212, %lt3A_213 : i32
      %convert_element_type3A_215 = arith.extui %lt3A_214 : i1 to i32
      %cond3A_216 = arith.constant 0 : i32
      %cond3A_217 = arith.cmpi ne, %convert_element_type3A_215, %cond3A_216 : i32
      scf.if %cond3A_217 {
        %add3A_259 = arith.constant 4 : i32
        %add3A_260 = arith.addi %add3A_181, %add3A_259 : i32
        %sub3A_261 = arith.constant 1 : i32
        %sub3A_262 = arith.subi %add3A_260, %sub3A_261 : i32
        %mul3A_263 = arith.constant 80 : i32
        %mul3A_264 = arith.muli %sub3A_262, %mul3A_263 : i32
        %add3A_265 = arith.addi %mul3A_2, %mul3A_264 : i32
        %dma_start3A_266 = tpu.memref_slice %arg4[%add3A_265] : memref<320000xi32, #tpu.memory_space<hbm>> -> memref<80xi32, #tpu.memory_space<hbm>>
        %dma_start3A_267 = tpu.memref_slice %arg4[%add3A_265] : memref<320000xi32, #tpu.memory_space<hbm>> -> memref<80xi32, #tpu.memory_space<hbm>>
        tpu.enqueue_dma source(%dma_start3A_267 : memref<80xi32, #tpu.memory_space<hbm>>) target(%arg8 : memref<80xi32, #tpu.memory_space<vmem>>) target_semaphore(%arg21 : memref<!tpu.dma_semaphore, #tpu.memory_space<semaphore_mem>>)
        %dma_start3A_268 = tpu.memref_slice %arg5[%add3A_265] : memref<320000xi32, #tpu.memory_space<hbm>> -> memref<80xi32, #tpu.memory_space<hbm>>
        %dma_start3A_269 = tpu.memref_slice %arg5[%add3A_265] : memref<320000xi32, #tpu.memory_space<hbm>> -> memref<80xi32, #tpu.memory_space<hbm>>
        tpu.enqueue_dma source(%dma_start3A_269 : memref<80xi32, #tpu.memory_space<hbm>>) target(%arg12 : memref<80xi32, #tpu.memory_space<vmem>>) target_semaphore(%arg21 : memref<!tpu.dma_semaphore, #tpu.memory_space<semaphore_mem>>)
        %dma_start3A_270 = arith.constant 0 : i32
        %dma_start3A_271 = tpu.memref_slice %arg3[%add3A_265, %dma_start3A_270] : memref<320000x128xf32, #tpu.memory_space<hbm>> -> memref<80x128xf32, #tpu.memory_space<hbm>>
        %dma_start3A_272 = arith.constant 0 : i32
        %dma_start3A_273 = tpu.memref_slice %arg3[%add3A_265, %dma_start3A_272] : memref<320000x128xf32, #tpu.memory_space<hbm>> -> memref<80x128xf32, #tpu.memory_space<hbm>>
        tpu.enqueue_dma source(%dma_start3A_273 : memref<80x128xf32, #tpu.memory_space<hbm>>) target(%arg16 : memref<80x128xf32, #tpu.memory_space<vmem>>) target_semaphore(%arg25 : memref<!tpu.dma_semaphore, #tpu.memory_space<semaphore_mem>>)
      } else {
      }
      %mul3A_218 = arith.constant 4 : i32
      %mul3A_219 = arith.muli %mul3A_218, %scan3A_98 : i32
      %add3A_220 = arith.constant 3 : i32
      %add3A_221 = arith.addi %mul3A_219, %add3A_220 : i32
      %dma_wait3A_222 = arith.constant 0 : i32
      %dma_wait3A_223 = tpu.memref_slice %arg4[%dma_wait3A_222] : memref<320000xi32, #tpu.memory_space<hbm>> -> memref<80xi32, #tpu.memory_space<hbm>>
      %dma_wait3A_224 = arith.constant 0 : i32
      %dma_wait3A_225 = tpu.memref_slice %arg4[%dma_wait3A_224] : memref<320000xi32, #tpu.memory_space<hbm>> -> memref<80xi32, #tpu.memory_space<hbm>>
      tpu.wait_dma2 semaphore(%arg20 : memref<!tpu.dma_semaphore, #tpu.memory_space<semaphore_mem>>) src(%dma_wait3A_225 : memref<80xi32, #tpu.memory_space<hbm>>) dst(%arg7 : memref<80xi32, #tpu.memory_space<vmem>>)
      %dma_wait3A_226 = arith.constant 0 : i32
      %dma_wait3A_227 = tpu.memref_slice %arg5[%dma_wait3A_226] : memref<320000xi32, #tpu.memory_space<hbm>> -> memref<80xi32, #tpu.memory_space<hbm>>
      %dma_wait3A_228 = arith.constant 0 : i32
      %dma_wait3A_229 = tpu.memref_slice %arg5[%dma_wait3A_228] : memref<320000xi32, #tpu.memory_space<hbm>> -> memref<80xi32, #tpu.memory_space<hbm>>
      tpu.wait_dma2 semaphore(%arg20 : memref<!tpu.dma_semaphore, #tpu.memory_space<semaphore_mem>>) src(%dma_wait3A_229 : memref<80xi32, #tpu.memory_space<hbm>>) dst(%arg11 : memref<80xi32, #tpu.memory_space<vmem>>)
      %dma_wait3A_230 = arith.constant 0 : i32
      %dma_wait3A_231 = arith.constant 0 : i32
      %dma_wait3A_232 = tpu.memref_slice %arg3[%dma_wait3A_230, %dma_wait3A_231] : memref<320000x128xf32, #tpu.memory_space<hbm>> -> memref<80x128xf32, #tpu.memory_space<hbm>>
      %dma_wait3A_233 = arith.constant 0 : i32
      %dma_wait3A_234 = arith.constant 0 : i32
      %dma_wait3A_235 = tpu.memref_slice %arg3[%dma_wait3A_233, %dma_wait3A_234] : memref<320000x128xf32, #tpu.memory_space<hbm>> -> memref<80x128xf32, #tpu.memory_space<hbm>>
      tpu.wait_dma2 semaphore(%arg24 : memref<!tpu.dma_semaphore, #tpu.memory_space<semaphore_mem>>) src(%dma_wait3A_235 : memref<80x128xf32, #tpu.memory_space<hbm>>) dst(%arg15 : memref<80x128xf32, #tpu.memory_space<vmem>>)
      %dma_start3A_236 = arith.constant 0 : i32
      %dma_start3A_237 = arith.constant 0 : i32
      %dma_start3A_238 = tpu.memref_slice %arg2[%dma_start3A_236, %dma_start3A_237] : memref<10000x128xf32, #tpu.memory_space<hbm>> -> memref<10000x128xf32, #tpu.memory_space<hbm>>
      tpu.enqueue_indirect_dma source(%dma_start3A_238 : memref<10000x128xf32, #tpu.memory_space<hbm>>) target(%arg15 : memref<80x128xf32, #tpu.memory_space<vmem>>) offsets(%arg7 : memref<80xi32, #tpu.memory_space<vmem>>) semaphore(%arg28 : memref<!tpu.dma_semaphore, #tpu.memory_space<semaphore_mem>>) {add = true}
      %dma_wait3A_239 = arith.constant 0 : i32
      %dma_wait3A_240 = arith.constant 0 : i32
      %dma_wait3A_241 = tpu.memref_slice %arg2[%dma_wait3A_239, %dma_wait3A_240] : memref<10000x128xf32, #tpu.memory_space<hbm>> -> memref<10000x128xf32, #tpu.memory_space<hbm>>
      tpu.wait_indirect_dma semaphore(%arg31 : memref<!tpu.dma_semaphore, #tpu.memory_space<semaphore_mem>>) src(%dma_wait3A_241 : memref<10000x128xf32, #tpu.memory_space<hbm>>) dst(%arg18 : memref<80x128xf32, #tpu.memory_space<vmem>>)
      %scan3A_242 = arith.constant 0 : i32
      %scan3A_243 = arith.constant 0 : i32
      %scan3A_244 = arith.constant 80 : i32
      %scan3A_245 = arith.addi %scan3A_243, %scan3A_244 : i32
      %scan3A_246 = arith.constant 1 : i32
      %scan3A_247 = scf.for %scan3A_259 = %scan3A_243 to %scan3A_245 step %scan3A_246 iter_args(%scan3A_260 = %scan3A_242) -> (i32)  : i32 {
        %get3A = arith.index_cast %scan3A_259 : i32 to index
        %get3A_261 = arith.constant 0 : index
        %get3A_262 = tpu.vector_load %arg18[%get3A, %get3A_261] {strides = array<i32>} : memref<80x128xf32, #tpu.memory_space<vmem>>, vector<1x16xf32>,
        %get3A_263 = vector.shape_cast %get3A_262 : vector<1x16xf32> to vector<16xf32>
        %max3A = arith.constant 0.000000e+00 : f32
        %max3A_264 = vector.broadcast %max3A : f32 to vector<16xf32>
        %max3A_265 = arith.maximumf %get3A_263, %max3A_264 : vector<16xf32>
        %swap3A = arith.index_cast %scan3A_259 : i32 to index
        %swap3A_266 = arith.constant 0 : index
        %swap3A_267 = tpu.vector_load %arg18[%swap3A, %swap3A_266] {strides = array<i32>} : memref<80x128xf32, #tpu.memory_space<vmem>>, vector<1x16xf32>,
        %swap3A_268 = vector.shape_cast %swap3A_267 : vector<1x16xf32> to vector<16xf32>
        %swap3A_269 = vector.shape_cast %max3A_265 : vector<16xf32> to vector<1x16xf32>
        tpu.vector_store %arg18[%swap3A, %swap3A_266], %swap3A_269 {strides = array<i32>} : memref<80x128xf32, #tpu.memory_space<vmem>>, vector<1x16xf32>,
        %get3A_270 = arith.index_cast %scan3A_259 : i32 to index
        %get3A_271 = arith.constant 16 : index
        %get3A_272 = tpu.vector_load %arg18[%get3A_270, %get3A_271] {strides = array<i32>} : memref<80x128xf32, #tpu.memory_space<vmem>>, vector<1x16xf32>,
        %get3A_273 = vector.shape_cast %get3A_272 : vector<1x16xf32> to vector<16xf32>
        %max3A_274 = arith.constant 0.000000e+00 : f32
        %max3A_275 = vector.broadcast %max3A_274 : f32 to vector<16xf32>
        %max3A_276 = arith.maximumf %get3A_273, %max3A_275 : vector<16xf32>
        %swap3A_277 = arith.index_cast %scan3A_259 : i32 to index
        %swap3A_278 = arith.constant 16 : index
        %swap3A_279 = tpu.vector_load %arg18[%swap3A_277, %swap3A_278] {strides = array<i32>} : memref<80x128xf32, #tpu.memory_space<vmem>>, vector<1x16xf32>,
        %swap3A_280 = vector.shape_cast %swap3A_279 : vector<1x16xf32> to vector<16xf32>
        %swap3A_281 = vector.shape_cast %max3A_276 : vector<16xf32> to vector<1x16xf32>
        tpu.vector_store %arg18[%swap3A_277, %swap3A_278], %swap3A_281 {strides = array<i32>} : memref<80x128xf32, #tpu.memory_space<vmem>>, vector<1x16xf32>,
        %get3A_282 = arith.index_cast %scan3A_259 : i32 to index
        %get3A_283 = arith.constant 32 : index
        %get3A_284 = tpu.vector_load %arg18[%get3A_282, %get3A_283] {strides = array<i32>} : memref<80x128xf32, #tpu.memory_space<vmem>>, vector<1x16xf32>,
        %get3A_285 = vector.shape_cast %get3A_284 : vector<1x16xf32> to vector<16xf32>
        %max3A_286 = arith.constant 0.000000e+00 : f32
        %max3A_287 = vector.broadcast %max3A_286 : f32 to vector<16xf32>
        %max3A_288 = arith.maximumf %get3A_285, %max3A_287 : vector<16xf32>
        %swap3A_289 = arith.index_cast %scan3A_259 : i32 to index
        %swap3A_290 = arith.constant 32 : index
        %swap3A_291 = tpu.vector_load %arg18[%swap3A_289, %swap3A_290] {strides = array<i32>} : memref<80x128xf32, #tpu.memory_space<vmem>>, vector<1x16xf32>,
        %swap3A_292 = vector.shape_cast %swap3A_291 : vector<1x16xf32> to vector<16xf32>
        %swap3A_293 = vector.shape_cast %max3A_288 : vector<16xf32> to vector<1x16xf32>
        tpu.vector_store %arg18[%swap3A_289, %swap3A_290], %swap3A_293 {strides = array<i32>} : memref<80x128xf32, #tpu.memory_space<vmem>>, vector<1x16xf32>,
        %get3A_294 = arith.index_cast %scan3A_259 : i32 to index
        %get3A_295 = arith.constant 48 : index
        %get3A_296 = tpu.vector_load %arg18[%get3A_294, %get3A_295] {strides = array<i32>} : memref<80x128xf32, #tpu.memory_space<vmem>>, vector<1x16xf32>,
        %get3A_297 = vector.shape_cast %get3A_296 : vector<1x16xf32> to vector<16xf32>
        %max3A_298 = arith.constant 0.000000e+00 : f32
        %max3A_299 = vector.broadcast %max3A_298 : f32 to vector<16xf32>
        %max3A_300 = arith.maximumf %get3A_297, %max3A_299 : vector<16xf32>
        %swap3A_301 = arith.index_cast %scan3A_259 : i32 to index
        %swap3A_302 = arith.constant 48 : index
        %swap3A_303 = tpu.vector_load %arg18[%swap3A_301, %swap3A_302] {strides = array<i32>} : memref<80x128xf32, #tpu.memory_space<vmem>>, vector<1x16xf32>,
        %swap3A_304 = vector.shape_cast %swap3A_303 : vector<1x16xf32> to vector<16xf32>
        %swap3A_305 = vector.shape_cast %max3A_300 : vector<16xf32> to vector<1x16xf32>
        tpu.vector_store %arg18[%swap3A_301, %swap3A_302], %swap3A_305 {strides = array<i32>} : memref<80x128xf32, #tpu.memory_space<vmem>>, vector<1x16xf32>,
        %get3A_306 = arith.index_cast %scan3A_259 : i32 to index
        %get3A_307 = arith.constant 64 : index
        %get3A_308 = tpu.vector_load %arg18[%get3A_306, %get3A_307] {strides = array<i32>} : memref<80x128xf32, #tpu.memory_space<vmem>>, vector<1x16xf32>,
        %get3A_309 = vector.shape_cast %get3A_308 : vector<1x16xf32> to vector<16xf32>
        %max3A_310 = arith.constant 0.000000e+00 : f32
        %max3A_311 = vector.broadcast %max3A_310 : f32 to vector<16xf32>
        %max3A_312 = arith.maximumf %get3A_309, %max3A_311 : vector<16xf32>
        %swap3A_313 = arith.index_cast %scan3A_259 : i32 to index
        %swap3A_314 = arith.constant 64 : index
        %swap3A_315 = tpu.vector_load %arg18[%swap3A_313, %swap3A_314] {strides = array<i32>} : memref<80x128xf32, #tpu.memory_space<vmem>>, vector<1x16xf32>,
        %swap3A_316 = vector.shape_cast %swap3A_315 : vector<1x16xf32> to vector<16xf32>
        %swap3A_317 = vector.shape_cast %max3A_312 : vector<16xf32> to vector<1x16xf32>
        tpu.vector_store %arg18[%swap3A_313, %swap3A_314], %swap3A_317 {strides = array<i32>} : memref<80x128xf32, #tpu.memory_space<vmem>>, vector<1x16xf32>,
        %get3A_318 = arith.index_cast %scan3A_259 : i32 to index
        %get3A_319 = arith.constant 80 : index
        %get3A_320 = tpu.vector_load %arg18[%get3A_318, %get3A_319] {strides = array<i32>} : memref<80x128xf32, #tpu.memory_space<vmem>>, vector<1x16xf32>,
        %get3A_321 = vector.shape_cast %get3A_320 : vector<1x16xf32> to vector<16xf32>
        %max3A_322 = arith.constant 0.000000e+00 : f32
        %max3A_323 = vector.broadcast %max3A_322 : f32 to vector<16xf32>
        %max3A_324 = arith.maximumf %get3A_321, %max3A_323 : vector<16xf32>
        %swap3A_325 = arith.index_cast %scan3A_259 : i32 to index
        %swap3A_326 = arith.constant 80 : index
        %swap3A_327 = tpu.vector_load %arg18[%swap3A_325, %swap3A_326] {strides = array<i32>} : memref<80x128xf32, #tpu.memory_space<vmem>>, vector<1x16xf32>,
        %swap3A_328 = vector.shape_cast %swap3A_327 : vector<1x16xf32> to vector<16xf32>
        %swap3A_329 = vector.shape_cast %max3A_324 : vector<16xf32> to vector<1x16xf32>
        tpu.vector_store %arg18[%swap3A_325, %swap3A_326], %swap3A_329 {strides = array<i32>} : memref<80x128xf32, #tpu.memory_space<vmem>>, vector<1x16xf32>,
        %get3A_330 = arith.index_cast %scan3A_259 : i32 to index
        %get3A_331 = arith.constant 96 : index
        %get3A_332 = tpu.vector_load %arg18[%get3A_330, %get3A_331] {strides = array<i32>} : memref<80x128xf32, #tpu.memory_space<vmem>>, vector<1x16xf32>,
        %get3A_333 = vector.shape_cast %get3A_332 : vector<1x16xf32> to vector<16xf32>
        %max3A_334 = arith.constant 0.000000e+00 : f32
        %max3A_335 = vector.broadcast %max3A_334 : f32 to vector<16xf32>
        %max3A_336 = arith.maximumf %get3A_333, %max3A_335 : vector<16xf32>
        %swap3A_337 = arith.index_cast %scan3A_259 : i32 to index
        %swap3A_338 = arith.constant 96 : index
        %swap3A_339 = tpu.vector_load %arg18[%swap3A_337, %swap3A_338] {strides = array<i32>} : memref<80x128xf32, #tpu.memory_space<vmem>>, vector<1x16xf32>,
        %swap3A_340 = vector.shape_cast %swap3A_339 : vector<1x16xf32> to vector<16xf32>
        %swap3A_341 = vector.shape_cast %max3A_336 : vector<16xf32> to vector<1x16xf32>
        tpu.vector_store %arg18[%swap3A_337, %swap3A_338], %swap3A_341 {strides = array<i32>} : memref<80x128xf32, #tpu.memory_space<vmem>>, vector<1x16xf32>,
        %get3A_342 = arith.index_cast %scan3A_259 : i32 to index
        %get3A_343 = arith.constant 112 : index
        %get3A_344 = tpu.vector_load %arg18[%get3A_342, %get3A_343] {strides = array<i32>} : memref<80x128xf32, #tpu.memory_space<vmem>>, vector<1x16xf32>,
        %get3A_345 = vector.shape_cast %get3A_344 : vector<1x16xf32> to vector<16xf32>
        %max3A_346 = arith.constant 0.000000e+00 : f32
        %max3A_347 = vector.broadcast %max3A_346 : f32 to vector<16xf32>
        %max3A_348 = arith.maximumf %get3A_345, %max3A_347 : vector<16xf32>
        %swap3A_349 = arith.index_cast %scan3A_259 : i32 to index
        %swap3A_350 = arith.constant 112 : index
        %swap3A_351 = tpu.vector_load %arg18[%swap3A_349, %swap3A_350] {strides = array<i32>} : memref<80x128xf32, #tpu.memory_space<vmem>>, vector<1x16xf32>,
        %swap3A_352 = vector.shape_cast %swap3A_351 : vector<1x16xf32> to vector<16xf32>
        %swap3A_353 = vector.shape_cast %max3A_348 : vector<16xf32> to vector<1x16xf32>
        tpu.vector_store %arg18[%swap3A_349, %swap3A_350], %swap3A_353 {strides = array<i32>} : memref<80x128xf32, #tpu.memory_space<vmem>>, vector<1x16xf32>,
        %scan3A_354 = arith.constant 0 : i32
        scf.yield %scan3A_354 : i32
      }
      %scan3A_248 = arith.constant 80 : i32
      "tpu.region"() ({
        %run_scoped3A = tpu.sem_alloc : memref<!tpu.dma_semaphore, #tpu.memory_space<semaphore_mem>>
        %dma_start3A_259 = arith.constant 0 : i32
        %dma_start3A_260 = arith.constant 0 : i32
        %dma_start3A_261 = tpu.memref_slice %arg19[%dma_start3A_259, %dma_start3A_260] : memref<10000x128xf32, #tpu.memory_space<vmem_shared>> -> memref<10000x128xf32, #tpu.memory_space<vmem_shared>>
        tpu.enqueue_indirect_dma source(%arg18 : memref<80x128xf32, #tpu.memory_space<vmem>>) target(%dma_start3A_261 : memref<10000x128xf32, #tpu.memory_space<vmem_shared>>) offsets(%arg14 : memref<80xi32, #tpu.memory_space<vmem>>) semaphore(%run_scoped3A : memref<!tpu.dma_semaphore, #tpu.memory_space<semaphore_mem>>) {add = true}
        %dma_wait3A_262 = arith.constant 0 : i32
        %dma_wait3A_263 = arith.constant 0 : i32
        %dma_wait3A_264 = tpu.memref_slice %arg19[%dma_wait3A_262, %dma_wait3A_263] : memref<10000x128xf32, #tpu.memory_space<vmem_shared>> -> memref<10000x128xf32, #tpu.memory_space<vmem_shared>>
        tpu.wait_indirect_dma semaphore(%run_scoped3A : memref<!tpu.dma_semaphore, #tpu.memory_space<semaphore_mem>>) src(%arg18 : memref<80x128xf32, #tpu.memory_space<vmem>>) dst(%dma_wait3A_264 : memref<10000x128xf32, #tpu.memory_space<vmem_shared>>)
        tpu.yield
      }) : () -> ()
      %add3A_249 = arith.constant 4 : i32
      %add3A_250 = arith.addi %add3A_221, %add3A_249 : i32
      %sub3A_251 = arith.constant 1 : i32
      %sub3A_252 = arith.subi %add3A_250, %sub3A_251 : i32
      %lt3A_253 = arith.constant 125 : i32
      %lt3A_254 = arith.cmpi slt, %sub3A_252, %lt3A_253 : i32
      %convert_element_type3A_255 = arith.extui %lt3A_254 : i1 to i32
      %cond3A_256 = arith.constant 0 : i32
      %cond3A_257 = arith.cmpi ne, %convert_element_type3A_255, %cond3A_256 : i32
      scf.if %cond3A_257 {
        %add3A_259 = arith.constant 4 : i32
        %add3A_260 = arith.addi %add3A_221, %add3A_259 : i32
        %sub3A_261 = arith.constant 1 : i32
        %sub3A_262 = arith.subi %add3A_260, %sub3A_261 : i32
        %mul3A_263 = arith.constant 80 : i32
        %mul3A_264 = arith.muli %sub3A_262, %mul3A_263 : i32
        %add3A_265 = arith.addi %mul3A_2, %mul3A_264 : i32
        %dma_start3A_266 = tpu.memref_slice %arg4[%add3A_265] : memref<320000xi32, #tpu.memory_space<hbm>> -> memref<80xi32, #tpu.memory_space<hbm>>
        %dma_start3A_267 = tpu.memref_slice %arg4[%add3A_265] : memref<320000xi32, #tpu.memory_space<hbm>> -> memref<80xi32, #tpu.memory_space<hbm>>
        tpu.enqueue_dma source(%dma_start3A_267 : memref<80xi32, #tpu.memory_space<hbm>>) target(%arg9 : memref<80xi32, #tpu.memory_space<vmem>>) target_semaphore(%arg22 : memref<!tpu.dma_semaphore, #tpu.memory_space<semaphore_mem>>)
        %dma_start3A_268 = tpu.memref_slice %arg5[%add3A_265] : memref<320000xi32, #tpu.memory_space<hbm>> -> memref<80xi32, #tpu.memory_space<hbm>>
        %dma_start3A_269 = tpu.memref_slice %arg5[%add3A_265] : memref<320000xi32, #tpu.memory_space<hbm>> -> memref<80xi32, #tpu.memory_space<hbm>>
        tpu.enqueue_dma source(%dma_start3A_269 : memref<80xi32, #tpu.memory_space<hbm>>) target(%arg13 : memref<80xi32, #tpu.memory_space<vmem>>) target_semaphore(%arg22 : memref<!tpu.dma_semaphore, #tpu.memory_space<semaphore_mem>>)
        %dma_start3A_270 = arith.constant 0 : i32
        %dma_start3A_271 = tpu.memref_slice %arg3[%add3A_265, %dma_start3A_270] : memref<320000x128xf32, #tpu.memory_space<hbm>> -> memref<80x128xf32, #tpu.memory_space<hbm>>
        %dma_start3A_272 = arith.constant 0 : i32
        %dma_start3A_273 = tpu.memref_slice %arg3[%add3A_265, %dma_start3A_272] : memref<320000x128xf32, #tpu.memory_space<hbm>> -> memref<80x128xf32, #tpu.memory_space<hbm>>
        tpu.enqueue_dma source(%dma_start3A_273 : memref<80x128xf32, #tpu.memory_space<hbm>>) target(%arg17 : memref<80x128xf32, #tpu.memory_space<vmem>>) target_semaphore(%arg26 : memref<!tpu.dma_semaphore, #tpu.memory_space<semaphore_mem>>)
      } else {
      }
      %scan3A_258 = arith.constant 0 : i32
      scf.yield %scan3A_258 : i32
    }
    %scan3A_81 = arith.constant 31 : i32
    %dma_wait3A_82 = arith.constant 0 : i32
    %dma_wait3A_83 = arith.constant 0 : i32
    %dma_wait3A_84 = tpu.memref_slice %arg2[%dma_wait3A_82, %dma_wait3A_83] : memref<10000x128xf32, #tpu.memory_space<hbm>> -> memref<10000x128xf32, #tpu.memory_space<hbm>>
    tpu.wait_indirect_dma semaphore(%arg28 : memref<!tpu.dma_semaphore, #tpu.memory_space<semaphore_mem>>) src(%dma_wait3A_84 : memref<10000x128xf32, #tpu.memory_space<hbm>>) dst(%arg15 : memref<80x128xf32, #tpu.memory_space<vmem>>)
    %scan3A_85 = arith.constant 0 : i32
    %scan3A_86 = arith.constant 0 : i32
    %scan3A_87 = arith.constant 80 : i32
    %scan3A_88 = arith.addi %scan3A_86, %scan3A_87 : i32
    %scan3A_89 = arith.constant 1 : i32
    %scan3A_90 = scf.for %scan3A_98 = %scan3A_86 to %scan3A_88 step %scan3A_89 iter_args(%scan3A_99 = %scan3A_85) -> (i32)  : i32 {
      %get3A = arith.index_cast %scan3A_98 : i32 to index
      %get3A_100 = arith.constant 0 : index
      %get3A_101 = tpu.vector_load %arg15[%get3A, %get3A_100] {strides = array<i32>} : memref<80x128xf32, #tpu.memory_space<vmem>>, vector<1x16xf32>,
      %get3A_102 = vector.shape_cast %get3A_101 : vector<1x16xf32> to vector<16xf32>
      %max3A = arith.constant 0.000000e+00 : f32
      %max3A_103 = vector.broadcast %max3A : f32 to vector<16xf32>
      %max3A_104 = arith.maximumf %get3A_102, %max3A_103 : vector<16xf32>
      %swap3A = arith.index_cast %scan3A_98 : i32 to index
      %swap3A_105 = arith.constant 0 : index
      %swap3A_106 = tpu.vector_load %arg15[%swap3A, %swap3A_105] {strides = array<i32>} : memref<80x128xf32, #tpu.memory_space<vmem>>, vector<1x16xf32>,
      %swap3A_107 = vector.shape_cast %swap3A_106 : vector<1x16xf32> to vector<16xf32>
      %swap3A_108 = vector.shape_cast %max3A_104 : vector<16xf32> to vector<1x16xf32>
      tpu.vector_store %arg15[%swap3A, %swap3A_105], %swap3A_108 {strides = array<i32>} : memref<80x128xf32, #tpu.memory_space<vmem>>, vector<1x16xf32>,
      %get3A_109 = arith.index_cast %scan3A_98 : i32 to index
      %get3A_110 = arith.constant 16 : index
      %get3A_111 = tpu.vector_load %arg15[%get3A_109, %get3A_110] {strides = array<i32>} : memref<80x128xf32, #tpu.memory_space<vmem>>, vector<1x16xf32>,
      %get3A_112 = vector.shape_cast %get3A_111 : vector<1x16xf32> to vector<16xf32>
      %max3A_113 = arith.constant 0.000000e+00 : f32
      %max3A_114 = vector.broadcast %max3A_113 : f32 to vector<16xf32>
      %max3A_115 = arith.maximumf %get3A_112, %max3A_114 : vector<16xf32>
      %swap3A_116 = arith.index_cast %scan3A_98 : i32 to index
      %swap3A_117 = arith.constant 16 : index
      %swap3A_118 = tpu.vector_load %arg15[%swap3A_116, %swap3A_117] {strides = array<i32>} : memref<80x128xf32, #tpu.memory_space<vmem>>, vector<1x16xf32>,
      %swap3A_119 = vector.shape_cast %swap3A_118 : vector<1x16xf32> to vector<16xf32>
      %swap3A_120 = vector.shape_cast %max3A_115 : vector<16xf32> to vector<1x16xf32>
      tpu.vector_store %arg15[%swap3A_116, %swap3A_117], %swap3A_120 {strides = array<i32>} : memref<80x128xf32, #tpu.memory_space<vmem>>, vector<1x16xf32>,
      %get3A_121 = arith.index_cast %scan3A_98 : i32 to index
      %get3A_122 = arith.constant 32 : index
      %get3A_123 = tpu.vector_load %arg15[%get3A_121, %get3A_122] {strides = array<i32>} : memref<80x128xf32, #tpu.memory_space<vmem>>, vector<1x16xf32>,
      %get3A_124 = vector.shape_cast %get3A_123 : vector<1x16xf32> to vector<16xf32>
      %max3A_125 = arith.constant 0.000000e+00 : f32
      %max3A_126 = vector.broadcast %max3A_125 : f32 to vector<16xf32>
      %max3A_127 = arith.maximumf %get3A_124, %max3A_126 : vector<16xf32>
      %swap3A_128 = arith.index_cast %scan3A_98 : i32 to index
      %swap3A_129 = arith.constant 32 : index
      %swap3A_130 = tpu.vector_load %arg15[%swap3A_128, %swap3A_129] {strides = array<i32>} : memref<80x128xf32, #tpu.memory_space<vmem>>, vector<1x16xf32>,
      %swap3A_131 = vector.shape_cast %swap3A_130 : vector<1x16xf32> to vector<16xf32>
      %swap3A_132 = vector.shape_cast %max3A_127 : vector<16xf32> to vector<1x16xf32>
      tpu.vector_store %arg15[%swap3A_128, %swap3A_129], %swap3A_132 {strides = array<i32>} : memref<80x128xf32, #tpu.memory_space<vmem>>, vector<1x16xf32>,
      %get3A_133 = arith.index_cast %scan3A_98 : i32 to index
      %get3A_134 = arith.constant 48 : index
      %get3A_135 = tpu.vector_load %arg15[%get3A_133, %get3A_134] {strides = array<i32>} : memref<80x128xf32, #tpu.memory_space<vmem>>, vector<1x16xf32>,
      %get3A_136 = vector.shape_cast %get3A_135 : vector<1x16xf32> to vector<16xf32>
      %max3A_137 = arith.constant 0.000000e+00 : f32
      %max3A_138 = vector.broadcast %max3A_137 : f32 to vector<16xf32>
      %max3A_139 = arith.maximumf %get3A_136, %max3A_138 : vector<16xf32>
      %swap3A_140 = arith.index_cast %scan3A_98 : i32 to index
      %swap3A_141 = arith.constant 48 : index
      %swap3A_142 = tpu.vector_load %arg15[%swap3A_140, %swap3A_141] {strides = array<i32>} : memref<80x128xf32, #tpu.memory_space<vmem>>, vector<1x16xf32>,
      %swap3A_143 = vector.shape_cast %swap3A_142 : vector<1x16xf32> to vector<16xf32>
      %swap3A_144 = vector.shape_cast %max3A_139 : vector<16xf32> to vector<1x16xf32>
      tpu.vector_store %arg15[%swap3A_140, %swap3A_141], %swap3A_144 {strides = array<i32>} : memref<80x128xf32, #tpu.memory_space<vmem>>, vector<1x16xf32>,
      %get3A_145 = arith.index_cast %scan3A_98 : i32 to index
      %get3A_146 = arith.constant 64 : index
      %get3A_147 = tpu.vector_load %arg15[%get3A_145, %get3A_146] {strides = array<i32>} : memref<80x128xf32, #tpu.memory_space<vmem>>, vector<1x16xf32>,
      %get3A_148 = vector.shape_cast %get3A_147 : vector<1x16xf32> to vector<16xf32>
      %max3A_149 = arith.constant 0.000000e+00 : f32
      %max3A_150 = vector.broadcast %max3A_149 : f32 to vector<16xf32>
      %max3A_151 = arith.maximumf %get3A_148, %max3A_150 : vector<16xf32>
      %swap3A_152 = arith.index_cast %scan3A_98 : i32 to index
      %swap3A_153 = arith.constant 64 : index
      %swap3A_154 = tpu.vector_load %arg15[%swap3A_152, %swap3A_153] {strides = array<i32>} : memref<80x128xf32, #tpu.memory_space<vmem>>, vector<1x16xf32>,
      %swap3A_155 = vector.shape_cast %swap3A_154 : vector<1x16xf32> to vector<16xf32>
      %swap3A_156 = vector.shape_cast %max3A_151 : vector<16xf32> to vector<1x16xf32>
      tpu.vector_store %arg15[%swap3A_152, %swap3A_153], %swap3A_156 {strides = array<i32>} : memref<80x128xf32, #tpu.memory_space<vmem>>, vector<1x16xf32>,
      %get3A_157 = arith.index_cast %scan3A_98 : i32 to index
      %get3A_158 = arith.constant 80 : index
      %get3A_159 = tpu.vector_load %arg15[%get3A_157, %get3A_158] {strides = array<i32>} : memref<80x128xf32, #tpu.memory_space<vmem>>, vector<1x16xf32>,
      %get3A_160 = vector.shape_cast %get3A_159 : vector<1x16xf32> to vector<16xf32>
      %max3A_161 = arith.constant 0.000000e+00 : f32
      %max3A_162 = vector.broadcast %max3A_161 : f32 to vector<16xf32>
      %max3A_163 = arith.maximumf %get3A_160, %max3A_162 : vector<16xf32>
      %swap3A_164 = arith.index_cast %scan3A_98 : i32 to index
      %swap3A_165 = arith.constant 80 : index
      %swap3A_166 = tpu.vector_load %arg15[%swap3A_164, %swap3A_165] {strides = array<i32>} : memref<80x128xf32, #tpu.memory_space<vmem>>, vector<1x16xf32>,
      %swap3A_167 = vector.shape_cast %swap3A_166 : vector<1x16xf32> to vector<16xf32>
      %swap3A_168 = vector.shape_cast %max3A_163 : vector<16xf32> to vector<1x16xf32>
      tpu.vector_store %arg15[%swap3A_164, %swap3A_165], %swap3A_168 {strides = array<i32>} : memref<80x128xf32, #tpu.memory_space<vmem>>, vector<1x16xf32>,
      %get3A_169 = arith.index_cast %scan3A_98 : i32 to index
      %get3A_170 = arith.constant 96 : index
      %get3A_171 = tpu.vector_load %arg15[%get3A_169, %get3A_170] {strides = array<i32>} : memref<80x128xf32, #tpu.memory_space<vmem>>, vector<1x16xf32>,
      %get3A_172 = vector.shape_cast %get3A_171 : vector<1x16xf32> to vector<16xf32>
      %max3A_173 = arith.constant 0.000000e+00 : f32
      %max3A_174 = vector.broadcast %max3A_173 : f32 to vector<16xf32>
      %max3A_175 = arith.maximumf %get3A_172, %max3A_174 : vector<16xf32>
      %swap3A_176 = arith.index_cast %scan3A_98 : i32 to index
      %swap3A_177 = arith.constant 96 : index
      %swap3A_178 = tpu.vector_load %arg15[%swap3A_176, %swap3A_177] {strides = array<i32>} : memref<80x128xf32, #tpu.memory_space<vmem>>, vector<1x16xf32>,
      %swap3A_179 = vector.shape_cast %swap3A_178 : vector<1x16xf32> to vector<16xf32>
      %swap3A_180 = vector.shape_cast %max3A_175 : vector<16xf32> to vector<1x16xf32>
      tpu.vector_store %arg15[%swap3A_176, %swap3A_177], %swap3A_180 {strides = array<i32>} : memref<80x128xf32, #tpu.memory_space<vmem>>, vector<1x16xf32>,
      %get3A_181 = arith.index_cast %scan3A_98 : i32 to index
      %get3A_182 = arith.constant 112 : index
      %get3A_183 = tpu.vector_load %arg15[%get3A_181, %get3A_182] {strides = array<i32>} : memref<80x128xf32, #tpu.memory_space<vmem>>, vector<1x16xf32>,
      %get3A_184 = vector.shape_cast %get3A_183 : vector<1x16xf32> to vector<16xf32>
      %max3A_185 = arith.constant 0.000000e+00 : f32
      %max3A_186 = vector.broadcast %max3A_185 : f32 to vector<16xf32>
      %max3A_187 = arith.maximumf %get3A_184, %max3A_186 : vector<16xf32>
      %swap3A_188 = arith.index_cast %scan3A_98 : i32 to index
      %swap3A_189 = arith.constant 112 : index
      %swap3A_190 = tpu.vector_load %arg15[%swap3A_188, %swap3A_189] {strides = array<i32>} : memref<80x128xf32, #tpu.memory_space<vmem>>, vector<1x16xf32>,
      %swap3A_191 = vector.shape_cast %swap3A_190 : vector<1x16xf32> to vector<16xf32>
      %swap3A_192 = vector.shape_cast %max3A_187 : vector<16xf32> to vector<1x16xf32>
      tpu.vector_store %arg15[%swap3A_188, %swap3A_189], %swap3A_192 {strides = array<i32>} : memref<80x128xf32, #tpu.memory_space<vmem>>, vector<1x16xf32>,
      %scan3A_193 = arith.constant 0 : i32
      scf.yield %scan3A_193 : i32
    }
    %scan3A_91 = arith.constant 80 : i32
    "tpu.region"() ({
      %run_scoped3A = tpu.sem_alloc : memref<!tpu.dma_semaphore, #tpu.memory_space<semaphore_mem>>
      %dma_start3A_98 = arith.constant 0 : i32
      %dma_start3A_99 = arith.constant 0 : i32
      %dma_start3A_100 = tpu.memref_slice %arg19[%dma_start3A_98, %dma_start3A_99] : memref<10000x128xf32, #tpu.memory_space<vmem_shared>> -> memref<10000x128xf32, #tpu.memory_space<vmem_shared>>
      tpu.enqueue_indirect_dma source(%arg15 : memref<80x128xf32, #tpu.memory_space<vmem>>) target(%dma_start3A_100 : memref<10000x128xf32, #tpu.memory_space<vmem_shared>>) offsets(%arg11 : memref<80xi32, #tpu.memory_space<vmem>>) semaphore(%run_scoped3A : memref<!tpu.dma_semaphore, #tpu.memory_space<semaphore_mem>>) {add = true}
      %dma_wait3A_101 = arith.constant 0 : i32
      %dma_wait3A_102 = arith.constant 0 : i32
      %dma_wait3A_103 = tpu.memref_slice %arg19[%dma_wait3A_101, %dma_wait3A_102] : memref<10000x128xf32, #tpu.memory_space<vmem_shared>> -> memref<10000x128xf32, #tpu.memory_space<vmem_shared>>
      tpu.wait_indirect_dma semaphore(%run_scoped3A : memref<!tpu.dma_semaphore, #tpu.memory_space<semaphore_mem>>) src(%arg15 : memref<80x128xf32, #tpu.memory_space<vmem>>) dst(%dma_wait3A_103 : memref<10000x128xf32, #tpu.memory_space<vmem_shared>>)
      tpu.yield
    }) : () -> ()
    %barrier3A_92 = arith.constant 0 : index
    tpu.barrier barrier_id(%barrier3A_92)
    "tpu.region"() ({
      %run_scoped3A = tpu.sem_alloc : memref<!tpu.dma_semaphore, #tpu.memory_space<semaphore_mem>>
      %dma_start3A_98 = arith.constant 0 : i32
      %dma_start3A_99 = tpu.memref_slice %arg6[%arg0, %mul3A_4, %dma_start3A_98] : memref<2x10000x128xf32, #tpu.memory_space<hbm>> -> memref<1x624x128xf32, #tpu.memory_space<hbm>>
      %dma_start3A_100 = tpu.memref_squeeze %dma_start3A_99 : memref<1x624x128xf32, #tpu.memory_space<hbm>> -> memref<624x128xf32, #tpu.memory_space<hbm>>
      %dma_start3A_101 = arith.constant 0 : i32
      %dma_start3A_102 = tpu.memref_slice %arg19[%mul3A_4, %dma_start3A_101] : memref<10000x128xf32, #tpu.memory_space<vmem_shared>> -> memref<624x128xf32, #tpu.memory_space<vmem_shared>>
      tpu.enqueue_dma source(%dma_start3A_102 : memref<624x128xf32, #tpu.memory_space<vmem_shared>>) target(%dma_start3A_100 : memref<624x128xf32, #tpu.memory_space<hbm>>) target_semaphore(%run_scoped3A : memref<!tpu.dma_semaphore, #tpu.memory_space<semaphore_mem>>)
      %dma_wait3A_103 = arith.constant 0 : i32
      %dma_wait3A_104 = tpu.memref_slice %arg6[%arg0, %mul3A_4, %dma_wait3A_103] : memref<2x10000x128xf32, #tpu.memory_space<hbm>> -> memref<1x624x128xf32, #tpu.memory_space<hbm>>
      %dma_wait3A_105 = tpu.memref_squeeze %dma_wait3A_104 : memref<1x624x128xf32, #tpu.memory_space<hbm>> -> memref<624x128xf32, #tpu.memory_space<hbm>>
      %dma_wait3A_106 = arith.constant 0 : i32
      %dma_wait3A_107 = tpu.memref_slice %arg19[%mul3A_4, %dma_wait3A_106] : memref<10000x128xf32, #tpu.memory_space<vmem_shared>> -> memref<624x128xf32, #tpu.memory_space<vmem_shared>>
      tpu.wait_dma2 semaphore(%run_scoped3A : memref<!tpu.dma_semaphore, #tpu.memory_space<semaphore_mem>>) src(%dma_wait3A_107 : memref<624x128xf32, #tpu.memory_space<vmem_shared>>) dst(%dma_wait3A_105 : memref<624x128xf32, #tpu.memory_space<hbm>>)
      tpu.yield
    }) : () -> ()
    %eq3A_93 = arith.constant 15 : i32
    %eq3A_94 = arith.cmpi eq, %arg1, %eq3A_93 : i32
    %convert_element_type3A_95 = arith.extui %eq3A_94 : i1 to i32
    %cond3A_96 = arith.constant 0 : i32
    %cond3A_97 = arith.cmpi ne, %convert_element_type3A_95, %cond3A_96 : i32
    scf.if %cond3A_97 {
      "tpu.region"() ({
        %run_scoped3A = tpu.sem_alloc : memref<!tpu.dma_semaphore, #tpu.memory_space<semaphore_mem>>
        %dma_start3A_98 = arith.constant 9984 : i32
        %dma_start3A_99 = arith.constant 0 : i32
        %dma_start3A_100 = tpu.memref_slice %arg6[%arg0, %dma_start3A_98, %dma_start3A_99] : memref<2x10000x128xf32, #tpu.memory_space<hbm>> -> memref<1x16x128xf32, #tpu.memory_space<hbm>>
        %dma_start3A_101 = tpu.memref_squeeze %dma_start3A_100 : memref<1x16x128xf32, #tpu.memory_space<hbm>> -> memref<16x128xf32, #tpu.memory_space<hbm>>
        %dma_start3A_102 = arith.constant 9984 : i32
        %dma_start3A_103 = arith.constant 0 : i32
        %dma_start3A_104 = tpu.memref_slice %arg19[%dma_start3A_102, %dma_start3A_103] : memref<10000x128xf32, #tpu.memory_space<vmem_shared>> -> memref<16x128xf32, #tpu.memory_space<vmem_shared>>
        tpu.enqueue_dma source(%dma_start3A_104 : memref<16x128xf32, #tpu.memory_space<vmem_shared>>) target(%dma_start3A_101 : memref<16x128xf32, #tpu.memory_space<hbm>>) target_semaphore(%run_scoped3A : memref<!tpu.dma_semaphore, #tpu.memory_space<semaphore_mem>>)
        %dma_wait3A_105 = arith.constant 9984 : i32
        %dma_wait3A_106 = arith.constant 0 : i32
        %dma_wait3A_107 = tpu.memref_slice %arg6[%arg0, %dma_wait3A_105, %dma_wait3A_106] : memref<2x10000x128xf32, #tpu.memory_space<hbm>> -> memref<1x16x128xf32, #tpu.memory_space<hbm>>
        %dma_wait3A_108 = tpu.memref_squeeze %dma_wait3A_107 : memref<1x16x128xf32, #tpu.memory_space<hbm>> -> memref<16x128xf32, #tpu.memory_space<hbm>>
        %dma_wait3A_109 = arith.constant 9984 : i32
        %dma_wait3A_110 = arith.constant 0 : i32
        %dma_wait3A_111 = tpu.memref_slice %arg19[%dma_wait3A_109, %dma_wait3A_110] : memref<10000x128xf32, #tpu.memory_space<vmem_shared>> -> memref<16x128xf32, #tpu.memory_space<vmem_shared>>
        tpu.wait_dma2 semaphore(%run_scoped3A : memref<!tpu.dma_semaphore, #tpu.memory_space<semaphore_mem>>) src(%dma_wait3A_111 : memref<16x128xf32, #tpu.memory_space<vmem_shared>>) dst(%dma_wait3A_108 : memref<16x128xf32, #tpu.memory_space<hbm>>)
        tpu.yield
      }) : () -> ()
    } else {
    }
    return
  }
}

#map = affine_map<(d0, d1) -> (0, 0)>
#map1 = affine_map<(d0, d1) -> (0)>
#map2 = affine_map<(d0, d1) -> (0, 0, 0)>
module attributes {stable_mosaic.version = 14 : i64} {
  func.func @edge_agg(%arg0: i32, %arg1: i32, %arg2: memref<10000x128xf32, #tpu.memory_space<hbm>>, %arg3: memref<320000x128xf32, #tpu.memory_space<hbm>>, %arg4: memref<320000xi32, #tpu.memory_space<hbm>>, %arg5: memref<320000xi32, #tpu.memory_space<hbm>>, %arg6: memref<2x10000x128xf32, #tpu.memory_space<hbm>>, %arg7: memref<80xi32, #tpu.memory_space<vmem>>, %arg8: memref<80xi32, #tpu.memory_space<vmem>>, %arg9: memref<80xi32, #tpu.memory_space<vmem>>, %arg10: memref<80xi32, #tpu.memory_space<vmem>>, %arg11: memref<80xi32, #tpu.memory_space<vmem>>, %arg12: memref<80xi32, #tpu.memory_space<vmem>>, %arg13: memref<80xi32, #tpu.memory_space<vmem>>, %arg14: memref<80xi32, #tpu.memory_space<vmem>>, %arg15: memref<80x128xf32, #tpu.memory_space<vmem>>, %arg16: memref<80x128xf32, #tpu.memory_space<vmem>>, %arg17: memref<80x128xf32, #tpu.memory_space<vmem>>, %arg18: memref<80x128xf32, #tpu.memory_space<vmem>>, %arg19: memref<10000x128xf32, #tpu.memory_space<vmem_shared>>, %arg20: memref<!tpu.dma_semaphore, #tpu.memory_space<semaphore_mem>>, %arg21: memref<!tpu.dma_semaphore, #tpu.memory_space<semaphore_mem>>, %arg22: memref<!tpu.dma_semaphore, #tpu.memory_space<semaphore_mem>>, %arg23: memref<!tpu.dma_semaphore, #tpu.memory_space<semaphore_mem>>, %arg24: memref<!tpu.dma_semaphore, #tpu.memory_space<semaphore_mem>>, %arg25: memref<!tpu.dma_semaphore, #tpu.memory_space<semaphore_mem>>, %arg26: memref<!tpu.dma_semaphore, #tpu.memory_space<semaphore_mem>>, %arg27: memref<!tpu.dma_semaphore, #tpu.memory_space<semaphore_mem>>, %arg28: memref<!tpu.dma_semaphore, #tpu.memory_space<semaphore_mem>>, %arg29: memref<!tpu.dma_semaphore, #tpu.memory_space<semaphore_mem>>, %arg30: memref<!tpu.dma_semaphore, #tpu.memory_space<semaphore_mem>>, %arg31: memref<!tpu.dma_semaphore, #tpu.memory_space<semaphore_mem>>) attributes {dimension_semantics = [#tpu.dimension_semantics<core_parallel>, #tpu.dimension_semantics<subcore_parallel>], iteration_bounds = array<i64: 2, 16>, scalar_prefetch = 0 : i64, scratch_operands = 25 : i64, tpu.core_type = #tpu.core_type<sc_vector_subcore>, window_params = [{transform_indices = #map}, {transform_indices = #map}, {transform_indices = #map1}, {transform_indices = #map1}, {transform_indices = #map2}]} {
    %mul3A = arith.constant 16 : i32
    %mul3A_0 = arith.muli %arg0, %mul3A : i32
    %add3A = arith.addi %mul3A_0, %arg1 : i32
    %mul3A_1 = arith.constant 10000 : i32
    %mul3A_2 = arith.muli %add3A, %mul3A_1 : i32
    %mul3A_3 = arith.constant 624 : i32
    %mul3A_4 = arith.muli %arg1, %mul3A_3 : i32
    %broadcast_in_dim3A = arith.constant 0.000000e+00 : f32
    %broadcast_in_dim3A_5 = vector.broadcast %broadcast_in_dim3A : f32 to vector<16xf32>
    %scan3A = arith.constant 0 : i32
    %scan3A_6 = arith.constant 0 : i32
    %scan3A_7 = arith.constant 80 : i32
    %scan3A_8 = arith.addi %scan3A_6, %scan3A_7 : i32
    %scan3A_9 = arith.constant 1 : i32
    %scan3A_10 = scf.for %scan3A_98 = %scan3A_6 to %scan3A_8 step %scan3A_9 iter_args(%scan3A_99 = %scan3A) -> (i32)  : i32 {
      %swap3A = arith.index_cast %scan3A_98 : i32 to index
      %swap3A_100 = arith.constant 0 : index
      %swap3A_101 = tpu.vector_load %arg15[%swap3A, %swap3A_100] {strides = array<i32>} : memref<80x128xf32, #tpu.memory_space<vmem>>, vector<1x16xf32>,
      %swap3A_102 = vector.shape_cast %swap3A_101 : vector<1x16xf32> to vector<16xf32>
      %swap3A_103 = vector.shape_cast %broadcast_in_dim3A_5 : vector<16xf32> to vector<1x16xf32>
      tpu.vector_store %arg15[%swap3A, %swap3A_100], %swap3A_103 {strides = array<i32>} : memref<80x128xf32, #tpu.memory_space<vmem>>, vector<1x16xf32>,
      %swap3A_104 = arith.index_cast %scan3A_98 : i32 to index
      %swap3A_105 = arith.constant 16 : index
      %swap3A_106 = tpu.vector_load %arg15[%swap3A_104, %swap3A_105] {strides = array<i32>} : memref<80x128xf32, #tpu.memory_space<vmem>>, vector<1x16xf32>,
      %swap3A_107 = vector.shape_cast %swap3A_106 : vector<1x16xf32> to vector<16xf32>
      %swap3A_108 = vector.shape_cast %broadcast_in_dim3A_5 : vector<16xf32> to vector<1x16xf32>
      tpu.vector_store %arg15[%swap3A_104, %swap3A_105], %swap3A_108 {strides = array<i32>} : memref<80x128xf32, #tpu.memory_space<vmem>>, vector<1x16xf32>,
      %swap3A_109 = arith.index_cast %scan3A_98 : i32 to index
      %swap3A_110 = arith.constant 32 : index
      %swap3A_111 = tpu.vector_load %arg15[%swap3A_109, %swap3A_110] {strides = array<i32>} : memref<80x128xf32, #tpu.memory_space<vmem>>, vector<1x16xf32>,
      %swap3A_112 = vector.shape_cast %swap3A_111 : vector<1x16xf32> to vector<16xf32>
      %swap3A_113 = vector.shape_cast %broadcast_in_dim3A_5 : vector<16xf32> to vector<1x16xf32>
      tpu.vector_store %arg15[%swap3A_109, %swap3A_110], %swap3A_113 {strides = array<i32>} : memref<80x128xf32, #tpu.memory_space<vmem>>, vector<1x16xf32>,
      %swap3A_114 = arith.index_cast %scan3A_98 : i32 to index
      %swap3A_115 = arith.constant 48 : index
      %swap3A_116 = tpu.vector_load %arg15[%swap3A_114, %swap3A_115] {strides = array<i32>} : memref<80x128xf32, #tpu.memory_space<vmem>>, vector<1x16xf32>,
      %swap3A_117 = vector.shape_cast %swap3A_116 : vector<1x16xf32> to vector<16xf32>
      %swap3A_118 = vector.shape_cast %broadcast_in_dim3A_5 : vector<16xf32> to vector<1x16xf32>
      tpu.vector_store %arg15[%swap3A_114, %swap3A_115], %swap3A_118 {strides = array<i32>} : memref<80x128xf32, #tpu.memory_space<vmem>>, vector<1x16xf32>,
      %swap3A_119 = arith.index_cast %scan3A_98 : i32 to index
      %swap3A_120 = arith.constant 64 : index
      %swap3A_121 = tpu.vector_load %arg15[%swap3A_119, %swap3A_120] {strides = array<i32>} : memref<80x128xf32, #tpu.memory_space<vmem>>, vector<1x16xf32>,
      %swap3A_122 = vector.shape_cast %swap3A_121 : vector<1x16xf32> to vector<16xf32>
      %swap3A_123 = vector.shape_cast %broadcast_in_dim3A_5 : vector<16xf32> to vector<1x16xf32>
      tpu.vector_store %arg15[%swap3A_119, %swap3A_120], %swap3A_123 {strides = array<i32>} : memref<80x128xf32, #tpu.memory_space<vmem>>, vector<1x16xf32>,
      %swap3A_124 = arith.index_cast %scan3A_98 : i32 to index
      %swap3A_125 = arith.constant 80 : index
      %swap3A_126 = tpu.vector_load %arg15[%swap3A_124, %swap3A_125] {strides = array<i32>} : memref<80x128xf32, #tpu.memory_space<vmem>>, vector<1x16xf32>,
      %swap3A_127 = vector.shape_cast %swap3A_126 : vector<1x16xf32> to vector<16xf32>
      %swap3A_128 = vector.shape_cast %broadcast_in_dim3A_5 : vector<16xf32> to vector<1x16xf32>
      tpu.vector_store %arg15[%swap3A_124, %swap3A_125], %swap3A_128 {strides = array<i32>} : memref<80x128xf32, #tpu.memory_space<vmem>>, vector<1x16xf32>,
      %swap3A_129 = arith.index_cast %scan3A_98 : i32 to index
      %swap3A_130 = arith.constant 96 : index
      %swap3A_131 = tpu.vector_load %arg15[%swap3A_129, %swap3A_130] {strides = array<i32>} : memref<80x128xf32, #tpu.memory_space<vmem>>, vector<1x16xf32>,
      %swap3A_132 = vector.shape_cast %swap3A_131 : vector<1x16xf32> to vector<16xf32>
      %swap3A_133 = vector.shape_cast %broadcast_in_dim3A_5 : vector<16xf32> to vector<1x16xf32>
      tpu.vector_store %arg15[%swap3A_129, %swap3A_130], %swap3A_133 {strides = array<i32>} : memref<80x128xf32, #tpu.memory_space<vmem>>, vector<1x16xf32>,
      %swap3A_134 = arith.index_cast %scan3A_98 : i32 to index
      %swap3A_135 = arith.constant 112 : index
      %swap3A_136 = tpu.vector_load %arg15[%swap3A_134, %swap3A_135] {strides = array<i32>} : memref<80x128xf32, #tpu.memory_space<vmem>>, vector<1x16xf32>,
      %swap3A_137 = vector.shape_cast %swap3A_136 : vector<1x16xf32> to vector<16xf32>
      %swap3A_138 = vector.shape_cast %broadcast_in_dim3A_5 : vector<16xf32> to vector<1x16xf32>
      tpu.vector_store %arg15[%swap3A_134, %swap3A_135], %swap3A_138 {strides = array<i32>} : memref<80x128xf32, #tpu.memory_space<vmem>>, vector<1x16xf32>,
      %scan3A_139 = arith.constant 0 : i32
      scf.yield %scan3A_139 : i32
    }
    %scan3A_11 = arith.constant 80 : i32
    %add3A_12 = arith.constant 0 : i32
    %add3A_13 = arith.addi %mul3A_4, %add3A_12 : i32
    "tpu.region"() ({
      %run_scoped3A = tpu.sem_alloc : memref<!tpu.dma_semaphore, #tpu.memory_space<semaphore_mem>>
      %dma_start3A_98 = arith.constant 0 : i32
      %dma_start3A_99 = tpu.memref_slice %arg19[%add3A_13, %dma_start3A_98] : memref<10000x128xf32, #tpu.memory_space<vmem_shared>> -> memref<80x128xf32, #tpu.memory_space<vmem_shared>>
      %dma_start3A_100 = arith.constant 0 : i32
      %dma_start3A_101 = tpu.memref_slice %arg19[%add3A_13, %dma_start3A_100] : memref<10000x128xf32, #tpu.memory_space<vmem_shared>> -> memref<80x128xf32, #tpu.memory_space<vmem_shared>>
      tpu.enqueue_dma source(%arg15 : memref<80x128xf32, #tpu.memory_space<vmem>>) target(%dma_start3A_101 : memref<80x128xf32, #tpu.memory_space<vmem_shared>>) target_semaphore(%run_scoped3A : memref<!tpu.dma_semaphore, #tpu.memory_space<semaphore_mem>>)
      %dma_wait3A_102 = arith.constant 0 : i32
      %dma_wait3A_103 = tpu.memref_slice %arg19[%add3A_13, %dma_wait3A_102] : memref<10000x128xf32, #tpu.memory_space<vmem_shared>> -> memref<80x128xf32, #tpu.memory_space<vmem_shared>>
      %dma_wait3A_104 = arith.constant 0 : i32
      %dma_wait3A_105 = tpu.memref_slice %arg19[%add3A_13, %dma_wait3A_104] : memref<10000x128xf32, #tpu.memory_space<vmem_shared>> -> memref<80x128xf32, #tpu.memory_space<vmem_shared>>
      tpu.wait_dma2 semaphore(%run_scoped3A : memref<!tpu.dma_semaphore, #tpu.memory_space<semaphore_mem>>) src(%arg15 : memref<80x128xf32, #tpu.memory_space<vmem>>) dst(%dma_wait3A_105 : memref<80x128xf32, #tpu.memory_space<vmem_shared>>)
      tpu.yield
    }) : () -> ()
    %add3A_14 = arith.constant 80 : i32
    %add3A_15 = arith.addi %mul3A_4, %add3A_14 : i32
    "tpu.region"() ({
      %run_scoped3A = tpu.sem_alloc : memref<!tpu.dma_semaphore, #tpu.memory_space<semaphore_mem>>
      %dma_start3A_98 = arith.constant 0 : i32
      %dma_start3A_99 = tpu.memref_slice %arg19[%add3A_15, %dma_start3A_98] : memref<10000x128xf32, #tpu.memory_space<vmem_shared>> -> memref<80x128xf32, #tpu.memory_space<vmem_shared>>
      %dma_start3A_100 = arith.constant 0 : i32
      %dma_start3A_101 = tpu.memref_slice %arg19[%add3A_15, %dma_start3A_100] : memref<10000x128xf32, #tpu.memory_space<vmem_shared>> -> memref<80x128xf32, #tpu.memory_space<vmem_shared>>
      tpu.enqueue_dma source(%arg15 : memref<80x128xf32, #tpu.memory_space<vmem>>) target(%dma_start3A_101 : memref<80x128xf32, #tpu.memory_space<vmem_shared>>) target_semaphore(%run_scoped3A : memref<!tpu.dma_semaphore, #tpu.memory_space<semaphore_mem>>)
      %dma_wait3A_102 = arith.constant 0 : i32
      %dma_wait3A_103 = tpu.memref_slice %arg19[%add3A_15, %dma_wait3A_102] : memref<10000x128xf32, #tpu.memory_space<vmem_shared>> -> memref<80x128xf32, #tpu.memory_space<vmem_shared>>
      %dma_wait3A_104 = arith.constant 0 : i32
      %dma_wait3A_105 = tpu.memref_slice %arg19[%add3A_15, %dma_wait3A_104] : memref<10000x128xf32, #tpu.memory_space<vmem_shared>> -> memref<80x128xf32, #tpu.memory_space<vmem_shared>>
      tpu.wait_dma2 semaphore(%run_scoped3A : memref<!tpu.dma_semaphore, #tpu.memory_space<semaphore_mem>>) src(%arg15 : memref<80x128xf32, #tpu.memory_space<vmem>>) dst(%dma_wait3A_105 : memref<80x128xf32, #tpu.memory_space<vmem_shared>>)
      tpu.yield
    }) : () -> ()
    %add3A_16 = arith.constant 160 : i32
    %add3A_17 = arith.addi %mul3A_4, %add3A_16 : i32
    "tpu.region"() ({
      %run_scoped3A = tpu.sem_alloc : memref<!tpu.dma_semaphore, #tpu.memory_space<semaphore_mem>>
      %dma_start3A_98 = arith.constant 0 : i32
      %dma_start3A_99 = tpu.memref_slice %arg19[%add3A_17, %dma_start3A_98] : memref<10000x128xf32, #tpu.memory_space<vmem_shared>> -> memref<80x128xf32, #tpu.memory_space<vmem_shared>>
      %dma_start3A_100 = arith.constant 0 : i32
      %dma_start3A_101 = tpu.memref_slice %arg19[%add3A_17, %dma_start3A_100] : memref<10000x128xf32, #tpu.memory_space<vmem_shared>> -> memref<80x128xf32, #tpu.memory_space<vmem_shared>>
      tpu.enqueue_dma source(%arg15 : memref<80x128xf32, #tpu.memory_space<vmem>>) target(%dma_start3A_101 : memref<80x128xf32, #tpu.memory_space<vmem_shared>>) target_semaphore(%run_scoped3A : memref<!tpu.dma_semaphore, #tpu.memory_space<semaphore_mem>>)
      %dma_wait3A_102 = arith.constant 0 : i32
      %dma_wait3A_103 = tpu.memref_slice %arg19[%add3A_17, %dma_wait3A_102] : memref<10000x128xf32, #tpu.memory_space<vmem_shared>> -> memref<80x128xf32, #tpu.memory_space<vmem_shared>>
      %dma_wait3A_104 = arith.constant 0 : i32
      %dma_wait3A_105 = tpu.memref_slice %arg19[%add3A_17, %dma_wait3A_104] : memref<10000x128xf32, #tpu.memory_space<vmem_shared>> -> memref<80x128xf32, #tpu.memory_space<vmem_shared>>
      tpu.wait_dma2 semaphore(%run_scoped3A : memref<!tpu.dma_semaphore, #tpu.memory_space<semaphore_mem>>) src(%arg15 : memref<80x128xf32, #tpu.memory_space<vmem>>) dst(%dma_wait3A_105 : memref<80x128xf32, #tpu.memory_space<vmem_shared>>)
      tpu.yield
    }) : () -> ()
    %add3A_18 = arith.constant 240 : i32
    %add3A_19 = arith.addi %mul3A_4, %add3A_18 : i32
    "tpu.region"() ({
      %run_scoped3A = tpu.sem_alloc : memref<!tpu.dma_semaphore, #tpu.memory_space<semaphore_mem>>
      %dma_start3A_98 = arith.constant 0 : i32
      %dma_start3A_99 = tpu.memref_slice %arg19[%add3A_19, %dma_start3A_98] : memref<10000x128xf32, #tpu.memory_space<vmem_shared>> -> memref<80x128xf32, #tpu.memory_space<vmem_shared>>
      %dma_start3A_100 = arith.constant 0 : i32
      %dma_start3A_101 = tpu.memref_slice %arg19[%add3A_19, %dma_start3A_100] : memref<10000x128xf32, #tpu.memory_space<vmem_shared>> -> memref<80x128xf32, #tpu.memory_space<vmem_shared>>
      tpu.enqueue_dma source(%arg15 : memref<80x128xf32, #tpu.memory_space<vmem>>) target(%dma_start3A_101 : memref<80x128xf32, #tpu.memory_space<vmem_shared>>) target_semaphore(%run_scoped3A : memref<!tpu.dma_semaphore, #tpu.memory_space<semaphore_mem>>)
      %dma_wait3A_102 = arith.constant 0 : i32
      %dma_wait3A_103 = tpu.memref_slice %arg19[%add3A_19, %dma_wait3A_102] : memref<10000x128xf32, #tpu.memory_space<vmem_shared>> -> memref<80x128xf32, #tpu.memory_space<vmem_shared>>
      %dma_wait3A_104 = arith.constant 0 : i32
      %dma_wait3A_105 = tpu.memref_slice %arg19[%add3A_19, %dma_wait3A_104] : memref<10000x128xf32, #tpu.memory_space<vmem_shared>> -> memref<80x128xf32, #tpu.memory_space<vmem_shared>>
      tpu.wait_dma2 semaphore(%run_scoped3A : memref<!tpu.dma_semaphore, #tpu.memory_space<semaphore_mem>>) src(%arg15 : memref<80x128xf32, #tpu.memory_space<vmem>>) dst(%dma_wait3A_105 : memref<80x128xf32, #tpu.memory_space<vmem_shared>>)
      tpu.yield
    }) : () -> ()
    %add3A_20 = arith.constant 320 : i32
    %add3A_21 = arith.addi %mul3A_4, %add3A_20 : i32
    "tpu.region"() ({
      %run_scoped3A = tpu.sem_alloc : memref<!tpu.dma_semaphore, #tpu.memory_space<semaphore_mem>>
      %dma_start3A_98 = arith.constant 0 : i32
      %dma_start3A_99 = tpu.memref_slice %arg19[%add3A_21, %dma_start3A_98] : memref<10000x128xf32, #tpu.memory_space<vmem_shared>> -> memref<80x128xf32, #tpu.memory_space<vmem_shared>>
      %dma_start3A_100 = arith.constant 0 : i32
      %dma_start3A_101 = tpu.memref_slice %arg19[%add3A_21, %dma_start3A_100] : memref<10000x128xf32, #tpu.memory_space<vmem_shared>> -> memref<80x128xf32, #tpu.memory_space<vmem_shared>>
      tpu.enqueue_dma source(%arg15 : memref<80x128xf32, #tpu.memory_space<vmem>>) target(%dma_start3A_101 : memref<80x128xf32, #tpu.memory_space<vmem_shared>>) target_semaphore(%run_scoped3A : memref<!tpu.dma_semaphore, #tpu.memory_space<semaphore_mem>>)
      %dma_wait3A_102 = arith.constant 0 : i32
      %dma_wait3A_103 = tpu.memref_slice %arg19[%add3A_21, %dma_wait3A_102] : memref<10000x128xf32, #tpu.memory_space<vmem_shared>> -> memref<80x128xf32, #tpu.memory_space<vmem_shared>>
      %dma_wait3A_104 = arith.constant 0 : i32
      %dma_wait3A_105 = tpu.memref_slice %arg19[%add3A_21, %dma_wait3A_104] : memref<10000x128xf32, #tpu.memory_space<vmem_shared>> -> memref<80x128xf32, #tpu.memory_space<vmem_shared>>
      tpu.wait_dma2 semaphore(%run_scoped3A : memref<!tpu.dma_semaphore, #tpu.memory_space<semaphore_mem>>) src(%arg15 : memref<80x128xf32, #tpu.memory_space<vmem>>) dst(%dma_wait3A_105 : memref<80x128xf32, #tpu.memory_space<vmem_shared>>)
      tpu.yield
    }) : () -> ()
    %add3A_22 = arith.constant 400 : i32
    %add3A_23 = arith.addi %mul3A_4, %add3A_22 : i32
    "tpu.region"() ({
      %run_scoped3A = tpu.sem_alloc : memref<!tpu.dma_semaphore, #tpu.memory_space<semaphore_mem>>
      %dma_start3A_98 = arith.constant 0 : i32
      %dma_start3A_99 = tpu.memref_slice %arg19[%add3A_23, %dma_start3A_98] : memref<10000x128xf32, #tpu.memory_space<vmem_shared>> -> memref<80x128xf32, #tpu.memory_space<vmem_shared>>
      %dma_start3A_100 = arith.constant 0 : i32
      %dma_start3A_101 = tpu.memref_slice %arg19[%add3A_23, %dma_start3A_100] : memref<10000x128xf32, #tpu.memory_space<vmem_shared>> -> memref<80x128xf32, #tpu.memory_space<vmem_shared>>
      tpu.enqueue_dma source(%arg15 : memref<80x128xf32, #tpu.memory_space<vmem>>) target(%dma_start3A_101 : memref<80x128xf32, #tpu.memory_space<vmem_shared>>) target_semaphore(%run_scoped3A : memref<!tpu.dma_semaphore, #tpu.memory_space<semaphore_mem>>)
      %dma_wait3A_102 = arith.constant 0 : i32
      %dma_wait3A_103 = tpu.memref_slice %arg19[%add3A_23, %dma_wait3A_102] : memref<10000x128xf32, #tpu.memory_space<vmem_shared>> -> memref<80x128xf32, #tpu.memory_space<vmem_shared>>
      %dma_wait3A_104 = arith.constant 0 : i32
      %dma_wait3A_105 = tpu.memref_slice %arg19[%add3A_23, %dma_wait3A_104] : memref<10000x128xf32, #tpu.memory_space<vmem_shared>> -> memref<80x128xf32, #tpu.memory_space<vmem_shared>>
      tpu.wait_dma2 semaphore(%run_scoped3A : memref<!tpu.dma_semaphore, #tpu.memory_space<semaphore_mem>>) src(%arg15 : memref<80x128xf32, #tpu.memory_space<vmem>>) dst(%dma_wait3A_105 : memref<80x128xf32, #tpu.memory_space<vmem_shared>>)
      tpu.yield
    }) : () -> ()
    %add3A_24 = arith.constant 480 : i32
    %add3A_25 = arith.addi %mul3A_4, %add3A_24 : i32
    "tpu.region"() ({
      %run_scoped3A = tpu.sem_alloc : memref<!tpu.dma_semaphore, #tpu.memory_space<semaphore_mem>>
      %dma_start3A_98 = arith.constant 0 : i32
      %dma_start3A_99 = tpu.memref_slice %arg19[%add3A_25, %dma_start3A_98] : memref<10000x128xf32, #tpu.memory_space<vmem_shared>> -> memref<80x128xf32, #tpu.memory_space<vmem_shared>>
      %dma_start3A_100 = arith.constant 0 : i32
      %dma_start3A_101 = tpu.memref_slice %arg19[%add3A_25, %dma_start3A_100] : memref<10000x128xf32, #tpu.memory_space<vmem_shared>> -> memref<80x128xf32, #tpu.memory_space<vmem_shared>>
      tpu.enqueue_dma source(%arg15 : memref<80x128xf32, #tpu.memory_space<vmem>>) target(%dma_start3A_101 : memref<80x128xf32, #tpu.memory_space<vmem_shared>>) target_semaphore(%run_scoped3A : memref<!tpu.dma_semaphore, #tpu.memory_space<semaphore_mem>>)
      %dma_wait3A_102 = arith.constant 0 : i32
      %dma_wait3A_103 = tpu.memref_slice %arg19[%add3A_25, %dma_wait3A_102] : memref<10000x128xf32, #tpu.memory_space<vmem_shared>> -> memref<80x128xf32, #tpu.memory_space<vmem_shared>>
      %dma_wait3A_104 = arith.constant 0 : i32
      %dma_wait3A_105 = tpu.memref_slice %arg19[%add3A_25, %dma_wait3A_104] : memref<10000x128xf32, #tpu.memory_space<vmem_shared>> -> memref<80x128xf32, #tpu.memory_space<vmem_shared>>
      tpu.wait_dma2 semaphore(%run_scoped3A : memref<!tpu.dma_semaphore, #tpu.memory_space<semaphore_mem>>) src(%arg15 : memref<80x128xf32, #tpu.memory_space<vmem>>) dst(%dma_wait3A_105 : memref<80x128xf32, #tpu.memory_space<vmem_shared>>)
      tpu.yield
    }) : () -> ()
    %add3A_26 = arith.constant 560 : i32
    %add3A_27 = arith.addi %mul3A_4, %add3A_26 : i32
    "tpu.region"() ({
      %run_scoped3A = tpu.sem_alloc : memref<!tpu.dma_semaphore, #tpu.memory_space<semaphore_mem>>
      %dma_start3A_98 = arith.constant 0 : i32
      %dma_start3A_99 = arith.constant 0 : i32
      %dma_start3A_100 = tpu.memref_slice %arg15[%dma_start3A_98, %dma_start3A_99] : memref<80x128xf32, #tpu.memory_space<vmem>> -> memref<64x128xf32, #tpu.memory_space<vmem>>
      %dma_start3A_101 = arith.constant 0 : i32
      %dma_start3A_102 = tpu.memref_slice %arg19[%add3A_27, %dma_start3A_101] : memref<10000x128xf32, #tpu.memory_space<vmem_shared>> -> memref<64x128xf32, #tpu.memory_space<vmem_shared>>
      %dma_start3A_103 = arith.constant 0 : i32
      %dma_start3A_104 = tpu.memref_slice %arg19[%add3A_27, %dma_start3A_103] : memref<10000x128xf32, #tpu.memory_space<vmem_shared>> -> memref<64x128xf32, #tpu.memory_space<vmem_shared>>
      %dma_start3A_105 = arith.constant 0 : i32
      %dma_start3A_106 = arith.constant 0 : i32
      %dma_start3A_107 = tpu.memref_slice %arg15[%dma_start3A_105, %dma_start3A_106] : memref<80x128xf32, #tpu.memory_space<vmem>> -> memref<64x128xf32, #tpu.memory_space<vmem>>
      tpu.enqueue_dma source(%dma_start3A_107 : memref<64x128xf32, #tpu.memory_space<vmem>>) target(%dma_start3A_104 : memref<64x128xf32, #tpu.memory_space<vmem_shared>>) target_semaphore(%run_scoped3A : memref<!tpu.dma_semaphore, #tpu.memory_space<semaphore_mem>>)
      %dma_wait3A_108 = arith.constant 0 : i32
      %dma_wait3A_109 = arith.constant 0 : i32
      %dma_wait3A_110 = tpu.memref_slice %arg15[%dma_wait3A_108, %dma_wait3A_109] : memref<80x128xf32, #tpu.memory_space<vmem>> -> memref<64x128xf32, #tpu.memory_space<vmem>>
      %dma_wait3A_111 = arith.constant 0 : i32
      %dma_wait3A_112 = tpu.memref_slice %arg19[%add3A_27, %dma_wait3A_111] : memref<10000x128xf32, #tpu.memory_space<vmem_shared>> -> memref<64x128xf32, #tpu.memory_space<vmem_shared>>
      %dma_wait3A_113 = arith.constant 0 : i32
      %dma_wait3A_114 = tpu.memref_slice %arg19[%add3A_27, %dma_wait3A_113] : memref<10000x128xf32, #tpu.memory_space<vmem_shared>> -> memref<64x128xf32, #tpu.memory_space<vmem_shared>>
      %dma_wait3A_115 = arith.constant 0 : i32
      %dma_wait3A_116 = arith.constant 0 : i32
      %dma_wait3A_117 = tpu.memref_slice %arg15[%dma_wait3A_115, %dma_wait3A_116] : memref<80x128xf32, #tpu.memory_space<vmem>> -> memref<64x128xf32, #tpu.memory_space<vmem>>
      tpu.wait_dma2 semaphore(%run_scoped3A : memref<!tpu.dma_semaphore, #tpu.memory_space<semaphore_mem>>) src(%dma_wait3A_117 : memref<64x128xf32, #tpu.memory_space<vmem>>) dst(%dma_wait3A_114 : memref<64x128xf32, #tpu.memory_space<vmem_shared>>)
      tpu.yield
    }) : () -> ()
    %eq3A = arith.constant 15 : i32
    %eq3A_28 = arith.cmpi eq, %arg1, %eq3A : i32
    %convert_element_type3A = arith.extui %eq3A_28 : i1 to i32
    %cond3A = arith.constant 0 : i32
    %cond3A_29 = arith.cmpi ne, %convert_element_type3A, %cond3A : i32
    scf.if %cond3A_29 {
      "tpu.region"() ({
        %run_scoped3A = tpu.sem_alloc : memref<!tpu.dma_semaphore, #tpu.memory_space<semaphore_mem>>
        %dma_start3A_98 = arith.constant 0 : i32
        %dma_start3A_99 = arith.constant 0 : i32
        %dma_start3A_100 = tpu.memref_slice %arg15[%dma_start3A_98, %dma_start3A_99] : memref<80x128xf32, #tpu.memory_space<vmem>> -> memref<16x128xf32, #tpu.memory_space<vmem>>
        %dma_start3A_101 = arith.constant 9984 : i32
        %dma_start3A_102 = arith.constant 0 : i32
        %dma_start3A_103 = tpu.memref_slice %arg19[%dma_start3A_101, %dma_start3A_102] : memref<10000x128xf32, #tpu.memory_space<vmem_shared>> -> memref<16x128xf32, #tpu.memory_space<vmem_shared>>
        %dma_start3A_104 = arith.constant 9984 : i32
        %dma_start3A_105 = arith.constant 0 : i32
        %dma_start3A_106 = tpu.memref_slice %arg19[%dma_start3A_104, %dma_start3A_105] : memref<10000x128xf32, #tpu.memory_space<vmem_shared>> -> memref<16x128xf32, #tpu.memory_space<vmem_shared>>
        %dma_start3A_107 = arith.constant 0 : i32
        %dma_start3A_108 = arith.constant 0 : i32
        %dma_start3A_109 = tpu.memref_slice %arg15[%dma_start3A_107, %dma_start3A_108] : memref<80x128xf32, #tpu.memory_space<vmem>> -> memref<16x128xf32, #tpu.memory_space<vmem>>
        tpu.enqueue_dma source(%dma_start3A_109 : memref<16x128xf32, #tpu.memory_space<vmem>>) target(%dma_start3A_106 : memref<16x128xf32, #tpu.memory_space<vmem_shared>>) target_semaphore(%run_scoped3A : memref<!tpu.dma_semaphore, #tpu.memory_space<semaphore_mem>>)
        %dma_wait3A_110 = arith.constant 0 : i32
        %dma_wait3A_111 = arith.constant 0 : i32
        %dma_wait3A_112 = tpu.memref_slice %arg15[%dma_wait3A_110, %dma_wait3A_111] : memref<80x128xf32, #tpu.memory_space<vmem>> -> memref<16x128xf32, #tpu.memory_space<vmem>>
        %dma_wait3A_113 = arith.constant 9984 : i32
        %dma_wait3A_114 = arith.constant 0 : i32
        %dma_wait3A_115 = tpu.memref_slice %arg19[%dma_wait3A_113, %dma_wait3A_114] : memref<10000x128xf32, #tpu.memory_space<vmem_shared>> -> memref<16x128xf32, #tpu.memory_space<vmem_shared>>
        %dma_wait3A_116 = arith.constant 9984 : i32
        %dma_wait3A_117 = arith.constant 0 : i32
        %dma_wait3A_118 = tpu.memref_slice %arg19[%dma_wait3A_116, %dma_wait3A_117] : memref<10000x128xf32, #tpu.memory_space<vmem_shared>> -> memref<16x128xf32, #tpu.memory_space<vmem_shared>>
        %dma_wait3A_119 = arith.constant 0 : i32
        %dma_wait3A_120 = arith.constant 0 : i32
        %dma_wait3A_121 = tpu.memref_slice %arg15[%dma_wait3A_119, %dma_wait3A_120] : memref<80x128xf32, #tpu.memory_space<vmem>> -> memref<16x128xf32, #tpu.memory_space<vmem>>
        tpu.wait_dma2 semaphore(%run_scoped3A : memref<!tpu.dma_semaphore, #tpu.memory_space<semaphore_mem>>) src(%dma_wait3A_121 : memref<16x128xf32, #tpu.memory_space<vmem>>) dst(%dma_wait3A_118 : memref<16x128xf32, #tpu.memory_space<vmem_shared>>)
        tpu.yield
      }) : () -> ()
    } else {
    }
    %barrier3A = arith.constant 0 : index
    tpu.barrier barrier_id(%barrier3A)
    %add3A_30 = arith.constant 0 : i32
    %add3A_31 = arith.addi %mul3A_2, %add3A_30 : i32
    %dma_start3A = tpu.memref_slice %arg4[%add3A_31] : memref<320000xi32, #tpu.memory_space<hbm>> -> memref<80xi32, #tpu.memory_space<hbm>>
    %dma_start3A_32 = tpu.memref_slice %arg4[%add3A_31] : memref<320000xi32, #tpu.memory_space<hbm>> -> memref<80xi32, #tpu.memory_space<hbm>>
    tpu.enqueue_dma source(%dma_start3A_32 : memref<80xi32, #tpu.memory_space<hbm>>) target(%arg7 : memref<80xi32, #tpu.memory_space<vmem>>) target_semaphore(%arg20 : memref<!tpu.dma_semaphore, #tpu.memory_space<semaphore_mem>>)
    %dma_start3A_33 = tpu.memref_slice %arg5[%add3A_31] : memref<320000xi32, #tpu.memory_space<hbm>> -> memref<80xi32, #tpu.memory_space<hbm>>
    %dma_start3A_34 = tpu.memref_slice %arg5[%add3A_31] : memref<320000xi32, #tpu.memory_space<hbm>> -> memref<80xi32, #tpu.memory_space<hbm>>
    tpu.enqueue_dma source(%dma_start3A_34 : memref<80xi32, #tpu.memory_space<hbm>>) target(%arg11 : memref<80xi32, #tpu.memory_space<vmem>>) target_semaphore(%arg20 : memref<!tpu.dma_semaphore, #tpu.memory_space<semaphore_mem>>)
    %dma_start3A_35 = arith.constant 0 : i32
    %dma_start3A_36 = tpu.memref_slice %arg3[%add3A_31, %dma_start3A_35] : memref<320000x128xf32, #tpu.memory_space<hbm>> -> memref<80x128xf32, #tpu.memory_space<hbm>>
    %dma_start3A_37 = arith.constant 0 : i32
    %dma_start3A_38 = tpu.memref_slice %arg3[%add3A_31, %dma_start3A_37] : memref<320000x128xf32, #tpu.memory_space<hbm>> -> memref<80x128xf32, #tpu.memory_space<hbm>>
    tpu.enqueue_dma source(%dma_start3A_38 : memref<80x128xf32, #tpu.memory_space<hbm>>) target(%arg15 : memref<80x128xf32, #tpu.memory_space<vmem>>) target_semaphore(%arg24 : memref<!tpu.dma_semaphore, #tpu.memory_space<semaphore_mem>>)
    %dma_wait3A = arith.constant 0 : i32
    %dma_wait3A_39 = tpu.memref_slice %arg4[%dma_wait3A] : memref<320000xi32, #tpu.memory_space<hbm>> -> memref<80xi32, #tpu.memory_space<hbm>>
    %dma_wait3A_40 = arith.constant 0 : i32
    %dma_wait3A_41 = tpu.memref_slice %arg4[%dma_wait3A_40] : memref<320000xi32, #tpu.memory_space<hbm>> -> memref<80xi32, #tpu.memory_space<hbm>>
    tpu.wait_dma2 semaphore(%arg20 : memref<!tpu.dma_semaphore, #tpu.memory_space<semaphore_mem>>) src(%dma_wait3A_41 : memref<80xi32, #tpu.memory_space<hbm>>) dst(%arg7 : memref<80xi32, #tpu.memory_space<vmem>>)
    %dma_wait3A_42 = arith.constant 0 : i32
    %dma_wait3A_43 = tpu.memref_slice %arg5[%dma_wait3A_42] : memref<320000xi32, #tpu.memory_space<hbm>> -> memref<80xi32, #tpu.memory_space<hbm>>
    %dma_wait3A_44 = arith.constant 0 : i32
    %dma_wait3A_45 = tpu.memref_slice %arg5[%dma_wait3A_44] : memref<320000xi32, #tpu.memory_space<hbm>> -> memref<80xi32, #tpu.memory_space<hbm>>
    tpu.wait_dma2 semaphore(%arg20 : memref<!tpu.dma_semaphore, #tpu.memory_space<semaphore_mem>>) src(%dma_wait3A_45 : memref<80xi32, #tpu.memory_space<hbm>>) dst(%arg11 : memref<80xi32, #tpu.memory_space<vmem>>)
    %dma_wait3A_46 = arith.constant 0 : i32
    %dma_wait3A_47 = arith.constant 0 : i32
    %dma_wait3A_48 = tpu.memref_slice %arg3[%dma_wait3A_46, %dma_wait3A_47] : memref<320000x128xf32, #tpu.memory_space<hbm>> -> memref<80x128xf32, #tpu.memory_space<hbm>>
    %dma_wait3A_49 = arith.constant 0 : i32
    %dma_wait3A_50 = arith.constant 0 : i32
    %dma_wait3A_51 = tpu.memref_slice %arg3[%dma_wait3A_49, %dma_wait3A_50] : memref<320000x128xf32, #tpu.memory_space<hbm>> -> memref<80x128xf32, #tpu.memory_space<hbm>>
    tpu.wait_dma2 semaphore(%arg24 : memref<!tpu.dma_semaphore, #tpu.memory_space<semaphore_mem>>) src(%dma_wait3A_51 : memref<80x128xf32, #tpu.memory_space<hbm>>) dst(%arg15 : memref<80x128xf32, #tpu.memory_space<vmem>>)
    %dma_start3A_52 = arith.constant 0 : i32
    %dma_start3A_53 = arith.constant 0 : i32
    %dma_start3A_54 = tpu.memref_slice %arg2[%dma_start3A_52, %dma_start3A_53] : memref<10000x128xf32, #tpu.memory_space<hbm>> -> memref<10000x128xf32, #tpu.memory_space<hbm>>
    tpu.enqueue_indirect_dma source(%dma_start3A_54 : memref<10000x128xf32, #tpu.memory_space<hbm>>) target(%arg15 : memref<80x128xf32, #tpu.memory_space<vmem>>) offsets(%arg7 : memref<80xi32, #tpu.memory_space<vmem>>) semaphore(%arg28 : memref<!tpu.dma_semaphore, #tpu.memory_space<semaphore_mem>>) {add = true}
    %add3A_55 = arith.constant 80 : i32
    %add3A_56 = arith.addi %mul3A_2, %add3A_55 : i32
    %dma_start3A_57 = tpu.memref_slice %arg4[%add3A_56] : memref<320000xi32, #tpu.memory_space<hbm>> -> memref<80xi32, #tpu.memory_space<hbm>>
    %dma_start3A_58 = tpu.memref_slice %arg4[%add3A_56] : memref<320000xi32, #tpu.memory_space<hbm>> -> memref<80xi32, #tpu.memory_space<hbm>>
    tpu.enqueue_dma source(%dma_start3A_58 : memref<80xi32, #tpu.memory_space<hbm>>) target(%arg8 : memref<80xi32, #tpu.memory_space<vmem>>) target_semaphore(%arg21 : memref<!tpu.dma_semaphore, #tpu.memory_space<semaphore_mem>>)
    %dma_start3A_59 = tpu.memref_slice %arg5[%add3A_56] : memref<320000xi32, #tpu.memory_space<hbm>> -> memref<80xi32, #tpu.memory_space<hbm>>
    %dma_start3A_60 = tpu.memref_slice %arg5[%add3A_56] : memref<320000xi32, #tpu.memory_space<hbm>> -> memref<80xi32, #tpu.memory_space<hbm>>
    tpu.enqueue_dma source(%dma_start3A_60 : memref<80xi32, #tpu.memory_space<hbm>>) target(%arg12 : memref<80xi32, #tpu.memory_space<vmem>>) target_semaphore(%arg21 : memref<!tpu.dma_semaphore, #tpu.memory_space<semaphore_mem>>)
    %dma_start3A_61 = arith.constant 0 : i32
    %dma_start3A_62 = tpu.memref_slice %arg3[%add3A_56, %dma_start3A_61] : memref<320000x128xf32, #tpu.memory_space<hbm>> -> memref<80x128xf32, #tpu.memory_space<hbm>>
    %dma_start3A_63 = arith.constant 0 : i32
    %dma_start3A_64 = tpu.memref_slice %arg3[%add3A_56, %dma_start3A_63] : memref<320000x128xf32, #tpu.memory_space<hbm>> -> memref<80x128xf32, #tpu.memory_space<hbm>>
    tpu.enqueue_dma source(%dma_start3A_64 : memref<80x128xf32, #tpu.memory_space<hbm>>) target(%arg16 : memref<80x128xf32, #tpu.memory_space<vmem>>) target_semaphore(%arg25 : memref<!tpu.dma_semaphore, #tpu.memory_space<semaphore_mem>>)
    %add3A_65 = arith.constant 160 : i32
    %add3A_66 = arith.addi %mul3A_2, %add3A_65 : i32
    %dma_start3A_67 = tpu.memref_slice %arg4[%add3A_66] : memref<320000xi32, #tpu.memory_space<hbm>> -> memref<80xi32, #tpu.memory_space<hbm>>
    %dma_start3A_68 = tpu.memref_slice %arg4[%add3A_66] : memref<320000xi32, #tpu.memory_space<hbm>> -> memref<80xi32, #tpu.memory_space<hbm>>
    tpu.enqueue_dma source(%dma_start3A_68 : memref<80xi32, #tpu.memory_space<hbm>>) target(%arg9 : memref<80xi32, #tpu.memory_space<vmem>>) target_semaphore(%arg22 : memref<!tpu.dma_semaphore, #tpu.memory_space<semaphore_mem>>)
    %dma_start3A_69 = tpu.memref_slice %arg5[%add3A_66] : memref<320000xi32, #tpu.memory_space<hbm>> -> memref<80xi32, #tpu.memory_space<hbm>>
    %dma_start3A_70 = tpu.memref_slice %arg5[%add3A_66] : memref<320000xi32, #tpu.memory_space<hbm>> -> memref<80xi32, #tpu.memory_space<hbm>>
    tpu.enqueue_dma source(%dma_start3A_70 : memref<80xi32, #tpu.memory_space<hbm>>) target(%arg13 : memref<80xi32, #tpu.memory_space<vmem>>) target_semaphore(%arg22 : memref<!tpu.dma_semaphore, #tpu.memory_space<semaphore_mem>>)
    %dma_start3A_71 = arith.constant 0 : i32
    %dma_start3A_72 = tpu.memref_slice %arg3[%add3A_66, %dma_start3A_71] : memref<320000x128xf32, #tpu.memory_space<hbm>> -> memref<80x128xf32, #tpu.memory_space<hbm>>
    %dma_start3A_73 = arith.constant 0 : i32
    %dma_start3A_74 = tpu.memref_slice %arg3[%add3A_66, %dma_start3A_73] : memref<320000x128xf32, #tpu.memory_space<hbm>> -> memref<80x128xf32, #tpu.memory_space<hbm>>
    tpu.enqueue_dma source(%dma_start3A_74 : memref<80x128xf32, #tpu.memory_space<hbm>>) target(%arg17 : memref<80x128xf32, #tpu.memory_space<vmem>>) target_semaphore(%arg26 : memref<!tpu.dma_semaphore, #tpu.memory_space<semaphore_mem>>)
    %scan3A_75 = arith.constant 0 : i32
    %scan3A_76 = arith.constant 0 : i32
    %scan3A_77 = arith.constant 31 : i32
    %scan3A_78 = arith.addi %scan3A_76, %scan3A_77 : i32
    %scan3A_79 = arith.constant 1 : i32
    %scan3A_80 = scf.for %scan3A_98 = %scan3A_76 to %scan3A_78 step %scan3A_79 iter_args(%scan3A_99 = %scan3A_75) -> (i32)  : i32 {
      %mul3A_100 = arith.constant 4 : i32
      %mul3A_101 = arith.muli %mul3A_100, %scan3A_98 : i32
      %add3A_102 = arith.constant 0 : i32
      %add3A_103 = arith.addi %mul3A_101, %add3A_102 : i32
      %dma_wait3A_104 = arith.constant 0 : i32
      %dma_wait3A_105 = tpu.memref_slice %arg4[%dma_wait3A_104] : memref<320000xi32, #tpu.memory_space<hbm>> -> memref<80xi32, #tpu.memory_space<hbm>>
      %dma_wait3A_106 = arith.constant 0 : i32
      %dma_wait3A_107 = tpu.memref_slice %arg4[%dma_wait3A_106] : memref<320000xi32, #tpu.memory_space<hbm>> -> memref<80xi32, #tpu.memory_space<hbm>>
      tpu.wait_dma2 semaphore(%arg21 : memref<!tpu.dma_semaphore, #tpu.memory_space<semaphore_mem>>) src(%dma_wait3A_107 : memref<80xi32, #tpu.memory_space<hbm>>) dst(%arg8 : memref<80xi32, #tpu.memory_space<vmem>>)
      %dma_wait3A_108 = arith.constant 0 : i32
      %dma_wait3A_109 = tpu.memref_slice %arg5[%dma_wait3A_108] : memref<320000xi32, #tpu.memory_space<hbm>> -> memref<80xi32, #tpu.memory_space<hbm>>
      %dma_wait3A_110 = arith.constant 0 : i32
      %dma_wait3A_111 = tpu.memref_slice %arg5[%dma_wait3A_110] : memref<320000xi32, #tpu.memory_space<hbm>> -> memref<80xi32, #tpu.memory_space<hbm>>
      tpu.wait_dma2 semaphore(%arg21 : memref<!tpu.dma_semaphore, #tpu.memory_space<semaphore_mem>>) src(%dma_wait3A_111 : memref<80xi32, #tpu.memory_space<hbm>>) dst(%arg12 : memref<80xi32, #tpu.memory_space<vmem>>)
      %dma_wait3A_112 = arith.constant 0 : i32
      %dma_wait3A_113 = arith.constant 0 : i32
      %dma_wait3A_114 = tpu.memref_slice %arg3[%dma_wait3A_112, %dma_wait3A_113] : memref<320000x128xf32, #tpu.memory_space<hbm>> -> memref<80x128xf32, #tpu.memory_space<hbm>>
      %dma_wait3A_115 = arith.constant 0 : i32
      %dma_wait3A_116 = arith.constant 0 : i32
      %dma_wait3A_117 = tpu.memref_slice %arg3[%dma_wait3A_115, %dma_wait3A_116] : memref<320000x128xf32, #tpu.memory_space<hbm>> -> memref<80x128xf32, #tpu.memory_space<hbm>>
      tpu.wait_dma2 semaphore(%arg25 : memref<!tpu.dma_semaphore, #tpu.memory_space<semaphore_mem>>) src(%dma_wait3A_117 : memref<80x128xf32, #tpu.memory_space<hbm>>) dst(%arg16 : memref<80x128xf32, #tpu.memory_space<vmem>>)
      %dma_start3A_118 = arith.constant 0 : i32
      %dma_start3A_119 = arith.constant 0 : i32
      %dma_start3A_120 = tpu.memref_slice %arg2[%dma_start3A_118, %dma_start3A_119] : memref<10000x128xf32, #tpu.memory_space<hbm>> -> memref<10000x128xf32, #tpu.memory_space<hbm>>
      tpu.enqueue_indirect_dma source(%dma_start3A_120 : memref<10000x128xf32, #tpu.memory_space<hbm>>) target(%arg16 : memref<80x128xf32, #tpu.memory_space<vmem>>) offsets(%arg8 : memref<80xi32, #tpu.memory_space<vmem>>) semaphore(%arg29 : memref<!tpu.dma_semaphore, #tpu.memory_space<semaphore_mem>>) {add = true}
      %dma_wait3A_121 = arith.constant 0 : i32
      %dma_wait3A_122 = arith.constant 0 : i32
      %dma_wait3A_123 = tpu.memref_slice %arg2[%dma_wait3A_121, %dma_wait3A_122] : memref<10000x128xf32, #tpu.memory_space<hbm>> -> memref<10000x128xf32, #tpu.memory_space<hbm>>
      tpu.wait_indirect_dma semaphore(%arg28 : memref<!tpu.dma_semaphore, #tpu.memory_space<semaphore_mem>>) src(%dma_wait3A_123 : memref<10000x128xf32, #tpu.memory_space<hbm>>) dst(%arg15 : memref<80x128xf32, #tpu.memory_space<vmem>>)
      %scan3A_124 = arith.constant 0 : i32
      %scan3A_125 = arith.constant 0 : i32
      %scan3A_126 = arith.constant 80 : i32
      %scan3A_127 = arith.addi %scan3A_125, %scan3A_126 : i32
      %scan3A_128 = arith.constant 1 : i32
      %scan3A_129 = scf.for %scan3A_259 = %scan3A_125 to %scan3A_127 step %scan3A_128 iter_args(%scan3A_260 = %scan3A_124) -> (i32)  : i32 {
        %get3A = arith.index_cast %scan3A_259 : i32 to index
        %get3A_261 = arith.constant 0 : index
        %get3A_262 = tpu.vector_load %arg15[%get3A, %get3A_261] {strides = array<i32>} : memref<80x128xf32, #tpu.memory_space<vmem>>, vector<1x16xf32>,
        %get3A_263 = vector.shape_cast %get3A_262 : vector<1x16xf32> to vector<16xf32>
        %max3A = arith.constant 0.000000e+00 : f32
        %max3A_264 = vector.broadcast %max3A : f32 to vector<16xf32>
        %max3A_265 = arith.maximumf %get3A_263, %max3A_264 : vector<16xf32>
        %swap3A = arith.index_cast %scan3A_259 : i32 to index
        %swap3A_266 = arith.constant 0 : index
        %swap3A_267 = tpu.vector_load %arg15[%swap3A, %swap3A_266] {strides = array<i32>} : memref<80x128xf32, #tpu.memory_space<vmem>>, vector<1x16xf32>,
        %swap3A_268 = vector.shape_cast %swap3A_267 : vector<1x16xf32> to vector<16xf32>
        %swap3A_269 = vector.shape_cast %max3A_265 : vector<16xf32> to vector<1x16xf32>
        tpu.vector_store %arg15[%swap3A, %swap3A_266], %swap3A_269 {strides = array<i32>} : memref<80x128xf32, #tpu.memory_space<vmem>>, vector<1x16xf32>,
        %get3A_270 = arith.index_cast %scan3A_259 : i32 to index
        %get3A_271 = arith.constant 16 : index
        %get3A_272 = tpu.vector_load %arg15[%get3A_270, %get3A_271] {strides = array<i32>} : memref<80x128xf32, #tpu.memory_space<vmem>>, vector<1x16xf32>,
        %get3A_273 = vector.shape_cast %get3A_272 : vector<1x16xf32> to vector<16xf32>
        %max3A_274 = arith.constant 0.000000e+00 : f32
        %max3A_275 = vector.broadcast %max3A_274 : f32 to vector<16xf32>
        %max3A_276 = arith.maximumf %get3A_273, %max3A_275 : vector<16xf32>
        %swap3A_277 = arith.index_cast %scan3A_259 : i32 to index
        %swap3A_278 = arith.constant 16 : index
        %swap3A_279 = tpu.vector_load %arg15[%swap3A_277, %swap3A_278] {strides = array<i32>} : memref<80x128xf32, #tpu.memory_space<vmem>>, vector<1x16xf32>,
        %swap3A_280 = vector.shape_cast %swap3A_279 : vector<1x16xf32> to vector<16xf32>
        %swap3A_281 = vector.shape_cast %max3A_276 : vector<16xf32> to vector<1x16xf32>
        tpu.vector_store %arg15[%swap3A_277, %swap3A_278], %swap3A_281 {strides = array<i32>} : memref<80x128xf32, #tpu.memory_space<vmem>>, vector<1x16xf32>,
        %get3A_282 = arith.index_cast %scan3A_259 : i32 to index
        %get3A_283 = arith.constant 32 : index
        %get3A_284 = tpu.vector_load %arg15[%get3A_282, %get3A_283] {strides = array<i32>} : memref<80x128xf32, #tpu.memory_space<vmem>>, vector<1x16xf32>,
        %get3A_285 = vector.shape_cast %get3A_284 : vector<1x16xf32> to vector<16xf32>
        %max3A_286 = arith.constant 0.000000e+00 : f32
        %max3A_287 = vector.broadcast %max3A_286 : f32 to vector<16xf32>
        %max3A_288 = arith.maximumf %get3A_285, %max3A_287 : vector<16xf32>
        %swap3A_289 = arith.index_cast %scan3A_259 : i32 to index
        %swap3A_290 = arith.constant 32 : index
        %swap3A_291 = tpu.vector_load %arg15[%swap3A_289, %swap3A_290] {strides = array<i32>} : memref<80x128xf32, #tpu.memory_space<vmem>>, vector<1x16xf32>,
        %swap3A_292 = vector.shape_cast %swap3A_291 : vector<1x16xf32> to vector<16xf32>
        %swap3A_293 = vector.shape_cast %max3A_288 : vector<16xf32> to vector<1x16xf32>
        tpu.vector_store %arg15[%swap3A_289, %swap3A_290], %swap3A_293 {strides = array<i32>} : memref<80x128xf32, #tpu.memory_space<vmem>>, vector<1x16xf32>,
        %get3A_294 = arith.index_cast %scan3A_259 : i32 to index
        %get3A_295 = arith.constant 48 : index
        %get3A_296 = tpu.vector_load %arg15[%get3A_294, %get3A_295] {strides = array<i32>} : memref<80x128xf32, #tpu.memory_space<vmem>>, vector<1x16xf32>,
        %get3A_297 = vector.shape_cast %get3A_296 : vector<1x16xf32> to vector<16xf32>
        %max3A_298 = arith.constant 0.000000e+00 : f32
        %max3A_299 = vector.broadcast %max3A_298 : f32 to vector<16xf32>
        %max3A_300 = arith.maximumf %get3A_297, %max3A_299 : vector<16xf32>
        %swap3A_301 = arith.index_cast %scan3A_259 : i32 to index
        %swap3A_302 = arith.constant 48 : index
        %swap3A_303 = tpu.vector_load %arg15[%swap3A_301, %swap3A_302] {strides = array<i32>} : memref<80x128xf32, #tpu.memory_space<vmem>>, vector<1x16xf32>,
        %swap3A_304 = vector.shape_cast %swap3A_303 : vector<1x16xf32> to vector<16xf32>
        %swap3A_305 = vector.shape_cast %max3A_300 : vector<16xf32> to vector<1x16xf32>
        tpu.vector_store %arg15[%swap3A_301, %swap3A_302], %swap3A_305 {strides = array<i32>} : memref<80x128xf32, #tpu.memory_space<vmem>>, vector<1x16xf32>,
        %get3A_306 = arith.index_cast %scan3A_259 : i32 to index
        %get3A_307 = arith.constant 64 : index
        %get3A_308 = tpu.vector_load %arg15[%get3A_306, %get3A_307] {strides = array<i32>} : memref<80x128xf32, #tpu.memory_space<vmem>>, vector<1x16xf32>,
        %get3A_309 = vector.shape_cast %get3A_308 : vector<1x16xf32> to vector<16xf32>
        %max3A_310 = arith.constant 0.000000e+00 : f32
        %max3A_311 = vector.broadcast %max3A_310 : f32 to vector<16xf32>
        %max3A_312 = arith.maximumf %get3A_309, %max3A_311 : vector<16xf32>
        %swap3A_313 = arith.index_cast %scan3A_259 : i32 to index
        %swap3A_314 = arith.constant 64 : index
        %swap3A_315 = tpu.vector_load %arg15[%swap3A_313, %swap3A_314] {strides = array<i32>} : memref<80x128xf32, #tpu.memory_space<vmem>>, vector<1x16xf32>,
        %swap3A_316 = vector.shape_cast %swap3A_315 : vector<1x16xf32> to vector<16xf32>
        %swap3A_317 = vector.shape_cast %max3A_312 : vector<16xf32> to vector<1x16xf32>
        tpu.vector_store %arg15[%swap3A_313, %swap3A_314], %swap3A_317 {strides = array<i32>} : memref<80x128xf32, #tpu.memory_space<vmem>>, vector<1x16xf32>,
        %get3A_318 = arith.index_cast %scan3A_259 : i32 to index
        %get3A_319 = arith.constant 80 : index
        %get3A_320 = tpu.vector_load %arg15[%get3A_318, %get3A_319] {strides = array<i32>} : memref<80x128xf32, #tpu.memory_space<vmem>>, vector<1x16xf32>,
        %get3A_321 = vector.shape_cast %get3A_320 : vector<1x16xf32> to vector<16xf32>
        %max3A_322 = arith.constant 0.000000e+00 : f32
        %max3A_323 = vector.broadcast %max3A_322 : f32 to vector<16xf32>
        %max3A_324 = arith.maximumf %get3A_321, %max3A_323 : vector<16xf32>
        %swap3A_325 = arith.index_cast %scan3A_259 : i32 to index
        %swap3A_326 = arith.constant 80 : index
        %swap3A_327 = tpu.vector_load %arg15[%swap3A_325, %swap3A_326] {strides = array<i32>} : memref<80x128xf32, #tpu.memory_space<vmem>>, vector<1x16xf32>,
        %swap3A_328 = vector.shape_cast %swap3A_327 : vector<1x16xf32> to vector<16xf32>
        %swap3A_329 = vector.shape_cast %max3A_324 : vector<16xf32> to vector<1x16xf32>
        tpu.vector_store %arg15[%swap3A_325, %swap3A_326], %swap3A_329 {strides = array<i32>} : memref<80x128xf32, #tpu.memory_space<vmem>>, vector<1x16xf32>,
        %get3A_330 = arith.index_cast %scan3A_259 : i32 to index
        %get3A_331 = arith.constant 96 : index
        %get3A_332 = tpu.vector_load %arg15[%get3A_330, %get3A_331] {strides = array<i32>} : memref<80x128xf32, #tpu.memory_space<vmem>>, vector<1x16xf32>,
        %get3A_333 = vector.shape_cast %get3A_332 : vector<1x16xf32> to vector<16xf32>
        %max3A_334 = arith.constant 0.000000e+00 : f32
        %max3A_335 = vector.broadcast %max3A_334 : f32 to vector<16xf32>
        %max3A_336 = arith.maximumf %get3A_333, %max3A_335 : vector<16xf32>
        %swap3A_337 = arith.index_cast %scan3A_259 : i32 to index
        %swap3A_338 = arith.constant 96 : index
        %swap3A_339 = tpu.vector_load %arg15[%swap3A_337, %swap3A_338] {strides = array<i32>} : memref<80x128xf32, #tpu.memory_space<vmem>>, vector<1x16xf32>,
        %swap3A_340 = vector.shape_cast %swap3A_339 : vector<1x16xf32> to vector<16xf32>
        %swap3A_341 = vector.shape_cast %max3A_336 : vector<16xf32> to vector<1x16xf32>
        tpu.vector_store %arg15[%swap3A_337, %swap3A_338], %swap3A_341 {strides = array<i32>} : memref<80x128xf32, #tpu.memory_space<vmem>>, vector<1x16xf32>,
        %get3A_342 = arith.index_cast %scan3A_259 : i32 to index
        %get3A_343 = arith.constant 112 : index
        %get3A_344 = tpu.vector_load %arg15[%get3A_342, %get3A_343] {strides = array<i32>} : memref<80x128xf32, #tpu.memory_space<vmem>>, vector<1x16xf32>,
        %get3A_345 = vector.shape_cast %get3A_344 : vector<1x16xf32> to vector<16xf32>
        %max3A_346 = arith.constant 0.000000e+00 : f32
        %max3A_347 = vector.broadcast %max3A_346 : f32 to vector<16xf32>
        %max3A_348 = arith.maximumf %get3A_345, %max3A_347 : vector<16xf32>
        %swap3A_349 = arith.index_cast %scan3A_259 : i32 to index
        %swap3A_350 = arith.constant 112 : index
        %swap3A_351 = tpu.vector_load %arg15[%swap3A_349, %swap3A_350] {strides = array<i32>} : memref<80x128xf32, #tpu.memory_space<vmem>>, vector<1x16xf32>,
        %swap3A_352 = vector.shape_cast %swap3A_351 : vector<1x16xf32> to vector<16xf32>
        %swap3A_353 = vector.shape_cast %max3A_348 : vector<16xf32> to vector<1x16xf32>
        tpu.vector_store %arg15[%swap3A_349, %swap3A_350], %swap3A_353 {strides = array<i32>} : memref<80x128xf32, #tpu.memory_space<vmem>>, vector<1x16xf32>,
        %scan3A_354 = arith.constant 0 : i32
        scf.yield %scan3A_354 : i32
      }
      %scan3A_130 = arith.constant 80 : i32
      "tpu.region"() ({
        %run_scoped3A = tpu.sem_alloc : memref<!tpu.dma_semaphore, #tpu.memory_space<semaphore_mem>>
        %dma_start3A_259 = arith.constant 0 : i32
        %dma_start3A_260 = arith.constant 0 : i32
        %dma_start3A_261 = tpu.memref_slice %arg19[%dma_start3A_259, %dma_start3A_260] : memref<10000x128xf32, #tpu.memory_space<vmem_shared>> -> memref<10000x128xf32, #tpu.memory_space<vmem_shared>>
        tpu.enqueue_indirect_dma source(%arg15 : memref<80x128xf32, #tpu.memory_space<vmem>>) target(%dma_start3A_261 : memref<10000x128xf32, #tpu.memory_space<vmem_shared>>) offsets(%arg11 : memref<80xi32, #tpu.memory_space<vmem>>) semaphore(%run_scoped3A : memref<!tpu.dma_semaphore, #tpu.memory_space<semaphore_mem>>) {add = true}
        %dma_wait3A_262 = arith.constant 0 : i32
        %dma_wait3A_263 = arith.constant 0 : i32
        %dma_wait3A_264 = tpu.memref_slice %arg19[%dma_wait3A_262, %dma_wait3A_263] : memref<10000x128xf32, #tpu.memory_space<vmem_shared>> -> memref<10000x128xf32, #tpu.memory_space<vmem_shared>>
        tpu.wait_indirect_dma semaphore(%run_scoped3A : memref<!tpu.dma_semaphore, #tpu.memory_space<semaphore_mem>>) src(%arg15 : memref<80x128xf32, #tpu.memory_space<vmem>>) dst(%dma_wait3A_264 : memref<10000x128xf32, #tpu.memory_space<vmem_shared>>)
        tpu.yield
      }) : () -> ()
      %add3A_131 = arith.constant 4 : i32
      %add3A_132 = arith.addi %add3A_103, %add3A_131 : i32
      %sub3A = arith.constant 1 : i32
      %sub3A_133 = arith.subi %add3A_132, %sub3A : i32
      %lt3A = arith.constant 125 : i32
      %lt3A_134 = arith.cmpi slt, %sub3A_133, %lt3A : i32
      %convert_element_type3A_135 = arith.extui %lt3A_134 : i1 to i32
      %cond3A_136 = arith.constant 0 : i32
      %cond3A_137 = arith.cmpi ne, %convert_element_type3A_135, %cond3A_136 : i32
      scf.if %cond3A_137 {
        %add3A_259 = arith.constant 4 : i32
        %add3A_260 = arith.addi %add3A_103, %add3A_259 : i32
        %sub3A_261 = arith.constant 1 : i32
        %sub3A_262 = arith.subi %add3A_260, %sub3A_261 : i32
        %mul3A_263 = arith.constant 80 : i32
        %mul3A_264 = arith.muli %sub3A_262, %mul3A_263 : i32
        %add3A_265 = arith.addi %mul3A_2, %mul3A_264 : i32
        %dma_start3A_266 = tpu.memref_slice %arg4[%add3A_265] : memref<320000xi32, #tpu.memory_space<hbm>> -> memref<80xi32, #tpu.memory_space<hbm>>
        %dma_start3A_267 = tpu.memref_slice %arg4[%add3A_265] : memref<320000xi32, #tpu.memory_space<hbm>> -> memref<80xi32, #tpu.memory_space<hbm>>
        tpu.enqueue_dma source(%dma_start3A_267 : memref<80xi32, #tpu.memory_space<hbm>>) target(%arg10 : memref<80xi32, #tpu.memory_space<vmem>>) target_semaphore(%arg23 : memref<!tpu.dma_semaphore, #tpu.memory_space<semaphore_mem>>)
        %dma_start3A_268 = tpu.memref_slice %arg5[%add3A_265] : memref<320000xi32, #tpu.memory_space<hbm>> -> memref<80xi32, #tpu.memory_space<hbm>>
        %dma_start3A_269 = tpu.memref_slice %arg5[%add3A_265] : memref<320000xi32, #tpu.memory_space<hbm>> -> memref<80xi32, #tpu.memory_space<hbm>>
        tpu.enqueue_dma source(%dma_start3A_269 : memref<80xi32, #tpu.memory_space<hbm>>) target(%arg14 : memref<80xi32, #tpu.memory_space<vmem>>) target_semaphore(%arg23 : memref<!tpu.dma_semaphore, #tpu.memory_space<semaphore_mem>>)
        %dma_start3A_270 = arith.constant 0 : i32
        %dma_start3A_271 = tpu.memref_slice %arg3[%add3A_265, %dma_start3A_270] : memref<320000x128xf32, #tpu.memory_space<hbm>> -> memref<80x128xf32, #tpu.memory_space<hbm>>
        %dma_start3A_272 = arith.constant 0 : i32
        %dma_start3A_273 = tpu.memref_slice %arg3[%add3A_265, %dma_start3A_272] : memref<320000x128xf32, #tpu.memory_space<hbm>> -> memref<80x128xf32, #tpu.memory_space<hbm>>
        tpu.enqueue_dma source(%dma_start3A_273 : memref<80x128xf32, #tpu.memory_space<hbm>>) target(%arg18 : memref<80x128xf32, #tpu.memory_space<vmem>>) target_semaphore(%arg27 : memref<!tpu.dma_semaphore, #tpu.memory_space<semaphore_mem>>)
      } else {
      }
      %mul3A_138 = arith.constant 4 : i32
      %mul3A_139 = arith.muli %mul3A_138, %scan3A_98 : i32
      %add3A_140 = arith.constant 1 : i32
      %add3A_141 = arith.addi %mul3A_139, %add3A_140 : i32
      %dma_wait3A_142 = arith.constant 0 : i32
      %dma_wait3A_143 = tpu.memref_slice %arg4[%dma_wait3A_142] : memref<320000xi32, #tpu.memory_space<hbm>> -> memref<80xi32, #tpu.memory_space<hbm>>
      %dma_wait3A_144 = arith.constant 0 : i32
      %dma_wait3A_145 = tpu.memref_slice %arg4[%dma_wait3A_144] : memref<320000xi32, #tpu.memory_space<hbm>> -> memref<80xi32, #tpu.memory_space<hbm>>
      tpu.wait_dma2 semaphore(%arg22 : memref<!tpu.dma_semaphore, #tpu.memory_space<semaphore_mem>>) src(%dma_wait3A_145 : memref<80xi32, #tpu.memory_space<hbm>>) dst(%arg9 : memref<80xi32, #tpu.memory_space<vmem>>)
      %dma_wait3A_146 = arith.constant 0 : i32
      %dma_wait3A_147 = tpu.memref_slice %arg5[%dma_wait3A_146] : memref<320000xi32, #tpu.memory_space<hbm>> -> memref<80xi32, #tpu.memory_space<hbm>>
      %dma_wait3A_148 = arith.constant 0 : i32
      %dma_wait3A_149 = tpu.memref_slice %arg5[%dma_wait3A_148] : memref<320000xi32, #tpu.memory_space<hbm>> -> memref<80xi32, #tpu.memory_space<hbm>>
      tpu.wait_dma2 semaphore(%arg22 : memref<!tpu.dma_semaphore, #tpu.memory_space<semaphore_mem>>) src(%dma_wait3A_149 : memref<80xi32, #tpu.memory_space<hbm>>) dst(%arg13 : memref<80xi32, #tpu.memory_space<vmem>>)
      %dma_wait3A_150 = arith.constant 0 : i32
      %dma_wait3A_151 = arith.constant 0 : i32
      %dma_wait3A_152 = tpu.memref_slice %arg3[%dma_wait3A_150, %dma_wait3A_151] : memref<320000x128xf32, #tpu.memory_space<hbm>> -> memref<80x128xf32, #tpu.memory_space<hbm>>
      %dma_wait3A_153 = arith.constant 0 : i32
      %dma_wait3A_154 = arith.constant 0 : i32
      %dma_wait3A_155 = tpu.memref_slice %arg3[%dma_wait3A_153, %dma_wait3A_154] : memref<320000x128xf32, #tpu.memory_space<hbm>> -> memref<80x128xf32, #tpu.memory_space<hbm>>
      tpu.wait_dma2 semaphore(%arg26 : memref<!tpu.dma_semaphore, #tpu.memory_space<semaphore_mem>>) src(%dma_wait3A_155 : memref<80x128xf32, #tpu.memory_space<hbm>>) dst(%arg17 : memref<80x128xf32, #tpu.memory_space<vmem>>)
      %dma_start3A_156 = arith.constant 0 : i32
      %dma_start3A_157 = arith.constant 0 : i32
      %dma_start3A_158 = tpu.memref_slice %arg2[%dma_start3A_156, %dma_start3A_157] : memref<10000x128xf32, #tpu.memory_space<hbm>> -> memref<10000x128xf32, #tpu.memory_space<hbm>>
      tpu.enqueue_indirect_dma source(%dma_start3A_158 : memref<10000x128xf32, #tpu.memory_space<hbm>>) target(%arg17 : memref<80x128xf32, #tpu.memory_space<vmem>>) offsets(%arg9 : memref<80xi32, #tpu.memory_space<vmem>>) semaphore(%arg30 : memref<!tpu.dma_semaphore, #tpu.memory_space<semaphore_mem>>) {add = true}
      %dma_wait3A_159 = arith.constant 0 : i32
      %dma_wait3A_160 = arith.constant 0 : i32
      %dma_wait3A_161 = tpu.memref_slice %arg2[%dma_wait3A_159, %dma_wait3A_160] : memref<10000x128xf32, #tpu.memory_space<hbm>> -> memref<10000x128xf32, #tpu.memory_space<hbm>>
      tpu.wait_indirect_dma semaphore(%arg29 : memref<!tpu.dma_semaphore, #tpu.memory_space<semaphore_mem>>) src(%dma_wait3A_161 : memref<10000x128xf32, #tpu.memory_space<hbm>>) dst(%arg16 : memref<80x128xf32, #tpu.memory_space<vmem>>)
      %scan3A_162 = arith.constant 0 : i32
      %scan3A_163 = arith.constant 0 : i32
      %scan3A_164 = arith.constant 80 : i32
      %scan3A_165 = arith.addi %scan3A_163, %scan3A_164 : i32
      %scan3A_166 = arith.constant 1 : i32
      %scan3A_167 = scf.for %scan3A_259 = %scan3A_163 to %scan3A_165 step %scan3A_166 iter_args(%scan3A_260 = %scan3A_162) -> (i32)  : i32 {
        %get3A = arith.index_cast %scan3A_259 : i32 to index
        %get3A_261 = arith.constant 0 : index
        %get3A_262 = tpu.vector_load %arg16[%get3A, %get3A_261] {strides = array<i32>} : memref<80x128xf32, #tpu.memory_space<vmem>>, vector<1x16xf32>,
        %get3A_263 = vector.shape_cast %get3A_262 : vector<1x16xf32> to vector<16xf32>
        %max3A = arith.constant 0.000000e+00 : f32
        %max3A_264 = vector.broadcast %max3A : f32 to vector<16xf32>
        %max3A_265 = arith.maximumf %get3A_263, %max3A_264 : vector<16xf32>
        %swap3A = arith.index_cast %scan3A_259 : i32 to index
        %swap3A_266 = arith.constant 0 : index
        %swap3A_267 = tpu.vector_load %arg16[%swap3A, %swap3A_266] {strides = array<i32>} : memref<80x128xf32, #tpu.memory_space<vmem>>, vector<1x16xf32>,
        %swap3A_268 = vector.shape_cast %swap3A_267 : vector<1x16xf32> to vector<16xf32>
        %swap3A_269 = vector.shape_cast %max3A_265 : vector<16xf32> to vector<1x16xf32>
        tpu.vector_store %arg16[%swap3A, %swap3A_266], %swap3A_269 {strides = array<i32>} : memref<80x128xf32, #tpu.memory_space<vmem>>, vector<1x16xf32>,
        %get3A_270 = arith.index_cast %scan3A_259 : i32 to index
        %get3A_271 = arith.constant 16 : index
        %get3A_272 = tpu.vector_load %arg16[%get3A_270, %get3A_271] {strides = array<i32>} : memref<80x128xf32, #tpu.memory_space<vmem>>, vector<1x16xf32>,
        %get3A_273 = vector.shape_cast %get3A_272 : vector<1x16xf32> to vector<16xf32>
        %max3A_274 = arith.constant 0.000000e+00 : f32
        %max3A_275 = vector.broadcast %max3A_274 : f32 to vector<16xf32>
        %max3A_276 = arith.maximumf %get3A_273, %max3A_275 : vector<16xf32>
        %swap3A_277 = arith.index_cast %scan3A_259 : i32 to index
        %swap3A_278 = arith.constant 16 : index
        %swap3A_279 = tpu.vector_load %arg16[%swap3A_277, %swap3A_278] {strides = array<i32>} : memref<80x128xf32, #tpu.memory_space<vmem>>, vector<1x16xf32>,
        %swap3A_280 = vector.shape_cast %swap3A_279 : vector<1x16xf32> to vector<16xf32>
        %swap3A_281 = vector.shape_cast %max3A_276 : vector<16xf32> to vector<1x16xf32>
        tpu.vector_store %arg16[%swap3A_277, %swap3A_278], %swap3A_281 {strides = array<i32>} : memref<80x128xf32, #tpu.memory_space<vmem>>, vector<1x16xf32>,
        %get3A_282 = arith.index_cast %scan3A_259 : i32 to index
        %get3A_283 = arith.constant 32 : index
        %get3A_284 = tpu.vector_load %arg16[%get3A_282, %get3A_283] {strides = array<i32>} : memref<80x128xf32, #tpu.memory_space<vmem>>, vector<1x16xf32>,
        %get3A_285 = vector.shape_cast %get3A_284 : vector<1x16xf32> to vector<16xf32>
        %max3A_286 = arith.constant 0.000000e+00 : f32
        %max3A_287 = vector.broadcast %max3A_286 : f32 to vector<16xf32>
        %max3A_288 = arith.maximumf %get3A_285, %max3A_287 : vector<16xf32>
        %swap3A_289 = arith.index_cast %scan3A_259 : i32 to index
        %swap3A_290 = arith.constant 32 : index
        %swap3A_291 = tpu.vector_load %arg16[%swap3A_289, %swap3A_290] {strides = array<i32>} : memref<80x128xf32, #tpu.memory_space<vmem>>, vector<1x16xf32>,
        %swap3A_292 = vector.shape_cast %swap3A_291 : vector<1x16xf32> to vector<16xf32>
        %swap3A_293 = vector.shape_cast %max3A_288 : vector<16xf32> to vector<1x16xf32>
        tpu.vector_store %arg16[%swap3A_289, %swap3A_290], %swap3A_293 {strides = array<i32>} : memref<80x128xf32, #tpu.memory_space<vmem>>, vector<1x16xf32>,
        %get3A_294 = arith.index_cast %scan3A_259 : i32 to index
        %get3A_295 = arith.constant 48 : index
        %get3A_296 = tpu.vector_load %arg16[%get3A_294, %get3A_295] {strides = array<i32>} : memref<80x128xf32, #tpu.memory_space<vmem>>, vector<1x16xf32>,
        %get3A_297 = vector.shape_cast %get3A_296 : vector<1x16xf32> to vector<16xf32>
        %max3A_298 = arith.constant 0.000000e+00 : f32
        %max3A_299 = vector.broadcast %max3A_298 : f32 to vector<16xf32>
        %max3A_300 = arith.maximumf %get3A_297, %max3A_299 : vector<16xf32>
        %swap3A_301 = arith.index_cast %scan3A_259 : i32 to index
        %swap3A_302 = arith.constant 48 : index
        %swap3A_303 = tpu.vector_load %arg16[%swap3A_301, %swap3A_302] {strides = array<i32>} : memref<80x128xf32, #tpu.memory_space<vmem>>, vector<1x16xf32>,
        %swap3A_304 = vector.shape_cast %swap3A_303 : vector<1x16xf32> to vector<16xf32>
        %swap3A_305 = vector.shape_cast %max3A_300 : vector<16xf32> to vector<1x16xf32>
        tpu.vector_store %arg16[%swap3A_301, %swap3A_302], %swap3A_305 {strides = array<i32>} : memref<80x128xf32, #tpu.memory_space<vmem>>, vector<1x16xf32>,
        %get3A_306 = arith.index_cast %scan3A_259 : i32 to index
        %get3A_307 = arith.constant 64 : index
        %get3A_308 = tpu.vector_load %arg16[%get3A_306, %get3A_307] {strides = array<i32>} : memref<80x128xf32, #tpu.memory_space<vmem>>, vector<1x16xf32>,
        %get3A_309 = vector.shape_cast %get3A_308 : vector<1x16xf32> to vector<16xf32>
        %max3A_310 = arith.constant 0.000000e+00 : f32
        %max3A_311 = vector.broadcast %max3A_310 : f32 to vector<16xf32>
        %max3A_312 = arith.maximumf %get3A_309, %max3A_311 : vector<16xf32>
        %swap3A_313 = arith.index_cast %scan3A_259 : i32 to index
        %swap3A_314 = arith.constant 64 : index
        %swap3A_315 = tpu.vector_load %arg16[%swap3A_313, %swap3A_314] {strides = array<i32>} : memref<80x128xf32, #tpu.memory_space<vmem>>, vector<1x16xf32>,
        %swap3A_316 = vector.shape_cast %swap3A_315 : vector<1x16xf32> to vector<16xf32>
        %swap3A_317 = vector.shape_cast %max3A_312 : vector<16xf32> to vector<1x16xf32>
        tpu.vector_store %arg16[%swap3A_313, %swap3A_314], %swap3A_317 {strides = array<i32>} : memref<80x128xf32, #tpu.memory_space<vmem>>, vector<1x16xf32>,
        %get3A_318 = arith.index_cast %scan3A_259 : i32 to index
        %get3A_319 = arith.constant 80 : index
        %get3A_320 = tpu.vector_load %arg16[%get3A_318, %get3A_319] {strides = array<i32>} : memref<80x128xf32, #tpu.memory_space<vmem>>, vector<1x16xf32>,
        %get3A_321 = vector.shape_cast %get3A_320 : vector<1x16xf32> to vector<16xf32>
        %max3A_322 = arith.constant 0.000000e+00 : f32
        %max3A_323 = vector.broadcast %max3A_322 : f32 to vector<16xf32>
        %max3A_324 = arith.maximumf %get3A_321, %max3A_323 : vector<16xf32>
        %swap3A_325 = arith.index_cast %scan3A_259 : i32 to index
        %swap3A_326 = arith.constant 80 : index
        %swap3A_327 = tpu.vector_load %arg16[%swap3A_325, %swap3A_326] {strides = array<i32>} : memref<80x128xf32, #tpu.memory_space<vmem>>, vector<1x16xf32>,
        %swap3A_328 = vector.shape_cast %swap3A_327 : vector<1x16xf32> to vector<16xf32>
        %swap3A_329 = vector.shape_cast %max3A_324 : vector<16xf32> to vector<1x16xf32>
        tpu.vector_store %arg16[%swap3A_325, %swap3A_326], %swap3A_329 {strides = array<i32>} : memref<80x128xf32, #tpu.memory_space<vmem>>, vector<1x16xf32>,
        %get3A_330 = arith.index_cast %scan3A_259 : i32 to index
        %get3A_331 = arith.constant 96 : index
        %get3A_332 = tpu.vector_load %arg16[%get3A_330, %get3A_331] {strides = array<i32>} : memref<80x128xf32, #tpu.memory_space<vmem>>, vector<1x16xf32>,
        %get3A_333 = vector.shape_cast %get3A_332 : vector<1x16xf32> to vector<16xf32>
        %max3A_334 = arith.constant 0.000000e+00 : f32
        %max3A_335 = vector.broadcast %max3A_334 : f32 to vector<16xf32>
        %max3A_336 = arith.maximumf %get3A_333, %max3A_335 : vector<16xf32>
        %swap3A_337 = arith.index_cast %scan3A_259 : i32 to index
        %swap3A_338 = arith.constant 96 : index
        %swap3A_339 = tpu.vector_load %arg16[%swap3A_337, %swap3A_338] {strides = array<i32>} : memref<80x128xf32, #tpu.memory_space<vmem>>, vector<1x16xf32>,
        %swap3A_340 = vector.shape_cast %swap3A_339 : vector<1x16xf32> to vector<16xf32>
        %swap3A_341 = vector.shape_cast %max3A_336 : vector<16xf32> to vector<1x16xf32>
        tpu.vector_store %arg16[%swap3A_337, %swap3A_338], %swap3A_341 {strides = array<i32>} : memref<80x128xf32, #tpu.memory_space<vmem>>, vector<1x16xf32>,
        %get3A_342 = arith.index_cast %scan3A_259 : i32 to index
        %get3A_343 = arith.constant 112 : index
        %get3A_344 = tpu.vector_load %arg16[%get3A_342, %get3A_343] {strides = array<i32>} : memref<80x128xf32, #tpu.memory_space<vmem>>, vector<1x16xf32>,
        %get3A_345 = vector.shape_cast %get3A_344 : vector<1x16xf32> to vector<16xf32>
        %max3A_346 = arith.constant 0.000000e+00 : f32
        %max3A_347 = vector.broadcast %max3A_346 : f32 to vector<16xf32>
        %max3A_348 = arith.maximumf %get3A_345, %max3A_347 : vector<16xf32>
        %swap3A_349 = arith.index_cast %scan3A_259 : i32 to index
        %swap3A_350 = arith.constant 112 : index
        %swap3A_351 = tpu.vector_load %arg16[%swap3A_349, %swap3A_350] {strides = array<i32>} : memref<80x128xf32, #tpu.memory_space<vmem>>, vector<1x16xf32>,
        %swap3A_352 = vector.shape_cast %swap3A_351 : vector<1x16xf32> to vector<16xf32>
        %swap3A_353 = vector.shape_cast %max3A_348 : vector<16xf32> to vector<1x16xf32>
        tpu.vector_store %arg16[%swap3A_349, %swap3A_350], %swap3A_353 {strides = array<i32>} : memref<80x128xf32, #tpu.memory_space<vmem>>, vector<1x16xf32>,
        %scan3A_354 = arith.constant 0 : i32
        scf.yield %scan3A_354 : i32
      }
      %scan3A_168 = arith.constant 80 : i32
      "tpu.region"() ({
        %run_scoped3A = tpu.sem_alloc : memref<!tpu.dma_semaphore, #tpu.memory_space<semaphore_mem>>
        %dma_start3A_259 = arith.constant 0 : i32
        %dma_start3A_260 = arith.constant 0 : i32
        %dma_start3A_261 = tpu.memref_slice %arg19[%dma_start3A_259, %dma_start3A_260] : memref<10000x128xf32, #tpu.memory_space<vmem_shared>> -> memref<10000x128xf32, #tpu.memory_space<vmem_shared>>
        tpu.enqueue_indirect_dma source(%arg16 : memref<80x128xf32, #tpu.memory_space<vmem>>) target(%dma_start3A_261 : memref<10000x128xf32, #tpu.memory_space<vmem_shared>>) offsets(%arg12 : memref<80xi32, #tpu.memory_space<vmem>>) semaphore(%run_scoped3A : memref<!tpu.dma_semaphore, #tpu.memory_space<semaphore_mem>>) {add = true}
        %dma_wait3A_262 = arith.constant 0 : i32
        %dma_wait3A_263 = arith.constant 0 : i32
        %dma_wait3A_264 = tpu.memref_slice %arg19[%dma_wait3A_262, %dma_wait3A_263] : memref<10000x128xf32, #tpu.memory_space<vmem_shared>> -> memref<10000x128xf32, #tpu.memory_space<vmem_shared>>
        tpu.wait_indirect_dma semaphore(%run_scoped3A : memref<!tpu.dma_semaphore, #tpu.memory_space<semaphore_mem>>) src(%arg16 : memref<80x128xf32, #tpu.memory_space<vmem>>) dst(%dma_wait3A_264 : memref<10000x128xf32, #tpu.memory_space<vmem_shared>>)
        tpu.yield
      }) : () -> ()
      %add3A_169 = arith.constant 4 : i32
      %add3A_170 = arith.addi %add3A_141, %add3A_169 : i32
      %sub3A_171 = arith.constant 1 : i32
      %sub3A_172 = arith.subi %add3A_170, %sub3A_171 : i32
      %lt3A_173 = arith.constant 125 : i32
      %lt3A_174 = arith.cmpi slt, %sub3A_172, %lt3A_173 : i32
      %convert_element_type3A_175 = arith.extui %lt3A_174 : i1 to i32
      %cond3A_176 = arith.constant 0 : i32
      %cond3A_177 = arith.cmpi ne, %convert_element_type3A_175, %cond3A_176 : i32
      scf.if %cond3A_177 {
        %add3A_259 = arith.constant 4 : i32
        %add3A_260 = arith.addi %add3A_141, %add3A_259 : i32
        %sub3A_261 = arith.constant 1 : i32
        %sub3A_262 = arith.subi %add3A_260, %sub3A_261 : i32
        %mul3A_263 = arith.constant 80 : i32
        %mul3A_264 = arith.muli %sub3A_262, %mul3A_263 : i32
        %add3A_265 = arith.addi %mul3A_2, %mul3A_264 : i32
        %dma_start3A_266 = tpu.memref_slice %arg4[%add3A_265] : memref<320000xi32, #tpu.memory_space<hbm>> -> memref<80xi32, #tpu.memory_space<hbm>>
        %dma_start3A_267 = tpu.memref_slice %arg4[%add3A_265] : memref<320000xi32, #tpu.memory_space<hbm>> -> memref<80xi32, #tpu.memory_space<hbm>>
        tpu.enqueue_dma source(%dma_start3A_267 : memref<80xi32, #tpu.memory_space<hbm>>) target(%arg7 : memref<80xi32, #tpu.memory_space<vmem>>) target_semaphore(%arg20 : memref<!tpu.dma_semaphore, #tpu.memory_space<semaphore_mem>>)
        %dma_start3A_268 = tpu.memref_slice %arg5[%add3A_265] : memref<320000xi32, #tpu.memory_space<hbm>> -> memref<80xi32, #tpu.memory_space<hbm>>
        %dma_start3A_269 = tpu.memref_slice %arg5[%add3A_265] : memref<320000xi32, #tpu.memory_space<hbm>> -> memref<80xi32, #tpu.memory_space<hbm>>
        tpu.enqueue_dma source(%dma_start3A_269 : memref<80xi32, #tpu.memory_space<hbm>>) target(%arg11 : memref<80xi32, #tpu.memory_space<vmem>>) target_semaphore(%arg20 : memref<!tpu.dma_semaphore, #tpu.memory_space<semaphore_mem>>)
        %dma_start3A_270 = arith.constant 0 : i32
        %dma_start3A_271 = tpu.memref_slice %arg3[%add3A_265, %dma_start3A_270] : memref<320000x128xf32, #tpu.memory_space<hbm>> -> memref<80x128xf32, #tpu.memory_space<hbm>>
        %dma_start3A_272 = arith.constant 0 : i32
        %dma_start3A_273 = tpu.memref_slice %arg3[%add3A_265, %dma_start3A_272] : memref<320000x128xf32, #tpu.memory_space<hbm>> -> memref<80x128xf32, #tpu.memory_space<hbm>>
        tpu.enqueue_dma source(%dma_start3A_273 : memref<80x128xf32, #tpu.memory_space<hbm>>) target(%arg15 : memref<80x128xf32, #tpu.memory_space<vmem>>) target_semaphore(%arg24 : memref<!tpu.dma_semaphore, #tpu.memory_space<semaphore_mem>>)
      } else {
      }
      %mul3A_178 = arith.constant 4 : i32
      %mul3A_179 = arith.muli %mul3A_178, %scan3A_98 : i32
      %add3A_180 = arith.constant 2 : i32
      %add3A_181 = arith.addi %mul3A_179, %add3A_180 : i32
      %dma_wait3A_182 = arith.constant 0 : i32
      %dma_wait3A_183 = tpu.memref_slice %arg4[%dma_wait3A_182] : memref<320000xi32, #tpu.memory_space<hbm>> -> memref<80xi32, #tpu.memory_space<hbm>>
      %dma_wait3A_184 = arith.constant 0 : i32
      %dma_wait3A_185 = tpu.memref_slice %arg4[%dma_wait3A_184] : memref<320000xi32, #tpu.memory_space<hbm>> -> memref<80xi32, #tpu.memory_space<hbm>>
      tpu.wait_dma2 semaphore(%arg23 : memref<!tpu.dma_semaphore, #tpu.memory_space<semaphore_mem>>) src(%dma_wait3A_185 : memref<80xi32, #tpu.memory_space<hbm>>) dst(%arg10 : memref<80xi32, #tpu.memory_space<vmem>>)
      %dma_wait3A_186 = arith.constant 0 : i32
      %dma_wait3A_187 = tpu.memref_slice %arg5[%dma_wait3A_186] : memref<320000xi32, #tpu.memory_space<hbm>> -> memref<80xi32, #tpu.memory_space<hbm>>
      %dma_wait3A_188 = arith.constant 0 : i32
      %dma_wait3A_189 = tpu.memref_slice %arg5[%dma_wait3A_188] : memref<320000xi32, #tpu.memory_space<hbm>> -> memref<80xi32, #tpu.memory_space<hbm>>
      tpu.wait_dma2 semaphore(%arg23 : memref<!tpu.dma_semaphore, #tpu.memory_space<semaphore_mem>>) src(%dma_wait3A_189 : memref<80xi32, #tpu.memory_space<hbm>>) dst(%arg14 : memref<80xi32, #tpu.memory_space<vmem>>)
      %dma_wait3A_190 = arith.constant 0 : i32
      %dma_wait3A_191 = arith.constant 0 : i32
      %dma_wait3A_192 = tpu.memref_slice %arg3[%dma_wait3A_190, %dma_wait3A_191] : memref<320000x128xf32, #tpu.memory_space<hbm>> -> memref<80x128xf32, #tpu.memory_space<hbm>>
      %dma_wait3A_193 = arith.constant 0 : i32
      %dma_wait3A_194 = arith.constant 0 : i32
      %dma_wait3A_195 = tpu.memref_slice %arg3[%dma_wait3A_193, %dma_wait3A_194] : memref<320000x128xf32, #tpu.memory_space<hbm>> -> memref<80x128xf32, #tpu.memory_space<hbm>>
      tpu.wait_dma2 semaphore(%arg27 : memref<!tpu.dma_semaphore, #tpu.memory_space<semaphore_mem>>) src(%dma_wait3A_195 : memref<80x128xf32, #tpu.memory_space<hbm>>) dst(%arg18 : memref<80x128xf32, #tpu.memory_space<vmem>>)
      %dma_start3A_196 = arith.constant 0 : i32
      %dma_start3A_197 = arith.constant 0 : i32
      %dma_start3A_198 = tpu.memref_slice %arg2[%dma_start3A_196, %dma_start3A_197] : memref<10000x128xf32, #tpu.memory_space<hbm>> -> memref<10000x128xf32, #tpu.memory_space<hbm>>
      tpu.enqueue_indirect_dma source(%dma_start3A_198 : memref<10000x128xf32, #tpu.memory_space<hbm>>) target(%arg18 : memref<80x128xf32, #tpu.memory_space<vmem>>) offsets(%arg10 : memref<80xi32, #tpu.memory_space<vmem>>) semaphore(%arg31 : memref<!tpu.dma_semaphore, #tpu.memory_space<semaphore_mem>>) {add = true}
      %dma_wait3A_199 = arith.constant 0 : i32
      %dma_wait3A_200 = arith.constant 0 : i32
      %dma_wait3A_201 = tpu.memref_slice %arg2[%dma_wait3A_199, %dma_wait3A_200] : memref<10000x128xf32, #tpu.memory_space<hbm>> -> memref<10000x128xf32, #tpu.memory_space<hbm>>
      tpu.wait_indirect_dma semaphore(%arg30 : memref<!tpu.dma_semaphore, #tpu.memory_space<semaphore_mem>>) src(%dma_wait3A_201 : memref<10000x128xf32, #tpu.memory_space<hbm>>) dst(%arg17 : memref<80x128xf32, #tpu.memory_space<vmem>>)
      %scan3A_202 = arith.constant 0 : i32
      %scan3A_203 = arith.constant 0 : i32
      %scan3A_204 = arith.constant 80 : i32
      %scan3A_205 = arith.addi %scan3A_203, %scan3A_204 : i32
      %scan3A_206 = arith.constant 1 : i32
      %scan3A_207 = scf.for %scan3A_259 = %scan3A_203 to %scan3A_205 step %scan3A_206 iter_args(%scan3A_260 = %scan3A_202) -> (i32)  : i32 {
        %get3A = arith.index_cast %scan3A_259 : i32 to index
        %get3A_261 = arith.constant 0 : index
        %get3A_262 = tpu.vector_load %arg17[%get3A, %get3A_261] {strides = array<i32>} : memref<80x128xf32, #tpu.memory_space<vmem>>, vector<1x16xf32>,
        %get3A_263 = vector.shape_cast %get3A_262 : vector<1x16xf32> to vector<16xf32>
        %max3A = arith.constant 0.000000e+00 : f32
        %max3A_264 = vector.broadcast %max3A : f32 to vector<16xf32>
        %max3A_265 = arith.maximumf %get3A_263, %max3A_264 : vector<16xf32>
        %swap3A = arith.index_cast %scan3A_259 : i32 to index
        %swap3A_266 = arith.constant 0 : index
        %swap3A_267 = tpu.vector_load %arg17[%swap3A, %swap3A_266] {strides = array<i32>} : memref<80x128xf32, #tpu.memory_space<vmem>>, vector<1x16xf32>,
        %swap3A_268 = vector.shape_cast %swap3A_267 : vector<1x16xf32> to vector<16xf32>
        %swap3A_269 = vector.shape_cast %max3A_265 : vector<16xf32> to vector<1x16xf32>
        tpu.vector_store %arg17[%swap3A, %swap3A_266], %swap3A_269 {strides = array<i32>} : memref<80x128xf32, #tpu.memory_space<vmem>>, vector<1x16xf32>,
        %get3A_270 = arith.index_cast %scan3A_259 : i32 to index
        %get3A_271 = arith.constant 16 : index
        %get3A_272 = tpu.vector_load %arg17[%get3A_270, %get3A_271] {strides = array<i32>} : memref<80x128xf32, #tpu.memory_space<vmem>>, vector<1x16xf32>,
        %get3A_273 = vector.shape_cast %get3A_272 : vector<1x16xf32> to vector<16xf32>
        %max3A_274 = arith.constant 0.000000e+00 : f32
        %max3A_275 = vector.broadcast %max3A_274 : f32 to vector<16xf32>
        %max3A_276 = arith.maximumf %get3A_273, %max3A_275 : vector<16xf32>
        %swap3A_277 = arith.index_cast %scan3A_259 : i32 to index
        %swap3A_278 = arith.constant 16 : index
        %swap3A_279 = tpu.vector_load %arg17[%swap3A_277, %swap3A_278] {strides = array<i32>} : memref<80x128xf32, #tpu.memory_space<vmem>>, vector<1x16xf32>,
        %swap3A_280 = vector.shape_cast %swap3A_279 : vector<1x16xf32> to vector<16xf32>
        %swap3A_281 = vector.shape_cast %max3A_276 : vector<16xf32> to vector<1x16xf32>
        tpu.vector_store %arg17[%swap3A_277, %swap3A_278], %swap3A_281 {strides = array<i32>} : memref<80x128xf32, #tpu.memory_space<vmem>>, vector<1x16xf32>,
        %get3A_282 = arith.index_cast %scan3A_259 : i32 to index
        %get3A_283 = arith.constant 32 : index
        %get3A_284 = tpu.vector_load %arg17[%get3A_282, %get3A_283] {strides = array<i32>} : memref<80x128xf32, #tpu.memory_space<vmem>>, vector<1x16xf32>,
        %get3A_285 = vector.shape_cast %get3A_284 : vector<1x16xf32> to vector<16xf32>
        %max3A_286 = arith.constant 0.000000e+00 : f32
        %max3A_287 = vector.broadcast %max3A_286 : f32 to vector<16xf32>
        %max3A_288 = arith.maximumf %get3A_285, %max3A_287 : vector<16xf32>
        %swap3A_289 = arith.index_cast %scan3A_259 : i32 to index
        %swap3A_290 = arith.constant 32 : index
        %swap3A_291 = tpu.vector_load %arg17[%swap3A_289, %swap3A_290] {strides = array<i32>} : memref<80x128xf32, #tpu.memory_space<vmem>>, vector<1x16xf32>,
        %swap3A_292 = vector.shape_cast %swap3A_291 : vector<1x16xf32> to vector<16xf32>
        %swap3A_293 = vector.shape_cast %max3A_288 : vector<16xf32> to vector<1x16xf32>
        tpu.vector_store %arg17[%swap3A_289, %swap3A_290], %swap3A_293 {strides = array<i32>} : memref<80x128xf32, #tpu.memory_space<vmem>>, vector<1x16xf32>,
        %get3A_294 = arith.index_cast %scan3A_259 : i32 to index
        %get3A_295 = arith.constant 48 : index
        %get3A_296 = tpu.vector_load %arg17[%get3A_294, %get3A_295] {strides = array<i32>} : memref<80x128xf32, #tpu.memory_space<vmem>>, vector<1x16xf32>,
        %get3A_297 = vector.shape_cast %get3A_296 : vector<1x16xf32> to vector<16xf32>
        %max3A_298 = arith.constant 0.000000e+00 : f32
        %max3A_299 = vector.broadcast %max3A_298 : f32 to vector<16xf32>
        %max3A_300 = arith.maximumf %get3A_297, %max3A_299 : vector<16xf32>
        %swap3A_301 = arith.index_cast %scan3A_259 : i32 to index
        %swap3A_302 = arith.constant 48 : index
        %swap3A_303 = tpu.vector_load %arg17[%swap3A_301, %swap3A_302] {strides = array<i32>} : memref<80x128xf32, #tpu.memory_space<vmem>>, vector<1x16xf32>,
        %swap3A_304 = vector.shape_cast %swap3A_303 : vector<1x16xf32> to vector<16xf32>
        %swap3A_305 = vector.shape_cast %max3A_300 : vector<16xf32> to vector<1x16xf32>
        tpu.vector_store %arg17[%swap3A_301, %swap3A_302], %swap3A_305 {strides = array<i32>} : memref<80x128xf32, #tpu.memory_space<vmem>>, vector<1x16xf32>,
        %get3A_306 = arith.index_cast %scan3A_259 : i32 to index
        %get3A_307 = arith.constant 64 : index
        %get3A_308 = tpu.vector_load %arg17[%get3A_306, %get3A_307] {strides = array<i32>} : memref<80x128xf32, #tpu.memory_space<vmem>>, vector<1x16xf32>,
        %get3A_309 = vector.shape_cast %get3A_308 : vector<1x16xf32> to vector<16xf32>
        %max3A_310 = arith.constant 0.000000e+00 : f32
        %max3A_311 = vector.broadcast %max3A_310 : f32 to vector<16xf32>
        %max3A_312 = arith.maximumf %get3A_309, %max3A_311 : vector<16xf32>
        %swap3A_313 = arith.index_cast %scan3A_259 : i32 to index
        %swap3A_314 = arith.constant 64 : index
        %swap3A_315 = tpu.vector_load %arg17[%swap3A_313, %swap3A_314] {strides = array<i32>} : memref<80x128xf32, #tpu.memory_space<vmem>>, vector<1x16xf32>,
        %swap3A_316 = vector.shape_cast %swap3A_315 : vector<1x16xf32> to vector<16xf32>
        %swap3A_317 = vector.shape_cast %max3A_312 : vector<16xf32> to vector<1x16xf32>
        tpu.vector_store %arg17[%swap3A_313, %swap3A_314], %swap3A_317 {strides = array<i32>} : memref<80x128xf32, #tpu.memory_space<vmem>>, vector<1x16xf32>,
        %get3A_318 = arith.index_cast %scan3A_259 : i32 to index
        %get3A_319 = arith.constant 80 : index
        %get3A_320 = tpu.vector_load %arg17[%get3A_318, %get3A_319] {strides = array<i32>} : memref<80x128xf32, #tpu.memory_space<vmem>>, vector<1x16xf32>,
        %get3A_321 = vector.shape_cast %get3A_320 : vector<1x16xf32> to vector<16xf32>
        %max3A_322 = arith.constant 0.000000e+00 : f32
        %max3A_323 = vector.broadcast %max3A_322 : f32 to vector<16xf32>
        %max3A_324 = arith.maximumf %get3A_321, %max3A_323 : vector<16xf32>
        %swap3A_325 = arith.index_cast %scan3A_259 : i32 to index
        %swap3A_326 = arith.constant 80 : index
        %swap3A_327 = tpu.vector_load %arg17[%swap3A_325, %swap3A_326] {strides = array<i32>} : memref<80x128xf32, #tpu.memory_space<vmem>>, vector<1x16xf32>,
        %swap3A_328 = vector.shape_cast %swap3A_327 : vector<1x16xf32> to vector<16xf32>
        %swap3A_329 = vector.shape_cast %max3A_324 : vector<16xf32> to vector<1x16xf32>
        tpu.vector_store %arg17[%swap3A_325, %swap3A_326], %swap3A_329 {strides = array<i32>} : memref<80x128xf32, #tpu.memory_space<vmem>>, vector<1x16xf32>,
        %get3A_330 = arith.index_cast %scan3A_259 : i32 to index
        %get3A_331 = arith.constant 96 : index
        %get3A_332 = tpu.vector_load %arg17[%get3A_330, %get3A_331] {strides = array<i32>} : memref<80x128xf32, #tpu.memory_space<vmem>>, vector<1x16xf32>,
        %get3A_333 = vector.shape_cast %get3A_332 : vector<1x16xf32> to vector<16xf32>
        %max3A_334 = arith.constant 0.000000e+00 : f32
        %max3A_335 = vector.broadcast %max3A_334 : f32 to vector<16xf32>
        %max3A_336 = arith.maximumf %get3A_333, %max3A_335 : vector<16xf32>
        %swap3A_337 = arith.index_cast %scan3A_259 : i32 to index
        %swap3A_338 = arith.constant 96 : index
        %swap3A_339 = tpu.vector_load %arg17[%swap3A_337, %swap3A_338] {strides = array<i32>} : memref<80x128xf32, #tpu.memory_space<vmem>>, vector<1x16xf32>,
        %swap3A_340 = vector.shape_cast %swap3A_339 : vector<1x16xf32> to vector<16xf32>
        %swap3A_341 = vector.shape_cast %max3A_336 : vector<16xf32> to vector<1x16xf32>
        tpu.vector_store %arg17[%swap3A_337, %swap3A_338], %swap3A_341 {strides = array<i32>} : memref<80x128xf32, #tpu.memory_space<vmem>>, vector<1x16xf32>,
        %get3A_342 = arith.index_cast %scan3A_259 : i32 to index
        %get3A_343 = arith.constant 112 : index
        %get3A_344 = tpu.vector_load %arg17[%get3A_342, %get3A_343] {strides = array<i32>} : memref<80x128xf32, #tpu.memory_space<vmem>>, vector<1x16xf32>,
        %get3A_345 = vector.shape_cast %get3A_344 : vector<1x16xf32> to vector<16xf32>
        %max3A_346 = arith.constant 0.000000e+00 : f32
        %max3A_347 = vector.broadcast %max3A_346 : f32 to vector<16xf32>
        %max3A_348 = arith.maximumf %get3A_345, %max3A_347 : vector<16xf32>
        %swap3A_349 = arith.index_cast %scan3A_259 : i32 to index
        %swap3A_350 = arith.constant 112 : index
        %swap3A_351 = tpu.vector_load %arg17[%swap3A_349, %swap3A_350] {strides = array<i32>} : memref<80x128xf32, #tpu.memory_space<vmem>>, vector<1x16xf32>,
        %swap3A_352 = vector.shape_cast %swap3A_351 : vector<1x16xf32> to vector<16xf32>
        %swap3A_353 = vector.shape_cast %max3A_348 : vector<16xf32> to vector<1x16xf32>
        tpu.vector_store %arg17[%swap3A_349, %swap3A_350], %swap3A_353 {strides = array<i32>} : memref<80x128xf32, #tpu.memory_space<vmem>>, vector<1x16xf32>,
        %scan3A_354 = arith.constant 0 : i32
        scf.yield %scan3A_354 : i32
      }
      %scan3A_208 = arith.constant 80 : i32
      "tpu.region"() ({
        %run_scoped3A = tpu.sem_alloc : memref<!tpu.dma_semaphore, #tpu.memory_space<semaphore_mem>>
        %dma_start3A_259 = arith.constant 0 : i32
        %dma_start3A_260 = arith.constant 0 : i32
        %dma_start3A_261 = tpu.memref_slice %arg19[%dma_start3A_259, %dma_start3A_260] : memref<10000x128xf32, #tpu.memory_space<vmem_shared>> -> memref<10000x128xf32, #tpu.memory_space<vmem_shared>>
        tpu.enqueue_indirect_dma source(%arg17 : memref<80x128xf32, #tpu.memory_space<vmem>>) target(%dma_start3A_261 : memref<10000x128xf32, #tpu.memory_space<vmem_shared>>) offsets(%arg13 : memref<80xi32, #tpu.memory_space<vmem>>) semaphore(%run_scoped3A : memref<!tpu.dma_semaphore, #tpu.memory_space<semaphore_mem>>) {add = true}
        %dma_wait3A_262 = arith.constant 0 : i32
        %dma_wait3A_263 = arith.constant 0 : i32
        %dma_wait3A_264 = tpu.memref_slice %arg19[%dma_wait3A_262, %dma_wait3A_263] : memref<10000x128xf32, #tpu.memory_space<vmem_shared>> -> memref<10000x128xf32, #tpu.memory_space<vmem_shared>>
        tpu.wait_indirect_dma semaphore(%run_scoped3A : memref<!tpu.dma_semaphore, #tpu.memory_space<semaphore_mem>>) src(%arg17 : memref<80x128xf32, #tpu.memory_space<vmem>>) dst(%dma_wait3A_264 : memref<10000x128xf32, #tpu.memory_space<vmem_shared>>)
        tpu.yield
      }) : () -> ()
      %add3A_209 = arith.constant 4 : i32
      %add3A_210 = arith.addi %add3A_181, %add3A_209 : i32
      %sub3A_211 = arith.constant 1 : i32
      %sub3A_212 = arith.subi %add3A_210, %sub3A_211 : i32
      %lt3A_213 = arith.constant 125 : i32
      %lt3A_214 = arith.cmpi slt, %sub3A_212, %lt3A_213 : i32
      %convert_element_type3A_215 = arith.extui %lt3A_214 : i1 to i32
      %cond3A_216 = arith.constant 0 : i32
      %cond3A_217 = arith.cmpi ne, %convert_element_type3A_215, %cond3A_216 : i32
      scf.if %cond3A_217 {
        %add3A_259 = arith.constant 4 : i32
        %add3A_260 = arith.addi %add3A_181, %add3A_259 : i32
        %sub3A_261 = arith.constant 1 : i32
        %sub3A_262 = arith.subi %add3A_260, %sub3A_261 : i32
        %mul3A_263 = arith.constant 80 : i32
        %mul3A_264 = arith.muli %sub3A_262, %mul3A_263 : i32
        %add3A_265 = arith.addi %mul3A_2, %mul3A_264 : i32
        %dma_start3A_266 = tpu.memref_slice %arg4[%add3A_265] : memref<320000xi32, #tpu.memory_space<hbm>> -> memref<80xi32, #tpu.memory_space<hbm>>
        %dma_start3A_267 = tpu.memref_slice %arg4[%add3A_265] : memref<320000xi32, #tpu.memory_space<hbm>> -> memref<80xi32, #tpu.memory_space<hbm>>
        tpu.enqueue_dma source(%dma_start3A_267 : memref<80xi32, #tpu.memory_space<hbm>>) target(%arg8 : memref<80xi32, #tpu.memory_space<vmem>>) target_semaphore(%arg21 : memref<!tpu.dma_semaphore, #tpu.memory_space<semaphore_mem>>)
        %dma_start3A_268 = tpu.memref_slice %arg5[%add3A_265] : memref<320000xi32, #tpu.memory_space<hbm>> -> memref<80xi32, #tpu.memory_space<hbm>>
        %dma_start3A_269 = tpu.memref_slice %arg5[%add3A_265] : memref<320000xi32, #tpu.memory_space<hbm>> -> memref<80xi32, #tpu.memory_space<hbm>>
        tpu.enqueue_dma source(%dma_start3A_269 : memref<80xi32, #tpu.memory_space<hbm>>) target(%arg12 : memref<80xi32, #tpu.memory_space<vmem>>) target_semaphore(%arg21 : memref<!tpu.dma_semaphore, #tpu.memory_space<semaphore_mem>>)
        %dma_start3A_270 = arith.constant 0 : i32
        %dma_start3A_271 = tpu.memref_slice %arg3[%add3A_265, %dma_start3A_270] : memref<320000x128xf32, #tpu.memory_space<hbm>> -> memref<80x128xf32, #tpu.memory_space<hbm>>
        %dma_start3A_272 = arith.constant 0 : i32
        %dma_start3A_273 = tpu.memref_slice %arg3[%add3A_265, %dma_start3A_272] : memref<320000x128xf32, #tpu.memory_space<hbm>> -> memref<80x128xf32, #tpu.memory_space<hbm>>
        tpu.enqueue_dma source(%dma_start3A_273 : memref<80x128xf32, #tpu.memory_space<hbm>>) target(%arg16 : memref<80x128xf32, #tpu.memory_space<vmem>>) target_semaphore(%arg25 : memref<!tpu.dma_semaphore, #tpu.memory_space<semaphore_mem>>)
      } else {
      }
      %mul3A_218 = arith.constant 4 : i32
      %mul3A_219 = arith.muli %mul3A_218, %scan3A_98 : i32
      %add3A_220 = arith.constant 3 : i32
      %add3A_221 = arith.addi %mul3A_219, %add3A_220 : i32
      %dma_wait3A_222 = arith.constant 0 : i32
      %dma_wait3A_223 = tpu.memref_slice %arg4[%dma_wait3A_222] : memref<320000xi32, #tpu.memory_space<hbm>> -> memref<80xi32, #tpu.memory_space<hbm>>
      %dma_wait3A_224 = arith.constant 0 : i32
      %dma_wait3A_225 = tpu.memref_slice %arg4[%dma_wait3A_224] : memref<320000xi32, #tpu.memory_space<hbm>> -> memref<80xi32, #tpu.memory_space<hbm>>
      tpu.wait_dma2 semaphore(%arg20 : memref<!tpu.dma_semaphore, #tpu.memory_space<semaphore_mem>>) src(%dma_wait3A_225 : memref<80xi32, #tpu.memory_space<hbm>>) dst(%arg7 : memref<80xi32, #tpu.memory_space<vmem>>)
      %dma_wait3A_226 = arith.constant 0 : i32
      %dma_wait3A_227 = tpu.memref_slice %arg5[%dma_wait3A_226] : memref<320000xi32, #tpu.memory_space<hbm>> -> memref<80xi32, #tpu.memory_space<hbm>>
      %dma_wait3A_228 = arith.constant 0 : i32
      %dma_wait3A_229 = tpu.memref_slice %arg5[%dma_wait3A_228] : memref<320000xi32, #tpu.memory_space<hbm>> -> memref<80xi32, #tpu.memory_space<hbm>>
      tpu.wait_dma2 semaphore(%arg20 : memref<!tpu.dma_semaphore, #tpu.memory_space<semaphore_mem>>) src(%dma_wait3A_229 : memref<80xi32, #tpu.memory_space<hbm>>) dst(%arg11 : memref<80xi32, #tpu.memory_space<vmem>>)
      %dma_wait3A_230 = arith.constant 0 : i32
      %dma_wait3A_231 = arith.constant 0 : i32
      %dma_wait3A_232 = tpu.memref_slice %arg3[%dma_wait3A_230, %dma_wait3A_231] : memref<320000x128xf32, #tpu.memory_space<hbm>> -> memref<80x128xf32, #tpu.memory_space<hbm>>
      %dma_wait3A_233 = arith.constant 0 : i32
      %dma_wait3A_234 = arith.constant 0 : i32
      %dma_wait3A_235 = tpu.memref_slice %arg3[%dma_wait3A_233, %dma_wait3A_234] : memref<320000x128xf32, #tpu.memory_space<hbm>> -> memref<80x128xf32, #tpu.memory_space<hbm>>
      tpu.wait_dma2 semaphore(%arg24 : memref<!tpu.dma_semaphore, #tpu.memory_space<semaphore_mem>>) src(%dma_wait3A_235 : memref<80x128xf32, #tpu.memory_space<hbm>>) dst(%arg15 : memref<80x128xf32, #tpu.memory_space<vmem>>)
      %dma_start3A_236 = arith.constant 0 : i32
      %dma_start3A_237 = arith.constant 0 : i32
      %dma_start3A_238 = tpu.memref_slice %arg2[%dma_start3A_236, %dma_start3A_237] : memref<10000x128xf32, #tpu.memory_space<hbm>> -> memref<10000x128xf32, #tpu.memory_space<hbm>>
      tpu.enqueue_indirect_dma source(%dma_start3A_238 : memref<10000x128xf32, #tpu.memory_space<hbm>>) target(%arg15 : memref<80x128xf32, #tpu.memory_space<vmem>>) offsets(%arg7 : memref<80xi32, #tpu.memory_space<vmem>>) semaphore(%arg28 : memref<!tpu.dma_semaphore, #tpu.memory_space<semaphore_mem>>) {add = true}
      %dma_wait3A_239 = arith.constant 0 : i32
      %dma_wait3A_240 = arith.constant 0 : i32
      %dma_wait3A_241 = tpu.memref_slice %arg2[%dma_wait3A_239, %dma_wait3A_240] : memref<10000x128xf32, #tpu.memory_space<hbm>> -> memref<10000x128xf32, #tpu.memory_space<hbm>>
      tpu.wait_indirect_dma semaphore(%arg31 : memref<!tpu.dma_semaphore, #tpu.memory_space<semaphore_mem>>) src(%dma_wait3A_241 : memref<10000x128xf32, #tpu.memory_space<hbm>>) dst(%arg18 : memref<80x128xf32, #tpu.memory_space<vmem>>)
      %scan3A_242 = arith.constant 0 : i32
      %scan3A_243 = arith.constant 0 : i32
      %scan3A_244 = arith.constant 80 : i32
      %scan3A_245 = arith.addi %scan3A_243, %scan3A_244 : i32
      %scan3A_246 = arith.constant 1 : i32
      %scan3A_247 = scf.for %scan3A_259 = %scan3A_243 to %scan3A_245 step %scan3A_246 iter_args(%scan3A_260 = %scan3A_242) -> (i32)  : i32 {
        %get3A = arith.index_cast %scan3A_259 : i32 to index
        %get3A_261 = arith.constant 0 : index
        %get3A_262 = tpu.vector_load %arg18[%get3A, %get3A_261] {strides = array<i32>} : memref<80x128xf32, #tpu.memory_space<vmem>>, vector<1x16xf32>,
        %get3A_263 = vector.shape_cast %get3A_262 : vector<1x16xf32> to vector<16xf32>
        %max3A = arith.constant 0.000000e+00 : f32
        %max3A_264 = vector.broadcast %max3A : f32 to vector<16xf32>
        %max3A_265 = arith.maximumf %get3A_263, %max3A_264 : vector<16xf32>
        %swap3A = arith.index_cast %scan3A_259 : i32 to index
        %swap3A_266 = arith.constant 0 : index
        %swap3A_267 = tpu.vector_load %arg18[%swap3A, %swap3A_266] {strides = array<i32>} : memref<80x128xf32, #tpu.memory_space<vmem>>, vector<1x16xf32>,
        %swap3A_268 = vector.shape_cast %swap3A_267 : vector<1x16xf32> to vector<16xf32>
        %swap3A_269 = vector.shape_cast %max3A_265 : vector<16xf32> to vector<1x16xf32>
        tpu.vector_store %arg18[%swap3A, %swap3A_266], %swap3A_269 {strides = array<i32>} : memref<80x128xf32, #tpu.memory_space<vmem>>, vector<1x16xf32>,
        %get3A_270 = arith.index_cast %scan3A_259 : i32 to index
        %get3A_271 = arith.constant 16 : index
        %get3A_272 = tpu.vector_load %arg18[%get3A_270, %get3A_271] {strides = array<i32>} : memref<80x128xf32, #tpu.memory_space<vmem>>, vector<1x16xf32>,
        %get3A_273 = vector.shape_cast %get3A_272 : vector<1x16xf32> to vector<16xf32>
        %max3A_274 = arith.constant 0.000000e+00 : f32
        %max3A_275 = vector.broadcast %max3A_274 : f32 to vector<16xf32>
        %max3A_276 = arith.maximumf %get3A_273, %max3A_275 : vector<16xf32>
        %swap3A_277 = arith.index_cast %scan3A_259 : i32 to index
        %swap3A_278 = arith.constant 16 : index
        %swap3A_279 = tpu.vector_load %arg18[%swap3A_277, %swap3A_278] {strides = array<i32>} : memref<80x128xf32, #tpu.memory_space<vmem>>, vector<1x16xf32>,
        %swap3A_280 = vector.shape_cast %swap3A_279 : vector<1x16xf32> to vector<16xf32>
        %swap3A_281 = vector.shape_cast %max3A_276 : vector<16xf32> to vector<1x16xf32>
        tpu.vector_store %arg18[%swap3A_277, %swap3A_278], %swap3A_281 {strides = array<i32>} : memref<80x128xf32, #tpu.memory_space<vmem>>, vector<1x16xf32>,
        %get3A_282 = arith.index_cast %scan3A_259 : i32 to index
        %get3A_283 = arith.constant 32 : index
        %get3A_284 = tpu.vector_load %arg18[%get3A_282, %get3A_283] {strides = array<i32>} : memref<80x128xf32, #tpu.memory_space<vmem>>, vector<1x16xf32>,
        %get3A_285 = vector.shape_cast %get3A_284 : vector<1x16xf32> to vector<16xf32>
        %max3A_286 = arith.constant 0.000000e+00 : f32
        %max3A_287 = vector.broadcast %max3A_286 : f32 to vector<16xf32>
        %max3A_288 = arith.maximumf %get3A_285, %max3A_287 : vector<16xf32>
        %swap3A_289 = arith.index_cast %scan3A_259 : i32 to index
        %swap3A_290 = arith.constant 32 : index
        %swap3A_291 = tpu.vector_load %arg18[%swap3A_289, %swap3A_290] {strides = array<i32>} : memref<80x128xf32, #tpu.memory_space<vmem>>, vector<1x16xf32>,
        %swap3A_292 = vector.shape_cast %swap3A_291 : vector<1x16xf32> to vector<16xf32>
        %swap3A_293 = vector.shape_cast %max3A_288 : vector<16xf32> to vector<1x16xf32>
        tpu.vector_store %arg18[%swap3A_289, %swap3A_290], %swap3A_293 {strides = array<i32>} : memref<80x128xf32, #tpu.memory_space<vmem>>, vector<1x16xf32>,
        %get3A_294 = arith.index_cast %scan3A_259 : i32 to index
        %get3A_295 = arith.constant 48 : index
        %get3A_296 = tpu.vector_load %arg18[%get3A_294, %get3A_295] {strides = array<i32>} : memref<80x128xf32, #tpu.memory_space<vmem>>, vector<1x16xf32>,
        %get3A_297 = vector.shape_cast %get3A_296 : vector<1x16xf32> to vector<16xf32>
        %max3A_298 = arith.constant 0.000000e+00 : f32
        %max3A_299 = vector.broadcast %max3A_298 : f32 to vector<16xf32>
        %max3A_300 = arith.maximumf %get3A_297, %max3A_299 : vector<16xf32>
        %swap3A_301 = arith.index_cast %scan3A_259 : i32 to index
        %swap3A_302 = arith.constant 48 : index
        %swap3A_303 = tpu.vector_load %arg18[%swap3A_301, %swap3A_302] {strides = array<i32>} : memref<80x128xf32, #tpu.memory_space<vmem>>, vector<1x16xf32>,
        %swap3A_304 = vector.shape_cast %swap3A_303 : vector<1x16xf32> to vector<16xf32>
        %swap3A_305 = vector.shape_cast %max3A_300 : vector<16xf32> to vector<1x16xf32>
        tpu.vector_store %arg18[%swap3A_301, %swap3A_302], %swap3A_305 {strides = array<i32>} : memref<80x128xf32, #tpu.memory_space<vmem>>, vector<1x16xf32>,
        %get3A_306 = arith.index_cast %scan3A_259 : i32 to index
        %get3A_307 = arith.constant 64 : index
        %get3A_308 = tpu.vector_load %arg18[%get3A_306, %get3A_307] {strides = array<i32>} : memref<80x128xf32, #tpu.memory_space<vmem>>, vector<1x16xf32>,
        %get3A_309 = vector.shape_cast %get3A_308 : vector<1x16xf32> to vector<16xf32>
        %max3A_310 = arith.constant 0.000000e+00 : f32
        %max3A_311 = vector.broadcast %max3A_310 : f32 to vector<16xf32>
        %max3A_312 = arith.maximumf %get3A_309, %max3A_311 : vector<16xf32>
        %swap3A_313 = arith.index_cast %scan3A_259 : i32 to index
        %swap3A_314 = arith.constant 64 : index
        %swap3A_315 = tpu.vector_load %arg18[%swap3A_313, %swap3A_314] {strides = array<i32>} : memref<80x128xf32, #tpu.memory_space<vmem>>, vector<1x16xf32>,
        %swap3A_316 = vector.shape_cast %swap3A_315 : vector<1x16xf32> to vector<16xf32>
        %swap3A_317 = vector.shape_cast %max3A_312 : vector<16xf32> to vector<1x16xf32>
        tpu.vector_store %arg18[%swap3A_313, %swap3A_314], %swap3A_317 {strides = array<i32>} : memref<80x128xf32, #tpu.memory_space<vmem>>, vector<1x16xf32>,
        %get3A_318 = arith.index_cast %scan3A_259 : i32 to index
        %get3A_319 = arith.constant 80 : index
        %get3A_320 = tpu.vector_load %arg18[%get3A_318, %get3A_319] {strides = array<i32>} : memref<80x128xf32, #tpu.memory_space<vmem>>, vector<1x16xf32>,
        %get3A_321 = vector.shape_cast %get3A_320 : vector<1x16xf32> to vector<16xf32>
        %max3A_322 = arith.constant 0.000000e+00 : f32
        %max3A_323 = vector.broadcast %max3A_322 : f32 to vector<16xf32>
        %max3A_324 = arith.maximumf %get3A_321, %max3A_323 : vector<16xf32>
        %swap3A_325 = arith.index_cast %scan3A_259 : i32 to index
        %swap3A_326 = arith.constant 80 : index
        %swap3A_327 = tpu.vector_load %arg18[%swap3A_325, %swap3A_326] {strides = array<i32>} : memref<80x128xf32, #tpu.memory_space<vmem>>, vector<1x16xf32>,
        %swap3A_328 = vector.shape_cast %swap3A_327 : vector<1x16xf32> to vector<16xf32>
        %swap3A_329 = vector.shape_cast %max3A_324 : vector<16xf32> to vector<1x16xf32>
        tpu.vector_store %arg18[%swap3A_325, %swap3A_326], %swap3A_329 {strides = array<i32>} : memref<80x128xf32, #tpu.memory_space<vmem>>, vector<1x16xf32>,
        %get3A_330 = arith.index_cast %scan3A_259 : i32 to index
        %get3A_331 = arith.constant 96 : index
        %get3A_332 = tpu.vector_load %arg18[%get3A_330, %get3A_331] {strides = array<i32>} : memref<80x128xf32, #tpu.memory_space<vmem>>, vector<1x16xf32>,
        %get3A_333 = vector.shape_cast %get3A_332 : vector<1x16xf32> to vector<16xf32>
        %max3A_334 = arith.constant 0.000000e+00 : f32
        %max3A_335 = vector.broadcast %max3A_334 : f32 to vector<16xf32>
        %max3A_336 = arith.maximumf %get3A_333, %max3A_335 : vector<16xf32>
        %swap3A_337 = arith.index_cast %scan3A_259 : i32 to index
        %swap3A_338 = arith.constant 96 : index
        %swap3A_339 = tpu.vector_load %arg18[%swap3A_337, %swap3A_338] {strides = array<i32>} : memref<80x128xf32, #tpu.memory_space<vmem>>, vector<1x16xf32>,
        %swap3A_340 = vector.shape_cast %swap3A_339 : vector<1x16xf32> to vector<16xf32>
        %swap3A_341 = vector.shape_cast %max3A_336 : vector<16xf32> to vector<1x16xf32>
        tpu.vector_store %arg18[%swap3A_337, %swap3A_338], %swap3A_341 {strides = array<i32>} : memref<80x128xf32, #tpu.memory_space<vmem>>, vector<1x16xf32>,
        %get3A_342 = arith.index_cast %scan3A_259 : i32 to index
        %get3A_343 = arith.constant 112 : index
        %get3A_344 = tpu.vector_load %arg18[%get3A_342, %get3A_343] {strides = array<i32>} : memref<80x128xf32, #tpu.memory_space<vmem>>, vector<1x16xf32>,
        %get3A_345 = vector.shape_cast %get3A_344 : vector<1x16xf32> to vector<16xf32>
        %max3A_346 = arith.constant 0.000000e+00 : f32
        %max3A_347 = vector.broadcast %max3A_346 : f32 to vector<16xf32>
        %max3A_348 = arith.maximumf %get3A_345, %max3A_347 : vector<16xf32>
        %swap3A_349 = arith.index_cast %scan3A_259 : i32 to index
        %swap3A_350 = arith.constant 112 : index
        %swap3A_351 = tpu.vector_load %arg18[%swap3A_349, %swap3A_350] {strides = array<i32>} : memref<80x128xf32, #tpu.memory_space<vmem>>, vector<1x16xf32>,
        %swap3A_352 = vector.shape_cast %swap3A_351 : vector<1x16xf32> to vector<16xf32>
        %swap3A_353 = vector.shape_cast %max3A_348 : vector<16xf32> to vector<1x16xf32>
        tpu.vector_store %arg18[%swap3A_349, %swap3A_350], %swap3A_353 {strides = array<i32>} : memref<80x128xf32, #tpu.memory_space<vmem>>, vector<1x16xf32>,
        %scan3A_354 = arith.constant 0 : i32
        scf.yield %scan3A_354 : i32
      }
      %scan3A_248 = arith.constant 80 : i32
      "tpu.region"() ({
        %run_scoped3A = tpu.sem_alloc : memref<!tpu.dma_semaphore, #tpu.memory_space<semaphore_mem>>
        %dma_start3A_259 = arith.constant 0 : i32
        %dma_start3A_260 = arith.constant 0 : i32
        %dma_start3A_261 = tpu.memref_slice %arg19[%dma_start3A_259, %dma_start3A_260] : memref<10000x128xf32, #tpu.memory_space<vmem_shared>> -> memref<10000x128xf32, #tpu.memory_space<vmem_shared>>
        tpu.enqueue_indirect_dma source(%arg18 : memref<80x128xf32, #tpu.memory_space<vmem>>) target(%dma_start3A_261 : memref<10000x128xf32, #tpu.memory_space<vmem_shared>>) offsets(%arg14 : memref<80xi32, #tpu.memory_space<vmem>>) semaphore(%run_scoped3A : memref<!tpu.dma_semaphore, #tpu.memory_space<semaphore_mem>>) {add = true}
        %dma_wait3A_262 = arith.constant 0 : i32
        %dma_wait3A_263 = arith.constant 0 : i32
        %dma_wait3A_264 = tpu.memref_slice %arg19[%dma_wait3A_262, %dma_wait3A_263] : memref<10000x128xf32, #tpu.memory_space<vmem_shared>> -> memref<10000x128xf32, #tpu.memory_space<vmem_shared>>
        tpu.wait_indirect_dma semaphore(%run_scoped3A : memref<!tpu.dma_semaphore, #tpu.memory_space<semaphore_mem>>) src(%arg18 : memref<80x128xf32, #tpu.memory_space<vmem>>) dst(%dma_wait3A_264 : memref<10000x128xf32, #tpu.memory_space<vmem_shared>>)
        tpu.yield
      }) : () -> ()
      %add3A_249 = arith.constant 4 : i32
      %add3A_250 = arith.addi %add3A_221, %add3A_249 : i32
      %sub3A_251 = arith.constant 1 : i32
      %sub3A_252 = arith.subi %add3A_250, %sub3A_251 : i32
      %lt3A_253 = arith.constant 125 : i32
      %lt3A_254 = arith.cmpi slt, %sub3A_252, %lt3A_253 : i32
      %convert_element_type3A_255 = arith.extui %lt3A_254 : i1 to i32
      %cond3A_256 = arith.constant 0 : i32
      %cond3A_257 = arith.cmpi ne, %convert_element_type3A_255, %cond3A_256 : i32
      scf.if %cond3A_257 {
        %add3A_259 = arith.constant 4 : i32
        %add3A_260 = arith.addi %add3A_221, %add3A_259 : i32
        %sub3A_261 = arith.constant 1 : i32
        %sub3A_262 = arith.subi %add3A_260, %sub3A_261 : i32
        %mul3A_263 = arith.constant 80 : i32
        %mul3A_264 = arith.muli %sub3A_262, %mul3A_263 : i32
        %add3A_265 = arith.addi %mul3A_2, %mul3A_264 : i32
        %dma_start3A_266 = tpu.memref_slice %arg4[%add3A_265] : memref<320000xi32, #tpu.memory_space<hbm>> -> memref<80xi32, #tpu.memory_space<hbm>>
        %dma_start3A_267 = tpu.memref_slice %arg4[%add3A_265] : memref<320000xi32, #tpu.memory_space<hbm>> -> memref<80xi32, #tpu.memory_space<hbm>>
        tpu.enqueue_dma source(%dma_start3A_267 : memref<80xi32, #tpu.memory_space<hbm>>) target(%arg9 : memref<80xi32, #tpu.memory_space<vmem>>) target_semaphore(%arg22 : memref<!tpu.dma_semaphore, #tpu.memory_space<semaphore_mem>>)
        %dma_start3A_268 = tpu.memref_slice %arg5[%add3A_265] : memref<320000xi32, #tpu.memory_space<hbm>> -> memref<80xi32, #tpu.memory_space<hbm>>
        %dma_start3A_269 = tpu.memref_slice %arg5[%add3A_265] : memref<320000xi32, #tpu.memory_space<hbm>> -> memref<80xi32, #tpu.memory_space<hbm>>
        tpu.enqueue_dma source(%dma_start3A_269 : memref<80xi32, #tpu.memory_space<hbm>>) target(%arg13 : memref<80xi32, #tpu.memory_space<vmem>>) target_semaphore(%arg22 : memref<!tpu.dma_semaphore, #tpu.memory_space<semaphore_mem>>)
        %dma_start3A_270 = arith.constant 0 : i32
        %dma_start3A_271 = tpu.memref_slice %arg3[%add3A_265, %dma_start3A_270] : memref<320000x128xf32, #tpu.memory_space<hbm>> -> memref<80x128xf32, #tpu.memory_space<hbm>>
        %dma_start3A_272 = arith.constant 0 : i32
        %dma_start3A_273 = tpu.memref_slice %arg3[%add3A_265, %dma_start3A_272] : memref<320000x128xf32, #tpu.memory_space<hbm>> -> memref<80x128xf32, #tpu.memory_space<hbm>>
        tpu.enqueue_dma source(%dma_start3A_273 : memref<80x128xf32, #tpu.memory_space<hbm>>) target(%arg17 : memref<80x128xf32, #tpu.memory_space<vmem>>) target_semaphore(%arg26 : memref<!tpu.dma_semaphore, #tpu.memory_space<semaphore_mem>>)
      } else {
      }
      %scan3A_258 = arith.constant 0 : i32
      scf.yield %scan3A_258 : i32
    }
    %scan3A_81 = arith.constant 31 : i32
    %dma_wait3A_82 = arith.constant 0 : i32
    %dma_wait3A_83 = arith.constant 0 : i32
    %dma_wait3A_84 = tpu.memref_slice %arg2[%dma_wait3A_82, %dma_wait3A_83] : memref<10000x128xf32, #tpu.memory_space<hbm>> -> memref<10000x128xf32, #tpu.memory_space<hbm>>
    tpu.wait_indirect_dma semaphore(%arg28 : memref<!tpu.dma_semaphore, #tpu.memory_space<semaphore_mem>>) src(%dma_wait3A_84 : memref<10000x128xf32, #tpu.memory_space<hbm>>) dst(%arg15 : memref<80x128xf32, #tpu.memory_space<vmem>>)
    %scan3A_85 = arith.constant 0 : i32
    %scan3A_86 = arith.constant 0 : i32
    %scan3A_87 = arith.constant 80 : i32
    %scan3A_88 = arith.addi %scan3A_86, %scan3A_87 : i32
    %scan3A_89 = arith.constant 1 : i32
    %scan3A_90 = scf.for %scan3A_98 = %scan3A_86 to %scan3A_88 step %scan3A_89 iter_args(%scan3A_99 = %scan3A_85) -> (i32)  : i32 {
      %get3A = arith.index_cast %scan3A_98 : i32 to index
      %get3A_100 = arith.constant 0 : index
      %get3A_101 = tpu.vector_load %arg15[%get3A, %get3A_100] {strides = array<i32>} : memref<80x128xf32, #tpu.memory_space<vmem>>, vector<1x16xf32>,
      %get3A_102 = vector.shape_cast %get3A_101 : vector<1x16xf32> to vector<16xf32>
      %max3A = arith.constant 0.000000e+00 : f32
      %max3A_103 = vector.broadcast %max3A : f32 to vector<16xf32>
      %max3A_104 = arith.maximumf %get3A_102, %max3A_103 : vector<16xf32>
      %swap3A = arith.index_cast %scan3A_98 : i32 to index
      %swap3A_105 = arith.constant 0 : index
      %swap3A_106 = tpu.vector_load %arg15[%swap3A, %swap3A_105] {strides = array<i32>} : memref<80x128xf32, #tpu.memory_space<vmem>>, vector<1x16xf32>,
      %swap3A_107 = vector.shape_cast %swap3A_106 : vector<1x16xf32> to vector<16xf32>
      %swap3A_108 = vector.shape_cast %max3A_104 : vector<16xf32> to vector<1x16xf32>
      tpu.vector_store %arg15[%swap3A, %swap3A_105], %swap3A_108 {strides = array<i32>} : memref<80x128xf32, #tpu.memory_space<vmem>>, vector<1x16xf32>,
      %get3A_109 = arith.index_cast %scan3A_98 : i32 to index
      %get3A_110 = arith.constant 16 : index
      %get3A_111 = tpu.vector_load %arg15[%get3A_109, %get3A_110] {strides = array<i32>} : memref<80x128xf32, #tpu.memory_space<vmem>>, vector<1x16xf32>,
      %get3A_112 = vector.shape_cast %get3A_111 : vector<1x16xf32> to vector<16xf32>
      %max3A_113 = arith.constant 0.000000e+00 : f32
      %max3A_114 = vector.broadcast %max3A_113 : f32 to vector<16xf32>
      %max3A_115 = arith.maximumf %get3A_112, %max3A_114 : vector<16xf32>
      %swap3A_116 = arith.index_cast %scan3A_98 : i32 to index
      %swap3A_117 = arith.constant 16 : index
      %swap3A_118 = tpu.vector_load %arg15[%swap3A_116, %swap3A_117] {strides = array<i32>} : memref<80x128xf32, #tpu.memory_space<vmem>>, vector<1x16xf32>,
      %swap3A_119 = vector.shape_cast %swap3A_118 : vector<1x16xf32> to vector<16xf32>
      %swap3A_120 = vector.shape_cast %max3A_115 : vector<16xf32> to vector<1x16xf32>
      tpu.vector_store %arg15[%swap3A_116, %swap3A_117], %swap3A_120 {strides = array<i32>} : memref<80x128xf32, #tpu.memory_space<vmem>>, vector<1x16xf32>,
      %get3A_121 = arith.index_cast %scan3A_98 : i32 to index
      %get3A_122 = arith.constant 32 : index
      %get3A_123 = tpu.vector_load %arg15[%get3A_121, %get3A_122] {strides = array<i32>} : memref<80x128xf32, #tpu.memory_space<vmem>>, vector<1x16xf32>,
      %get3A_124 = vector.shape_cast %get3A_123 : vector<1x16xf32> to vector<16xf32>
      %max3A_125 = arith.constant 0.000000e+00 : f32
      %max3A_126 = vector.broadcast %max3A_125 : f32 to vector<16xf32>
      %max3A_127 = arith.maximumf %get3A_124, %max3A_126 : vector<16xf32>
      %swap3A_128 = arith.index_cast %scan3A_98 : i32 to index
      %swap3A_129 = arith.constant 32 : index
      %swap3A_130 = tpu.vector_load %arg15[%swap3A_128, %swap3A_129] {strides = array<i32>} : memref<80x128xf32, #tpu.memory_space<vmem>>, vector<1x16xf32>,
      %swap3A_131 = vector.shape_cast %swap3A_130 : vector<1x16xf32> to vector<16xf32>
      %swap3A_132 = vector.shape_cast %max3A_127 : vector<16xf32> to vector<1x16xf32>
      tpu.vector_store %arg15[%swap3A_128, %swap3A_129], %swap3A_132 {strides = array<i32>} : memref<80x128xf32, #tpu.memory_space<vmem>>, vector<1x16xf32>,
      %get3A_133 = arith.index_cast %scan3A_98 : i32 to index
      %get3A_134 = arith.constant 48 : index
      %get3A_135 = tpu.vector_load %arg15[%get3A_133, %get3A_134] {strides = array<i32>} : memref<80x128xf32, #tpu.memory_space<vmem>>, vector<1x16xf32>,
      %get3A_136 = vector.shape_cast %get3A_135 : vector<1x16xf32> to vector<16xf32>
      %max3A_137 = arith.constant 0.000000e+00 : f32
      %max3A_138 = vector.broadcast %max3A_137 : f32 to vector<16xf32>
      %max3A_139 = arith.maximumf %get3A_136, %max3A_138 : vector<16xf32>
      %swap3A_140 = arith.index_cast %scan3A_98 : i32 to index
      %swap3A_141 = arith.constant 48 : index
      %swap3A_142 = tpu.vector_load %arg15[%swap3A_140, %swap3A_141] {strides = array<i32>} : memref<80x128xf32, #tpu.memory_space<vmem>>, vector<1x16xf32>,
      %swap3A_143 = vector.shape_cast %swap3A_142 : vector<1x16xf32> to vector<16xf32>
      %swap3A_144 = vector.shape_cast %max3A_139 : vector<16xf32> to vector<1x16xf32>
      tpu.vector_store %arg15[%swap3A_140, %swap3A_141], %swap3A_144 {strides = array<i32>} : memref<80x128xf32, #tpu.memory_space<vmem>>, vector<1x16xf32>,
      %get3A_145 = arith.index_cast %scan3A_98 : i32 to index
      %get3A_146 = arith.constant 64 : index
      %get3A_147 = tpu.vector_load %arg15[%get3A_145, %get3A_146] {strides = array<i32>} : memref<80x128xf32, #tpu.memory_space<vmem>>, vector<1x16xf32>,
      %get3A_148 = vector.shape_cast %get3A_147 : vector<1x16xf32> to vector<16xf32>
      %max3A_149 = arith.constant 0.000000e+00 : f32
      %max3A_150 = vector.broadcast %max3A_149 : f32 to vector<16xf32>
      %max3A_151 = arith.maximumf %get3A_148, %max3A_150 : vector<16xf32>
      %swap3A_152 = arith.index_cast %scan3A_98 : i32 to index
      %swap3A_153 = arith.constant 64 : index
      %swap3A_154 = tpu.vector_load %arg15[%swap3A_152, %swap3A_153] {strides = array<i32>} : memref<80x128xf32, #tpu.memory_space<vmem>>, vector<1x16xf32>,
      %swap3A_155 = vector.shape_cast %swap3A_154 : vector<1x16xf32> to vector<16xf32>
      %swap3A_156 = vector.shape_cast %max3A_151 : vector<16xf32> to vector<1x16xf32>
      tpu.vector_store %arg15[%swap3A_152, %swap3A_153], %swap3A_156 {strides = array<i32>} : memref<80x128xf32, #tpu.memory_space<vmem>>, vector<1x16xf32>,
      %get3A_157 = arith.index_cast %scan3A_98 : i32 to index
      %get3A_158 = arith.constant 80 : index
      %get3A_159 = tpu.vector_load %arg15[%get3A_157, %get3A_158] {strides = array<i32>} : memref<80x128xf32, #tpu.memory_space<vmem>>, vector<1x16xf32>,
      %get3A_160 = vector.shape_cast %get3A_159 : vector<1x16xf32> to vector<16xf32>
      %max3A_161 = arith.constant 0.000000e+00 : f32
      %max3A_162 = vector.broadcast %max3A_161 : f32 to vector<16xf32>
      %max3A_163 = arith.maximumf %get3A_160, %max3A_162 : vector<16xf32>
      %swap3A_164 = arith.index_cast %scan3A_98 : i32 to index
      %swap3A_165 = arith.constant 80 : index
      %swap3A_166 = tpu.vector_load %arg15[%swap3A_164, %swap3A_165] {strides = array<i32>} : memref<80x128xf32, #tpu.memory_space<vmem>>, vector<1x16xf32>,
      %swap3A_167 = vector.shape_cast %swap3A_166 : vector<1x16xf32> to vector<16xf32>
      %swap3A_168 = vector.shape_cast %max3A_163 : vector<16xf32> to vector<1x16xf32>
      tpu.vector_store %arg15[%swap3A_164, %swap3A_165], %swap3A_168 {strides = array<i32>} : memref<80x128xf32, #tpu.memory_space<vmem>>, vector<1x16xf32>,
      %get3A_169 = arith.index_cast %scan3A_98 : i32 to index
      %get3A_170 = arith.constant 96 : index
      %get3A_171 = tpu.vector_load %arg15[%get3A_169, %get3A_170] {strides = array<i32>} : memref<80x128xf32, #tpu.memory_space<vmem>>, vector<1x16xf32>,
      %get3A_172 = vector.shape_cast %get3A_171 : vector<1x16xf32> to vector<16xf32>
      %max3A_173 = arith.constant 0.000000e+00 : f32
      %max3A_174 = vector.broadcast %max3A_173 : f32 to vector<16xf32>
      %max3A_175 = arith.maximumf %get3A_172, %max3A_174 : vector<16xf32>
      %swap3A_176 = arith.index_cast %scan3A_98 : i32 to index
      %swap3A_177 = arith.constant 96 : index
      %swap3A_178 = tpu.vector_load %arg15[%swap3A_176, %swap3A_177] {strides = array<i32>} : memref<80x128xf32, #tpu.memory_space<vmem>>, vector<1x16xf32>,
      %swap3A_179 = vector.shape_cast %swap3A_178 : vector<1x16xf32> to vector<16xf32>
      %swap3A_180 = vector.shape_cast %max3A_175 : vector<16xf32> to vector<1x16xf32>
      tpu.vector_store %arg15[%swap3A_176, %swap3A_177], %swap3A_180 {strides = array<i32>} : memref<80x128xf32, #tpu.memory_space<vmem>>, vector<1x16xf32>,
      %get3A_181 = arith.index_cast %scan3A_98 : i32 to index
      %get3A_182 = arith.constant 112 : index
      %get3A_183 = tpu.vector_load %arg15[%get3A_181, %get3A_182] {strides = array<i32>} : memref<80x128xf32, #tpu.memory_space<vmem>>, vector<1x16xf32>,
      %get3A_184 = vector.shape_cast %get3A_183 : vector<1x16xf32> to vector<16xf32>
      %max3A_185 = arith.constant 0.000000e+00 : f32
      %max3A_186 = vector.broadcast %max3A_185 : f32 to vector<16xf32>
      %max3A_187 = arith.maximumf %get3A_184, %max3A_186 : vector<16xf32>
      %swap3A_188 = arith.index_cast %scan3A_98 : i32 to index
      %swap3A_189 = arith.constant 112 : index
      %swap3A_190 = tpu.vector_load %arg15[%swap3A_188, %swap3A_189] {strides = array<i32>} : memref<80x128xf32, #tpu.memory_space<vmem>>, vector<1x16xf32>,
      %swap3A_191 = vector.shape_cast %swap3A_190 : vector<1x16xf32> to vector<16xf32>
      %swap3A_192 = vector.shape_cast %max3A_187 : vector<16xf32> to vector<1x16xf32>
      tpu.vector_store %arg15[%swap3A_188, %swap3A_189], %swap3A_192 {strides = array<i32>} : memref<80x128xf32, #tpu.memory_space<vmem>>, vector<1x16xf32>,
      %scan3A_193 = arith.constant 0 : i32
      scf.yield %scan3A_193 : i32
    }
    %scan3A_91 = arith.constant 80 : i32
    "tpu.region"() ({
      %run_scoped3A = tpu.sem_alloc : memref<!tpu.dma_semaphore, #tpu.memory_space<semaphore_mem>>
      %dma_start3A_98 = arith.constant 0 : i32
      %dma_start3A_99 = arith.constant 0 : i32
      %dma_start3A_100 = tpu.memref_slice %arg19[%dma_start3A_98, %dma_start3A_99] : memref<10000x128xf32, #tpu.memory_space<vmem_shared>> -> memref<10000x128xf32, #tpu.memory_space<vmem_shared>>
      tpu.enqueue_indirect_dma source(%arg15 : memref<80x128xf32, #tpu.memory_space<vmem>>) target(%dma_start3A_100 : memref<10000x128xf32, #tpu.memory_space<vmem_shared>>) offsets(%arg11 : memref<80xi32, #tpu.memory_space<vmem>>) semaphore(%run_scoped3A : memref<!tpu.dma_semaphore, #tpu.memory_space<semaphore_mem>>) {add = true}
      %dma_wait3A_101 = arith.constant 0 : i32
      %dma_wait3A_102 = arith.constant 0 : i32
      %dma_wait3A_103 = tpu.memref_slice %arg19[%dma_wait3A_101, %dma_wait3A_102] : memref<10000x128xf32, #tpu.memory_space<vmem_shared>> -> memref<10000x128xf32, #tpu.memory_space<vmem_shared>>
      tpu.wait_indirect_dma semaphore(%run_scoped3A : memref<!tpu.dma_semaphore, #tpu.memory_space<semaphore_mem>>) src(%arg15 : memref<80x128xf32, #tpu.memory_space<vmem>>) dst(%dma_wait3A_103 : memref<10000x128xf32, #tpu.memory_space<vmem_shared>>)
      tpu.yield
    }) : () -> ()
    %barrier3A_92 = arith.constant 0 : index
    tpu.barrier barrier_id(%barrier3A_92)
    "tpu.region"() ({
      %run_scoped3A = tpu.sem_alloc : memref<!tpu.dma_semaphore, #tpu.memory_space<semaphore_mem>>
      %dma_start3A_98 = arith.constant 0 : i32
      %dma_start3A_99 = tpu.memref_slice %arg6[%arg0, %mul3A_4, %dma_start3A_98] : memref<2x10000x128xf32, #tpu.memory_space<hbm>> -> memref<1x624x128xf32, #tpu.memory_space<hbm>>
      %dma_start3A_100 = tpu.memref_squeeze %dma_start3A_99 : memref<1x624x128xf32, #tpu.memory_space<hbm>> -> memref<624x128xf32, #tpu.memory_space<hbm>>
      %dma_start3A_101 = arith.constant 0 : i32
      %dma_start3A_102 = tpu.memref_slice %arg19[%mul3A_4, %dma_start3A_101] : memref<10000x128xf32, #tpu.memory_space<vmem_shared>> -> memref<624x128xf32, #tpu.memory_space<vmem_shared>>
      tpu.enqueue_dma source(%dma_start3A_102 : memref<624x128xf32, #tpu.memory_space<vmem_shared>>) target(%dma_start3A_100 : memref<624x128xf32, #tpu.memory_space<hbm>>) target_semaphore(%run_scoped3A : memref<!tpu.dma_semaphore, #tpu.memory_space<semaphore_mem>>)
      %dma_wait3A_103 = arith.constant 0 : i32
      %dma_wait3A_104 = tpu.memref_slice %arg6[%arg0, %mul3A_4, %dma_wait3A_103] : memref<2x10000x128xf32, #tpu.memory_space<hbm>> -> memref<1x624x128xf32, #tpu.memory_space<hbm>>
      %dma_wait3A_105 = tpu.memref_squeeze %dma_wait3A_104 : memref<1x624x128xf32, #tpu.memory_space<hbm>> -> memref<624x128xf32, #tpu.memory_space<hbm>>
      %dma_wait3A_106 = arith.constant 0 : i32
      %dma_wait3A_107 = tpu.memref_slice %arg19[%mul3A_4, %dma_wait3A_106] : memref<10000x128xf32, #tpu.memory_space<vmem_shared>> -> memref<624x128xf32, #tpu.memory_space<vmem_shared>>
      tpu.wait_dma2 semaphore(%run_scoped3A : memref<!tpu.dma_semaphore, #tpu.memory_space<semaphore_mem>>) src(%dma_wait3A_107 : memref<624x128xf32, #tpu.memory_space<vmem_shared>>) dst(%dma_wait3A_105 : memref<624x128xf32, #tpu.memory_space<hbm>>)
      tpu.yield
    }) : () -> ()
    %eq3A_93 = arith.constant 15 : i32
    %eq3A_94 = arith.cmpi eq, %arg1, %eq3A_93 : i32
    %convert_element_type3A_95 = arith.extui %eq3A_94 : i1 to i32
    %cond3A_96 = arith.constant 0 : i32
    %cond3A_97 = arith.cmpi ne, %convert_element_type3A_95, %cond3A_96 : i32
    scf.if %cond3A_97 {
      "tpu.region"() ({
        %run_scoped3A = tpu.sem_alloc : memref<!tpu.dma_semaphore, #tpu.memory_space<semaphore_mem>>
        %dma_start3A_98 = arith.constant 9984 : i32
        %dma_start3A_99 = arith.constant 0 : i32
        %dma_start3A_100 = tpu.memref_slice %arg6[%arg0, %dma_start3A_98, %dma_start3A_99] : memref<2x10000x128xf32, #tpu.memory_space<hbm>> -> memref<1x16x128xf32, #tpu.memory_space<hbm>>
        %dma_start3A_101 = tpu.memref_squeeze %dma_start3A_100 : memref<1x16x128xf32, #tpu.memory_space<hbm>> -> memref<16x128xf32, #tpu.memory_space<hbm>>
        %dma_start3A_102 = arith.constant 9984 : i32
        %dma_start3A_103 = arith.constant 0 : i32
        %dma_start3A_104 = tpu.memref_slice %arg19[%dma_start3A_102, %dma_start3A_103] : memref<10000x128xf32, #tpu.memory_space<vmem_shared>> -> memref<16x128xf32, #tpu.memory_space<vmem_shared>>
        tpu.enqueue_dma source(%dma_start3A_104 : memref<16x128xf32, #tpu.memory_space<vmem_shared>>) target(%dma_start3A_101 : memref<16x128xf32, #tpu.memory_space<hbm>>) target_semaphore(%run_scoped3A : memref<!tpu.dma_semaphore, #tpu.memory_space<semaphore_mem>>)
        %dma_wait3A_105 = arith.constant 9984 : i32
        %dma_wait3A_106 = arith.constant 0 : i32
        %dma_wait3A_107 = tpu.memref_slice %arg6[%arg0, %dma_wait3A_105, %dma_wait3A_106] : memref<2x10000x128xf32, #tpu.memory_space<hbm>> -> memref<1x16x128xf32, #tpu.memory_space<hbm>>
        %dma_wait3A_108 = tpu.memref_squeeze %dma_wait3A_107 : memref<1x16x128xf32, #tpu.memory_space<hbm>> -> memref<16x128xf32, #tpu.memory_space<hbm>>
        %dma_wait3A_109 = arith.constant 9984 : i32
        %dma_wait3A_110 = arith.constant 0 : i32
        %dma_wait3A_111 = tpu.memref_slice %arg19[%dma_wait3A_109, %dma_wait3A_110] : memref<10000x128xf32, #tpu.memory_space<vmem_shared>> -> memref<16x128xf32, #tpu.memory_space<vmem_shared>>
        tpu.wait_dma2 semaphore(%run_scoped3A : memref<!tpu.dma_semaphore, #tpu.memory_space<semaphore_mem>>) src(%dma_wait3A_111 : memref<16x128xf32, #tpu.memory_space<vmem_shared>>) dst(%dma_wait3A_108 : memref<16x128xf32, #tpu.memory_space<hbm>>)
        tpu.yield
      }) : () -> ()
    } else {
    }
    return
  }
}

module attributes {stable_mosaic.version = 14 : i64} {
  func.func @_node_body(%arg0: i32, %arg1: i32, %arg2: memref<2000x128xf32, #tpu.memory_space<vmem>>, %arg3: memref<2x2000x128xf32, #tpu.memory_space<vmem>>, %arg4: memref<128x128xf32, #tpu.memory_space<vmem>>, %arg5: memref<128xf32, #tpu.memory_space<vmem>>, %arg6: memref<128xf32, #tpu.memory_space<vmem>>, %arg7: memref<128xf32, #tpu.memory_space<vmem>>, %arg8: memref<128x128xf32, #tpu.memory_space<vmem>>, %arg9: memref<128xf32, #tpu.memory_space<vmem>>, %arg10: memref<2000x128xf32, #tpu.memory_space<vmem>>, %arg11: memref<10000x128xf32, #tpu.memory_space<vmem>>, %arg12: memref<8x128xf32, #tpu.memory_space<vmem>>) attributes {dimension_semantics = [#tpu.dimension_semantics<arbitrary>, #tpu.dimension_semantics<arbitrary>], iteration_bounds = array<i64: 2, 5>, scalar_prefetch = 0 : i64, scratch_operands = 2 : i64, tpu.core_type = #tpu.core_type<tc>, window_params = [{transform_indices = @transform_0, window_bounds = array<i64: 2000, 128>}, {transform_indices = @transform_1, window_bounds = array<i64: 2, 2000, 128>}, {pipeline_mode = #tpu.pipeline_mode<synchronous>, transform_indices = @transform_2, window_bounds = array<i64: 128, 128>}, {pipeline_mode = #tpu.pipeline_mode<synchronous>, transform_indices = @transform_3, window_bounds = array<i64: 128>}, {pipeline_mode = #tpu.pipeline_mode<synchronous>, transform_indices = @transform_4, window_bounds = array<i64: 128>}, {pipeline_mode = #tpu.pipeline_mode<synchronous>, transform_indices = @transform_5, window_bounds = array<i64: 128>}, {pipeline_mode = #tpu.pipeline_mode<synchronous>, transform_indices = @transform_6, window_bounds = array<i64: 128, 128>}, {pipeline_mode = #tpu.pipeline_mode<synchronous>, transform_indices = @transform_7, window_bounds = array<i64: 128>}, {transform_indices = @transform_8, window_bounds = array<i64: 2000, 128>}]} {
    %mul3A = arith.constant 2000 : i32
    %mul3A_0 = arith.muli %arg1, %mul3A : i32
    %eq3A = arith.constant 0 : i32
    %eq3A_1 = arith.cmpi eq, %arg0, %eq3A : i32
    %convert_element_type3A = arith.extui %eq3A_1 : i1 to i32
    %cond3A = arith.constant 0 : i32
    %cond3A_2 = arith.cmpi ne, %convert_element_type3A, %cond3A : i32
    scf.if %cond3A_2 {
      %get3A = arith.constant 0 : index
      %get3A_8 = arith.constant 0 : index
      %get3A_9 = vector.load %arg2[%get3A, %get3A_8] : memref<2000x128xf32, #tpu.memory_space<vmem>>, vector<2000x128xf32>
      %get3A_10 = arith.constant 0 : index
      %get3A_11 = arith.constant 0 : index
      %get3A_12 = arith.constant 0 : index
      %get3A_13 = vector.load %arg3[%get3A_10, %get3A_11, %get3A_12] : memref<2x2000x128xf32, #tpu.memory_space<vmem>>, vector<1x2000x128xf32>
      %get3A_14 = vector.shape_cast %get3A_13 : vector<1x2000x128xf32> to vector<2000x128xf32>
      %add3A = arith.addf %get3A_9, %get3A_14 : vector<2000x128xf32>
      %get3A_15 = arith.constant 1 : index
      %get3A_16 = arith.constant 0 : index
      %get3A_17 = arith.constant 0 : index
      %get3A_18 = vector.load %arg3[%get3A_15, %get3A_16, %get3A_17] : memref<2x2000x128xf32, #tpu.memory_space<vmem>>, vector<1x2000x128xf32>
      %get3A_19 = vector.shape_cast %get3A_18 : vector<1x2000x128xf32> to vector<2000x128xf32>
      %add3A_20 = arith.addf %add3A, %get3A_19 : vector<2000x128xf32>
      %get3A_21 = arith.constant 0 : index
      %get3A_22 = arith.constant 0 : index
      %get3A_23 = vector.load %arg4[%get3A_21, %get3A_22] : memref<128x128xf32, #tpu.memory_space<vmem>>, vector<128x128xf32>
      %dot_general3A = arith.constant dense<0.000000e+00> : vector<2000x128xf32>
      %dot_general3A_24 = tpu.matmul %add3A_20, %get3A_23, %dot_general3A {dimension_numbers = #tpu.dot_dimension_numbers<[1], [0], [0], [1], [0, 0, 1, 1], [], []>, transpose_lhs_hint = false} : vector<2000x128xf32>, vector<128x128xf32>, vector<2000x128xf32> -> vector<2000x128xf32>
      %get3A_25 = arith.constant 0 : index
      %get3A_26 = vector.load %arg5[%get3A_25] : memref<128xf32, #tpu.memory_space<vmem>>, vector<128xf32>
      %broadcast_in_dim3A = vector.shape_cast %get3A_26 : vector<128xf32> to vector<1x128xf32>
      %add3A_27 = vector.broadcast %broadcast_in_dim3A : vector<1x128xf32> to vector<2000x128xf32>
      %add3A_28 = arith.addf %dot_general3A_24, %add3A_27 : vector<2000x128xf32>
      %swap3A = arith.index_cast %mul3A_0 : i32 to index
      %swap3A_29 = arith.constant 0 : index
      %swap3A_30 = vector.load %arg11[%swap3A, %swap3A_29] : memref<10000x128xf32, #tpu.memory_space<vmem>>, vector<2000x128xf32>
      tpu.vector_store %arg11[%swap3A, %swap3A_29], %add3A_28 {strides = array<i32>} : memref<10000x128xf32, #tpu.memory_space<vmem>>, vector<2000x128xf32>,
      %eq3A_31 = arith.constant 0 : i32
      %eq3A_32 = arith.cmpi eq, %arg1, %eq3A_31 : i32
      %convert_element_type3A_33 = arith.extui %eq3A_32 : i1 to i32
      %cond3A_34 = arith.constant 0 : i32
      %cond3A_35 = arith.cmpi ne, %convert_element_type3A_33, %cond3A_34 : i32
      scf.if %cond3A_35 {
        %broadcast_in_dim3A_60 = arith.constant 0.000000e+00 : f32
        %broadcast_in_dim3A_61 = vector.broadcast %broadcast_in_dim3A_60 : f32 to vector<8x128xf32>
        %swap3A_62 = arith.constant 0 : index
        %swap3A_63 = arith.constant 0 : index
        %swap3A_64 = vector.load %arg12[%swap3A_62, %swap3A_63] : memref<8x128xf32, #tpu.memory_space<vmem>>, vector<8x128xf32>
        tpu.vector_store %arg12[%swap3A_62, %swap3A_63], %broadcast_in_dim3A_61 {strides = array<i32>} : memref<8x128xf32, #tpu.memory_space<vmem>>, vector<8x128xf32>,
      } else {
      }
      %get3A_36 = arith.constant 0 : index
      %get3A_37 = arith.constant 0 : index
      %get3A_38 = vector.load %arg12[%get3A_36, %get3A_37] : memref<8x128xf32, #tpu.memory_space<vmem>>, vector<1x128xf32>
      %get3A_39 = vector.shape_cast %get3A_38 : vector<1x128xf32> to vector<128xf32>
      %reduce_sum3A = arith.constant dense<0.000000e+00> : vector<128xf32>
      %reduce_sum3A_40 = vector.multi_reduction <add>, %add3A_28, %reduce_sum3A [0] : vector<2000x128xf32> to vector<128xf32>
      %add3A_41 = arith.addf %get3A_39, %reduce_sum3A_40 : vector<128xf32>
      %swap3A_42 = arith.constant 0 : index
      %swap3A_43 = arith.constant 0 : index
      %swap3A_44 = vector.load %arg12[%swap3A_42, %swap3A_43] : memref<8x128xf32, #tpu.memory_space<vmem>>, vector<1x128xf32>
      %swap3A_45 = vector.shape_cast %swap3A_44 : vector<1x128xf32> to vector<128xf32>
      %swap3A_46 = vector.shape_cast %add3A_41 : vector<128xf32> to vector<1x128xf32>
      tpu.vector_store %arg12[%swap3A_42, %swap3A_43], %swap3A_46 {strides = array<i32>} : memref<8x128xf32, #tpu.memory_space<vmem>>, vector<1x128xf32>,
      %get3A_47 = arith.constant 1 : index
      %get3A_48 = arith.constant 0 : index
      %get3A_49 = vector.load %arg12[%get3A_47, %get3A_48] : memref<8x128xf32, #tpu.memory_space<vmem>>, vector<1x128xf32>
      %get3A_50 = vector.shape_cast %get3A_49 : vector<1x128xf32> to vector<128xf32>
      %mul3A_51 = arith.mulf %add3A_28, %add3A_28 : vector<2000x128xf32>
      %reduce_sum3A_52 = arith.constant dense<0.000000e+00> : vector<128xf32>
      %reduce_sum3A_53 = vector.multi_reduction <add>, %mul3A_51, %reduce_sum3A_52 [0] : vector<2000x128xf32> to vector<128xf32>
      %add3A_54 = arith.addf %get3A_50, %reduce_sum3A_53 : vector<128xf32>
      %swap3A_55 = arith.constant 1 : index
      %swap3A_56 = arith.constant 0 : index
      %swap3A_57 = vector.load %arg12[%swap3A_55, %swap3A_56] : memref<8x128xf32, #tpu.memory_space<vmem>>, vector<1x128xf32>
      %swap3A_58 = vector.shape_cast %swap3A_57 : vector<1x128xf32> to vector<128xf32>
      %swap3A_59 = vector.shape_cast %add3A_54 : vector<128xf32> to vector<1x128xf32>
      tpu.vector_store %arg12[%swap3A_55, %swap3A_56], %swap3A_59 {strides = array<i32>} : memref<8x128xf32, #tpu.memory_space<vmem>>, vector<1x128xf32>,
    } else {
    }
    %eq3A_3 = arith.constant 1 : i32
    %eq3A_4 = arith.cmpi eq, %arg0, %eq3A_3 : i32
    %convert_element_type3A_5 = arith.extui %eq3A_4 : i1 to i32
    %cond3A_6 = arith.constant 0 : i32
    %cond3A_7 = arith.cmpi ne, %convert_element_type3A_5, %cond3A_6 : i32
    scf.if %cond3A_7 {
      %get3A = arith.constant 0 : index
      %get3A_8 = arith.constant 0 : index
      %get3A_9 = vector.load %arg12[%get3A, %get3A_8] : memref<8x128xf32, #tpu.memory_space<vmem>>, vector<1x128xf32>
      %get3A_10 = vector.shape_cast %get3A_9 : vector<1x128xf32> to vector<128xf32>
      %div3A = arith.constant 1.000000e+04 : f32
      %div3A_11 = vector.broadcast %div3A : f32 to vector<128xf32>
      %div3A_12 = arith.divf %get3A_10, %div3A_11 : vector<128xf32>
      %get3A_13 = arith.constant 1 : index
      %get3A_14 = arith.constant 0 : index
      %get3A_15 = vector.load %arg12[%get3A_13, %get3A_14] : memref<8x128xf32, #tpu.memory_space<vmem>>, vector<1x128xf32>
      %get3A_16 = vector.shape_cast %get3A_15 : vector<1x128xf32> to vector<128xf32>
      %div3A_17 = arith.constant 1.000000e+04 : f32
      %div3A_18 = vector.broadcast %div3A_17 : f32 to vector<128xf32>
      %div3A_19 = arith.divf %get3A_16, %div3A_18 : vector<128xf32>
      %mul3A_20 = arith.mulf %div3A_12, %div3A_12 : vector<128xf32>
      %sub3A = arith.subf %div3A_19, %mul3A_20 : vector<128xf32>
      %add3A = arith.constant 9.99999974E-6 : f32
      %add3A_21 = vector.broadcast %add3A : f32 to vector<128xf32>
      %add3A_22 = arith.addf %sub3A, %add3A_21 : vector<128xf32>
      %rsqrt3A = math.rsqrt %add3A_22 : vector<128xf32>
      %get3A_23 = arith.index_cast %mul3A_0 : i32 to index
      %get3A_24 = arith.constant 0 : index
      %get3A_25 = vector.load %arg11[%get3A_23, %get3A_24] : memref<10000x128xf32, #tpu.memory_space<vmem>>, vector<2000x128xf32>
      %broadcast_in_dim3A = vector.shape_cast %div3A_12 : vector<128xf32> to vector<1x128xf32>
      %sub3A_26 = vector.broadcast %broadcast_in_dim3A : vector<1x128xf32> to vector<2000x128xf32>
      %sub3A_27 = arith.subf %get3A_25, %sub3A_26 : vector<2000x128xf32>
      %broadcast_in_dim3A_28 = vector.shape_cast %rsqrt3A : vector<128xf32> to vector<1x128xf32>
      %mul3A_29 = vector.broadcast %broadcast_in_dim3A_28 : vector<1x128xf32> to vector<2000x128xf32>
      %mul3A_30 = arith.mulf %sub3A_27, %mul3A_29 : vector<2000x128xf32>
      %get3A_31 = arith.constant 0 : index
      %get3A_32 = vector.load %arg6[%get3A_31] : memref<128xf32, #tpu.memory_space<vmem>>, vector<128xf32>
      %broadcast_in_dim3A_33 = vector.shape_cast %get3A_32 : vector<128xf32> to vector<1x128xf32>
      %mul3A_34 = vector.broadcast %broadcast_in_dim3A_33 : vector<1x128xf32> to vector<2000x128xf32>
      %mul3A_35 = arith.mulf %mul3A_30, %mul3A_34 : vector<2000x128xf32>
      %get3A_36 = arith.constant 0 : index
      %get3A_37 = vector.load %arg7[%get3A_36] : memref<128xf32, #tpu.memory_space<vmem>>, vector<128xf32>
      %broadcast_in_dim3A_38 = vector.shape_cast %get3A_37 : vector<128xf32> to vector<1x128xf32>
      %add3A_39 = vector.broadcast %broadcast_in_dim3A_38 : vector<1x128xf32> to vector<2000x128xf32>
      %add3A_40 = arith.addf %mul3A_35, %add3A_39 : vector<2000x128xf32>
      %max3A = arith.constant 0.000000e+00 : f32
      %max3A_41 = vector.broadcast %max3A : f32 to vector<2000x128xf32>
      %max3A_42 = arith.maximumf %add3A_40, %max3A_41 : vector<2000x128xf32>
      %get3A_43 = arith.constant 0 : index
      %get3A_44 = arith.constant 0 : index
      %get3A_45 = vector.load %arg8[%get3A_43, %get3A_44] : memref<128x128xf32, #tpu.memory_space<vmem>>, vector<128x128xf32>
      %dot_general3A = arith.constant dense<0.000000e+00> : vector<2000x128xf32>
      %dot_general3A_46 = tpu.matmul %max3A_42, %get3A_45, %dot_general3A {dimension_numbers = #tpu.dot_dimension_numbers<[1], [0], [0], [1], [0, 0, 1, 1], [], []>, transpose_lhs_hint = false} : vector<2000x128xf32>, vector<128x128xf32>, vector<2000x128xf32> -> vector<2000x128xf32>
      %get3A_47 = arith.constant 0 : index
      %get3A_48 = vector.load %arg9[%get3A_47] : memref<128xf32, #tpu.memory_space<vmem>>, vector<128xf32>
      %broadcast_in_dim3A_49 = vector.shape_cast %get3A_48 : vector<128xf32> to vector<1x128xf32>
      %add3A_50 = vector.broadcast %broadcast_in_dim3A_49 : vector<1x128xf32> to vector<2000x128xf32>
      %add3A_51 = arith.addf %dot_general3A_46, %add3A_50 : vector<2000x128xf32>
      %max3A_52 = arith.constant 0.000000e+00 : f32
      %max3A_53 = vector.broadcast %max3A_52 : f32 to vector<2000x128xf32>
      %max3A_54 = arith.maximumf %add3A_51, %max3A_53 : vector<2000x128xf32>
      %swap3A = arith.constant 0 : index
      %swap3A_55 = arith.constant 0 : index
      %swap3A_56 = vector.load %arg10[%swap3A, %swap3A_55] : memref<2000x128xf32, #tpu.memory_space<vmem>>, vector<2000x128xf32>
      tpu.vector_store %arg10[%swap3A, %swap3A_55], %max3A_54 {strides = array<i32>} : memref<2000x128xf32, #tpu.memory_space<vmem>>, vector<2000x128xf32>,
    } else {
    }
    return
  }
  func.func @transform_0(%arg0: i32, %arg1: i32) -> (i32, i32) {
    %sub3A = arith.constant 1 : i32
    %sub3A_0 = arith.subi %sub3A, %arg0 : i32
    %mul3A = arith.muli %arg1, %sub3A_0 : i32
    %c0_i32 = arith.constant 0 : i32
    %c0_i32_1 = arith.constant 0 : i32
    return %mul3A, %c0_i32 : i32, i32
  }
  func.func @transform_1(%arg0: i32, %arg1: i32) -> (i32, i32, i32) {
    %sub3A = arith.constant 1 : i32
    %sub3A_0 = arith.subi %sub3A, %arg0 : i32
    %mul3A = arith.muli %arg1, %sub3A_0 : i32
    %c0_i32 = arith.constant 0 : i32
    %c0_i32_1 = arith.constant 0 : i32
    %c0_i32_2 = arith.constant 0 : i32
    return %c0_i32, %mul3A, %c0_i32_1 : i32, i32, i32
  }
  func.func @transform_2(%arg0: i32, %arg1: i32) -> (i32, i32) {
    %c0_i32 = arith.constant 0 : i32
    %c0_i32_0 = arith.constant 0 : i32
    %c0_i32_1 = arith.constant 0 : i32
    return %c0_i32, %c0_i32_0 : i32, i32
  }
  func.func @transform_3(%arg0: i32, %arg1: i32) -> i32 {
    %c0_i32 = arith.constant 0 : i32
    %c0_i32_0 = arith.constant 0 : i32
    return %c0_i32 : i32
  }
  func.func @transform_4(%arg0: i32, %arg1: i32) -> i32 {
    %c0_i32 = arith.constant 0 : i32
    %c0_i32_0 = arith.constant 0 : i32
    return %c0_i32 : i32
  }
  func.func @transform_5(%arg0: i32, %arg1: i32) -> i32 {
    %c0_i32 = arith.constant 0 : i32
    %c0_i32_0 = arith.constant 0 : i32
    return %c0_i32 : i32
  }
  func.func @transform_6(%arg0: i32, %arg1: i32) -> (i32, i32) {
    %c0_i32 = arith.constant 0 : i32
    %c0_i32_0 = arith.constant 0 : i32
    %c0_i32_1 = arith.constant 0 : i32
    return %c0_i32, %c0_i32_0 : i32, i32
  }
  func.func @transform_7(%arg0: i32, %arg1: i32) -> i32 {
    %c0_i32 = arith.constant 0 : i32
    %c0_i32_0 = arith.constant 0 : i32
    return %c0_i32 : i32
  }
  func.func @transform_8(%arg0: i32, %arg1: i32) -> (i32, i32) {
    %mul3A = arith.muli %arg1, %arg0 : i32
    %c0_i32 = arith.constant 0 : i32
    %c0_i32_0 = arith.constant 0 : i32
    return %mul3A, %c0_i32 : i32, i32
  }
}

module attributes {stable_mosaic.version = 14 : i64} {
  func.func @_edge_mlp_body(%arg0: i32, %arg1: memref<4000x16xf32, #tpu.memory_space<vmem>>, %arg2: memref<16x128xf32, #tpu.memory_space<vmem>>, %arg3: memref<128xf32, #tpu.memory_space<vmem>>, %arg4: memref<16x128xf32, #tpu.memory_space<vmem>>, %arg5: memref<128xf32, #tpu.memory_space<vmem>>, %arg6: memref<16x128xf32, #tpu.memory_space<vmem>>, %arg7: memref<128xf32, #tpu.memory_space<vmem>>, %arg8: memref<4000x128xf32, #tpu.memory_space<vmem>>, %arg9: memref<4000x128xf32, #tpu.memory_space<vmem>>, %arg10: memref<4000x128xf32, #tpu.memory_space<vmem>>) attributes {dimension_semantics = [#tpu.dimension_semantics<arbitrary>], iteration_bounds = array<i64: 80>, scalar_prefetch = 0 : i64, scratch_operands = 0 : i64, tpu.core_type = #tpu.core_type<tc>, window_params = [{transform_indices = @transform_0, window_bounds = array<i64: 4000, 16>}, {pipeline_mode = #tpu.pipeline_mode<synchronous>, transform_indices = @transform_1, window_bounds = array<i64: 16, 128>}, {pipeline_mode = #tpu.pipeline_mode<synchronous>, transform_indices = @transform_2, window_bounds = array<i64: 128>}, {pipeline_mode = #tpu.pipeline_mode<synchronous>, transform_indices = @transform_3, window_bounds = array<i64: 16, 128>}, {pipeline_mode = #tpu.pipeline_mode<synchronous>, transform_indices = @transform_4, window_bounds = array<i64: 128>}, {pipeline_mode = #tpu.pipeline_mode<synchronous>, transform_indices = @transform_5, window_bounds = array<i64: 16, 128>}, {pipeline_mode = #tpu.pipeline_mode<synchronous>, transform_indices = @transform_6, window_bounds = array<i64: 128>}, {transform_indices = @transform_7, window_bounds = array<i64: 4000, 128>}, {transform_indices = @transform_8, window_bounds = array<i64: 4000, 128>}, {transform_indices = @transform_9, window_bounds = array<i64: 4000, 128>}]} {
    %get3A = arith.constant 0 : index
    %get3A_0 = arith.constant 0 : index
    %get3A_1 = vector.load %arg1[%get3A, %get3A_0] : memref<4000x16xf32, #tpu.memory_space<vmem>>, vector<4000x16xf32>
    %get3A_2 = arith.constant 0 : index
    %get3A_3 = arith.constant 0 : index
    %get3A_4 = vector.load %arg2[%get3A_2, %get3A_3] : memref<16x128xf32, #tpu.memory_space<vmem>>, vector<16x128xf32>
    %dot_general3A = arith.constant dense<0.000000e+00> : vector<4000x128xf32>
    %dot_general3A_5 = tpu.matmul %get3A_1, %get3A_4, %dot_general3A {dimension_numbers = #tpu.dot_dimension_numbers<[1], [0], [0], [1], [0, 0, 1, 1], [], []>, transpose_lhs_hint = false} : vector<4000x16xf32>, vector<16x128xf32>, vector<4000x128xf32> -> vector<4000x128xf32>
    %get3A_6 = arith.constant 0 : index
    %get3A_7 = vector.load %arg3[%get3A_6] : memref<128xf32, #tpu.memory_space<vmem>>, vector<128xf32>
    %broadcast_in_dim3A = vector.shape_cast %get3A_7 : vector<128xf32> to vector<1x128xf32>
    %add3A = vector.broadcast %broadcast_in_dim3A : vector<1x128xf32> to vector<4000x128xf32>
    %add3A_8 = arith.addf %dot_general3A_5, %add3A : vector<4000x128xf32>
    %swap3A = arith.constant 0 : index
    %swap3A_9 = arith.constant 0 : index
    %swap3A_10 = vector.load %arg8[%swap3A, %swap3A_9] : memref<4000x128xf32, #tpu.memory_space<vmem>>, vector<4000x128xf32>
    tpu.vector_store %arg8[%swap3A, %swap3A_9], %add3A_8 {strides = array<i32>} : memref<4000x128xf32, #tpu.memory_space<vmem>>, vector<4000x128xf32>,
    %get3A_11 = arith.constant 0 : index
    %get3A_12 = arith.constant 0 : index
    %get3A_13 = vector.load %arg4[%get3A_11, %get3A_12] : memref<16x128xf32, #tpu.memory_space<vmem>>, vector<16x128xf32>
    %dot_general3A_14 = arith.constant dense<0.000000e+00> : vector<4000x128xf32>
    %dot_general3A_15 = tpu.matmul %get3A_1, %get3A_13, %dot_general3A_14 {dimension_numbers = #tpu.dot_dimension_numbers<[1], [0], [0], [1], [0, 0, 1, 1], [], []>, transpose_lhs_hint = false} : vector<4000x16xf32>, vector<16x128xf32>, vector<4000x128xf32> -> vector<4000x128xf32>
    %get3A_16 = arith.constant 0 : index
    %get3A_17 = vector.load %arg5[%get3A_16] : memref<128xf32, #tpu.memory_space<vmem>>, vector<128xf32>
    %broadcast_in_dim3A_18 = vector.shape_cast %get3A_17 : vector<128xf32> to vector<1x128xf32>
    %add3A_19 = vector.broadcast %broadcast_in_dim3A_18 : vector<1x128xf32> to vector<4000x128xf32>
    %add3A_20 = arith.addf %dot_general3A_15, %add3A_19 : vector<4000x128xf32>
    %swap3A_21 = arith.constant 0 : index
    %swap3A_22 = arith.constant 0 : index
    %swap3A_23 = vector.load %arg9[%swap3A_21, %swap3A_22] : memref<4000x128xf32, #tpu.memory_space<vmem>>, vector<4000x128xf32>
    tpu.vector_store %arg9[%swap3A_21, %swap3A_22], %add3A_20 {strides = array<i32>} : memref<4000x128xf32, #tpu.memory_space<vmem>>, vector<4000x128xf32>,
    %get3A_24 = arith.constant 0 : index
    %get3A_25 = arith.constant 0 : index
    %get3A_26 = vector.load %arg6[%get3A_24, %get3A_25] : memref<16x128xf32, #tpu.memory_space<vmem>>, vector<16x128xf32>
    %dot_general3A_27 = arith.constant dense<0.000000e+00> : vector<4000x128xf32>
    %dot_general3A_28 = tpu.matmul %get3A_1, %get3A_26, %dot_general3A_27 {dimension_numbers = #tpu.dot_dimension_numbers<[1], [0], [0], [1], [0, 0, 1, 1], [], []>, transpose_lhs_hint = false} : vector<4000x16xf32>, vector<16x128xf32>, vector<4000x128xf32> -> vector<4000x128xf32>
    %get3A_29 = arith.constant 0 : index
    %get3A_30 = vector.load %arg7[%get3A_29] : memref<128xf32, #tpu.memory_space<vmem>>, vector<128xf32>
    %broadcast_in_dim3A_31 = vector.shape_cast %get3A_30 : vector<128xf32> to vector<1x128xf32>
    %add3A_32 = vector.broadcast %broadcast_in_dim3A_31 : vector<1x128xf32> to vector<4000x128xf32>
    %add3A_33 = arith.addf %dot_general3A_28, %add3A_32 : vector<4000x128xf32>
    %swap3A_34 = arith.constant 0 : index
    %swap3A_35 = arith.constant 0 : index
    %swap3A_36 = vector.load %arg10[%swap3A_34, %swap3A_35] : memref<4000x128xf32, #tpu.memory_space<vmem>>, vector<4000x128xf32>
    tpu.vector_store %arg10[%swap3A_34, %swap3A_35], %add3A_33 {strides = array<i32>} : memref<4000x128xf32, #tpu.memory_space<vmem>>, vector<4000x128xf32>,
    return
  }
  func.func @transform_0(%arg0: i32) -> (i32, i32) {
    %c0_i32 = arith.constant 0 : i32
    %c0_i32_0 = arith.constant 0 : i32
    return %arg0, %c0_i32 : i32, i32
  }
  func.func @transform_1(%arg0: i32) -> (i32, i32) {
    %c0_i32 = arith.constant 0 : i32
    %c0_i32_0 = arith.constant 0 : i32
    %c0_i32_1 = arith.constant 0 : i32
    return %c0_i32, %c0_i32_0 : i32, i32
  }
  func.func @transform_2(%arg0: i32) -> i32 {
    %c0_i32 = arith.constant 0 : i32
    %c0_i32_0 = arith.constant 0 : i32
    return %c0_i32 : i32
  }
  func.func @transform_3(%arg0: i32) -> (i32, i32) {
    %c0_i32 = arith.constant 0 : i32
    %c0_i32_0 = arith.constant 0 : i32
    %c0_i32_1 = arith.constant 0 : i32
    return %c0_i32, %c0_i32_0 : i32, i32
  }
  func.func @transform_4(%arg0: i32) -> i32 {
    %c0_i32 = arith.constant 0 : i32
    %c0_i32_0 = arith.constant 0 : i32
    return %c0_i32 : i32
  }
  func.func @transform_5(%arg0: i32) -> (i32, i32) {
    %c0_i32 = arith.constant 0 : i32
    %c0_i32_0 = arith.constant 0 : i32
    %c0_i32_1 = arith.constant 0 : i32
    return %c0_i32, %c0_i32_0 : i32, i32
  }
  func.func @transform_6(%arg0: i32) -> i32 {
    %c0_i32 = arith.constant 0 : i32
    %c0_i32_0 = arith.constant 0 : i32
    return %c0_i32 : i32
  }
  func.func @transform_7(%arg0: i32) -> (i32, i32) {
    %c0_i32 = arith.constant 0 : i32
    %c0_i32_0 = arith.constant 0 : i32
    return %arg0, %c0_i32 : i32, i32
  }
  func.func @transform_8(%arg0: i32) -> (i32, i32) {
    %c0_i32 = arith.constant 0 : i32
    %c0_i32_0 = arith.constant 0 : i32
    return %arg0, %c0_i32 : i32, i32
  }
  func.func @transform_9(%arg0: i32) -> (i32, i32) {
    %c0_i32 = arith.constant 0 : i32
    %c0_i32_0 = arith.constant 0 : i32
    return %arg0, %c0_i32 : i32, i32
  }
}

module attributes {stable_mosaic.version = 14 : i64} {
  func.func @_node_body(%arg0: i32, %arg1: i32, %arg2: memref<2000x128xf32, #tpu.memory_space<vmem>>, %arg3: memref<2x2000x128xf32, #tpu.memory_space<vmem>>, %arg4: memref<128x128xf32, #tpu.memory_space<vmem>>, %arg5: memref<128xf32, #tpu.memory_space<vmem>>, %arg6: memref<128xf32, #tpu.memory_space<vmem>>, %arg7: memref<128xf32, #tpu.memory_space<vmem>>, %arg8: memref<128x128xf32, #tpu.memory_space<vmem>>, %arg9: memref<128xf32, #tpu.memory_space<vmem>>, %arg10: memref<128x1xf32, #tpu.memory_space<vmem>>, %arg11: memref<1xf32, #tpu.memory_space<vmem>>, %arg12: memref<2000x128xf32, #tpu.memory_space<vmem>>, %arg13: memref<2000x1xf32, #tpu.memory_space<vmem>>, %arg14: memref<10000x128xf32, #tpu.memory_space<vmem>>, %arg15: memref<8x128xf32, #tpu.memory_space<vmem>>) attributes {dimension_semantics = [#tpu.dimension_semantics<arbitrary>, #tpu.dimension_semantics<arbitrary>], iteration_bounds = array<i64: 2, 5>, scalar_prefetch = 0 : i64, scratch_operands = 2 : i64, tpu.core_type = #tpu.core_type<tc>, window_params = [{transform_indices = @transform_0, window_bounds = array<i64: 2000, 128>}, {transform_indices = @transform_1, window_bounds = array<i64: 2, 2000, 128>}, {pipeline_mode = #tpu.pipeline_mode<synchronous>, transform_indices = @transform_2, window_bounds = array<i64: 128, 128>}, {pipeline_mode = #tpu.pipeline_mode<synchronous>, transform_indices = @transform_3, window_bounds = array<i64: 128>}, {pipeline_mode = #tpu.pipeline_mode<synchronous>, transform_indices = @transform_4, window_bounds = array<i64: 128>}, {pipeline_mode = #tpu.pipeline_mode<synchronous>, transform_indices = @transform_5, window_bounds = array<i64: 128>}, {pipeline_mode = #tpu.pipeline_mode<synchronous>, transform_indices = @transform_6, window_bounds = array<i64: 128, 128>}, {pipeline_mode = #tpu.pipeline_mode<synchronous>, transform_indices = @transform_7, window_bounds = array<i64: 128>}, {pipeline_mode = #tpu.pipeline_mode<synchronous>, transform_indices = @transform_8, window_bounds = array<i64: 128, 1>}, {pipeline_mode = #tpu.pipeline_mode<synchronous>, transform_indices = @transform_9, window_bounds = array<i64: 1>}, {transform_indices = @transform_10, window_bounds = array<i64: 2000, 128>}, {transform_indices = @transform_11, window_bounds = array<i64: 2000, 1>}]} {
    %mul3A = arith.constant 2000 : i32
    %mul3A_0 = arith.muli %arg1, %mul3A : i32
    %eq3A = arith.constant 0 : i32
    %eq3A_1 = arith.cmpi eq, %arg0, %eq3A : i32
    %convert_element_type3A = arith.extui %eq3A_1 : i1 to i32
    %cond3A = arith.constant 0 : i32
    %cond3A_2 = arith.cmpi ne, %convert_element_type3A, %cond3A : i32
    scf.if %cond3A_2 {
      %get3A = arith.constant 0 : index
      %get3A_8 = arith.constant 0 : index
      %get3A_9 = vector.load %arg2[%get3A, %get3A_8] : memref<2000x128xf32, #tpu.memory_space<vmem>>, vector<2000x128xf32>
      %get3A_10 = arith.constant 0 : index
      %get3A_11 = arith.constant 0 : index
      %get3A_12 = arith.constant 0 : index
      %get3A_13 = vector.load %arg3[%get3A_10, %get3A_11, %get3A_12] : memref<2x2000x128xf32, #tpu.memory_space<vmem>>, vector<1x2000x128xf32>
      %get3A_14 = vector.shape_cast %get3A_13 : vector<1x2000x128xf32> to vector<2000x128xf32>
      %add3A = arith.addf %get3A_9, %get3A_14 : vector<2000x128xf32>
      %get3A_15 = arith.constant 1 : index
      %get3A_16 = arith.constant 0 : index
      %get3A_17 = arith.constant 0 : index
      %get3A_18 = vector.load %arg3[%get3A_15, %get3A_16, %get3A_17] : memref<2x2000x128xf32, #tpu.memory_space<vmem>>, vector<1x2000x128xf32>
      %get3A_19 = vector.shape_cast %get3A_18 : vector<1x2000x128xf32> to vector<2000x128xf32>
      %add3A_20 = arith.addf %add3A, %get3A_19 : vector<2000x128xf32>
      %get3A_21 = arith.constant 0 : index
      %get3A_22 = arith.constant 0 : index
      %get3A_23 = vector.load %arg4[%get3A_21, %get3A_22] : memref<128x128xf32, #tpu.memory_space<vmem>>, vector<128x128xf32>
      %dot_general3A = arith.constant dense<0.000000e+00> : vector<2000x128xf32>
      %dot_general3A_24 = tpu.matmul %add3A_20, %get3A_23, %dot_general3A {dimension_numbers = #tpu.dot_dimension_numbers<[1], [0], [0], [1], [0, 0, 1, 1], [], []>, transpose_lhs_hint = false} : vector<2000x128xf32>, vector<128x128xf32>, vector<2000x128xf32> -> vector<2000x128xf32>
      %get3A_25 = arith.constant 0 : index
      %get3A_26 = vector.load %arg5[%get3A_25] : memref<128xf32, #tpu.memory_space<vmem>>, vector<128xf32>
      %broadcast_in_dim3A = vector.shape_cast %get3A_26 : vector<128xf32> to vector<1x128xf32>
      %add3A_27 = vector.broadcast %broadcast_in_dim3A : vector<1x128xf32> to vector<2000x128xf32>
      %add3A_28 = arith.addf %dot_general3A_24, %add3A_27 : vector<2000x128xf32>
      %swap3A = arith.index_cast %mul3A_0 : i32 to index
      %swap3A_29 = arith.constant 0 : index
      %swap3A_30 = vector.load %arg14[%swap3A, %swap3A_29] : memref<10000x128xf32, #tpu.memory_space<vmem>>, vector<2000x128xf32>
      tpu.vector_store %arg14[%swap3A, %swap3A_29], %add3A_28 {strides = array<i32>} : memref<10000x128xf32, #tpu.memory_space<vmem>>, vector<2000x128xf32>,
      %eq3A_31 = arith.constant 0 : i32
      %eq3A_32 = arith.cmpi eq, %arg1, %eq3A_31 : i32
      %convert_element_type3A_33 = arith.extui %eq3A_32 : i1 to i32
      %cond3A_34 = arith.constant 0 : i32
      %cond3A_35 = arith.cmpi ne, %convert_element_type3A_33, %cond3A_34 : i32
      scf.if %cond3A_35 {
        %broadcast_in_dim3A_60 = arith.constant 0.000000e+00 : f32
        %broadcast_in_dim3A_61 = vector.broadcast %broadcast_in_dim3A_60 : f32 to vector<8x128xf32>
        %swap3A_62 = arith.constant 0 : index
        %swap3A_63 = arith.constant 0 : index
        %swap3A_64 = vector.load %arg15[%swap3A_62, %swap3A_63] : memref<8x128xf32, #tpu.memory_space<vmem>>, vector<8x128xf32>
        tpu.vector_store %arg15[%swap3A_62, %swap3A_63], %broadcast_in_dim3A_61 {strides = array<i32>} : memref<8x128xf32, #tpu.memory_space<vmem>>, vector<8x128xf32>,
      } else {
      }
      %get3A_36 = arith.constant 0 : index
      %get3A_37 = arith.constant 0 : index
      %get3A_38 = vector.load %arg15[%get3A_36, %get3A_37] : memref<8x128xf32, #tpu.memory_space<vmem>>, vector<1x128xf32>
      %get3A_39 = vector.shape_cast %get3A_38 : vector<1x128xf32> to vector<128xf32>
      %reduce_sum3A = arith.constant dense<0.000000e+00> : vector<128xf32>
      %reduce_sum3A_40 = vector.multi_reduction <add>, %add3A_28, %reduce_sum3A [0] : vector<2000x128xf32> to vector<128xf32>
      %add3A_41 = arith.addf %get3A_39, %reduce_sum3A_40 : vector<128xf32>
      %swap3A_42 = arith.constant 0 : index
      %swap3A_43 = arith.constant 0 : index
      %swap3A_44 = vector.load %arg15[%swap3A_42, %swap3A_43] : memref<8x128xf32, #tpu.memory_space<vmem>>, vector<1x128xf32>
      %swap3A_45 = vector.shape_cast %swap3A_44 : vector<1x128xf32> to vector<128xf32>
      %swap3A_46 = vector.shape_cast %add3A_41 : vector<128xf32> to vector<1x128xf32>
      tpu.vector_store %arg15[%swap3A_42, %swap3A_43], %swap3A_46 {strides = array<i32>} : memref<8x128xf32, #tpu.memory_space<vmem>>, vector<1x128xf32>,
      %get3A_47 = arith.constant 1 : index
      %get3A_48 = arith.constant 0 : index
      %get3A_49 = vector.load %arg15[%get3A_47, %get3A_48] : memref<8x128xf32, #tpu.memory_space<vmem>>, vector<1x128xf32>
      %get3A_50 = vector.shape_cast %get3A_49 : vector<1x128xf32> to vector<128xf32>
      %mul3A_51 = arith.mulf %add3A_28, %add3A_28 : vector<2000x128xf32>
      %reduce_sum3A_52 = arith.constant dense<0.000000e+00> : vector<128xf32>
      %reduce_sum3A_53 = vector.multi_reduction <add>, %mul3A_51, %reduce_sum3A_52 [0] : vector<2000x128xf32> to vector<128xf32>
      %add3A_54 = arith.addf %get3A_50, %reduce_sum3A_53 : vector<128xf32>
      %swap3A_55 = arith.constant 1 : index
      %swap3A_56 = arith.constant 0 : index
      %swap3A_57 = vector.load %arg15[%swap3A_55, %swap3A_56] : memref<8x128xf32, #tpu.memory_space<vmem>>, vector<1x128xf32>
      %swap3A_58 = vector.shape_cast %swap3A_57 : vector<1x128xf32> to vector<128xf32>
      %swap3A_59 = vector.shape_cast %add3A_54 : vector<128xf32> to vector<1x128xf32>
      tpu.vector_store %arg15[%swap3A_55, %swap3A_56], %swap3A_59 {strides = array<i32>} : memref<8x128xf32, #tpu.memory_space<vmem>>, vector<1x128xf32>,
    } else {
    }
    %eq3A_3 = arith.constant 1 : i32
    %eq3A_4 = arith.cmpi eq, %arg0, %eq3A_3 : i32
    %convert_element_type3A_5 = arith.extui %eq3A_4 : i1 to i32
    %cond3A_6 = arith.constant 0 : i32
    %cond3A_7 = arith.cmpi ne, %convert_element_type3A_5, %cond3A_6 : i32
    scf.if %cond3A_7 {
      %get3A = arith.constant 0 : index
      %get3A_8 = arith.constant 0 : index
      %get3A_9 = vector.load %arg15[%get3A, %get3A_8] : memref<8x128xf32, #tpu.memory_space<vmem>>, vector<1x128xf32>
      %get3A_10 = vector.shape_cast %get3A_9 : vector<1x128xf32> to vector<128xf32>
      %div3A = arith.constant 1.000000e+04 : f32
      %div3A_11 = vector.broadcast %div3A : f32 to vector<128xf32>
      %div3A_12 = arith.divf %get3A_10, %div3A_11 : vector<128xf32>
      %get3A_13 = arith.constant 1 : index
      %get3A_14 = arith.constant 0 : index
      %get3A_15 = vector.load %arg15[%get3A_13, %get3A_14] : memref<8x128xf32, #tpu.memory_space<vmem>>, vector<1x128xf32>
      %get3A_16 = vector.shape_cast %get3A_15 : vector<1x128xf32> to vector<128xf32>
      %div3A_17 = arith.constant 1.000000e+04 : f32
      %div3A_18 = vector.broadcast %div3A_17 : f32 to vector<128xf32>
      %div3A_19 = arith.divf %get3A_16, %div3A_18 : vector<128xf32>
      %mul3A_20 = arith.mulf %div3A_12, %div3A_12 : vector<128xf32>
      %sub3A = arith.subf %div3A_19, %mul3A_20 : vector<128xf32>
      %add3A = arith.constant 9.99999974E-6 : f32
      %add3A_21 = vector.broadcast %add3A : f32 to vector<128xf32>
      %add3A_22 = arith.addf %sub3A, %add3A_21 : vector<128xf32>
      %rsqrt3A = math.rsqrt %add3A_22 : vector<128xf32>
      %get3A_23 = arith.index_cast %mul3A_0 : i32 to index
      %get3A_24 = arith.constant 0 : index
      %get3A_25 = vector.load %arg14[%get3A_23, %get3A_24] : memref<10000x128xf32, #tpu.memory_space<vmem>>, vector<2000x128xf32>
      %broadcast_in_dim3A = vector.shape_cast %div3A_12 : vector<128xf32> to vector<1x128xf32>
      %sub3A_26 = vector.broadcast %broadcast_in_dim3A : vector<1x128xf32> to vector<2000x128xf32>
      %sub3A_27 = arith.subf %get3A_25, %sub3A_26 : vector<2000x128xf32>
      %broadcast_in_dim3A_28 = vector.shape_cast %rsqrt3A : vector<128xf32> to vector<1x128xf32>
      %mul3A_29 = vector.broadcast %broadcast_in_dim3A_28 : vector<1x128xf32> to vector<2000x128xf32>
      %mul3A_30 = arith.mulf %sub3A_27, %mul3A_29 : vector<2000x128xf32>
      %get3A_31 = arith.constant 0 : index
      %get3A_32 = vector.load %arg6[%get3A_31] : memref<128xf32, #tpu.memory_space<vmem>>, vector<128xf32>
      %broadcast_in_dim3A_33 = vector.shape_cast %get3A_32 : vector<128xf32> to vector<1x128xf32>
      %mul3A_34 = vector.broadcast %broadcast_in_dim3A_33 : vector<1x128xf32> to vector<2000x128xf32>
      %mul3A_35 = arith.mulf %mul3A_30, %mul3A_34 : vector<2000x128xf32>
      %get3A_36 = arith.constant 0 : index
      %get3A_37 = vector.load %arg7[%get3A_36] : memref<128xf32, #tpu.memory_space<vmem>>, vector<128xf32>
      %broadcast_in_dim3A_38 = vector.shape_cast %get3A_37 : vector<128xf32> to vector<1x128xf32>
      %add3A_39 = vector.broadcast %broadcast_in_dim3A_38 : vector<1x128xf32> to vector<2000x128xf32>
      %add3A_40 = arith.addf %mul3A_35, %add3A_39 : vector<2000x128xf32>
      %max3A = arith.constant 0.000000e+00 : f32
      %max3A_41 = vector.broadcast %max3A : f32 to vector<2000x128xf32>
      %max3A_42 = arith.maximumf %add3A_40, %max3A_41 : vector<2000x128xf32>
      %get3A_43 = arith.constant 0 : index
      %get3A_44 = arith.constant 0 : index
      %get3A_45 = vector.load %arg8[%get3A_43, %get3A_44] : memref<128x128xf32, #tpu.memory_space<vmem>>, vector<128x128xf32>
      %dot_general3A = arith.constant dense<0.000000e+00> : vector<2000x128xf32>
      %dot_general3A_46 = tpu.matmul %max3A_42, %get3A_45, %dot_general3A {dimension_numbers = #tpu.dot_dimension_numbers<[1], [0], [0], [1], [0, 0, 1, 1], [], []>, transpose_lhs_hint = false} : vector<2000x128xf32>, vector<128x128xf32>, vector<2000x128xf32> -> vector<2000x128xf32>
      %get3A_47 = arith.constant 0 : index
      %get3A_48 = vector.load %arg9[%get3A_47] : memref<128xf32, #tpu.memory_space<vmem>>, vector<128xf32>
      %broadcast_in_dim3A_49 = vector.shape_cast %get3A_48 : vector<128xf32> to vector<1x128xf32>
      %add3A_50 = vector.broadcast %broadcast_in_dim3A_49 : vector<1x128xf32> to vector<2000x128xf32>
      %add3A_51 = arith.addf %dot_general3A_46, %add3A_50 : vector<2000x128xf32>
      %swap3A = arith.constant 0 : index
      %swap3A_52 = arith.constant 0 : index
      %swap3A_53 = vector.load %arg12[%swap3A, %swap3A_52] : memref<2000x128xf32, #tpu.memory_space<vmem>>, vector<2000x128xf32>
      tpu.vector_store %arg12[%swap3A, %swap3A_52], %add3A_51 {strides = array<i32>} : memref<2000x128xf32, #tpu.memory_space<vmem>>, vector<2000x128xf32>,
      %get3A_54 = arith.constant 0 : index
      %get3A_55 = arith.constant 0 : index
      %get3A_56 = vector.load %arg10[%get3A_54, %get3A_55] : memref<128x1xf32, #tpu.memory_space<vmem>>, vector<128x1xf32>
      %dot_general3A_57 = arith.constant dense<0.000000e+00> : vector<2000x1xf32>
      %dot_general3A_58 = tpu.matmul %add3A_51, %get3A_56, %dot_general3A_57 {dimension_numbers = #tpu.dot_dimension_numbers<[1], [0], [0], [1], [0, 0, 1, 1], [], []>, transpose_lhs_hint = false} : vector<2000x128xf32>, vector<128x1xf32>, vector<2000x1xf32> -> vector<2000x1xf32>
      %get3A_59 = arith.constant 0 : index
      %get3A_60 = vector.load %arg11[%get3A_59] : memref<1xf32, #tpu.memory_space<vmem>>, vector<1xf32>
      %broadcast_in_dim3A_61 = vector.shape_cast %get3A_60 : vector<1xf32> to vector<1x1xf32>
      %add3A_62 = vector.broadcast %broadcast_in_dim3A_61 : vector<1x1xf32> to vector<2000x1xf32>
      %add3A_63 = arith.addf %dot_general3A_58, %add3A_62 : vector<2000x1xf32>
      %swap3A_64 = arith.constant 0 : index
      %swap3A_65 = arith.constant 0 : index
      %swap3A_66 = vector.load %arg13[%swap3A_64, %swap3A_65] : memref<2000x1xf32, #tpu.memory_space<vmem>>, vector<2000x1xf32>
      tpu.vector_store %arg13[%swap3A_64, %swap3A_65], %add3A_63 {strides = array<i32>} : memref<2000x1xf32, #tpu.memory_space<vmem>>, vector<2000x1xf32>,
    } else {
    }
    return
  }
  func.func @transform_0(%arg0: i32, %arg1: i32) -> (i32, i32) {
    %sub3A = arith.constant 1 : i32
    %sub3A_0 = arith.subi %sub3A, %arg0 : i32
    %mul3A = arith.muli %arg1, %sub3A_0 : i32
    %c0_i32 = arith.constant 0 : i32
    %c0_i32_1 = arith.constant 0 : i32
    return %mul3A, %c0_i32 : i32, i32
  }
  func.func @transform_1(%arg0: i32, %arg1: i32) -> (i32, i32, i32) {
    %sub3A = arith.constant 1 : i32
    %sub3A_0 = arith.subi %sub3A, %arg0 : i32
    %mul3A = arith.muli %arg1, %sub3A_0 : i32
    %c0_i32 = arith.constant 0 : i32
    %c0_i32_1 = arith.constant 0 : i32
    %c0_i32_2 = arith.constant 0 : i32
    return %c0_i32, %mul3A, %c0_i32_1 : i32, i32, i32
  }
  func.func @transform_2(%arg0: i32, %arg1: i32) -> (i32, i32) {
    %c0_i32 = arith.constant 0 : i32
    %c0_i32_0 = arith.constant 0 : i32
    %c0_i32_1 = arith.constant 0 : i32
    return %c0_i32, %c0_i32_0 : i32, i32
  }
  func.func @transform_3(%arg0: i32, %arg1: i32) -> i32 {
    %c0_i32 = arith.constant 0 : i32
    %c0_i32_0 = arith.constant 0 : i32
    return %c0_i32 : i32
  }
  func.func @transform_4(%arg0: i32, %arg1: i32) -> i32 {
    %c0_i32 = arith.constant 0 : i32
    %c0_i32_0 = arith.constant 0 : i32
    return %c0_i32 : i32
  }
  func.func @transform_5(%arg0: i32, %arg1: i32) -> i32 {
    %c0_i32 = arith.constant 0 : i32
    %c0_i32_0 = arith.constant 0 : i32
    return %c0_i32 : i32
  }
  func.func @transform_6(%arg0: i32, %arg1: i32) -> (i32, i32) {
    %c0_i32 = arith.constant 0 : i32
    %c0_i32_0 = arith.constant 0 : i32
    %c0_i32_1 = arith.constant 0 : i32
    return %c0_i32, %c0_i32_0 : i32, i32
  }
  func.func @transform_7(%arg0: i32, %arg1: i32) -> i32 {
    %c0_i32 = arith.constant 0 : i32
    %c0_i32_0 = arith.constant 0 : i32
    return %c0_i32 : i32
  }
  func.func @transform_8(%arg0: i32, %arg1: i32) -> (i32, i32) {
    %c0_i32 = arith.constant 0 : i32
    %c0_i32_0 = arith.constant 0 : i32
    %c0_i32_1 = arith.constant 0 : i32
    return %c0_i32, %c0_i32_0 : i32, i32
  }
  func.func @transform_9(%arg0: i32, %arg1: i32) -> i32 {
    %c0_i32 = arith.constant 0 : i32
    %c0_i32_0 = arith.constant 0 : i32
    return %c0_i32 : i32
  }
  func.func @transform_10(%arg0: i32, %arg1: i32) -> (i32, i32) {
    %mul3A = arith.muli %arg1, %arg0 : i32
    %c0_i32 = arith.constant 0 : i32
    %c0_i32_0 = arith.constant 0 : i32
    return %mul3A, %c0_i32 : i32, i32
  }
  func.func @transform_11(%arg0: i32, %arg1: i32) -> (i32, i32) {
    %mul3A = arith.muli %arg1, %arg0 : i32
    %c0_i32 = arith.constant 0 : i32
    %c0_i32_0 = arith.constant 0 : i32
    return %mul3A, %c0_i32 : i32, i32
  }
}

</mosaic_0001>

<sc_bundles>
// kernel: kernel.12.cloned.1.call-start
scs
__scs_entry_jumppad:
0x0: {  	(pc) =	sbr.rel $0x88, $3  }
0x1: {  	(tag) =	ssettag $0x0;
	lr =	simm.s32 $0x1  }
0x2: {  	[smem:$0x3F84] =	sst lr;
	_ =	strace $0xD0000000  }
0x3: {  	_ = 	snop  }
0x4: {  	_ = 	snop  }
0x5: {  	_ = 	snop  }
0x6: {  	_ = 	snop  }
0x7: {  	_ = 	snop  }
__scs_overlays_trampoline_lowered:
0x8: {  	[smem:$0x3F93] =	sst s0  }
0x9: {  	[smem:$0x3F94] =	sst s1  }
0xa: {  	[smem:$0x3F95] =	sst s2  }
0xb: {  	[smem:$0x3F96] =	sst s3  }
0xc: {  	[smem:$0x3F97] =	sst s4  }
0xd: {  	[smem:$0x3F98] =	sst s5  }
0xe: {  	[smem:$0x3F99] =	sst s6  }
0xf: {  	[smem:$0x3F9A] =	sst s7  }
0x10: {  	[smem:$0x3F9B] =	sst s8  }
0x11: {  	[smem:$0x3F9C] =	sst s9;
	s0 =	simm.s32 @!p0 $0x0  }
0x12: {  	s1 =	sld [smem:$0x3F82];
	s0 =	simm.s32 @p0 $0x1  }
0x13: {  	[smem:$0x3F9D] =	sst s0;
	s0 =	simm.s32 @!p1 $0x0  }
0x14: {  	s2 =	sld [smem:$0x3F81];
	s0 =	simm.s32 @p1 $0x1  }
0x15: {  	[smem:$0x3F9E] =	sst s0;
	s0 =	simm.s32 @!p2 $0x0  }
0x16: {  	s3 =	sld [smem:$0x3FDB];
	s0 =	simm.s32 @p2 $0x1  }
0x17: {  	s4 =	simm.s32 $0x1BF5;
	[smem:$0x3FA0] =	sst s0  }
0x18: {  	s0 =	sld [smem:$0x3F83];
	_ =	swait.ge [sflag:s4], $0x0  }
0x19: {  	s7 =	sld [smem:$0x3F84]  }
0x1a: {  	s8 =	sadd.s32 $0xFFFFE003, lr  }
0x1b: {  	s9 =	sadd.s32 $0xFFFFFEF7, lr;
	s5 =	simm.s32 $0xFFFFFFFF;
	p2 =	slt.u32 s8, $0xFFFFF086  }
0x1c: {  	p1 =	slt.u32 s9, $0xF7A;
	s5 =	simm.s32 @!p2 $0x0  }
0x1d: {  	s5 =	simm.s32 @p1 $0x1;
	p0 =	seq.s32 s7, s2  }
0x1e: {  	s7 =	smul.u32 @!p0 $0xF7A, s2;
	p2 =	seq.s32 @!p0 s5, $0x0  }
0x1f: {  	s9 =	smul.u32 $0xF7A, s1;
	s8 =	simm.s32 @!p0 $0x1BF5;
	p2 =	por !p2, p0  }
0x20: {  	[sflag:s8] =	ssyncset.s32 @!p0 $0xFFFFF086;
	s6 =	sadd.s32 @!p0 s3, s7;
	s7 =	simm.s32 @!p0 $0x108  }
0x21: {  	s3 =	sadd.s32 s3, s9;
	s6 =	sadd.s32 @!p0 $0x88, s6;
	s7 =	simm.s32 @p2 $0x1082  }
0x22: {  	[simem:s7], [sflag:s8] =	dma.local @!p0 [hbm:s6], $0xF7A  }
0x23: {  	s9 =	sor.u32 $0xD0000000, s2;
	s6 =	simm.s32 $0x108;
	_ =	swait.ge @!p0 [sflag:s8], $0x0  }
0x24: {  	s3 =	sadd.s32 $0x88, s3;
	s6 =	simm.s32 @!p1 $0x1082;
	[sflag:s4] =	ssyncset.s32 $0xFFFFF086  }
0x25: {  	[simem:s6], [sflag:s4] =	dma.local [hbm:s3], $0xF7A  }
0x26: {  	[smem:$0x3F84] =	sst s1;
	(tag) =	ssettag s2;
	_ =	strace s9  }
0x27: {  	s1 =	sld [smem:$0x3F94]  }
0x28: {  	s2 =	sld [smem:$0x3F95]  }
0x29: {  	s4 =	sld [smem:$0x3F97]  }
0x2a: {  	p0 =	seq.s32 s5, $0x0;
	s5 =	sld [smem:$0x3F98]  }
0x2b: {  	s6 =	sld [smem:$0x3F99]  }
0x2c: {  	s7 =	sld [smem:$0x3F9A]  }
0x2d: {  	s3 =	simm.s32 $0x108;
	s8 =	sld [smem:$0x3F9B]  }
0x2e: {  	s3 =	simm.s32 @!p0 $0x1082;
	s9 =	sld [smem:$0x3F9C]  }
0x2f: {  	lr =	sadd.s32 s0, s3;
	s0 =	sld [smem:$0x3F93]  }
0x30: {  	s3 =	sld [smem:$0x3F96]  }
0x31: {  	[smem:$0x3F9F] =	sst s10  }
0x32: {  	s10 =	sld [smem:$0x3F9D];
	_ =	sdelay $0x3  }
0x33: {  	p0 =	seq.s32 s10, $0x1;
	s10 =	sld [smem:$0x3F9F];
	_ =	sdelay $0x3  }
0x34: {  	[smem:$0x3F9F] =	sst s10  }
0x35: {  	s10 =	sld [smem:$0x3F9E];
	_ =	sdelay $0x3  }
0x36: {  	p1 =	seq.s32 s10, $0x1;
	s10 =	sld [smem:$0x3F9F];
	_ =	sdelay $0x3  }
0x37: {  	[smem:$0x3F9F] =	sst s10  }
0x38: {  	s10 =	sld [smem:$0x3FA0]  }
0x39: {  	_ = 	snop;
	(pc) =	sbr.ind lr, $3  }
0x3a: {  	_ = 	snop  }
0x3b: {  	_ = 	snop  }
0x3c: {  	p2 =	seq.s32 s10, $0x1;
	s10 =	sld [smem:$0x3F9F]  }
0x3d: {  	_ =	shalt  }
0x3e: {  	_ =	shalt  }
0x3f: {  	_ =	shalt  }
0x40: {  	_ =	shalt  }
0x41: {  	_ =	shalt  }
0x42: {  	_ =	shalt  }
0x43: {  	_ =	shalt  }
0x44: {  	_ =	shalt  }
0x45: {  	_ =	shalt  }
0x46: {  	_ =	shalt  }
0x47: {  	_ =	shalt  }
0x48: {  	_ =	shalt  }
0x49: {  	_ =	shalt  }
0x4a: {  	_ =	shalt  }
0x4b: {  	_ =	shalt  }
0x4c: {  	_ =	shalt  }
0x4d: {  	_ =	shalt  }
0x4e: {  	_ =	shalt  }
0x4f: {  	_ =	shalt  }
0x50: {  	_ =	shalt  }
0x51: {  	_ =	shalt  }
0x52: {  	_ =	shalt  }
0x53: {  	_ =	shalt  }
0x54: {  	_ =	shalt  }
0x55: {  	_ =	shalt  }
0x56: {  	_ =	shalt  }
0x57: {  	_ =	shalt  }
0x58: {  	_ =	shalt  }
0x59: {  	_ =	shalt  }
0x5a: {  	_ =	shalt  }
0x5b: {  	_ =	shalt  }
0x5c: {  	_ =	shalt  }
0x5d: {  	_ =	shalt  }
0x5e: {  	_ =	shalt  }
0x5f: {  	_ =	shalt  }
0x60: {  	_ =	shalt  }
0x61: {  	_ =	shalt  }
0x62: {  	_ =	shalt  }
0x63: {  	_ =	shalt  }
0x64: {  	_ =	shalt  }
0x65: {  	_ =	shalt  }
0x66: {  	_ =	shalt  }
0x67: {  	_ =	shalt  }
0x68: {  	_ =	shalt  }
0x69: {  	_ =	shalt  }
0x6a: {  	_ =	shalt  }
0x6b: {  	_ =	shalt  }
0x6c: {  	_ =	shalt  }
0x6d: {  	_ =	shalt  }
0x6e: {  	_ =	shalt  }
0x6f: {  	_ =	shalt  }
0x70: {  	_ =	shalt  }
0x71: {  	_ =	shalt  }
0x72: {  	_ =	shalt  }
0x73: {  	_ =	shalt  }
0x74: {  	_ =	shalt  }
0x75: {  	_ =	shalt  }
0x76: {  	_ =	shalt  }
0x77: {  	_ =	shalt  }
0x78: {  	_ =	shalt  }
0x79: {  	_ =	shalt  }
0x7a: {  	_ =	shalt  }
0x7b: {  	_ =	shalt  }
0x7c: {  	_ =	shalt  }
0x7d: {  	_ =	shalt  }
0x7e: {  	_ =	shalt  }
0x7f: {  	_ =	shalt  }
0x80: {  	_ =	shalt  }
0x81: {  	_ =	shalt  }
0x82: {  	_ =	shalt  }
0x83: {  	_ =	shalt  }
0x84: {  	_ =	shalt  }
0x85: {  	_ =	shalt  }
0x86: {  	_ =	shalt  }
0x87: {  	_ =	shalt  }
.Lfunc_end0:
.L_simem_size_0:
called_computation.1_lowered:
.L_overlay_start_0:
0x88: {  	s2 =	sld [smem:$0x3FD9]  }
0x89: {  	s3 =	sld [smem:$0x3FFE];
	_ =	sdelay $0x1  }
0x8a: {  	s1 =	srdreg.scid  }
0x8b: {  	s0 =	sand.u32 $0x1, s1  }
0x8c: {  	s14 =	sshll.u32 s0, $0xA;
	s2 =	sadd.s32 s3, s2  }
0x8d: {  	s2 =	sadd.s32 s2, s14  }
0x8e: {  	[smem:$0x3FAB] =	sst s2  }
0x8f: {  	_ = 	snop  }
0x90: {  	s2 =	sld [smem:$0x3FD0];
	_ =	sdelay $0x2  }
0x91: {  	s15 =	simm.s32 $0xA;
	s4 =	simm.s32 $0x10  }
0x92: {  	[smem:s4], [sflag:s15] =	dma.local [hbm:s2], $0x1  }
0x93: {  	_ =	swait.eq [sflag:s15], $0x1  }
0x94: {  	[sflag:s15] =	ssyncset.done $0x0  }
0x95: {  	[sflag:s15] =	ssyncadd.s32 $0xFFFFFFFF  }
0x96: {  	s16 =	sld [smem:$0x11];
	(tm) =	ssettm $0x1  }
0x97: {  	s17 =	sld [smem:$0x3FFB];
	_ =	sdelay $0x3  }
0x98: {  	_ =	strace s17  }
0x99: {  	s3 =	sld [smem:$0x3FFC];
	_ =	sdelay $0x3  }
0x9a: {  	_ =	strace s3  }
0x9b: {  	s3 =	sld [smem:$0x3FFD];
	_ =	sdelay $0x3  }
0x9c: {  	_ =	strace s3  }
0x9d: {  	_ =	strace $0x8FFFFFFF  }
0x9e: {  	s18 =	sld [smem:$0x3FDB];
	_ =	sdelay $0x1  }
0x9f: {  	s19 =	simm.s32 $_scs_section_size  }
0xa0: {  	s5 =	simm.s32 $_size__tile_overlayer_lowered;
	s6 =	simm.s32 $_tile_overlayer_lowered  }
0xa1: {  	s22 =	simm.s32 $0x1BFF;
	s21 =	sshll.u32 s6, $0x1;
	s3 =	sadd.s32 s19, s18  }
0xa2: {  	s7 =	simm.s32 $0x0;
	s20 =	sshll.u32 s5, $0x1;
	s5 =	sadd.s32 s21, s3  }
0xa3: {  	[timem:s7], [sflag:s22] =	dma.local [hbm:s5], s20  }
0xa4: {  	_ =	swait.ge [sflag:s22], s20  }
0xa5: {  	s4 =	ssub.s32 $0x0, s20;
	[sflag:s22] =	ssyncset.done $0x0  }
0xa6: {  	[sflag:s22] =	ssyncadd.s32 s4;
	_ =	sdelay $0x1  }
0xa7: {  	s23 =	simm.s32 $0x1B8B  }
0xa8: {  	_ =	swait.ge [sflag:s23], $0x1  }
0xa9: {  	[sflag:s23] =	ssyncset.done $0x0  }
0xaa: {  	s25 =	simm.s32 $0x1B8E;
	s24 =	sld [smem:$0x3FFE];
	[sflag:s23] =	ssyncadd.s32 $0xFFFFFFFF  }
0xab: {  	s26 =	simm.s32 $execute0_lowered;
	[smem:$0x3FD2] =	sst s25  }
0xac: {  	s5 =	sshll.u32 s26, $0x1;
	_ =	strace $0x80000049;
	[dreg:$0x1] =	wrdreg $0xFFFFFFFF  }
0xad: {  	s28 =	simm.s32 $_size_execute0_lowered;
	s3 =	sadd.s32 s3, s5;
	[dreg:$0x0] =	wrdreg $0x0  }
0xae: {  	s5 =	sshll.u32 s28, $0x1;
	[dreg:$0x2] =	wrdreg s3  }
0xaf: {  	[dreg:$0x3] =	wrdreg s5  }
0xb0: {  	[dreg:$0x4] =	wrdreg $0xC0  }
0xb1: {  	_ =	task [dreg:s7], $0x5FFFF  }
0xb2: {  	[dreg:$0x1] =	wrdreg $0xFFFFFFFF  }
0xb3: {  	[dreg:$0x0] =	wrdreg $0x60  }
0xb4: {  	[dreg:$0x2] =	wrdreg s16  }
0xb5: {  	[dreg:$0x3] =	wrdreg s24  }
0xb6: {  	[dreg:$0x4] =	wrdreg $0xA4000  }
0xb7: {  	[dreg:$0x5] =	wrdreg $0x9  }
0xb8: {  	_ =	task.clear_ibuf [dreg:s7], $0x6FFFF;
	_ =	strace $0x90000049  }
0xb9: {  	s29 =	simm.s32 $0x9;
	_ =	strace $0x8000004B  }
0xba: {  	_ =	swait.ge [sflag:s29], $0x1  }
0xbb: {  	[sflag:s29] =	ssyncadd.s32 $0xFFFFFFFF  }
0xbc: {  	_ =	strace $0x9000004B  }
0xbd: {  	_ =	sfence  }
0xbe: {  	s30 =	sld [smem:$0x0];
	_ =	sdelay $0x2  }
0xbf: {  	s31 =	sshll.u32 s1, $0xD;
	s1 =	sshrl.u32 s1, $0x2  }
0xc0: {  	s3 =	sand.u32 $0x4000, s31;
	s1 =	sadd.s32 s1, s30  }
0xc1: {  	s0 =	sor.u32 s3, s0;
	s1 =	sshll.u32 s1, $0x11  }
0xc2: {  	s0 =	sor.u32 s1, s0  }
0xc3: {  	s0 =	sadd.s32 $0x8F2B, s0  }
0xc4: {  	[sflag:s0] =	ssyncadd.remote.s32 $0x1  }
0xc5: {  	_ =	sfence.sel $0xFFFF  }
0xc6: {  	[dreg:$0x0] =	wrdreg $0xFFFFFFFF;
	(pc) =	sbr.abs _section_cstart, $3  }
0xc7: {  	[dreg:$0x1] =	wrdreg $0xFFFFFFFF  }
0xc8: {  	_ =	task.clear_ibuf [dreg:s7], $0x2FFFF;
	_ =	strace $0x9FFFFFFF  }
0xc9: {  	(tm) =	ssettm $0x7FFFFFFF  }
tec
execute0_lowered:
.L_overlay_start_1:
0x0: {  	(tag) =	ssettag $0x1  }
0x1: {  	s1 =	rddreg [dreg:$0x0]  }
0x2: {  	s0 =	rddreg [dreg:$0x1]  }
0x3: {  	s2 =	rddreg [dreg:$0x2]  }
0x4: {  	s3 =	simm.s32 $0x0;
	s4 =	srdreg.scid;
	s13 =	stileid.u32  }
0x5: {  	s28 =	simm.s32 $0x9;
	s31 =	simm.s32 $0x7C00;
	[smem:$0x7FF] =	sst s3  }
0x6: {  	s5 =	sadd.s32 $0x9DC800, s0;
	s4 =	sand.u32 $0x1, s4;
	s10 =	smul.u32 $0x4E000, s13  }
0x7: {  	s6 =	sadd.s32 $0x4F0A00, s0;
	s30 =	smul.u32 $0x13800, s13;
	p0 =	sne.s32 s13, $0xF  }
0x8: {  	_ =	strace $0x8000004A;
	s7 =	sshll.u32 s4, $0x4;
	s8 =	ssub.s32 $0x2, s4  }
0x9: {  	s4 =	smul.u32 $0x138800, s4;
	s9 =	sor.u32 s13, s7;
	s7 =	sadd.s32 $0x4E6C00, s0  }
0xa: {  	s11 =	sshrl.u32 s8, $0x1;
	s0 =	sadd.s32 $0x4C00, s0;
	s10 =	sshrl.u32 s10, $0x2  }
0xb: {  	s13 =	simm.s32 $0x5;
	s12 =	smul.u32 $0x2710, s9;
	s8 =	ssub.s32 s8, s11  }
0xc: {  	s21 =	sadd.s32 s10, s2;
	s9 =	smul.u32 $0x27100, s9;
	s16 =	sadd.s32 s30, s4  }
0xd: {  	s4 =	sshrl.u32 s4, $0x3;
	s19 =	sadd.s32 $0x2800, s21;
	[dreg:$0x4] =	wrdreg s21  }
0xe: {  	s11 =	simm.s32 $0x200;
	s30 =	sadd.s32 $0x11800, s21;
	[dreg:$0x5] =	wrdreg s19  }
0xf: {  	s4 =	sadd.s32 s0, s4;
	s9 =	sadd.s32 s5, s9;
	[dreg:$0x1b] =	wrdreg s30  }
0x10: {  	s18 =	sshrl.u32 s12, $0x3;
	s15 =	sadd.s32 $0x140, s12;
	[dreg:$0x8] =	wrdreg s9  }
0x11: {  	s22 =	sadd.s32 $0x50, s12;
	s17 =	sadd.s32 $0x190, s12;
	[dreg:$0xf] =	wrdreg s15  }
0x12: {  	s26 =	sadd.s32 $0xA0, s12;
	s19 =	sadd.s32 $0x27000, s4;
	[dreg:$0x10] =	wrdreg s17  }
0x13: {  	s4 =	simm.s32 $0x7;
	s20 =	sadd.s32 s6, s18;
	[dreg:$0x13] =	wrdreg s19  }
0x14: {  	s10 =	sadd.s32 s7, s18;
	s23 =	sshrl.u32 s22, $0x3;
	[dreg:$0x6] =	wrdreg s20  }
0x15: {  	s25 =	sshll.u32 s22, $0x4;
	s18 =	sadd.s32 $0x1E0, s12;
	[dreg:$0x7] =	wrdreg s10  }
0x16: {  	s29 =	sshrl.u32 s26, $0x3;
	s22 =	sadd.s32 $0xF0, s12;
	[dreg:$0x12] =	wrdreg s18  }
0x17: {  	s12 =	simm.s32 $0x1;
	s24 =	sadd.s32 s6, s23;
	[dreg:$0x15] =	wrdreg s22  }
0x18: {  	s15 =	simm.s32 $0x4;
	s9 =	sadd.s32 s7, s23;
	[dreg:$0x9] =	wrdreg s24  }
0x19: {  	s19 =	simm.s32 $0xC;
	s14 =	sadd.s32 s6, s29;
	[dreg:$0xa] =	wrdreg s9  }
0x1a: {  	s10 =	sadd.s32 s7, s29;
	s20 =	smax.u32 s8, $0x1;
	[dreg:$0xc] =	wrdreg s14  }
0x1b: {  	s23 =	sadd.s32 $0x5000, s21;
	s29 =	sadd.s32 $0xF000, s21;
	[dreg:$0xd] =	wrdreg s10  }
0x1c: {  	s8 =	simm.s32 $0xA;
	s22 =	simm.s32 $0xB;
	[dreg:$0x14] =	wrdreg s20  }
0x1d: {  	s9 =	sadd.s32 s5, s25;
	[dreg:$0x16] =	wrdreg s23;
	s24 =	sadd.s32 $0x7800, s21  }
0x1e: {  	s25 =	sadd.s32 $0xA000, s21;
	[dreg:$0x1a] =	wrdreg s29;
	s10 =	simm.s32 $0xD  }
0x1f: {  	s14 =	simm.s32 $0x50;
	s23 =	simm.s32 $0x5400;
	[dreg:$0xb] =	wrdreg s9  }
0x20: {  	s20 =	simm.s32 $0x0;
	s9 =	sshll.u32 s26, $0x4;
	[dreg:$0x17] =	wrdreg s24  }
0x21: {  	[dreg:$0x18] =	wrdreg s25;
	s26 =	sadd.s32 $0xC800, s21;
	s25 =	sadd.s32 $0x138000, s2  }
0x22: {  	s24 =	simm.s32 $0x2;
	s9 =	sadd.s32 s5, s9;
	[dreg:$0x19] =	wrdreg s26  }
0x23: {  	s26 =	simm.s32 $0x6;
	[dreg:$0xe] =	wrdreg s9;
	s9 =	sshrl.u32 s16, $0x3  }
0x24: {  	[dreg:$0x1c] =	wrdreg s25;
	s16 =	simm.s32 $0x8;
	s0 =	sadd.s32 s0, s9  }
0x25: {  	v0 =	vimm.f32 $0.0e+00;
	s9 =	simm.s32 $0x400;
	[dreg:$0x11] =	wrdreg s0;
	s0 =	simm.s32 $0x3  }
.LBB2_1:
0x26: {  	[dreg:$0x1d] =	wrdreg s20;
	s18 =	simm.s32 $0x0;
	s20 =	simm.s32 $0x200  }
.LBB2_2:
0x27: {  	p1 =	sne.s32 s20, $0x9E00;
	[tilespmem:s18+$0x470] =	vst v0  }
0x28: {  	[tilespmem:s18+$0x400] =	vst v0  }
0x29: {  	[tilespmem:s18+$0x410] =	vst v0  }
.Ltmp0:
0x2a: {  	[tilespmem:s18+$0x420] =	vst v0;
	(pc) =	sbr.rel @p1 .LBB2_2-.Ltmp0, $4  }
0x2b: {  	[tilespmem:s18+$0x430] =	vst v0  }
0x2c: {  	[tilespmem:s18+$0x440] =	vst v0  }
0x2d: {  	[tilespmem:s18+$0x450] =	vst v0  }
0x2e: {  	[tilespmem:s18+$0x460] =	vst v0;
	s18 =	sshra.s32 s20, $0x2;
	s20 =	sadd.s32 $0x200, s20  }
0x2f: {  	[tilespmem:s18+$0x470] =	vst v0  }
0x30: {  	[tilespmem:s18+$0x400] =	vst v0  }
0x31: {  	[tilespmem:s18+$0x410] =	vst v0  }
0x32: {  	[tilespmem:s18+$0x420] =	vst v0  }
0x33: {  	[tilespmem:s18+$0x430] =	vst v0  }
0x34: {  	[tilespmem:s18+$0x440] =	vst v0  }
0x35: {  	[tilespmem:s18+$0x450] =	vst v0  }
0x36: {  	[tilespmem:s18+$0x460] =	vst v0  }
0x37: {  	[spmem:s21] =	stream.linear.scatter [tilespmem:s9], [sflag:$0xD], $0x2800, $0x38;
	[tilespmem:$0x1DC80] =	vst v63  }
0x38: {  	_ =	swait.ge [sflag:s10], $0x2800  }
0x39: {  	[sflag:s10] =	ssyncset.done $0x0  }
0x3a: {  	s17 =	rddreg [dreg:$0x5];
	[sflag:s10] =	ssyncadd.s32 $0xFFFFD800  }
0x3b: {  	[spmem:s17] =	stream.linear.scatter [tilespmem:s9], [sflag:$0xD], $0x2800, $0x38;
	[tilespmem:$0x1DC80] =	vst v63  }
0x3c: {  	_ =	swait.ge [sflag:s10], $0x2800  }
0x3d: {  	[sflag:s10] =	ssyncset.done $0x0  }
0x3e: {  	s30 =	rddreg [dreg:$0x16];
	[sflag:s10] =	ssyncadd.s32 $0xFFFFD800  }
0x3f: {  	[spmem:s30] =	stream.linear.scatter [tilespmem:s9], [sflag:$0xD], $0x2800, $0x38;
	[tilespmem:$0x1DC80] =	vst v63  }
0x40: {  	_ =	swait.ge [sflag:s10], $0x2800  }
0x41: {  	[sflag:s10] =	ssyncset.done $0x0  }
0x42: {  	s18 =	rddreg [dreg:$0x17];
	[sflag:s10] =	ssyncadd.s32 $0xFFFFD800  }
0x43: {  	[spmem:s18] =	stream.linear.scatter [tilespmem:s9], [sflag:$0xD], $0x2800, $0x38;
	[tilespmem:$0x1DC80] =	vst v63  }
0x44: {  	_ =	swait.ge [sflag:s10], $0x2800  }
0x45: {  	[sflag:s10] =	ssyncset.done $0x0  }
0x46: {  	s20 =	rddreg [dreg:$0x18];
	[sflag:s10] =	ssyncadd.s32 $0xFFFFD800  }
0x47: {  	[spmem:s20] =	stream.linear.scatter [tilespmem:s9], [sflag:$0xD], $0x2800, $0x38;
	[tilespmem:$0x1DC80] =	vst v63  }
0x48: {  	_ =	swait.ge [sflag:s10], $0x2800  }
0x49: {  	[sflag:s10] =	ssyncset.done $0x0  }
0x4a: {  	s21 =	rddreg [dreg:$0x19];
	[sflag:s10] =	ssyncadd.s32 $0xFFFFD800  }
0x4b: {  	[spmem:s21] =	stream.linear.scatter [tilespmem:s9], [sflag:$0xD], $0x2800, $0x38;
	[tilespmem:$0x1DC80] =	vst v63  }
0x4c: {  	_ =	swait.ge [sflag:s10], $0x2800  }
0x4d: {  	[sflag:s10] =	ssyncset.done $0x0  }
0x4e: {  	s29 =	rddreg [dreg:$0x1a];
	[sflag:s10] =	ssyncadd.s32 $0xFFFFD800  }
0x4f: {  	[spmem:s29] =	stream.linear.scatter [tilespmem:s9], [sflag:$0xD], $0x2800, $0x38;
	[tilespmem:$0x1DC80] =	vst v63  }
0x50: {  	_ =	swait.ge [sflag:s10], $0x2800  }
0x51: {  	[sflag:s10] =	ssyncset.done $0x0  }
0x52: {  	s30 =	rddreg [dreg:$0x1b];
	[sflag:s10] =	ssyncadd.s32 $0xFFFFD800  }
0x53: {  	[spmem:s30] =	stream.linear.scatter [tilespmem:s9], [sflag:$0xD], $0x2000, $0x38;
	[tilespmem:$0x1DC80] =	vst v63  }
0x54: {  	_ =	swait.ge [sflag:s10], $0x2000  }
0x55: {  	[sflag:s10] =	ssyncset.done $0x0  }
0x56: {  	s18 =	simm.s32 @!p0 $0x400;
	[sflag:s10] =	ssyncadd.s32 $0xFFFFE000  }
0x57: {  	[spmem:s25] =	stream.linear.scatter @!p0 [tilespmem:s18], [sflag:$0xD], $0x800, $0x38;
	[tilespmem:$0x1DC80] =	vst v63  }
0x58: {  	s18 =	simm.s32 @!p0 $0xD  }
0x59: {  	_ =	swait.ge @!p0 [sflag:s18], $0x800  }
0x5a: {  	[sflag:s18] =	ssyncset.done @!p0 $0x0  }
0x5b: {  	[sflag:s18] =	ssyncadd.s32 @!p0 $0xFFFFF800  }
0x5c: {  	[bflag:$0x0] =	sbarrier.arrive $0xFFFF  }
0x5d: {  	s20 =	simm.s32 $0x0;
	s18 =	rddreg [dreg:$0x6]  }
0x5e: {  	[tilespmem:s20], [sflag:$0x1] =	stream.linear.gather [hbm4b:s18+s20], $0x50, $0x38;
	[tilespmem:$0x1DC80] =	vst v63  }
0x5f: {  	s21 =	rddreg [dreg:$0x7]  }
0x60: {  	[tilespmem:s11], [sflag:$0x1] =	stream.linear.gather [hbm4b:s21+s20], $0x50, $0x38;
	[tilespmem:$0x1DC80] =	vst v63  }
0x61: {  	s25 =	rddreg [dreg:$0x8]  }
0x62: {  	[tilespmem:s9], [sflag:$0x5] =	stream.linear.gather [hbm4b:s25+s20], $0x2800, $0x38;
	[tilespmem:$0x1DC80] =	vst v63  }
0x63: {  	_ =	swait.ge [sflag:s12], $0x50  }
0x64: {  	[sflag:s12] =	ssyncset.done $0x0  }
0x65: {  	[sflag:s12] =	ssyncadd.s32 $0xFFFFFFB0  }
0x66: {  	_ =	swait.ge [sflag:s12], $0x50  }
0x67: {  	[sflag:s12] =	ssyncset.done $0x0  }
0x68: {  	[sflag:s12] =	ssyncadd.s32 $0xFFFFFFB0  }
0x69: {  	_ =	swait.ge [sflag:s13], $0x2800  }
0x6a: {  	[sflag:s13] =	ssyncset.done $0x0  }
0x6b: {  	[sflag:s13] =	ssyncadd.s32 $0xFFFFD800  }
0x6c: {  	[tilespmem:s9], [sflag:$0x9] =	stream.indirect.gather.add.f32 [hbm:s1], $0x80, s20, s14, $0xb8;
	[tilespmem:$0x1DC80] =	vst v63  }
0x6d: {  	s30 =	simm.s32 $0x80;
	s29 =	rddreg [dreg:$0x9]  }
0x6e: {  	[tilespmem:s30], [sflag:$0x2] =	stream.linear.gather [hbm4b:s29+s20], $0x50, $0x38;
	[tilespmem:$0x1DC80] =	vst v63  }
0x6f: {  	s25 =	simm.s32 $0x280;
	s21 =	rddreg [dreg:$0xa]  }
0x70: {  	[tilespmem:s25], [sflag:$0x2] =	stream.linear.gather [hbm4b:s21+s20], $0x50, $0x38;
	[tilespmem:$0x1DC80] =	vst v63  }
0x71: {  	s29 =	rddreg [dreg:$0xb];
	s30 =	simm.s32 $0x2C00  }
0x72: {  	[tilespmem:s30], [sflag:$0x6] =	stream.linear.gather [hbm4b:s29+s20], $0x2800, $0x38;
	[tilespmem:$0x1DC80] =	vst v63  }
0x73: {  	s18 =	rddreg [dreg:$0xc];
	s21 =	simm.s32 $0x100  }
0x74: {  	[tilespmem:s21], [sflag:$0x3] =	stream.linear.gather [hbm4b:s18+s20], $0x50, $0x38;
	[tilespmem:$0x1DC80] =	vst v63  }
0x75: {  	s25 =	rddreg [dreg:$0xd];
	s29 =	simm.s32 $0x300  }
0x76: {  	[tilespmem:s29], [sflag:$0x3] =	stream.linear.gather [hbm4b:s25+s20], $0x50, $0x38;
	[tilespmem:$0x1DC80] =	vst v63  }
0x77: {  	s30 =	rddreg [dreg:$0xe]  }
0x78: {  	[tilespmem:s23], [sflag:$0x7] =	stream.linear.gather [hbm4b:s30+s20], $0x2800, $0x38;
	[tilespmem:$0x1DC80] =	vst v63  }
.LBB2_4:
0x79: {  	_ =	swait.ge [sflag:s24], $0x50  }
0x7a: {  	[sflag:s24] =	ssyncset.done $0x0  }
0x7b: {  	[sflag:s24] =	ssyncadd.s32 $0xFFFFFFB0  }
0x7c: {  	_ =	swait.ge [sflag:s24], $0x50  }
0x7d: {  	[sflag:s24] =	ssyncset.done $0x0  }
0x7e: {  	[sflag:s24] =	ssyncadd.s32 $0xFFFFFFB0  }
0x7f: {  	_ =	swait.ge [sflag:s26], $0x2800  }
0x80: {  	[sflag:s26] =	ssyncset.done $0x0  }
0x81: {  	s17 =	simm.s32 $0x80;
	s18 =	simm.s32 $0x2C00;
	[sflag:s26] =	ssyncadd.s32 $0xFFFFD800  }
0x82: {  	[tilespmem:s18], [sflag:$0xA] =	stream.indirect.gather.add.f32 [hbm:s1], $0x80, s17, s14, $0xb8;
	[tilespmem:$0x1DC80] =	vst v63  }
0x83: {  	_ =	swait.ge [sflag:s28], $0x2800  }
0x84: {  	[sflag:s28] =	ssyncset.done $0x0  }
0x85: {  	s25 =	simm.s32 $0x0;
	[sflag:s28] =	ssyncadd.s32 $0xFFFFD800  }
0x86: {  	v3 =	vld [tilespmem:s25+$0x400]  }
0x87: {  	v5 =	vld [tilespmem:s25+$0x410]  }
0x88: {  	v4 =	vld [tilespmem:s25+$0x420]  }
0x89: {  	v2 =	vld [tilespmem:s25+$0x430]  }
0x8a: {  	v1 =	vld [tilespmem:s25+$0x440]  }
0x8b: {  	v6 =	vmax.f32 v3, $0.0e+00;
	v3 =	vld [tilespmem:s25+$0x450]  }
0x8c: {  	s18 =	simm.s32 $0x200;
	[tilespmem:s25+$0x400] =	vst v6;
	v6 =	vmax.f32 v5, $0.0e+00;
	v5 =	vld [tilespmem:s25+$0x460]  }
.LBB2_5:
0x8d: {  	s21 =	sshra.s32 s18, $0x2;
	p1 =	sne.s32 s18, $0x9E00;
	[tilespmem:s25+$0x410] =	vst v6;
	v4 =	vmax.f32 v4, $0.0e+00;
	v6 =	vld [tilespmem:s25+$0x470]  }
0x8e: {  	v7 =	vld [tilespmem:s21+$0x400];
	[tilespmem:s25+$0x420] =	vst v4;
	v2 =	vmax.f32 v2, $0.0e+00  }
0x8f: {  	v8 =	vld [tilespmem:s21+$0x410];
	[tilespmem:s25+$0x430] =	vst v2;
	v1 =	vmax.f32 v1, $0.0e+00  }
.Ltmp1:
0x90: {  	v4 =	vld [tilespmem:s21+$0x420];
	[tilespmem:s25+$0x440] =	vst v1;
	v1 =	vmax.f32 v3, $0.0e+00;
	(pc) =	sbr.rel @p1 .LBB2_5-.Ltmp1, $4  }
0x91: {  	v2 =	vld [tilespmem:s21+$0x430];
	[tilespmem:s25+$0x450] =	vst v1;
	v3 =	vmax.f32 v5, $0.0e+00  }
0x92: {  	v1 =	vld [tilespmem:s21+$0x440];
	[tilespmem:s25+$0x460] =	vst v3;
	v5 =	vmax.f32 v6, $0.0e+00  }
0x93: {  	v6 =	vmax.f32 v7, $0.0e+00;
	v3 =	vld [tilespmem:s21+$0x450];
	[tilespmem:s25+$0x470] =	vst v5;
	s25 =	smov.u32 s21  }
0x94: {  	s18 =	sadd.s32 $0x200, s18;
	[tilespmem:s25+$0x400] =	vst v6;
	v6 =	vmax.f32 v8, $0.0e+00;
	v5 =	vld [tilespmem:s25+$0x460]  }
0x95: {  	[tilespmem:s25+$0x410] =	vst v6;
	v4 =	vmax.f32 v4, $0.0e+00;
	v6 =	vld [tilespmem:s25+$0x470]  }
0x96: {  	[tilespmem:s25+$0x420] =	vst v4;
	v2 =	vmax.f32 v2, $0.0e+00  }
0x97: {  	[tilespmem:s25+$0x430] =	vst v2;
	v1 =	vmax.f32 v1, $0.0e+00  }
0x98: {  	[tilespmem:s25+$0x440] =	vst v1;
	v1 =	vmax.f32 v3, $0.0e+00  }
0x99: {  	[tilespmem:s25+$0x450] =	vst v1;
	v1 =	vmax.f32 v5, $0.0e+00  }
0x9a: {  	[tilespmem:s25+$0x460] =	vst v1;
	v1 =	vmax.f32 v6, $0.0e+00  }
0x9b: {  	[tilespmem:s25+$0x470] =	vst v1  }
0x9c: {  	[spmem:s2] =	stream.indirect.scatter.add.f32 [tilespmem:s9], [sflag:$0xD], $0x80, s11, s14, $0xb8;
	[tilespmem:$0x1DC80] =	vst v63  }
0x9d: {  	s25 =	smul.u32 $0x140, s20;
	_ =	swait.ge [sflag:s10], $0x2800  }
0x9e: {  	s17 =	rddreg [dreg:$0x15]  }
0x9f: {  	s18 =	sadd.s32 s17, s25  }
0xa0: {  	s30 =	simm.s32 $0x0;
	[sflag:s10] =	ssyncset.done $0x0;
	s21 =	sshrl.u32 s18, $0x3  }
0xa1: {  	[sflag:s10] =	ssyncadd.s32 $0xFFFFD800;
	s17 =	simm.s32 $0x180;
	s29 =	sadd.s32 s6, s21  }
0xa2: {  	[tilespmem:s17], [sflag:$0x4] =	stream.linear.gather [hbm4b:s29+s30], $0x50, $0x38;
	[tilespmem:$0x1DC80] =	vst v63  }
0xa3: {  	s18 =	sshll.u32 s18, $0x4;
	s21 =	sadd.s32 s7, s21;
	s29 =	simm.s32 $0x380  }
0xa4: {  	[tilespmem:s29], [sflag:$0x4] =	stream.linear.gather [hbm4b:s21+s30], $0x50, $0x38;
	[tilespmem:$0x1DC80] =	vst v63  }
0xa5: {  	s18 =	sadd.s32 s5, s18  }
0xa6: {  	[tilespmem:s31], [sflag:$0x8] =	stream.linear.gather [hbm4b:s18+s30], $0x2800, $0x38;
	[tilespmem:$0x1DC80] =	vst v63  }
0xa7: {  	_ =	swait.ge [sflag:s0], $0x50  }
0xa8: {  	[sflag:s0] =	ssyncset.done $0x0  }
0xa9: {  	[sflag:s0] =	ssyncadd.s32 $0xFFFFFFB0  }
0xaa: {  	_ =	swait.ge [sflag:s0], $0x50  }
0xab: {  	[sflag:s0] =	ssyncset.done $0x0  }
0xac: {  	[sflag:s0] =	ssyncadd.s32 $0xFFFFFFB0  }
0xad: {  	_ =	swait.ge [sflag:s4], $0x2800  }
0xae: {  	[sflag:s4] =	ssyncset.done $0x0  }
0xaf: {  	s30 =	simm.s32 $0x100;
	[sflag:s4] =	ssyncadd.s32 $0xFFFFD800  }
0xb0: {  	[tilespmem:s23], [sflag:$0xB] =	stream.indirect.gather.add.f32 [hbm:s1], $0x80, s30, s14, $0xb8;
	[tilespmem:$0x1DC80] =	vst v63  }
0xb1: {  	_ =	swait.ge [sflag:s8], $0x2800  }
0xb2: {  	[sflag:s8] =	ssyncset.done $0x0  }
0xb3: {  	s18 =	simm.s32 $0x0;
	[sflag:s8] =	ssyncadd.s32 $0xFFFFD800  }
0xb4: {  	v3 =	vld [tilespmem:s18+$0x2C00]  }
0xb5: {  	v5 =	vld [tilespmem:s18+$0x2C10]  }
0xb6: {  	v4 =	vld [tilespmem:s18+$0x2C20]  }
0xb7: {  	v2 =	vld [tilespmem:s18+$0x2C30]  }
0xb8: {  	v1 =	vld [tilespmem:s18+$0x2C40]  }
0xb9: {  	v6 =	vmax.f32 v3, $0.0e+00;
	v3 =	vld [tilespmem:s18+$0x2C50]  }
0xba: {  	s21 =	simm.s32 $0x200;
	[tilespmem:s18+$0x2C00] =	vst v6;
	v6 =	vmax.f32 v5, $0.0e+00;
	v5 =	vld [tilespmem:s18+$0x2C60]  }
.LBB2_7:
0xbb: {  	s29 =	sshra.s32 s21, $0x2;
	p1 =	sne.s32 s21, $0x9E00;
	[tilespmem:s18+$0x2C10] =	vst v6;
	v4 =	vmax.f32 v4, $0.0e+00;
	v6 =	vld [tilespmem:s18+$0x2C70]  }
0xbc: {  	v7 =	vld [tilespmem:s29+$0x2C00];
	[tilespmem:s18+$0x2C20] =	vst v4;
	v2 =	vmax.f32 v2, $0.0e+00  }
0xbd: {  	v8 =	vld [tilespmem:s29+$0x2C10];
	[tilespmem:s18+$0x2C30] =	vst v2;
	v1 =	vmax.f32 v1, $0.0e+00  }
.Ltmp2:
0xbe: {  	v4 =	vld [tilespmem:s29+$0x2C20];
	[tilespmem:s18+$0x2C40] =	vst v1;
	v1 =	vmax.f32 v3, $0.0e+00;
	(pc) =	sbr.rel @p1 .LBB2_7-.Ltmp2, $4  }
0xbf: {  	v2 =	vld [tilespmem:s29+$0x2C30];
	[tilespmem:s18+$0x2C50] =	vst v1;
	v3 =	vmax.f32 v5, $0.0e+00  }
0xc0: {  	v1 =	vld [tilespmem:s29+$0x2C40];
	[tilespmem:s18+$0x2C60] =	vst v3;
	v5 =	vmax.f32 v6, $0.0e+00  }
0xc1: {  	v6 =	vmax.f32 v7, $0.0e+00;
	v3 =	vld [tilespmem:s29+$0x2C50];
	[tilespmem:s18+$0x2C70] =	vst v5;
	s18 =	smov.u32 s29  }
0xc2: {  	s21 =	sadd.s32 $0x200, s21;
	[tilespmem:s18+$0x2C00] =	vst v6;
	v6 =	vmax.f32 v8, $0.0e+00;
	v5 =	vld [tilespmem:s18+$0x2C60]  }
0xc3: {  	[tilespmem:s18+$0x2C10] =	vst v6;
	v4 =	vmax.f32 v4, $0.0e+00;
	v6 =	vld [tilespmem:s18+$0x2C70]  }
0xc4: {  	[tilespmem:s18+$0x2C20] =	vst v4;
	v2 =	vmax.f32 v2, $0.0e+00  }
0xc5: {  	[tilespmem:s18+$0x2C30] =	vst v2;
	v1 =	vmax.f32 v1, $0.0e+00  }
0xc6: {  	[tilespmem:s18+$0x2C40] =	vst v1;
	v1 =	vmax.f32 v3, $0.0e+00  }
0xc7: {  	[tilespmem:s18+$0x2C50] =	vst v1;
	v1 =	vmax.f32 v5, $0.0e+00  }
0xc8: {  	[tilespmem:s18+$0x2C60] =	vst v1;
	v1 =	vmax.f32 v6, $0.0e+00  }
0xc9: {  	s17 =	simm.s32 $0x280;
	s29 =	simm.s32 $0x2C00;
	[tilespmem:s18+$0x2C70] =	vst v1  }
0xca: {  	[spmem:s2] =	stream.indirect.scatter.add.f32 [tilespmem:s29], [sflag:$0xD], $0x80, s17, s14, $0xb8;
	[tilespmem:$0x1DC80] =	vst v63  }
0xcb: {  	_ =	swait.ge [sflag:s10], $0x2800  }
0xcc: {  	s30 =	rddreg [dreg:$0xf]  }
0xcd: {  	s17 =	sadd.s32 s25, s30  }
0xce: {  	[sflag:s10] =	ssyncset.done $0x0;
	s21 =	sshrl.u32 s17, $0x3  }
0xcf: {  	[sflag:s10] =	ssyncadd.s32 $0xFFFFD800;
	s30 =	simm.s32 $0x0;
	s29 =	sadd.s32 s6, s21  }
0xd0: {  	[tilespmem:s30], [sflag:$0x1] =	stream.linear.gather [hbm4b:s29+s30], $0x50, $0x38;
	[tilespmem:$0x1DC80] =	vst v63  }
0xd1: {  	s18 =	sshll.u32 s17, $0x4;
	s21 =	sadd.s32 s7, s21  }
0xd2: {  	[tilespmem:s11], [sflag:$0x1] =	stream.linear.gather [hbm4b:s21+s30], $0x50, $0x38;
	[tilespmem:$0x1DC80] =	vst v63  }
0xd3: {  	s18 =	sadd.s32 s5, s18  }
0xd4: {  	[tilespmem:s9], [sflag:$0x5] =	stream.linear.gather [hbm4b:s18+s30], $0x2800, $0x38;
	[tilespmem:$0x1DC80] =	vst v63  }
0xd5: {  	_ =	swait.ge [sflag:s15], $0x50  }
0xd6: {  	[sflag:s15] =	ssyncset.done $0x0  }
0xd7: {  	[sflag:s15] =	ssyncadd.s32 $0xFFFFFFB0  }
0xd8: {  	_ =	swait.ge [sflag:s15], $0x50  }
0xd9: {  	[sflag:s15] =	ssyncset.done $0x0  }
0xda: {  	[sflag:s15] =	ssyncadd.s32 $0xFFFFFFB0  }
0xdb: {  	_ =	swait.ge [sflag:s16], $0x2800  }
0xdc: {  	[sflag:s16] =	ssyncset.done $0x0  }
0xdd: {  	s30 =	simm.s32 $0x180;
	[sflag:s16] =	ssyncadd.s32 $0xFFFFD800  }
0xde: {  	[tilespmem:s31], [sflag:$0xC] =	stream.indirect.gather.add.f32 [hbm:s1], $0x80, s30, s14, $0xb8;
	[tilespmem:$0x1DC80] =	vst v63  }
0xdf: {  	_ =	swait.ge [sflag:s22], $0x2800  }
0xe0: {  	[sflag:s22] =	ssyncset.done $0x0  }
0xe1: {  	s18 =	simm.s32 $0x0;
	[sflag:s22] =	ssyncadd.s32 $0xFFFFD800  }
0xe2: {  	v3 =	vld [tilespmem:s18+$0x5400]  }
0xe3: {  	v5 =	vld [tilespmem:s18+$0x5410]  }
0xe4: {  	v4 =	vld [tilespmem:s18+$0x5420]  }
0xe5: {  	v2 =	vld [tilespmem:s18+$0x5430]  }
0xe6: {  	v1 =	vld [tilespmem:s18+$0x5440]  }
0xe7: {  	v6 =	vmax.f32 v3, $0.0e+00;
	v3 =	vld [tilespmem:s18+$0x5450]  }
0xe8: {  	s21 =	simm.s32 $0x200;
	[tilespmem:s18+$0x5400] =	vst v6;
	v6 =	vmax.f32 v5, $0.0e+00;
	v5 =	vld [tilespmem:s18+$0x5460]  }
.LBB2_9:
0xe9: {  	s29 =	sshra.s32 s21, $0x2;
	p1 =	sne.s32 s21, $0x9E00;
	[tilespmem:s18+$0x5410] =	vst v6;
	v4 =	vmax.f32 v4, $0.0e+00;
	v6 =	vld [tilespmem:s18+$0x5470]  }
0xea: {  	v7 =	vld [tilespmem:s29+$0x5400];
	[tilespmem:s18+$0x5420] =	vst v4;
	v2 =	vmax.f32 v2, $0.0e+00  }
0xeb: {  	v8 =	vld [tilespmem:s29+$0x5410];
	[tilespmem:s18+$0x5430] =	vst v2;
	v1 =	vmax.f32 v1, $0.0e+00  }
.Ltmp3:
0xec: {  	v4 =	vld [tilespmem:s29+$0x5420];
	[tilespmem:s18+$0x5440] =	vst v1;
	v1 =	vmax.f32 v3, $0.0e+00;
	(pc) =	sbr.rel @p1 .LBB2_9-.Ltmp3, $4  }
0xed: {  	v2 =	vld [tilespmem:s29+$0x5430];
	[tilespmem:s18+$0x5450] =	vst v1;
	v3 =	vmax.f32 v5, $0.0e+00  }
0xee: {  	v1 =	vld [tilespmem:s29+$0x5440];
	[tilespmem:s18+$0x5460] =	vst v3;
	v5 =	vmax.f32 v6, $0.0e+00  }
0xef: {  	v6 =	vmax.f32 v7, $0.0e+00;
	v3 =	vld [tilespmem:s29+$0x5450];
	[tilespmem:s18+$0x5470] =	vst v5;
	s18 =	smov.u32 s29  }
0xf0: {  	s21 =	sadd.s32 $0x200, s21;
	[tilespmem:s18+$0x5400] =	vst v6;
	v6 =	vmax.f32 v8, $0.0e+00;
	v5 =	vld [tilespmem:s18+$0x5460]  }
0xf1: {  	[tilespmem:s18+$0x5410] =	vst v6;
	v4 =	vmax.f32 v4, $0.0e+00;
	v6 =	vld [tilespmem:s18+$0x5470]  }
0xf2: {  	[tilespmem:s18+$0x5420] =	vst v4;
	v2 =	vmax.f32 v2, $0.0e+00  }
0xf3: {  	[tilespmem:s18+$0x5430] =	vst v2;
	v1 =	vmax.f32 v1, $0.0e+00  }
0xf4: {  	[tilespmem:s18+$0x5440] =	vst v1;
	v1 =	vmax.f32 v3, $0.0e+00  }
0xf5: {  	[tilespmem:s18+$0x5450] =	vst v1;
	v1 =	vmax.f32 v5, $0.0e+00  }
0xf6: {  	[tilespmem:s18+$0x5460] =	vst v1;
	v1 =	vmax.f32 v6, $0.0e+00  }
0xf7: {  	s17 =	simm.s32 $0x300;
	[tilespmem:s18+$0x5470] =	vst v1  }
0xf8: {  	[spmem:s2] =	stream.indirect.scatter.add.f32 [tilespmem:s23], [sflag:$0xD], $0x80, s17, s14, $0xb8;
	[tilespmem:$0x1DC80] =	vst v63  }
0xf9: {  	_ =	swait.ge [sflag:s10], $0x2800  }
0xfa: {  	p1 =	seq.s32 s20, $0x1E;
	s17 =	rddreg [dreg:$0x10]  }
0xfb: {  	s18 =	sadd.s32 @!p1 s25, s17  }
0xfc: {  	s30 =	simm.s32 @!p1 $0x0;
	[sflag:s10] =	ssyncset.done $0x0;
	s21 =	sshrl.u32 @!p1 s18, $0x3  }
0xfd: {  	[sflag:s10] =	ssyncadd.s32 $0xFFFFD800;
	s17 =	simm.s32 @!p1 $0x80;
	s29 =	sadd.s32 @!p1 s6, s21  }
0xfe: {  	[tilespmem:s17], [sflag:$0x2] =	stream.linear.gather @!p1 [hbm4b:s29+s30], $0x50, $0x38;
	[tilespmem:$0x1DC80] =	vst v63  }
0xff: {  	s17 =	sadd.s32 @!p1 s7, s21;
	s21 =	simm.s32 @!p1 $0x280  }
0x100: {  	[tilespmem:s21], [sflag:$0x2] =	stream.linear.gather @!p1 [hbm4b:s17+s30], $0x50, $0x38;
	[tilespmem:$0x1DC80] =	vst v63  }
0x101: {  	s17 =	sshll.u32 @!p1 s18, $0x4  }
0x102: {  	s18 =	simm.s32 @!p1 $0x2C00;
	s17 =	sadd.s32 @!p1 s5, s17  }
0x103: {  	[tilespmem:s18], [sflag:$0x6] =	stream.linear.gather @!p1 [hbm4b:s17+s30], $0x2800, $0x38;
	[tilespmem:$0x1DC80] =	vst v63  }
0x104: {  	_ =	swait.ge [sflag:s12], $0x50  }
0x105: {  	[sflag:s12] =	ssyncset.done $0x0  }
0x106: {  	[sflag:s12] =	ssyncadd.s32 $0xFFFFFFB0  }
0x107: {  	_ =	swait.ge [sflag:s12], $0x50  }
0x108: {  	[sflag:s12] =	ssyncset.done $0x0  }
0x109: {  	[sflag:s12] =	ssyncadd.s32 $0xFFFFFFB0  }
0x10a: {  	_ =	swait.ge [sflag:s13], $0x2800  }
0x10b: {  	[sflag:s13] =	ssyncset.done $0x0  }
0x10c: {  	s30 =	simm.s32 $0x0;
	[sflag:s13] =	ssyncadd.s32 $0xFFFFD800  }
0x10d: {  	[tilespmem:s9], [sflag:$0x9] =	stream.indirect.gather.add.f32 [hbm:s1], $0x80, s30, s14, $0xb8;
	[tilespmem:$0x1DC80] =	vst v63  }
0x10e: {  	_ =	swait.ge [sflag:s19], $0x2800  }
0x10f: {  	[sflag:s19] =	ssyncset.done $0x0  }
0x110: {  	s18 =	simm.s32 $0x0;
	[sflag:s19] =	ssyncadd.s32 $0xFFFFD800  }
0x111: {  	v3 =	vld [tilespmem:s18+$0x7C00]  }
0x112: {  	v5 =	vld [tilespmem:s18+$0x7C10]  }
0x113: {  	v4 =	vld [tilespmem:s18+$0x7C20]  }
0x114: {  	v2 =	vld [tilespmem:s18+$0x7C30]  }
0x115: {  	v1 =	vld [tilespmem:s18+$0x7C40]  }
0x116: {  	v6 =	vmax.f32 v3, $0.0e+00;
	v3 =	vld [tilespmem:s18+$0x7C50]  }
0x117: {  	s21 =	simm.s32 $0x200;
	[tilespmem:s18+$0x7C00] =	vst v6;
	v6 =	vmax.f32 v5, $0.0e+00;
	v5 =	vld [tilespmem:s18+$0x7C60]  }
.LBB2_11:
0x118: {  	s17 =	sshra.s32 s21, $0x2;
	p2 =	sne.s32 s21, $0x9E00;
	[tilespmem:s18+$0x7C10] =	vst v6;
	v4 =	vmax.f32 v4, $0.0e+00;
	v6 =	vld [tilespmem:s18+$0x7C70]  }
0x119: {  	v7 =	vld [tilespmem:s17+$0x7C00];
	[tilespmem:s18+$0x7C20] =	vst v4;
	v2 =	vmax.f32 v2, $0.0e+00  }
0x11a: {  	v8 =	vld [tilespmem:s17+$0x7C10];
	[tilespmem:s18+$0x7C30] =	vst v2;
	v1 =	vmax.f32 v1, $0.0e+00  }
.Ltmp4:
0x11b: {  	v4 =	vld [tilespmem:s17+$0x7C20];
	[tilespmem:s18+$0x7C40] =	vst v1;
	v1 =	vmax.f32 v3, $0.0e+00;
	(pc) =	sbr.rel @p2 .LBB2_11-.Ltmp4, $4  }
0x11c: {  	v2 =	vld [tilespmem:s17+$0x7C30];
	[tilespmem:s18+$0x7C50] =	vst v1;
	v3 =	vmax.f32 v5, $0.0e+00  }
0x11d: {  	v1 =	vld [tilespmem:s17+$0x7C40];
	[tilespmem:s18+$0x7C60] =	vst v3;
	v5 =	vmax.f32 v6, $0.0e+00  }
0x11e: {  	v6 =	vmax.f32 v7, $0.0e+00;
	v3 =	vld [tilespmem:s17+$0x7C50];
	[tilespmem:s18+$0x7C70] =	vst v5;
	s18 =	smov.u32 s17  }
0x11f: {  	s21 =	sadd.s32 $0x200, s21;
	[tilespmem:s18+$0x7C00] =	vst v6;
	v6 =	vmax.f32 v8, $0.0e+00;
	v5 =	vld [tilespmem:s18+$0x7C60]  }
0x120: {  	[tilespmem:s18+$0x7C10] =	vst v6;
	v4 =	vmax.f32 v4, $0.0e+00;
	v63 =	vld [tilespmem:s18+$0x7C70]  }
0x121: {  	[tilespmem:s18+$0x7C20] =	vst v4;
	v2 =	vmax.f32 v2, $0.0e+00  }
0x122: {  	[tilespmem:s18+$0x7C30] =	vst v2;
	v1 =	vmax.f32 v1, $0.0e+00  }
0x123: {  	[tilespmem:s18+$0x7C40] =	vst v1;
	v1 =	vmax.f32 v3, $0.0e+00  }
0x124: {  	[tilespmem:s18+$0x7C50] =	vst v1;
	v1 =	vmax.f32 v5, $0.0e+00  }
0x125: {  	[tilespmem:s18+$0x7C60] =	vst v1;
	v1 =	vmax.f32 v63, $0.0e+00  }
.Ltmp5:
0x126: {  	s17 =	simm.s32 $0x380;
	[tilespmem:s18+$0x7C70] =	vst v1;
	(pc) =	sbr.rel @p1 .LBB2_14-.Ltmp5, $4  }
0x127: {  	[spmem:s2] =	stream.indirect.scatter.add.f32 [tilespmem:s31], [sflag:$0xD], $0x80, s17, s14, $0xb8;
	[tilespmem:$0x1DC80] =	vst v63  }
0x128: {  	_ =	swait.ge [sflag:s10], $0x2800  }
0x129: {  	[sflag:s10] =	ssyncset.done $0x0  }
0x12a: {  	[sflag:s10] =	ssyncadd.s32 $0xFFFFD800  }
0x12b: {  	s17 =	rddreg [dreg:$0x12]  }
0x12c: {  	s17 =	sadd.s32 s25, s17  }
0x12d: {  	s18 =	sshrl.u32 s17, $0x3  }
0x12e: {  	s29 =	simm.s32 $0x100;
	s21 =	sadd.s32 s6, s18  }
0x12f: {  	[tilespmem:s29], [sflag:$0x3] =	stream.linear.gather [hbm4b:s21+s3], $0x50, $0x38;
	[tilespmem:$0x1DC80] =	vst v63  }
.Ltmp6:
0x130: {  	_ = 	snop;
	(pc) =	sbr.rel .LBB2_4-.Ltmp6, $4  }
0x131: {  	s30 =	simm.s32 $0x300;
	s17 =	sshll.u32 s17, $0x4;
	s18 =	sadd.s32 s7, s18  }
0x132: {  	[tilespmem:s30], [sflag:$0x3] =	stream.linear.gather [hbm4b:s18+s3], $0x50, $0x38;
	[tilespmem:$0x1DC80] =	vst v63  }
0x133: {  	s20 =	sadd.s32 $0x1, s20;
	s17 =	sadd.s32 s5, s17  }
0x134: {  	[tilespmem:s23], [sflag:$0x7] =	stream.linear.gather [hbm4b:s17+s3], $0x2800, $0x38;
	[tilespmem:$0x1DC80] =	vst v63  }
.LBB2_14:
0x135: {  	_ =	swait.ge [sflag:s28], $0x2800  }
0x136: {  	[sflag:s28] =	ssyncset.done $0x0  }
0x137: {  	s18 =	simm.s32 $0x0;
	[sflag:s28] =	ssyncadd.s32 $0xFFFFD800  }
0x138: {  	v3 =	vld [tilespmem:s18+$0x400]  }
0x139: {  	v5 =	vld [tilespmem:s18+$0x410]  }
0x13a: {  	v4 =	vld [tilespmem:s18+$0x420]  }
0x13b: {  	v2 =	vld [tilespmem:s18+$0x430]  }
0x13c: {  	v1 =	vld [tilespmem:s18+$0x440]  }
0x13d: {  	v6 =	vmax.f32 v3, $0.0e+00;
	v3 =	vld [tilespmem:s18+$0x450]  }
0x13e: {  	s20 =	simm.s32 $0x200;
	[tilespmem:s18+$0x400] =	vst v6;
	v6 =	vmax.f32 v5, $0.0e+00;
	v5 =	vld [tilespmem:s18+$0x460]  }
.LBB2_15:
0x13f: {  	s17 =	sshra.s32 s20, $0x2;
	p1 =	sne.s32 s20, $0x9E00;
	[tilespmem:s18+$0x410] =	vst v6;
	v4 =	vmax.f32 v4, $0.0e+00;
	v6 =	vld [tilespmem:s18+$0x470]  }
0x140: {  	v7 =	vld [tilespmem:s17+$0x400];
	[tilespmem:s18+$0x420] =	vst v4;
	v2 =	vmax.f32 v2, $0.0e+00  }
0x141: {  	v8 =	vld [tilespmem:s17+$0x410];
	[tilespmem:s18+$0x430] =	vst v2;
	v1 =	vmax.f32 v1, $0.0e+00  }
.Ltmp7:
0x142: {  	v4 =	vld [tilespmem:s17+$0x420];
	[tilespmem:s18+$0x440] =	vst v1;
	v1 =	vmax.f32 v3, $0.0e+00;
	(pc) =	sbr.rel @p1 .LBB2_15-.Ltmp7, $4  }
0x143: {  	v2 =	vld [tilespmem:s17+$0x430];
	[tilespmem:s18+$0x450] =	vst v1;
	v3 =	vmax.f32 v5, $0.0e+00  }
0x144: {  	v1 =	vld [tilespmem:s17+$0x440];
	[tilespmem:s18+$0x460] =	vst v3;
	v5 =	vmax.f32 v6, $0.0e+00  }
0x145: {  	v6 =	vmax.f32 v7, $0.0e+00;
	v3 =	vld [tilespmem:s17+$0x450];
	[tilespmem:s18+$0x470] =	vst v5;
	s18 =	smov.u32 s17  }
0x146: {  	s20 =	sadd.s32 $0x200, s20;
	[tilespmem:s18+$0x400] =	vst v6;
	v6 =	vmax.f32 v8, $0.0e+00;
	v5 =	vld [tilespmem:s18+$0x460]  }
0x147: {  	[tilespmem:s18+$0x410] =	vst v6;
	v4 =	vmax.f32 v4, $0.0e+00;
	v63 =	vld [tilespmem:s18+$0x470]  }
0x148: {  	[tilespmem:s18+$0x420] =	vst v4;
	v2 =	vmax.f32 v2, $0.0e+00  }
0x149: {  	[tilespmem:s18+$0x430] =	vst v2;
	v1 =	vmax.f32 v1, $0.0e+00  }
0x14a: {  	[tilespmem:s18+$0x440] =	vst v1;
	v1 =	vmax.f32 v3, $0.0e+00  }
0x14b: {  	[tilespmem:s18+$0x450] =	vst v1;
	v1 =	vmax.f32 v5, $0.0e+00  }
0x14c: {  	[tilespmem:s18+$0x460] =	vst v1;
	v1 =	vmax.f32 v63, $0.0e+00  }
0x14d: {  	[tilespmem:s18+$0x470] =	vst v1  }
0x14e: {  	[spmem:s2] =	stream.indirect.scatter.add.f32 [tilespmem:s9], [sflag:$0xD], $0x80, s11, s14, $0xb8;
	[tilespmem:$0x1DC80] =	vst v63  }
0x14f: {  	_ =	swait.ge [sflag:s10], $0x2800  }
0x150: {  	[sflag:s10] =	ssyncset.done $0x0  }
0x151: {  	[sflag:s10] =	ssyncadd.s32 $0xFFFFD800  }
0x152: {  	s17 =	stileid.u32;
	[bflag:$0x0] =	sbarrier.arrive $0xFFFF  }
0x153: {  	s17 =	sshll.u32 s17, $0x6;
	s21 =	rddreg [dreg:$0x4]  }
0x154: {  	s17 =	sor.u32 $0x1C0D, s17;
	s20 =	rddreg [dreg:$0x11];
	s25 =	sshrl.u32 s21, $0x3  }
0x155: {  	[hbm:s20], [sflag:s17] =	dma.local [spmem:s25], $0x2700  }
0x156: {  	_ =	swait.ge [sflag:s10], $0x2700  }
0x157: {  	[sflag:s10] =	ssyncset.done $0x0;
	s25 =	rddreg [dreg:$0x1c]  }
0x158: {  	s20 =	rddreg [dreg:$0x13];
	[sflag:s10] =	ssyncadd.s32 $0xFFFFD900;
	s18 =	sshrl.u32 @!p0 s25, $0x3  }
0x159: {  	[hbm:s20], [sflag:s17] =	dma.local @!p0 [spmem:s18], $0x100  }
0x15a: {  	s17 =	simm.s32 @!p0 $0xD  }
0x15b: {  	_ =	swait.ge @!p0 [sflag:s17], $0x100  }
0x15c: {  	s29 =	rddreg [dreg:$0x1d]  }
0x15d: {  	s30 =	rddreg [dreg:$0x14];
	s20 =	sadd.s32 $0x1, s29  }
0x15e: {  	p1 =	sne.s32 s20, s30  }
.Ltmp8:
0x15f: {  	_ = 	snop;
	(pc) =	sbr.rel @p1 .LBB2_1-.Ltmp8, $3  }
0x160: {  	_ =	sdelay $0x1  }
0x161: {  	[sflag:s17] =	ssyncset.done @!p0 $0x0  }
0x162: {  	[sflag:s17] =	ssyncadd.s32 @!p0 $0xFFFFFF00  }
0x163: {  	_ =	sfence.sel $0x180000  }
0x164: {  	[bflag:$0x0] =	sbarrier.arrive $0xFFFF  }
0x165: {  	_ =	strace $0x9000004A  }
0x166: {  	s0 =	stileid.u32;
	[bflag:$0x2] =	sbarrier.arrive $0xFFFF  }
0x167: {  	p0 =	sne.s32 s0, $0x0;
	s0 =	rddreg [dreg:$0x3]  }
0x168: {  	s0 =	sadd.s32 @!p0 $0x100000, s0  }
0x169: {  	[sflag:s0] =	ssyncadd.tile.s32 @!p0 $0x1;
	_ =	shalt  }
.Lfunc_end2:
_tile_overlayer_lowered:
.L_overlay_start_2:
0x16a: {  	(tag) =	ssettag $0x2  }
0x16b: {  	s0 =	rddreg [dreg:$0x0];
	s2 =	stileid.u32  }
0x16c: {  	s1 =	rddreg [dreg:$0x1];
	p0 =	sne.s32 s2, $0x0  }
0x16d: {  	s3 =	rddreg [dreg:$0x2];
	[bflag:$0x3] =	sbarrier.arrive $0xFFFF;
	s2 =	simm.s32 @!p0 $0x1C0D  }
0x16e: {  	[timem:s3], [sflag:s2] =	dma.local @!p0 [hbm:s0], s1  }
0x16f: {  	s0 =	simm.s32 @!p0 $0xD  }
0x170: {  	_ =	swait.ge @!p0 [sflag:s0], s1  }
0x171: {  	s1 =	ssub.s32 @!p0 $0x0, s1;
	[sflag:s0] =	ssyncset.done @!p0 $0x0  }
0x172: {  	[sflag:s0] =	ssyncadd.s32 @!p0 s1  }
0x173: {  	[bflag:$0x3] =	sbarrier.arrive $0xFFFF  }
0x174: {  	_ =	shalt  }

// kernel: kernel.15.cloned.1.call-start
scs
__scs_entry_jumppad:
0x0: {  	(pc) =	sbr.rel $0x88, $3  }
0x1: {  	(tag) =	ssettag $0x0;
	lr =	simm.s32 $0x1  }
0x2: {  	[smem:$0x3F84] =	sst lr;
	_ =	strace $0xD0000000  }
0x3: {  	_ = 	snop  }
0x4: {  	_ = 	snop  }
0x5: {  	_ = 	snop  }
0x6: {  	_ = 	snop  }
0x7: {  	_ = 	snop  }
__scs_overlays_trampoline_lowered:
0x8: {  	[smem:$0x3F93] =	sst s0  }
0x9: {  	[smem:$0x3F94] =	sst s1  }
0xa: {  	[smem:$0x3F95] =	sst s2  }
0xb: {  	[smem:$0x3F96] =	sst s3  }
0xc: {  	[smem:$0x3F97] =	sst s4  }
0xd: {  	[smem:$0x3F98] =	sst s5  }
0xe: {  	[smem:$0x3F99] =	sst s6  }
0xf: {  	[smem:$0x3F9A] =	sst s7  }
0x10: {  	[smem:$0x3F9B] =	sst s8  }
0x11: {  	[smem:$0x3F9C] =	sst s9;
	s0 =	simm.s32 @!p0 $0x0  }
0x12: {  	s1 =	sld [smem:$0x3F82];
	s0 =	simm.s32 @p0 $0x1  }
0x13: {  	[smem:$0x3F9D] =	sst s0;
	s0 =	simm.s32 @!p1 $0x0  }
0x14: {  	s2 =	sld [smem:$0x3F81];
	s0 =	simm.s32 @p1 $0x1  }
0x15: {  	[smem:$0x3F9E] =	sst s0;
	s0 =	simm.s32 @!p2 $0x0  }
0x16: {  	s3 =	sld [smem:$0x3FDB];
	s0 =	simm.s32 @p2 $0x1  }
0x17: {  	s4 =	simm.s32 $0x1BF5;
	[smem:$0x3FA0] =	sst s0  }
0x18: {  	s0 =	sld [smem:$0x3F83];
	_ =	swait.ge [sflag:s4], $0x0  }
0x19: {  	s7 =	sld [smem:$0x3F84]  }
0x1a: {  	s8 =	sadd.s32 $0xFFFFE003, lr  }
0x1b: {  	s9 =	sadd.s32 $0xFFFFFEF7, lr;
	s5 =	simm.s32 $0xFFFFFFFF;
	p2 =	slt.u32 s8, $0xFFFFF086  }
0x1c: {  	p1 =	slt.u32 s9, $0xF7A;
	s5 =	simm.s32 @!p2 $0x0  }
0x1d: {  	s5 =	simm.s32 @p1 $0x1;
	p0 =	seq.s32 s7, s2  }
0x1e: {  	s7 =	smul.u32 @!p0 $0xF7A, s2;
	p2 =	seq.s32 @!p0 s5, $0x0  }
0x1f: {  	s9 =	smul.u32 $0xF7A, s1;
	s8 =	simm.s32 @!p0 $0x1BF5;
	p2 =	por !p2, p0  }
0x20: {  	[sflag:s8] =	ssyncset.s32 @!p0 $0xFFFFF086;
	s6 =	sadd.s32 @!p0 s3, s7;
	s7 =	simm.s32 @!p0 $0x108  }
0x21: {  	s3 =	sadd.s32 s3, s9;
	s6 =	sadd.s32 @!p0 $0x88, s6;
	s7 =	simm.s32 @p2 $0x1082  }
0x22: {  	[simem:s7], [sflag:s8] =	dma.local @!p0 [hbm:s6], $0xF7A  }
0x23: {  	s9 =	sor.u32 $0xD0000000, s2;
	s6 =	simm.s32 $0x108;
	_ =	swait.ge @!p0 [sflag:s8], $0x0  }
0x24: {  	s3 =	sadd.s32 $0x88, s3;
	s6 =	simm.s32 @!p1 $0x1082;
	[sflag:s4] =	ssyncset.s32 $0xFFFFF086  }
0x25: {  	[simem:s6], [sflag:s4] =	dma.local [hbm:s3], $0xF7A  }
0x26: {  	[smem:$0x3F84] =	sst s1;
	(tag) =	ssettag s2;
	_ =	strace s9  }
0x27: {  	s1 =	sld [smem:$0x3F94]  }
0x28: {  	s2 =	sld [smem:$0x3F95]  }
0x29: {  	s4 =	sld [smem:$0x3F97]  }
0x2a: {  	p0 =	seq.s32 s5, $0x0;
	s5 =	sld [smem:$0x3F98]  }
0x2b: {  	s6 =	sld [smem:$0x3F99]  }
0x2c: {  	s7 =	sld [smem:$0x3F9A]  }
0x2d: {  	s3 =	simm.s32 $0x108;
	s8 =	sld [smem:$0x3F9B]  }
0x2e: {  	s3 =	simm.s32 @!p0 $0x1082;
	s9 =	sld [smem:$0x3F9C]  }
0x2f: {  	lr =	sadd.s32 s0, s3;
	s0 =	sld [smem:$0x3F93]  }
0x30: {  	s3 =	sld [smem:$0x3F96]  }
0x31: {  	[smem:$0x3F9F] =	sst s10  }
0x32: {  	s10 =	sld [smem:$0x3F9D];
	_ =	sdelay $0x3  }
0x33: {  	p0 =	seq.s32 s10, $0x1;
	s10 =	sld [smem:$0x3F9F];
	_ =	sdelay $0x3  }
0x34: {  	[smem:$0x3F9F] =	sst s10  }
0x35: {  	s10 =	sld [smem:$0x3F9E];
	_ =	sdelay $0x3  }
0x36: {  	p1 =	seq.s32 s10, $0x1;
	s10 =	sld [smem:$0x3F9F];
	_ =	sdelay $0x3  }
0x37: {  	[smem:$0x3F9F] =	sst s10  }
0x38: {  	s10 =	sld [smem:$0x3FA0]  }
0x39: {  	_ = 	snop;
	(pc) =	sbr.ind lr, $3  }
0x3a: {  	_ = 	snop  }
0x3b: {  	_ = 	snop  }
0x3c: {  	p2 =	seq.s32 s10, $0x1;
	s10 =	sld [smem:$0x3F9F]  }
0x3d: {  	_ =	shalt  }
0x3e: {  	_ =	shalt  }
0x3f: {  	_ =	shalt  }
0x40: {  	_ =	shalt  }
0x41: {  	_ =	shalt  }
0x42: {  	_ =	shalt  }
0x43: {  	_ =	shalt  }
0x44: {  	_ =	shalt  }
0x45: {  	_ =	shalt  }
0x46: {  	_ =	shalt  }
0x47: {  	_ =	shalt  }
0x48: {  	_ =	shalt  }
0x49: {  	_ =	shalt  }
0x4a: {  	_ =	shalt  }
0x4b: {  	_ =	shalt  }
0x4c: {  	_ =	shalt  }
0x4d: {  	_ =	shalt  }
0x4e: {  	_ =	shalt  }
0x4f: {  	_ =	shalt  }
0x50: {  	_ =	shalt  }
0x51: {  	_ =	shalt  }
0x52: {  	_ =	shalt  }
0x53: {  	_ =	shalt  }
0x54: {  	_ =	shalt  }
0x55: {  	_ =	shalt  }
0x56: {  	_ =	shalt  }
0x57: {  	_ =	shalt  }
0x58: {  	_ =	shalt  }
0x59: {  	_ =	shalt  }
0x5a: {  	_ =	shalt  }
0x5b: {  	_ =	shalt  }
0x5c: {  	_ =	shalt  }
0x5d: {  	_ =	shalt  }
0x5e: {  	_ =	shalt  }
0x5f: {  	_ =	shalt  }
0x60: {  	_ =	shalt  }
0x61: {  	_ =	shalt  }
0x62: {  	_ =	shalt  }
0x63: {  	_ =	shalt  }
0x64: {  	_ =	shalt  }
0x65: {  	_ =	shalt  }
0x66: {  	_ =	shalt  }
0x67: {  	_ =	shalt  }
0x68: {  	_ =	shalt  }
0x69: {  	_ =	shalt  }
0x6a: {  	_ =	shalt  }
0x6b: {  	_ =	shalt  }
0x6c: {  	_ =	shalt  }
0x6d: {  	_ =	shalt  }
0x6e: {  	_ =	shalt  }
0x6f: {  	_ =	shalt  }
0x70: {  	_ =	shalt  }
0x71: {  	_ =	shalt  }
0x72: {  	_ =	shalt  }
0x73: {  	_ =	shalt  }
0x74: {  	_ =	shalt  }
0x75: {  	_ =	shalt  }
0x76: {  	_ =	shalt  }
0x77: {  	_ =	shalt  }
0x78: {  	_ =	shalt  }
0x79: {  	_ =	shalt  }
0x7a: {  	_ =	shalt  }
0x7b: {  	_ =	shalt  }
0x7c: {  	_ =	shalt  }
0x7d: {  	_ =	shalt  }
0x7e: {  	_ =	shalt  }
0x7f: {  	_ =	shalt  }
0x80: {  	_ =	shalt  }
0x81: {  	_ =	shalt  }
0x82: {  	_ =	shalt  }
0x83: {  	_ =	shalt  }
0x84: {  	_ =	shalt  }
0x85: {  	_ =	shalt  }
0x86: {  	_ =	shalt  }
0x87: {  	_ =	shalt  }
.Lfunc_end0:
.L_simem_size_0:
called_computation.2_lowered:
.L_overlay_start_0:
0x88: {  	s2 =	sld [smem:$0x3FD9]  }
0x89: {  	s3 =	sld [smem:$0x3FFE];
	_ =	sdelay $0x1  }
0x8a: {  	s1 =	srdreg.scid  }
0x8b: {  	s0 =	sand.u32 $0x1, s1  }
0x8c: {  	s14 =	sshll.u32 s0, $0xA;
	s2 =	sadd.s32 s3, s2  }
0x8d: {  	s2 =	sadd.s32 s2, s14  }
0x8e: {  	[smem:$0x3FAB] =	sst s2  }
0x8f: {  	_ = 	snop  }
0x90: {  	s2 =	sld [smem:$0x3FD0];
	_ =	sdelay $0x2  }
0x91: {  	s15 =	simm.s32 $0xA;
	s4 =	simm.s32 $0x10  }
0x92: {  	[smem:s4], [sflag:s15] =	dma.local [hbm:s2], $0x1  }
0x93: {  	_ =	swait.eq [sflag:s15], $0x1  }
0x94: {  	[sflag:s15] =	ssyncset.done $0x0  }
0x95: {  	[sflag:s15] =	ssyncadd.s32 $0xFFFFFFFF  }
0x96: {  	s16 =	sld [smem:$0x11];
	(tm) =	ssettm $0x1  }
0x97: {  	s17 =	sld [smem:$0x3FFB];
	_ =	sdelay $0x3  }
0x98: {  	_ =	strace s17  }
0x99: {  	s3 =	sld [smem:$0x3FFC];
	_ =	sdelay $0x3  }
0x9a: {  	_ =	strace s3  }
0x9b: {  	s3 =	sld [smem:$0x3FFD];
	_ =	sdelay $0x3  }
0x9c: {  	_ =	strace s3  }
0x9d: {  	_ =	strace $0x8FFFFFFF  }
0x9e: {  	s18 =	sld [smem:$0x3FDB];
	_ =	sdelay $0x1  }
0x9f: {  	s19 =	simm.s32 $_scs_section_size  }
0xa0: {  	s5 =	simm.s32 $_size__tile_overlayer_lowered;
	s6 =	simm.s32 $_tile_overlayer_lowered  }
0xa1: {  	s22 =	simm.s32 $0x1BFF;
	s21 =	sshll.u32 s6, $0x1;
	s3 =	sadd.s32 s19, s18  }
0xa2: {  	s7 =	simm.s32 $0x0;
	s20 =	sshll.u32 s5, $0x1;
	s5 =	sadd.s32 s21, s3  }
0xa3: {  	[timem:s7], [sflag:s22] =	dma.local [hbm:s5], s20  }
0xa4: {  	_ =	swait.ge [sflag:s22], s20  }
0xa5: {  	s4 =	ssub.s32 $0x0, s20;
	[sflag:s22] =	ssyncset.done $0x0  }
0xa6: {  	[sflag:s22] =	ssyncadd.s32 s4;
	_ =	sdelay $0x1  }
0xa7: {  	s23 =	simm.s32 $0x1B8B  }
0xa8: {  	_ =	swait.ge [sflag:s23], $0x1  }
0xa9: {  	[sflag:s23] =	ssyncset.done $0x0  }
0xaa: {  	s25 =	simm.s32 $0x1B8E;
	s24 =	sld [smem:$0x3FFE];
	[sflag:s23] =	ssyncadd.s32 $0xFFFFFFFF  }
0xab: {  	s26 =	simm.s32 $execute0_lowered;
	[smem:$0x3FD2] =	sst s25  }
0xac: {  	s5 =	sshll.u32 s26, $0x1;
	_ =	strace $0x8000004C;
	[dreg:$0x1] =	wrdreg $0xFFFFFFFF  }
0xad: {  	s28 =	simm.s32 $_size_execute0_lowered;
	s3 =	sadd.s32 s3, s5;
	[dreg:$0x0] =	wrdreg $0x0  }
0xae: {  	s5 =	sshll.u32 s28, $0x1;
	[dreg:$0x2] =	wrdreg s3  }
0xaf: {  	[dreg:$0x3] =	wrdreg s5  }
0xb0: {  	[dreg:$0x4] =	wrdreg $0xC0  }
0xb1: {  	_ =	task [dreg:s7], $0x5FFFF  }
0xb2: {  	[dreg:$0x1] =	wrdreg $0xFFFFFFFF  }
0xb3: {  	[dreg:$0x0] =	wrdreg $0x60  }
0xb4: {  	[dreg:$0x2] =	wrdreg s16  }
0xb5: {  	[dreg:$0x3] =	wrdreg s24  }
0xb6: {  	[dreg:$0x4] =	wrdreg $0xA4000  }
0xb7: {  	[dreg:$0x5] =	wrdreg $0x9  }
0xb8: {  	_ =	task.clear_ibuf [dreg:s7], $0x6FFFF;
	_ =	strace $0x9000004C  }
0xb9: {  	s29 =	simm.s32 $0x9;
	_ =	strace $0x8000004E  }
0xba: {  	_ =	swait.ge [sflag:s29], $0x1  }
0xbb: {  	[sflag:s29] =	ssyncadd.s32 $0xFFFFFFFF  }
0xbc: {  	_ =	strace $0x9000004E  }
0xbd: {  	_ =	sfence  }
0xbe: {  	s30 =	sld [smem:$0x0];
	_ =	sdelay $0x2  }
0xbf: {  	s31 =	sshll.u32 s1, $0xD;
	s1 =	sshrl.u32 s1, $0x2  }
0xc0: {  	s3 =	sand.u32 $0x4000, s31;
	s1 =	sadd.s32 s1, s30  }
0xc1: {  	s0 =	sor.u32 s3, s0;
	s1 =	sshll.u32 s1, $0x11  }
0xc2: {  	s0 =	sor.u32 s1, s0  }
0xc3: {  	s0 =	sadd.s32 $0x8F2B, s0  }
0xc4: {  	[sflag:s0] =	ssyncadd.remote.s32 $0x1  }
0xc5: {  	_ =	sfence.sel $0xFFFF  }
0xc6: {  	[dreg:$0x0] =	wrdreg $0xFFFFFFFF;
	(pc) =	sbr.abs _section_cstart, $3  }
0xc7: {  	[dreg:$0x1] =	wrdreg $0xFFFFFFFF  }
0xc8: {  	_ =	task.clear_ibuf [dreg:s7], $0x2FFFF;
	_ =	strace $0x9FFFFFFF  }
0xc9: {  	(tm) =	ssettm $0x7FFFFFFF  }
tec
execute0_lowered:
.L_overlay_start_1:
0x0: {  	(tag) =	ssettag $0x1  }
0x1: {  	s1 =	rddreg [dreg:$0x0]  }
0x2: {  	s0 =	rddreg [dreg:$0x1]  }
0x3: {  	s2 =	rddreg [dreg:$0x2]  }
0x4: {  	s3 =	simm.s32 $0x0;
	s4 =	srdreg.scid;
	s13 =	stileid.u32  }
0x5: {  	s28 =	simm.s32 $0x9;
	s31 =	simm.s32 $0x7C00;
	[smem:$0x7FF] =	sst s3  }
0x6: {  	s5 =	sadd.s32 $0xEBE800, s0;
	s4 =	sand.u32 $0x1, s4;
	s10 =	smul.u32 $0x4E000, s13  }
0x7: {  	s6 =	sadd.s32 $0x4F0A00, s0;
	s30 =	smul.u32 $0x13800, s13;
	p0 =	sne.s32 s13, $0xF  }
0x8: {  	_ =	strace $0x8000004D;
	s7 =	sshll.u32 s4, $0x4;
	s8 =	ssub.s32 $0x2, s4  }
0x9: {  	s4 =	smul.u32 $0x138800, s4;
	s9 =	sor.u32 s13, s7;
	s7 =	sadd.s32 $0x4E6C00, s0  }
0xa: {  	s11 =	sshrl.u32 s8, $0x1;
	s0 =	sadd.s32 $0x4C00, s0;
	s10 =	sshrl.u32 s10, $0x2  }
0xb: {  	s13 =	simm.s32 $0x5;
	s12 =	smul.u32 $0x2710, s9;
	s8 =	ssub.s32 s8, s11  }
0xc: {  	s21 =	sadd.s32 s10, s2;
	s9 =	smul.u32 $0x27100, s9;
	s16 =	sadd.s32 s30, s4  }
0xd: {  	s4 =	sshrl.u32 s4, $0x3;
	s19 =	sadd.s32 $0x2800, s21;
	[dreg:$0x4] =	wrdreg s21  }
0xe: {  	s11 =	simm.s32 $0x200;
	s30 =	sadd.s32 $0x11800, s21;
	[dreg:$0x5] =	wrdreg s19  }
0xf: {  	s4 =	sadd.s32 s0, s4;
	s9 =	sadd.s32 s5, s9;
	[dreg:$0x1b] =	wrdreg s30  }
0x10: {  	s18 =	sshrl.u32 s12, $0x3;
	s15 =	sadd.s32 $0x140, s12;
	[dreg:$0x8] =	wrdreg s9  }
0x11: {  	s22 =	sadd.s32 $0x50, s12;
	s17 =	sadd.s32 $0x190, s12;
	[dreg:$0xf] =	wrdreg s15  }
0x12: {  	s26 =	sadd.s32 $0xA0, s12;
	s19 =	sadd.s32 $0x27000, s4;
	[dreg:$0x10] =	wrdreg s17  }
0x13: {  	s4 =	simm.s32 $0x7;
	s20 =	sadd.s32 s6, s18;
	[dreg:$0x13] =	wrdreg s19  }
0x14: {  	s10 =	sadd.s32 s7, s18;
	s23 =	sshrl.u32 s22, $0x3;
	[dreg:$0x6] =	wrdreg s20  }
0x15: {  	s25 =	sshll.u32 s22, $0x4;
	s18 =	sadd.s32 $0x1E0, s12;
	[dreg:$0x7] =	wrdreg s10  }
0x16: {  	s29 =	sshrl.u32 s26, $0x3;
	s22 =	sadd.s32 $0xF0, s12;
	[dreg:$0x12] =	wrdreg s18  }
0x17: {  	s12 =	simm.s32 $0x1;
	s24 =	sadd.s32 s6, s23;
	[dreg:$0x15] =	wrdreg s22  }
0x18: {  	s15 =	simm.s32 $0x4;
	s9 =	sadd.s32 s7, s23;
	[dreg:$0x9] =	wrdreg s24  }
0x19: {  	s19 =	simm.s32 $0xC;
	s14 =	sadd.s32 s6, s29;
	[dreg:$0xa] =	wrdreg s9  }
0x1a: {  	s10 =	sadd.s32 s7, s29;
	s20 =	smax.u32 s8, $0x1;
	[dreg:$0xc] =	wrdreg s14  }
0x1b: {  	s23 =	sadd.s32 $0x5000, s21;
	s29 =	sadd.s32 $0xF000, s21;
	[dreg:$0xd] =	wrdreg s10  }
0x1c: {  	s8 =	simm.s32 $0xA;
	s22 =	simm.s32 $0xB;
	[dreg:$0x14] =	wrdreg s20  }
0x1d: {  	s9 =	sadd.s32 s5, s25;
	[dreg:$0x16] =	wrdreg s23;
	s24 =	sadd.s32 $0x7800, s21  }
0x1e: {  	s25 =	sadd.s32 $0xA000, s21;
	[dreg:$0x1a] =	wrdreg s29;
	s10 =	simm.s32 $0xD  }
0x1f: {  	s14 =	simm.s32 $0x50;
	s23 =	simm.s32 $0x5400;
	[dreg:$0xb] =	wrdreg s9  }
0x20: {  	s20 =	simm.s32 $0x0;
	s9 =	sshll.u32 s26, $0x4;
	[dreg:$0x17] =	wrdreg s24  }
0x21: {  	[dreg:$0x18] =	wrdreg s25;
	s26 =	sadd.s32 $0xC800, s21;
	s25 =	sadd.s32 $0x138000, s2  }
0x22: {  	s24 =	simm.s32 $0x2;
	s9 =	sadd.s32 s5, s9;
	[dreg:$0x19] =	wrdreg s26  }
0x23: {  	s26 =	simm.s32 $0x6;
	[dreg:$0xe] =	wrdreg s9;
	s9 =	sshrl.u32 s16, $0x3  }
0x24: {  	[dreg:$0x1c] =	wrdreg s25;
	s16 =	simm.s32 $0x8;
	s0 =	sadd.s32 s0, s9  }
0x25: {  	v0 =	vimm.f32 $0.0e+00;
	s9 =	simm.s32 $0x400;
	[dreg:$0x11] =	wrdreg s0;
	s0 =	simm.s32 $0x3  }
.LBB2_1:
0x26: {  	[dreg:$0x1d] =	wrdreg s20;
	s18 =	simm.s32 $0x0;
	s20 =	simm.s32 $0x200  }
.LBB2_2:
0x27: {  	p1 =	sne.s32 s20, $0x9E00;
	[tilespmem:s18+$0x470] =	vst v0  }
0x28: {  	[tilespmem:s18+$0x400] =	vst v0  }
0x29: {  	[tilespmem:s18+$0x410] =	vst v0  }
.Ltmp0:
0x2a: {  	[tilespmem:s18+$0x420] =	vst v0;
	(pc) =	sbr.rel @p1 .LBB2_2-.Ltmp0, $4  }
0x2b: {  	[tilespmem:s18+$0x430] =	vst v0  }
0x2c: {  	[tilespmem:s18+$0x440] =	vst v0  }
0x2d: {  	[tilespmem:s18+$0x450] =	vst v0  }
0x2e: {  	[tilespmem:s18+$0x460] =	vst v0;
	s18 =	sshra.s32 s20, $0x2;
	s20 =	sadd.s32 $0x200, s20  }
0x2f: {  	[tilespmem:s18+$0x470] =	vst v0  }
0x30: {  	[tilespmem:s18+$0x400] =	vst v0  }
0x31: {  	[tilespmem:s18+$0x410] =	vst v0  }
0x32: {  	[tilespmem:s18+$0x420] =	vst v0  }
0x33: {  	[tilespmem:s18+$0x430] =	vst v0  }
0x34: {  	[tilespmem:s18+$0x440] =	vst v0  }
0x35: {  	[tilespmem:s18+$0x450] =	vst v0  }
0x36: {  	[tilespmem:s18+$0x460] =	vst v0  }
0x37: {  	[spmem:s21] =	stream.linear.scatter [tilespmem:s9], [sflag:$0xD], $0x2800, $0x38;
	[tilespmem:$0x1DC80] =	vst v63  }
0x38: {  	_ =	swait.ge [sflag:s10], $0x2800  }
0x39: {  	[sflag:s10] =	ssyncset.done $0x0  }
0x3a: {  	s17 =	rddreg [dreg:$0x5];
	[sflag:s10] =	ssyncadd.s32 $0xFFFFD800  }
0x3b: {  	[spmem:s17] =	stream.linear.scatter [tilespmem:s9], [sflag:$0xD], $0x2800, $0x38;
	[tilespmem:$0x1DC80] =	vst v63  }
0x3c: {  	_ =	swait.ge [sflag:s10], $0x2800  }
0x3d: {  	[sflag:s10] =	ssyncset.done $0x0  }
0x3e: {  	s30 =	rddreg [dreg:$0x16];
	[sflag:s10] =	ssyncadd.s32 $0xFFFFD800  }
0x3f: {  	[spmem:s30] =	stream.linear.scatter [tilespmem:s9], [sflag:$0xD], $0x2800, $0x38;
	[tilespmem:$0x1DC80] =	vst v63  }
0x40: {  	_ =	swait.ge [sflag:s10], $0x2800  }
0x41: {  	[sflag:s10] =	ssyncset.done $0x0  }
0x42: {  	s18 =	rddreg [dreg:$0x17];
	[sflag:s10] =	ssyncadd.s32 $0xFFFFD800  }
0x43: {  	[spmem:s18] =	stream.linear.scatter [tilespmem:s9], [sflag:$0xD], $0x2800, $0x38;
	[tilespmem:$0x1DC80] =	vst v63  }
0x44: {  	_ =	swait.ge [sflag:s10], $0x2800  }
0x45: {  	[sflag:s10] =	ssyncset.done $0x0  }
0x46: {  	s20 =	rddreg [dreg:$0x18];
	[sflag:s10] =	ssyncadd.s32 $0xFFFFD800  }
0x47: {  	[spmem:s20] =	stream.linear.scatter [tilespmem:s9], [sflag:$0xD], $0x2800, $0x38;
	[tilespmem:$0x1DC80] =	vst v63  }
0x48: {  	_ =	swait.ge [sflag:s10], $0x2800  }
0x49: {  	[sflag:s10] =	ssyncset.done $0x0  }
0x4a: {  	s21 =	rddreg [dreg:$0x19];
	[sflag:s10] =	ssyncadd.s32 $0xFFFFD800  }
0x4b: {  	[spmem:s21] =	stream.linear.scatter [tilespmem:s9], [sflag:$0xD], $0x2800, $0x38;
	[tilespmem:$0x1DC80] =	vst v63  }
0x4c: {  	_ =	swait.ge [sflag:s10], $0x2800  }
0x4d: {  	[sflag:s10] =	ssyncset.done $0x0  }
0x4e: {  	s29 =	rddreg [dreg:$0x1a];
	[sflag:s10] =	ssyncadd.s32 $0xFFFFD800  }
0x4f: {  	[spmem:s29] =	stream.linear.scatter [tilespmem:s9], [sflag:$0xD], $0x2800, $0x38;
	[tilespmem:$0x1DC80] =	vst v63  }
0x50: {  	_ =	swait.ge [sflag:s10], $0x2800  }
0x51: {  	[sflag:s10] =	ssyncset.done $0x0  }
0x52: {  	s30 =	rddreg [dreg:$0x1b];
	[sflag:s10] =	ssyncadd.s32 $0xFFFFD800  }
0x53: {  	[spmem:s30] =	stream.linear.scatter [tilespmem:s9], [sflag:$0xD], $0x2000, $0x38;
	[tilespmem:$0x1DC80] =	vst v63  }
0x54: {  	_ =	swait.ge [sflag:s10], $0x2000  }
0x55: {  	[sflag:s10] =	ssyncset.done $0x0  }
0x56: {  	s18 =	simm.s32 @!p0 $0x400;
	[sflag:s10] =	ssyncadd.s32 $0xFFFFE000  }
0x57: {  	[spmem:s25] =	stream.linear.scatter @!p0 [tilespmem:s18], [sflag:$0xD], $0x800, $0x38;
	[tilespmem:$0x1DC80] =	vst v63  }
0x58: {  	s18 =	simm.s32 @!p0 $0xD  }
0x59: {  	_ =	swait.ge @!p0 [sflag:s18], $0x800  }
0x5a: {  	[sflag:s18] =	ssyncset.done @!p0 $0x0  }
0x5b: {  	[sflag:s18] =	ssyncadd.s32 @!p0 $0xFFFFF800  }
0x5c: {  	[bflag:$0x0] =	sbarrier.arrive $0xFFFF  }
0x5d: {  	s20 =	simm.s32 $0x0;
	s18 =	rddreg [dreg:$0x6]  }
0x5e: {  	[tilespmem:s20], [sflag:$0x1] =	stream.linear.gather [hbm4b:s18+s20], $0x50, $0x38;
	[tilespmem:$0x1DC80] =	vst v63  }
0x5f: {  	s21 =	rddreg [dreg:$0x7]  }
0x60: {  	[tilespmem:s11], [sflag:$0x1] =	stream.linear.gather [hbm4b:s21+s20], $0x50, $0x38;
	[tilespmem:$0x1DC80] =	vst v63  }
0x61: {  	s25 =	rddreg [dreg:$0x8]  }
0x62: {  	[tilespmem:s9], [sflag:$0x5] =	stream.linear.gather [hbm4b:s25+s20], $0x2800, $0x38;
	[tilespmem:$0x1DC80] =	vst v63  }
0x63: {  	_ =	swait.ge [sflag:s12], $0x50  }
0x64: {  	[sflag:s12] =	ssyncset.done $0x0  }
0x65: {  	[sflag:s12] =	ssyncadd.s32 $0xFFFFFFB0  }
0x66: {  	_ =	swait.ge [sflag:s12], $0x50  }
0x67: {  	[sflag:s12] =	ssyncset.done $0x0  }
0x68: {  	[sflag:s12] =	ssyncadd.s32 $0xFFFFFFB0  }
0x69: {  	_ =	swait.ge [sflag:s13], $0x2800  }
0x6a: {  	[sflag:s13] =	ssyncset.done $0x0  }
0x6b: {  	[sflag:s13] =	ssyncadd.s32 $0xFFFFD800  }
0x6c: {  	[tilespmem:s9], [sflag:$0x9] =	stream.indirect.gather.add.f32 [hbm:s1], $0x80, s20, s14, $0xb8;
	[tilespmem:$0x1DC80] =	vst v63  }
0x6d: {  	s30 =	simm.s32 $0x80;
	s29 =	rddreg [dreg:$0x9]  }
0x6e: {  	[tilespmem:s30], [sflag:$0x2] =	stream.linear.gather [hbm4b:s29+s20], $0x50, $0x38;
	[tilespmem:$0x1DC80] =	vst v63  }
0x6f: {  	s25 =	simm.s32 $0x280;
	s21 =	rddreg [dreg:$0xa]  }
0x70: {  	[tilespmem:s25], [sflag:$0x2] =	stream.linear.gather [hbm4b:s21+s20], $0x50, $0x38;
	[tilespmem:$0x1DC80] =	vst v63  }
0x71: {  	s29 =	rddreg [dreg:$0xb];
	s30 =	simm.s32 $0x2C00  }
0x72: {  	[tilespmem:s30], [sflag:$0x6] =	stream.linear.gather [hbm4b:s29+s20], $0x2800, $0x38;
	[tilespmem:$0x1DC80] =	vst v63  }
0x73: {  	s18 =	rddreg [dreg:$0xc];
	s21 =	simm.s32 $0x100  }
0x74: {  	[tilespmem:s21], [sflag:$0x3] =	stream.linear.gather [hbm4b:s18+s20], $0x50, $0x38;
	[tilespmem:$0x1DC80] =	vst v63  }
0x75: {  	s25 =	rddreg [dreg:$0xd];
	s29 =	simm.s32 $0x300  }
0x76: {  	[tilespmem:s29], [sflag:$0x3] =	stream.linear.gather [hbm4b:s25+s20], $0x50, $0x38;
	[tilespmem:$0x1DC80] =	vst v63  }
0x77: {  	s30 =	rddreg [dreg:$0xe]  }
0x78: {  	[tilespmem:s23], [sflag:$0x7] =	stream.linear.gather [hbm4b:s30+s20], $0x2800, $0x38;
	[tilespmem:$0x1DC80] =	vst v63  }
.LBB2_4:
0x79: {  	_ =	swait.ge [sflag:s24], $0x50  }
0x7a: {  	[sflag:s24] =	ssyncset.done $0x0  }
0x7b: {  	[sflag:s24] =	ssyncadd.s32 $0xFFFFFFB0  }
0x7c: {  	_ =	swait.ge [sflag:s24], $0x50  }
0x7d: {  	[sflag:s24] =	ssyncset.done $0x0  }
0x7e: {  	[sflag:s24] =	ssyncadd.s32 $0xFFFFFFB0  }
0x7f: {  	_ =	swait.ge [sflag:s26], $0x2800  }
0x80: {  	[sflag:s26] =	ssyncset.done $0x0  }
0x81: {  	s17 =	simm.s32 $0x80;
	s18 =	simm.s32 $0x2C00;
	[sflag:s26] =	ssyncadd.s32 $0xFFFFD800  }
0x82: {  	[tilespmem:s18], [sflag:$0xA] =	stream.indirect.gather.add.f32 [hbm:s1], $0x80, s17, s14, $0xb8;
	[tilespmem:$0x1DC80] =	vst v63  }
0x83: {  	_ =	swait.ge [sflag:s28], $0x2800  }
0x84: {  	[sflag:s28] =	ssyncset.done $0x0  }
0x85: {  	s25 =	simm.s32 $0x0;
	[sflag:s28] =	ssyncadd.s32 $0xFFFFD800  }
0x86: {  	v3 =	vld [tilespmem:s25+$0x400]  }
0x87: {  	v5 =	vld [tilespmem:s25+$0x410]  }
0x88: {  	v4 =	vld [tilespmem:s25+$0x420]  }
0x89: {  	v2 =	vld [tilespmem:s25+$0x430]  }
0x8a: {  	v1 =	vld [tilespmem:s25+$0x440]  }
0x8b: {  	v6 =	vmax.f32 v3, $0.0e+00;
	v3 =	vld [tilespmem:s25+$0x450]  }
0x8c: {  	s18 =	simm.s32 $0x200;
	[tilespmem:s25+$0x400] =	vst v6;
	v6 =	vmax.f32 v5, $0.0e+00;
	v5 =	vld [tilespmem:s25+$0x460]  }
.LBB2_5:
0x8d: {  	s21 =	sshra.s32 s18, $0x2;
	p1 =	sne.s32 s18, $0x9E00;
	[tilespmem:s25+$0x410] =	vst v6;
	v4 =	vmax.f32 v4, $0.0e+00;
	v6 =	vld [tilespmem:s25+$0x470]  }
0x8e: {  	v7 =	vld [tilespmem:s21+$0x400];
	[tilespmem:s25+$0x420] =	vst v4;
	v2 =	vmax.f32 v2, $0.0e+00  }
0x8f: {  	v8 =	vld [tilespmem:s21+$0x410];
	[tilespmem:s25+$0x430] =	vst v2;
	v1 =	vmax.f32 v1, $0.0e+00  }
.Ltmp1:
0x90: {  	v4 =	vld [tilespmem:s21+$0x420];
	[tilespmem:s25+$0x440] =	vst v1;
	v1 =	vmax.f32 v3, $0.0e+00;
	(pc) =	sbr.rel @p1 .LBB2_5-.Ltmp1, $4  }
0x91: {  	v2 =	vld [tilespmem:s21+$0x430];
	[tilespmem:s25+$0x450] =	vst v1;
	v3 =	vmax.f32 v5, $0.0e+00  }
0x92: {  	v1 =	vld [tilespmem:s21+$0x440];
	[tilespmem:s25+$0x460] =	vst v3;
	v5 =	vmax.f32 v6, $0.0e+00  }
0x93: {  	v6 =	vmax.f32 v7, $0.0e+00;
	v3 =	vld [tilespmem:s21+$0x450];
	[tilespmem:s25+$0x470] =	vst v5;
	s25 =	smov.u32 s21  }
0x94: {  	s18 =	sadd.s32 $0x200, s18;
	[tilespmem:s25+$0x400] =	vst v6;
	v6 =	vmax.f32 v8, $0.0e+00;
	v5 =	vld [tilespmem:s25+$0x460]  }
0x95: {  	[tilespmem:s25+$0x410] =	vst v6;
	v4 =	vmax.f32 v4, $0.0e+00;
	v6 =	vld [tilespmem:s25+$0x470]  }
0x96: {  	[tilespmem:s25+$0x420] =	vst v4;
	v2 =	vmax.f32 v2, $0.0e+00  }
0x97: {  	[tilespmem:s25+$0x430] =	vst v2;
	v1 =	vmax.f32 v1, $0.0e+00  }
0x98: {  	[tilespmem:s25+$0x440] =	vst v1;
	v1 =	vmax.f32 v3, $0.0e+00  }
0x99: {  	[tilespmem:s25+$0x450] =	vst v1;
	v1 =	vmax.f32 v5, $0.0e+00  }
0x9a: {  	[tilespmem:s25+$0x460] =	vst v1;
	v1 =	vmax.f32 v6, $0.0e+00  }
0x9b: {  	[tilespmem:s25+$0x470] =	vst v1  }
0x9c: {  	[spmem:s2] =	stream.indirect.scatter.add.f32 [tilespmem:s9], [sflag:$0xD], $0x80, s11, s14, $0xb8;
	[tilespmem:$0x1DC80] =	vst v63  }
0x9d: {  	s25 =	smul.u32 $0x140, s20;
	_ =	swait.ge [sflag:s10], $0x2800  }
0x9e: {  	s17 =	rddreg [dreg:$0x15]  }
0x9f: {  	s18 =	sadd.s32 s17, s25  }
0xa0: {  	s30 =	simm.s32 $0x0;
	[sflag:s10] =	ssyncset.done $0x0;
	s21 =	sshrl.u32 s18, $0x3  }
0xa1: {  	[sflag:s10] =	ssyncadd.s32 $0xFFFFD800;
	s17 =	simm.s32 $0x180;
	s29 =	sadd.s32 s6, s21  }
0xa2: {  	[tilespmem:s17], [sflag:$0x4] =	stream.linear.gather [hbm4b:s29+s30], $0x50, $0x38;
	[tilespmem:$0x1DC80] =	vst v63  }
0xa3: {  	s18 =	sshll.u32 s18, $0x4;
	s21 =	sadd.s32 s7, s21;
	s29 =	simm.s32 $0x380  }
0xa4: {  	[tilespmem:s29], [sflag:$0x4] =	stream.linear.gather [hbm4b:s21+s30], $0x50, $0x38;
	[tilespmem:$0x1DC80] =	vst v63  }
0xa5: {  	s18 =	sadd.s32 s5, s18  }
0xa6: {  	[tilespmem:s31], [sflag:$0x8] =	stream.linear.gather [hbm4b:s18+s30], $0x2800, $0x38;
	[tilespmem:$0x1DC80] =	vst v63  }
0xa7: {  	_ =	swait.ge [sflag:s0], $0x50  }
0xa8: {  	[sflag:s0] =	ssyncset.done $0x0  }
0xa9: {  	[sflag:s0] =	ssyncadd.s32 $0xFFFFFFB0  }
0xaa: {  	_ =	swait.ge [sflag:s0], $0x50  }
0xab: {  	[sflag:s0] =	ssyncset.done $0x0  }
0xac: {  	[sflag:s0] =	ssyncadd.s32 $0xFFFFFFB0  }
0xad: {  	_ =	swait.ge [sflag:s4], $0x2800  }
0xae: {  	[sflag:s4] =	ssyncset.done $0x0  }
0xaf: {  	s30 =	simm.s32 $0x100;
	[sflag:s4] =	ssyncadd.s32 $0xFFFFD800  }
0xb0: {  	[tilespmem:s23], [sflag:$0xB] =	stream.indirect.gather.add.f32 [hbm:s1], $0x80, s30, s14, $0xb8;
	[tilespmem:$0x1DC80] =	vst v63  }
0xb1: {  	_ =	swait.ge [sflag:s8], $0x2800  }
0xb2: {  	[sflag:s8] =	ssyncset.done $0x0  }
0xb3: {  	s18 =	simm.s32 $0x0;
	[sflag:s8] =	ssyncadd.s32 $0xFFFFD800  }
0xb4: {  	v3 =	vld [tilespmem:s18+$0x2C00]  }
0xb5: {  	v5 =	vld [tilespmem:s18+$0x2C10]  }
0xb6: {  	v4 =	vld [tilespmem:s18+$0x2C20]  }
0xb7: {  	v2 =	vld [tilespmem:s18+$0x2C30]  }
0xb8: {  	v1 =	vld [tilespmem:s18+$0x2C40]  }
0xb9: {  	v6 =	vmax.f32 v3, $0.0e+00;
	v3 =	vld [tilespmem:s18+$0x2C50]  }
0xba: {  	s21 =	simm.s32 $0x200;
	[tilespmem:s18+$0x2C00] =	vst v6;
	v6 =	vmax.f32 v5, $0.0e+00;
	v5 =	vld [tilespmem:s18+$0x2C60]  }
.LBB2_7:
0xbb: {  	s29 =	sshra.s32 s21, $0x2;
	p1 =	sne.s32 s21, $0x9E00;
	[tilespmem:s18+$0x2C10] =	vst v6;
	v4 =	vmax.f32 v4, $0.0e+00;
	v6 =	vld [tilespmem:s18+$0x2C70]  }
0xbc: {  	v7 =	vld [tilespmem:s29+$0x2C00];
	[tilespmem:s18+$0x2C20] =	vst v4;
	v2 =	vmax.f32 v2, $0.0e+00  }
0xbd: {  	v8 =	vld [tilespmem:s29+$0x2C10];
	[tilespmem:s18+$0x2C30] =	vst v2;
	v1 =	vmax.f32 v1, $0.0e+00  }
.Ltmp2:
0xbe: {  	v4 =	vld [tilespmem:s29+$0x2C20];
	[tilespmem:s18+$0x2C40] =	vst v1;
	v1 =	vmax.f32 v3, $0.0e+00;
	(pc) =	sbr.rel @p1 .LBB2_7-.Ltmp2, $4  }
0xbf: {  	v2 =	vld [tilespmem:s29+$0x2C30];
	[tilespmem:s18+$0x2C50] =	vst v1;
	v3 =	vmax.f32 v5, $0.0e+00  }
0xc0: {  	v1 =	vld [tilespmem:s29+$0x2C40];
	[tilespmem:s18+$0x2C60] =	vst v3;
	v5 =	vmax.f32 v6, $0.0e+00  }
0xc1: {  	v6 =	vmax.f32 v7, $0.0e+00;
	v3 =	vld [tilespmem:s29+$0x2C50];
	[tilespmem:s18+$0x2C70] =	vst v5;
	s18 =	smov.u32 s29  }
0xc2: {  	s21 =	sadd.s32 $0x200, s21;
	[tilespmem:s18+$0x2C00] =	vst v6;
	v6 =	vmax.f32 v8, $0.0e+00;
	v5 =	vld [tilespmem:s18+$0x2C60]  }
0xc3: {  	[tilespmem:s18+$0x2C10] =	vst v6;
	v4 =	vmax.f32 v4, $0.0e+00;
	v6 =	vld [tilespmem:s18+$0x2C70]  }
0xc4: {  	[tilespmem:s18+$0x2C20] =	vst v4;
	v2 =	vmax.f32 v2, $0.0e+00  }
0xc5: {  	[tilespmem:s18+$0x2C30] =	vst v2;
	v1 =	vmax.f32 v1, $0.0e+00  }
0xc6: {  	[tilespmem:s18+$0x2C40] =	vst v1;
	v1 =	vmax.f32 v3, $0.0e+00  }
0xc7: {  	[tilespmem:s18+$0x2C50] =	vst v1;
	v1 =	vmax.f32 v5, $0.0e+00  }
0xc8: {  	[tilespmem:s18+$0x2C60] =	vst v1;
	v1 =	vmax.f32 v6, $0.0e+00  }
0xc9: {  	s17 =	simm.s32 $0x280;
	s29 =	simm.s32 $0x2C00;
	[tilespmem:s18+$0x2C70] =	vst v1  }
0xca: {  	[spmem:s2] =	stream.indirect.scatter.add.f32 [tilespmem:s29], [sflag:$0xD], $0x80, s17, s14, $0xb8;
	[tilespmem:$0x1DC80] =	vst v63  }
0xcb: {  	_ =	swait.ge [sflag:s10], $0x2800  }
0xcc: {  	s30 =	rddreg [dreg:$0xf]  }
0xcd: {  	s17 =	sadd.s32 s25, s30  }
0xce: {  	[sflag:s10] =	ssyncset.done $0x0;
	s21 =	sshrl.u32 s17, $0x3  }
0xcf: {  	[sflag:s10] =	ssyncadd.s32 $0xFFFFD800;
	s30 =	simm.s32 $0x0;
	s29 =	sadd.s32 s6, s21  }
0xd0: {  	[tilespmem:s30], [sflag:$0x1] =	stream.linear.gather [hbm4b:s29+s30], $0x50, $0x38;
	[tilespmem:$0x1DC80] =	vst v63  }
0xd1: {  	s18 =	sshll.u32 s17, $0x4;
	s21 =	sadd.s32 s7, s21  }
0xd2: {  	[tilespmem:s11], [sflag:$0x1] =	stream.linear.gather [hbm4b:s21+s30], $0x50, $0x38;
	[tilespmem:$0x1DC80] =	vst v63  }
0xd3: {  	s18 =	sadd.s32 s5, s18  }
0xd4: {  	[tilespmem:s9], [sflag:$0x5] =	stream.linear.gather [hbm4b:s18+s30], $0x2800, $0x38;
	[tilespmem:$0x1DC80] =	vst v63  }
0xd5: {  	_ =	swait.ge [sflag:s15], $0x50  }
0xd6: {  	[sflag:s15] =	ssyncset.done $0x0  }
0xd7: {  	[sflag:s15] =	ssyncadd.s32 $0xFFFFFFB0  }
0xd8: {  	_ =	swait.ge [sflag:s15], $0x50  }
0xd9: {  	[sflag:s15] =	ssyncset.done $0x0  }
0xda: {  	[sflag:s15] =	ssyncadd.s32 $0xFFFFFFB0  }
0xdb: {  	_ =	swait.ge [sflag:s16], $0x2800  }
0xdc: {  	[sflag:s16] =	ssyncset.done $0x0  }
0xdd: {  	s30 =	simm.s32 $0x180;
	[sflag:s16] =	ssyncadd.s32 $0xFFFFD800  }
0xde: {  	[tilespmem:s31], [sflag:$0xC] =	stream.indirect.gather.add.f32 [hbm:s1], $0x80, s30, s14, $0xb8;
	[tilespmem:$0x1DC80] =	vst v63  }
0xdf: {  	_ =	swait.ge [sflag:s22], $0x2800  }
0xe0: {  	[sflag:s22] =	ssyncset.done $0x0  }
0xe1: {  	s18 =	simm.s32 $0x0;
	[sflag:s22] =	ssyncadd.s32 $0xFFFFD800  }
0xe2: {  	v3 =	vld [tilespmem:s18+$0x5400]  }
0xe3: {  	v5 =	vld [tilespmem:s18+$0x5410]  }
0xe4: {  	v4 =	vld [tilespmem:s18+$0x5420]  }
0xe5: {  	v2 =	vld [tilespmem:s18+$0x5430]  }
0xe6: {  	v1 =	vld [tilespmem:s18+$0x5440]  }
0xe7: {  	v6 =	vmax.f32 v3, $0.0e+00;
	v3 =	vld [tilespmem:s18+$0x5450]  }
0xe8: {  	s21 =	simm.s32 $0x200;
	[tilespmem:s18+$0x5400] =	vst v6;
	v6 =	vmax.f32 v5, $0.0e+00;
	v5 =	vld [tilespmem:s18+$0x5460]  }
.LBB2_9:
0xe9: {  	s29 =	sshra.s32 s21, $0x2;
	p1 =	sne.s32 s21, $0x9E00;
	[tilespmem:s18+$0x5410] =	vst v6;
	v4 =	vmax.f32 v4, $0.0e+00;
	v6 =	vld [tilespmem:s18+$0x5470]  }
0xea: {  	v7 =	vld [tilespmem:s29+$0x5400];
	[tilespmem:s18+$0x5420] =	vst v4;
	v2 =	vmax.f32 v2, $0.0e+00  }
0xeb: {  	v8 =	vld [tilespmem:s29+$0x5410];
	[tilespmem:s18+$0x5430] =	vst v2;
	v1 =	vmax.f32 v1, $0.0e+00  }
.Ltmp3:
0xec: {  	v4 =	vld [tilespmem:s29+$0x5420];
	[tilespmem:s18+$0x5440] =	vst v1;
	v1 =	vmax.f32 v3, $0.0e+00;
	(pc) =	sbr.rel @p1 .LBB2_9-.Ltmp3, $4  }
0xed: {  	v2 =	vld [tilespmem:s29+$0x5430];
	[tilespmem:s18+$0x5450] =	vst v1;
	v3 =	vmax.f32 v5, $0.0e+00  }
0xee: {  	v1 =	vld [tilespmem:s29+$0x5440];
	[tilespmem:s18+$0x5460] =	vst v3;
	v5 =	vmax.f32 v6, $0.0e+00  }
0xef: {  	v6 =	vmax.f32 v7, $0.0e+00;
	v3 =	vld [tilespmem:s29+$0x5450];
	[tilespmem:s18+$0x5470] =	vst v5;
	s18 =	smov.u32 s29  }
0xf0: {  	s21 =	sadd.s32 $0x200, s21;
	[tilespmem:s18+$0x5400] =	vst v6;
	v6 =	vmax.f32 v8, $0.0e+00;
	v5 =	vld [tilespmem:s18+$0x5460]  }
0xf1: {  	[tilespmem:s18+$0x5410] =	vst v6;
	v4 =	vmax.f32 v4, $0.0e+00;
	v6 =	vld [tilespmem:s18+$0x5470]  }
0xf2: {  	[tilespmem:s18+$0x5420] =	vst v4;
	v2 =	vmax.f32 v2, $0.0e+00  }
0xf3: {  	[tilespmem:s18+$0x5430] =	vst v2;
	v1 =	vmax.f32 v1, $0.0e+00  }
0xf4: {  	[tilespmem:s18+$0x5440] =	vst v1;
	v1 =	vmax.f32 v3, $0.0e+00  }
0xf5: {  	[tilespmem:s18+$0x5450] =	vst v1;
	v1 =	vmax.f32 v5, $0.0e+00  }
0xf6: {  	[tilespmem:s18+$0x5460] =	vst v1;
	v1 =	vmax.f32 v6, $0.0e+00  }
0xf7: {  	s17 =	simm.s32 $0x300;
	[tilespmem:s18+$0x5470] =	vst v1  }
0xf8: {  	[spmem:s2] =	stream.indirect.scatter.add.f32 [tilespmem:s23], [sflag:$0xD], $0x80, s17, s14, $0xb8;
	[tilespmem:$0x1DC80] =	vst v63  }
0xf9: {  	_ =	swait.ge [sflag:s10], $0x2800  }
0xfa: {  	p1 =	seq.s32 s20, $0x1E;
	s17 =	rddreg [dreg:$0x10]  }
0xfb: {  	s18 =	sadd.s32 @!p1 s25, s17  }
0xfc: {  	s30 =	simm.s32 @!p1 $0x0;
	[sflag:s10] =	ssyncset.done $0x0;
	s21 =	sshrl.u32 @!p1 s18, $0x3  }
0xfd: {  	[sflag:s10] =	ssyncadd.s32 $0xFFFFD800;
	s17 =	simm.s32 @!p1 $0x80;
	s29 =	sadd.s32 @!p1 s6, s21  }
0xfe: {  	[tilespmem:s17], [sflag:$0x2] =	stream.linear.gather @!p1 [hbm4b:s29+s30], $0x50, $0x38;
	[tilespmem:$0x1DC80] =	vst v63  }
0xff: {  	s17 =	sadd.s32 @!p1 s7, s21;
	s21 =	simm.s32 @!p1 $0x280  }
0x100: {  	[tilespmem:s21], [sflag:$0x2] =	stream.linear.gather @!p1 [hbm4b:s17+s30], $0x50, $0x38;
	[tilespmem:$0x1DC80] =	vst v63  }
0x101: {  	s17 =	sshll.u32 @!p1 s18, $0x4  }
0x102: {  	s18 =	simm.s32 @!p1 $0x2C00;
	s17 =	sadd.s32 @!p1 s5, s17  }
0x103: {  	[tilespmem:s18], [sflag:$0x6] =	stream.linear.gather @!p1 [hbm4b:s17+s30], $0x2800, $0x38;
	[tilespmem:$0x1DC80] =	vst v63  }
0x104: {  	_ =	swait.ge [sflag:s12], $0x50  }
0x105: {  	[sflag:s12] =	ssyncset.done $0x0  }
0x106: {  	[sflag:s12] =	ssyncadd.s32 $0xFFFFFFB0  }
0x107: {  	_ =	swait.ge [sflag:s12], $0x50  }
0x108: {  	[sflag:s12] =	ssyncset.done $0x0  }
0x109: {  	[sflag:s12] =	ssyncadd.s32 $0xFFFFFFB0  }
0x10a: {  	_ =	swait.ge [sflag:s13], $0x2800  }
0x10b: {  	[sflag:s13] =	ssyncset.done $0x0  }
0x10c: {  	s30 =	simm.s32 $0x0;
	[sflag:s13] =	ssyncadd.s32 $0xFFFFD800  }
0x10d: {  	[tilespmem:s9], [sflag:$0x9] =	stream.indirect.gather.add.f32 [hbm:s1], $0x80, s30, s14, $0xb8;
	[tilespmem:$0x1DC80] =	vst v63  }
0x10e: {  	_ =	swait.ge [sflag:s19], $0x2800  }
0x10f: {  	[sflag:s19] =	ssyncset.done $0x0  }
0x110: {  	s18 =	simm.s32 $0x0;
	[sflag:s19] =	ssyncadd.s32 $0xFFFFD800  }
0x111: {  	v3 =	vld [tilespmem:s18+$0x7C00]  }
0x112: {  	v5 =	vld [tilespmem:s18+$0x7C10]  }
0x113: {  	v4 =	vld [tilespmem:s18+$0x7C20]  }
0x114: {  	v2 =	vld [tilespmem:s18+$0x7C30]  }
0x115: {  	v1 =	vld [tilespmem:s18+$0x7C40]  }
0x116: {  	v6 =	vmax.f32 v3, $0.0e+00;
	v3 =	vld [tilespmem:s18+$0x7C50]  }
0x117: {  	s21 =	simm.s32 $0x200;
	[tilespmem:s18+$0x7C00] =	vst v6;
	v6 =	vmax.f32 v5, $0.0e+00;
	v5 =	vld [tilespmem:s18+$0x7C60]  }
.LBB2_11:
0x118: {  	s17 =	sshra.s32 s21, $0x2;
	p2 =	sne.s32 s21, $0x9E00;
	[tilespmem:s18+$0x7C10] =	vst v6;
	v4 =	vmax.f32 v4, $0.0e+00;
	v6 =	vld [tilespmem:s18+$0x7C70]  }
0x119: {  	v7 =	vld [tilespmem:s17+$0x7C00];
	[tilespmem:s18+$0x7C20] =	vst v4;
	v2 =	vmax.f32 v2, $0.0e+00  }
0x11a: {  	v8 =	vld [tilespmem:s17+$0x7C10];
	[tilespmem:s18+$0x7C30] =	vst v2;
	v1 =	vmax.f32 v1, $0.0e+00  }
.Ltmp4:
0x11b: {  	v4 =	vld [tilespmem:s17+$0x7C20];
	[tilespmem:s18+$0x7C40] =	vst v1;
	v1 =	vmax.f32 v3, $0.0e+00;
	(pc) =	sbr.rel @p2 .LBB2_11-.Ltmp4, $4  }
0x11c: {  	v2 =	vld [tilespmem:s17+$0x7C30];
	[tilespmem:s18+$0x7C50] =	vst v1;
	v3 =	vmax.f32 v5, $0.0e+00  }
0x11d: {  	v1 =	vld [tilespmem:s17+$0x7C40];
	[tilespmem:s18+$0x7C60] =	vst v3;
	v5 =	vmax.f32 v6, $0.0e+00  }
0x11e: {  	v6 =	vmax.f32 v7, $0.0e+00;
	v3 =	vld [tilespmem:s17+$0x7C50];
	[tilespmem:s18+$0x7C70] =	vst v5;
	s18 =	smov.u32 s17  }
0x11f: {  	s21 =	sadd.s32 $0x200, s21;
	[tilespmem:s18+$0x7C00] =	vst v6;
	v6 =	vmax.f32 v8, $0.0e+00;
	v5 =	vld [tilespmem:s18+$0x7C60]  }
0x120: {  	[tilespmem:s18+$0x7C10] =	vst v6;
	v4 =	vmax.f32 v4, $0.0e+00;
	v63 =	vld [tilespmem:s18+$0x7C70]  }
0x121: {  	[tilespmem:s18+$0x7C20] =	vst v4;
	v2 =	vmax.f32 v2, $0.0e+00  }
0x122: {  	[tilespmem:s18+$0x7C30] =	vst v2;
	v1 =	vmax.f32 v1, $0.0e+00  }
0x123: {  	[tilespmem:s18+$0x7C40] =	vst v1;
	v1 =	vmax.f32 v3, $0.0e+00  }
0x124: {  	[tilespmem:s18+$0x7C50] =	vst v1;
	v1 =	vmax.f32 v5, $0.0e+00  }
0x125: {  	[tilespmem:s18+$0x7C60] =	vst v1;
	v1 =	vmax.f32 v63, $0.0e+00  }
.Ltmp5:
0x126: {  	s17 =	simm.s32 $0x380;
	[tilespmem:s18+$0x7C70] =	vst v1;
	(pc) =	sbr.rel @p1 .LBB2_14-.Ltmp5, $4  }
0x127: {  	[spmem:s2] =	stream.indirect.scatter.add.f32 [tilespmem:s31], [sflag:$0xD], $0x80, s17, s14, $0xb8;
	[tilespmem:$0x1DC80] =	vst v63  }
0x128: {  	_ =	swait.ge [sflag:s10], $0x2800  }
0x129: {  	[sflag:s10] =	ssyncset.done $0x0  }
0x12a: {  	[sflag:s10] =	ssyncadd.s32 $0xFFFFD800  }
0x12b: {  	s17 =	rddreg [dreg:$0x12]  }
0x12c: {  	s17 =	sadd.s32 s25, s17  }
0x12d: {  	s18 =	sshrl.u32 s17, $0x3  }
0x12e: {  	s29 =	simm.s32 $0x100;
	s21 =	sadd.s32 s6, s18  }
0x12f: {  	[tilespmem:s29], [sflag:$0x3] =	stream.linear.gather [hbm4b:s21+s3], $0x50, $0x38;
	[tilespmem:$0x1DC80] =	vst v63  }
.Ltmp6:
0x130: {  	_ = 	snop;
	(pc) =	sbr.rel .LBB2_4-.Ltmp6, $4  }
0x131: {  	s30 =	simm.s32 $0x300;
	s17 =	sshll.u32 s17, $0x4;
	s18 =	sadd.s32 s7, s18  }
0x132: {  	[tilespmem:s30], [sflag:$0x3] =	stream.linear.gather [hbm4b:s18+s3], $0x50, $0x38;
	[tilespmem:$0x1DC80] =	vst v63  }
0x133: {  	s20 =	sadd.s32 $0x1, s20;
	s17 =	sadd.s32 s5, s17  }
0x134: {  	[tilespmem:s23], [sflag:$0x7] =	stream.linear.gather [hbm4b:s17+s3], $0x2800, $0x38;
	[tilespmem:$0x1DC80] =	vst v63  }
.LBB2_14:
0x135: {  	_ =	swait.ge [sflag:s28], $0x2800  }
0x136: {  	[sflag:s28] =	ssyncset.done $0x0  }
0x137: {  	s18 =	simm.s32 $0x0;
	[sflag:s28] =	ssyncadd.s32 $0xFFFFD800  }
0x138: {  	v3 =	vld [tilespmem:s18+$0x400]  }
0x139: {  	v5 =	vld [tilespmem:s18+$0x410]  }
0x13a: {  	v4 =	vld [tilespmem:s18+$0x420]  }
0x13b: {  	v2 =	vld [tilespmem:s18+$0x430]  }
0x13c: {  	v1 =	vld [tilespmem:s18+$0x440]  }
0x13d: {  	v6 =	vmax.f32 v3, $0.0e+00;
	v3 =	vld [tilespmem:s18+$0x450]  }
0x13e: {  	s20 =	simm.s32 $0x200;
	[tilespmem:s18+$0x400] =	vst v6;
	v6 =	vmax.f32 v5, $0.0e+00;
	v5 =	vld [tilespmem:s18+$0x460]  }
.LBB2_15:
0x13f: {  	s17 =	sshra.s32 s20, $0x2;
	p1 =	sne.s32 s20, $0x9E00;
	[tilespmem:s18+$0x410] =	vst v6;
	v4 =	vmax.f32 v4, $0.0e+00;
	v6 =	vld [tilespmem:s18+$0x470]  }
0x140: {  	v7 =	vld [tilespmem:s17+$0x400];
	[tilespmem:s18+$0x420] =	vst v4;
	v2 =	vmax.f32 v2, $0.0e+00  }
0x141: {  	v8 =	vld [tilespmem:s17+$0x410];
	[tilespmem:s18+$0x430] =	vst v2;
	v1 =	vmax.f32 v1, $0.0e+00  }
.Ltmp7:
0x142: {  	v4 =	vld [tilespmem:s17+$0x420];
	[tilespmem:s18+$0x440] =	vst v1;
	v1 =	vmax.f32 v3, $0.0e+00;
	(pc) =	sbr.rel @p1 .LBB2_15-.Ltmp7, $4  }
0x143: {  	v2 =	vld [tilespmem:s17+$0x430];
	[tilespmem:s18+$0x450] =	vst v1;
	v3 =	vmax.f32 v5, $0.0e+00  }
0x144: {  	v1 =	vld [tilespmem:s17+$0x440];
	[tilespmem:s18+$0x460] =	vst v3;
	v5 =	vmax.f32 v6, $0.0e+00  }
0x145: {  	v6 =	vmax.f32 v7, $0.0e+00;
	v3 =	vld [tilespmem:s17+$0x450];
	[tilespmem:s18+$0x470] =	vst v5;
	s18 =	smov.u32 s17  }
0x146: {  	s20 =	sadd.s32 $0x200, s20;
	[tilespmem:s18+$0x400] =	vst v6;
	v6 =	vmax.f32 v8, $0.0e+00;
	v5 =	vld [tilespmem:s18+$0x460]  }
0x147: {  	[tilespmem:s18+$0x410] =	vst v6;
	v4 =	vmax.f32 v4, $0.0e+00;
	v63 =	vld [tilespmem:s18+$0x470]  }
0x148: {  	[tilespmem:s18+$0x420] =	vst v4;
	v2 =	vmax.f32 v2, $0.0e+00  }
0x149: {  	[tilespmem:s18+$0x430] =	vst v2;
	v1 =	vmax.f32 v1, $0.0e+00  }
0x14a: {  	[tilespmem:s18+$0x440] =	vst v1;
	v1 =	vmax.f32 v3, $0.0e+00  }
0x14b: {  	[tilespmem:s18+$0x450] =	vst v1;
	v1 =	vmax.f32 v5, $0.0e+00  }
0x14c: {  	[tilespmem:s18+$0x460] =	vst v1;
	v1 =	vmax.f32 v63, $0.0e+00  }
0x14d: {  	[tilespmem:s18+$0x470] =	vst v1  }
0x14e: {  	[spmem:s2] =	stream.indirect.scatter.add.f32 [tilespmem:s9], [sflag:$0xD], $0x80, s11, s14, $0xb8;
	[tilespmem:$0x1DC80] =	vst v63  }
0x14f: {  	_ =	swait.ge [sflag:s10], $0x2800  }
0x150: {  	[sflag:s10] =	ssyncset.done $0x0  }
0x151: {  	[sflag:s10] =	ssyncadd.s32 $0xFFFFD800  }
0x152: {  	s17 =	stileid.u32;
	[bflag:$0x0] =	sbarrier.arrive $0xFFFF  }
0x153: {  	s17 =	sshll.u32 s17, $0x6;
	s21 =	rddreg [dreg:$0x4]  }
0x154: {  	s17 =	sor.u32 $0x1C0D, s17;
	s20 =	rddreg [dreg:$0x11];
	s25 =	sshrl.u32 s21, $0x3  }
0x155: {  	[hbm:s20], [sflag:s17] =	dma.local [spmem:s25], $0x2700  }
0x156: {  	_ =	swait.ge [sflag:s10], $0x2700  }
0x157: {  	[sflag:s10] =	ssyncset.done $0x0;
	s25 =	rddreg [dreg:$0x1c]  }
0x158: {  	s20 =	rddreg [dreg:$0x13];
	[sflag:s10] =	ssyncadd.s32 $0xFFFFD900;
	s18 =	sshrl.u32 @!p0 s25, $0x3  }
0x159: {  	[hbm:s20], [sflag:s17] =	dma.local @!p0 [spmem:s18], $0x100  }
0x15a: {  	s17 =	simm.s32 @!p0 $0xD  }
0x15b: {  	_ =	swait.ge @!p0 [sflag:s17], $0x100  }
0x15c: {  	s29 =	rddreg [dreg:$0x1d]  }
0x15d: {  	s30 =	rddreg [dreg:$0x14];
	s20 =	sadd.s32 $0x1, s29  }
0x15e: {  	p1 =	sne.s32 s20, s30  }
.Ltmp8:
0x15f: {  	_ = 	snop;
	(pc) =	sbr.rel @p1 .LBB2_1-.Ltmp8, $3  }
0x160: {  	_ =	sdelay $0x1  }
0x161: {  	[sflag:s17] =	ssyncset.done @!p0 $0x0  }
0x162: {  	[sflag:s17] =	ssyncadd.s32 @!p0 $0xFFFFFF00  }
0x163: {  	_ =	sfence.sel $0x180000  }
0x164: {  	[bflag:$0x0] =	sbarrier.arrive $0xFFFF  }
0x165: {  	_ =	strace $0x9000004D  }
0x166: {  	s0 =	stileid.u32;
	[bflag:$0x2] =	sbarrier.arrive $0xFFFF  }
0x167: {  	p0 =	sne.s32 s0, $0x0;
	s0 =	rddreg [dreg:$0x3]  }
0x168: {  	s0 =	sadd.s32 @!p0 $0x100000, s0  }
0x169: {  	[sflag:s0] =	ssyncadd.tile.s32 @!p0 $0x1;
	_ =	shalt  }
.Lfunc_end2:
_tile_overlayer_lowered:
.L_overlay_start_2:
0x16a: {  	(tag) =	ssettag $0x2  }
0x16b: {  	s0 =	rddreg [dreg:$0x0];
	s2 =	stileid.u32  }
0x16c: {  	s1 =	rddreg [dreg:$0x1];
	p0 =	sne.s32 s2, $0x0  }
0x16d: {  	s3 =	rddreg [dreg:$0x2];
	[bflag:$0x3] =	sbarrier.arrive $0xFFFF;
	s2 =	simm.s32 @!p0 $0x1C0D  }
0x16e: {  	[timem:s3], [sflag:s2] =	dma.local @!p0 [hbm:s0], s1  }
0x16f: {  	s0 =	simm.s32 @!p0 $0xD  }
0x170: {  	_ =	swait.ge @!p0 [sflag:s0], s1  }
0x171: {  	s1 =	ssub.s32 @!p0 $0x0, s1;
	[sflag:s0] =	ssyncset.done @!p0 $0x0  }
0x172: {  	[sflag:s0] =	ssyncadd.s32 @!p0 s1  }
0x173: {  	[bflag:$0x3] =	sbarrier.arrive $0xFFFF  }
0x174: {  	_ =	shalt  }

// kernel: kernel.9.cloned.1.call-start
scs
__scs_entry_jumppad:
0x0: {  	(pc) =	sbr.rel $0x88, $3  }
0x1: {  	(tag) =	ssettag $0x0;
	lr =	simm.s32 $0x1  }
0x2: {  	[smem:$0x3F84] =	sst lr;
	_ =	strace $0xD0000000  }
0x3: {  	_ = 	snop  }
0x4: {  	_ = 	snop  }
0x5: {  	_ = 	snop  }
0x6: {  	_ = 	snop  }
0x7: {  	_ = 	snop  }
__scs_overlays_trampoline_lowered:
0x8: {  	[smem:$0x3F93] =	sst s0  }
0x9: {  	[smem:$0x3F94] =	sst s1  }
0xa: {  	[smem:$0x3F95] =	sst s2  }
0xb: {  	[smem:$0x3F96] =	sst s3  }
0xc: {  	[smem:$0x3F97] =	sst s4  }
0xd: {  	[smem:$0x3F98] =	sst s5  }
0xe: {  	[smem:$0x3F99] =	sst s6  }
0xf: {  	[smem:$0x3F9A] =	sst s7  }
0x10: {  	[smem:$0x3F9B] =	sst s8  }
0x11: {  	[smem:$0x3F9C] =	sst s9;
	s0 =	simm.s32 @!p0 $0x0  }
0x12: {  	s1 =	sld [smem:$0x3F82];
	s0 =	simm.s32 @p0 $0x1  }
0x13: {  	[smem:$0x3F9D] =	sst s0;
	s0 =	simm.s32 @!p1 $0x0  }
0x14: {  	s2 =	sld [smem:$0x3F81];
	s0 =	simm.s32 @p1 $0x1  }
0x15: {  	[smem:$0x3F9E] =	sst s0;
	s0 =	simm.s32 @!p2 $0x0  }
0x16: {  	s3 =	sld [smem:$0x3FDB];
	s0 =	simm.s32 @p2 $0x1  }
0x17: {  	s4 =	simm.s32 $0x1BF5;
	[smem:$0x3FA0] =	sst s0  }
0x18: {  	s0 =	sld [smem:$0x3F83];
	_ =	swait.ge [sflag:s4], $0x0  }
0x19: {  	s7 =	sld [smem:$0x3F84]  }
0x1a: {  	s8 =	sadd.s32 $0xFFFFE003, lr  }
0x1b: {  	s9 =	sadd.s32 $0xFFFFFEF7, lr;
	s5 =	simm.s32 $0xFFFFFFFF;
	p2 =	slt.u32 s8, $0xFFFFF086  }
0x1c: {  	p1 =	slt.u32 s9, $0xF7A;
	s5 =	simm.s32 @!p2 $0x0  }
0x1d: {  	s5 =	simm.s32 @p1 $0x1;
	p0 =	seq.s32 s7, s2  }
0x1e: {  	s7 =	smul.u32 @!p0 $0xF7A, s2;
	p2 =	seq.s32 @!p0 s5, $0x0  }
0x1f: {  	s9 =	smul.u32 $0xF7A, s1;
	s8 =	simm.s32 @!p0 $0x1BF5;
	p2 =	por !p2, p0  }
0x20: {  	[sflag:s8] =	ssyncset.s32 @!p0 $0xFFFFF086;
	s6 =	sadd.s32 @!p0 s3, s7;
	s7 =	simm.s32 @!p0 $0x108  }
0x21: {  	s3 =	sadd.s32 s3, s9;
	s6 =	sadd.s32 @!p0 $0x88, s6;
	s7 =	simm.s32 @p2 $0x1082  }
0x22: {  	[simem:s7], [sflag:s8] =	dma.local @!p0 [hbm:s6], $0xF7A  }
0x23: {  	s9 =	sor.u32 $0xD0000000, s2;
	s6 =	simm.s32 $0x108;
	_ =	swait.ge @!p0 [sflag:s8], $0x0  }
0x24: {  	s3 =	sadd.s32 $0x88, s3;
	s6 =	simm.s32 @!p1 $0x1082;
	[sflag:s4] =	ssyncset.s32 $0xFFFFF086  }
0x25: {  	[simem:s6], [sflag:s4] =	dma.local [hbm:s3], $0xF7A  }
0x26: {  	[smem:$0x3F84] =	sst s1;
	(tag) =	ssettag s2;
	_ =	strace s9  }
0x27: {  	s1 =	sld [smem:$0x3F94]  }
0x28: {  	s2 =	sld [smem:$0x3F95]  }
0x29: {  	s4 =	sld [smem:$0x3F97]  }
0x2a: {  	p0 =	seq.s32 s5, $0x0;
	s5 =	sld [smem:$0x3F98]  }
0x2b: {  	s6 =	sld [smem:$0x3F99]  }
0x2c: {  	s7 =	sld [smem:$0x3F9A]  }
0x2d: {  	s3 =	simm.s32 $0x108;
	s8 =	sld [smem:$0x3F9B]  }
0x2e: {  	s3 =	simm.s32 @!p0 $0x1082;
	s9 =	sld [smem:$0x3F9C]  }
0x2f: {  	lr =	sadd.s32 s0, s3;
	s0 =	sld [smem:$0x3F93]  }
0x30: {  	s3 =	sld [smem:$0x3F96]  }
0x31: {  	[smem:$0x3F9F] =	sst s10  }
0x32: {  	s10 =	sld [smem:$0x3F9D];
	_ =	sdelay $0x3  }
0x33: {  	p0 =	seq.s32 s10, $0x1;
	s10 =	sld [smem:$0x3F9F];
	_ =	sdelay $0x3  }
0x34: {  	[smem:$0x3F9F] =	sst s10  }
0x35: {  	s10 =	sld [smem:$0x3F9E];
	_ =	sdelay $0x3  }
0x36: {  	p1 =	seq.s32 s10, $0x1;
	s10 =	sld [smem:$0x3F9F];
	_ =	sdelay $0x3  }
0x37: {  	[smem:$0x3F9F] =	sst s10  }
0x38: {  	s10 =	sld [smem:$0x3FA0]  }
0x39: {  	_ = 	snop;
	(pc) =	sbr.ind lr, $3  }
0x3a: {  	_ = 	snop  }
0x3b: {  	_ = 	snop  }
0x3c: {  	p2 =	seq.s32 s10, $0x1;
	s10 =	sld [smem:$0x3F9F]  }
0x3d: {  	_ =	shalt  }
0x3e: {  	_ =	shalt  }
0x3f: {  	_ =	shalt  }
0x40: {  	_ =	shalt  }
0x41: {  	_ =	shalt  }
0x42: {  	_ =	shalt  }
0x43: {  	_ =	shalt  }
0x44: {  	_ =	shalt  }
0x45: {  	_ =	shalt  }
0x46: {  	_ =	shalt  }
0x47: {  	_ =	shalt  }
0x48: {  	_ =	shalt  }
0x49: {  	_ =	shalt  }
0x4a: {  	_ =	shalt  }
0x4b: {  	_ =	shalt  }
0x4c: {  	_ =	shalt  }
0x4d: {  	_ =	shalt  }
0x4e: {  	_ =	shalt  }
0x4f: {  	_ =	shalt  }
0x50: {  	_ =	shalt  }
0x51: {  	_ =	shalt  }
0x52: {  	_ =	shalt  }
0x53: {  	_ =	shalt  }
0x54: {  	_ =	shalt  }
0x55: {  	_ =	shalt  }
0x56: {  	_ =	shalt  }
0x57: {  	_ =	shalt  }
0x58: {  	_ =	shalt  }
0x59: {  	_ =	shalt  }
0x5a: {  	_ =	shalt  }
0x5b: {  	_ =	shalt  }
0x5c: {  	_ =	shalt  }
0x5d: {  	_ =	shalt  }
0x5e: {  	_ =	shalt  }
0x5f: {  	_ =	shalt  }
0x60: {  	_ =	shalt  }
0x61: {  	_ =	shalt  }
0x62: {  	_ =	shalt  }
0x63: {  	_ =	shalt  }
0x64: {  	_ =	shalt  }
0x65: {  	_ =	shalt  }
0x66: {  	_ =	shalt  }
0x67: {  	_ =	shalt  }
0x68: {  	_ =	shalt  }
0x69: {  	_ =	shalt  }
0x6a: {  	_ =	shalt  }
0x6b: {  	_ =	shalt  }
0x6c: {  	_ =	shalt  }
0x6d: {  	_ =	shalt  }
0x6e: {  	_ =	shalt  }
0x6f: {  	_ =	shalt  }
0x70: {  	_ =	shalt  }
0x71: {  	_ =	shalt  }
0x72: {  	_ =	shalt  }
0x73: {  	_ =	shalt  }
0x74: {  	_ =	shalt  }
0x75: {  	_ =	shalt  }
0x76: {  	_ =	shalt  }
0x77: {  	_ =	shalt  }
0x78: {  	_ =	shalt  }
0x79: {  	_ =	shalt  }
0x7a: {  	_ =	shalt  }
0x7b: {  	_ =	shalt  }
0x7c: {  	_ =	shalt  }
0x7d: {  	_ =	shalt  }
0x7e: {  	_ =	shalt  }
0x7f: {  	_ =	shalt  }
0x80: {  	_ =	shalt  }
0x81: {  	_ =	shalt  }
0x82: {  	_ =	shalt  }
0x83: {  	_ =	shalt  }
0x84: {  	_ =	shalt  }
0x85: {  	_ =	shalt  }
0x86: {  	_ =	shalt  }
0x87: {  	_ =	shalt  }
.Lfunc_end0:
.L_simem_size_0:
called_computation_lowered:
.L_overlay_start_0:
0x88: {  	s2 =	sld [smem:$0x3FD9]  }
0x89: {  	s3 =	sld [smem:$0x3FFE];
	_ =	sdelay $0x1  }
0x8a: {  	s1 =	srdreg.scid  }
0x8b: {  	s0 =	sand.u32 $0x1, s1  }
0x8c: {  	s17 =	sshll.u32 s0, $0xA;
	s2 =	sadd.s32 s3, s2  }
0x8d: {  	s2 =	sadd.s32 s2, s17  }
0x8e: {  	[smem:$0x3FAB] =	sst s2  }
0x8f: {  	_ = 	snop  }
0x90: {  	s2 =	sld [smem:$0x3FC9];
	(tm) =	ssettm $0x1  }
0x91: {  	s18 =	sld [smem:$0x3FFB];
	_ =	sdelay $0x3  }
0x92: {  	_ =	strace s18  }
0x93: {  	s3 =	sld [smem:$0x3FFC];
	_ =	sdelay $0x3  }
0x94: {  	_ =	strace s3  }
0x95: {  	s3 =	sld [smem:$0x3FFD];
	_ =	sdelay $0x3  }
0x96: {  	_ =	strace s3  }
0x97: {  	_ =	strace $0x8FFFFFFF  }
0x98: {  	s19 =	sld [smem:$0x3FDB];
	_ =	sdelay $0x1  }
0x99: {  	s4 =	simm.s32 $_scs_section_size  }
0x9a: {  	s5 =	simm.s32 $_size__tile_overlayer_lowered;
	s6 =	simm.s32 $_tile_overlayer_lowered  }
0x9b: {  	s22 =	simm.s32 $0x1BFF;
	s21 =	sshll.u32 s6, $0x1;
	s3 =	sadd.s32 s4, s19  }
0x9c: {  	s7 =	simm.s32 $0x0;
	s20 =	sshll.u32 s5, $0x1;
	s5 =	sadd.s32 s21, s3  }
0x9d: {  	[timem:s7], [sflag:s22] =	dma.local [hbm:s5], s20  }
0x9e: {  	_ =	swait.ge [sflag:s22], s20  }
0x9f: {  	s4 =	ssub.s32 $0x0, s20;
	[sflag:s22] =	ssyncset.done $0x0  }
0xa0: {  	[sflag:s22] =	ssyncadd.s32 s4;
	_ =	sdelay $0x1  }
0xa1: {  	s23 =	simm.s32 $0x1B8B  }
0xa2: {  	_ =	swait.ge [sflag:s23], $0x1  }
0xa3: {  	[sflag:s23] =	ssyncset.done $0x0  }
0xa4: {  	s25 =	simm.s32 $0x1B8E;
	s24 =	sld [smem:$0x3FFE];
	[sflag:s23] =	ssyncadd.s32 $0xFFFFFFFF  }
0xa5: {  	s26 =	simm.s32 $execute0_lowered;
	[smem:$0x3FD2] =	sst s25  }
0xa6: {  	s5 =	sshll.u32 s26, $0x1;
	_ =	strace $0x80000046;
	[dreg:$0x1] =	wrdreg $0xFFFFFFFF  }
0xa7: {  	s28 =	simm.s32 $_size_execute0_lowered;
	s3 =	sadd.s32 s3, s5;
	[dreg:$0x0] =	wrdreg $0x0  }
0xa8: {  	s5 =	sshll.u32 s28, $0x1;
	[dreg:$0x2] =	wrdreg s3  }
0xa9: {  	[dreg:$0x3] =	wrdreg s5  }
0xaa: {  	[dreg:$0x4] =	wrdreg $0xC0  }
0xab: {  	_ =	task [dreg:s7], $0x5FFFF  }
0xac: {  	[dreg:$0x1] =	wrdreg $0xFFFFFFFF  }
0xad: {  	[dreg:$0x0] =	wrdreg $0x60  }
0xae: {  	[dreg:$0x2] =	wrdreg s2  }
0xaf: {  	[dreg:$0x3] =	wrdreg s24  }
0xb0: {  	[dreg:$0x4] =	wrdreg $0xA4000  }
0xb1: {  	[dreg:$0x5] =	wrdreg $0x9  }
0xb2: {  	_ =	task.clear_ibuf [dreg:s7], $0x6FFFF;
	_ =	strace $0x90000046  }
0xb3: {  	s29 =	simm.s32 $0x9;
	_ =	strace $0x80000048  }
0xb4: {  	_ =	swait.ge [sflag:s29], $0x1  }
0xb5: {  	[sflag:s29] =	ssyncadd.s32 $0xFFFFFFFF  }
0xb6: {  	_ =	strace $0x90000048  }
0xb7: {  	_ =	sfence  }
0xb8: {  	s30 =	sld [smem:$0x0];
	_ =	sdelay $0x2  }
0xb9: {  	s31 =	sshll.u32 s1, $0xD;
	s1 =	sshrl.u32 s1, $0x2  }
0xba: {  	s3 =	sand.u32 $0x4000, s31;
	s1 =	sadd.s32 s1, s30  }
0xbb: {  	s0 =	sor.u32 s3, s0;
	s1 =	sshll.u32 s1, $0x11  }
0xbc: {  	s0 =	sor.u32 s1, s0  }
0xbd: {  	s0 =	sadd.s32 $0x8F2B, s0  }
0xbe: {  	[sflag:s0] =	ssyncadd.remote.s32 $0x1  }
0xbf: {  	_ =	sfence.sel $0xFFFF  }
0xc0: {  	[dreg:$0x0] =	wrdreg $0xFFFFFFFF;
	(pc) =	sbr.abs _section_cstart, $3  }
0xc1: {  	[dreg:$0x1] =	wrdreg $0xFFFFFFFF  }
0xc2: {  	_ =	task.clear_ibuf [dreg:s7], $0x2FFFF;
	_ =	strace $0x9FFFFFFF  }
0xc3: {  	(tm) =	ssettm $0x7FFFFFFF  }
tec
execute0_lowered:
.L_overlay_start_1:
0x0: {  	(tag) =	ssettag $0x1  }
0x1: {  	s1 =	rddreg [dreg:$0x0]  }
0x2: {  	s0 =	rddreg [dreg:$0x1]  }
0x3: {  	s2 =	rddreg [dreg:$0x2]  }
0x4: {  	s3 =	simm.s32 $0x0;
	s4 =	srdreg.scid;
	s13 =	stileid.u32  }
0x5: {  	s28 =	simm.s32 $0x9;
	s31 =	simm.s32 $0x7C00;
	[smem:$0x7FF] =	sst s3  }
0x6: {  	s5 =	sadd.s32 $0x4FA800, s0;
	s4 =	sand.u32 $0x1, s4;
	s10 =	smul.u32 $0x4E000, s13  }
0x7: {  	s6 =	sadd.s32 $0x4F0A00, s0;
	s30 =	smul.u32 $0x13800, s13;
	p0 =	sne.s32 s13, $0xF  }
0x8: {  	_ =	strace $0x80000047;
	s7 =	sshll.u32 s4, $0x4;
	s8 =	ssub.s32 $0x2, s4  }
0x9: {  	s4 =	smul.u32 $0x138800, s4;
	s9 =	sor.u32 s13, s7;
	s7 =	sadd.s32 $0x4E6C00, s0  }
0xa: {  	s11 =	sshrl.u32 s8, $0x1;
	s0 =	sadd.s32 $0x4C00, s0;
	s10 =	sshrl.u32 s10, $0x2  }
0xb: {  	s13 =	simm.s32 $0x5;
	s12 =	smul.u32 $0x2710, s9;
	s8 =	ssub.s32 s8, s11  }
0xc: {  	s21 =	sadd.s32 s10, s2;
	s9 =	smul.u32 $0x27100, s9;
	s16 =	sadd.s32 s30, s4  }
0xd: {  	s4 =	sshrl.u32 s4, $0x3;
	s19 =	sadd.s32 $0x2800, s21;
	[dreg:$0x4] =	wrdreg s21  }
0xe: {  	s11 =	simm.s32 $0x200;
	s30 =	sadd.s32 $0x11800, s21;
	[dreg:$0x5] =	wrdreg s19  }
0xf: {  	s4 =	sadd.s32 s0, s4;
	s9 =	sadd.s32 s5, s9;
	[dreg:$0x1b] =	wrdreg s30  }
0x10: {  	s18 =	sshrl.u32 s12, $0x3;
	s15 =	sadd.s32 $0x140, s12;
	[dreg:$0x8] =	wrdreg s9  }
0x11: {  	s22 =	sadd.s32 $0x50, s12;
	s17 =	sadd.s32 $0x190, s12;
	[dreg:$0xf] =	wrdreg s15  }
0x12: {  	s26 =	sadd.s32 $0xA0, s12;
	s19 =	sadd.s32 $0x27000, s4;
	[dreg:$0x10] =	wrdreg s17  }
0x13: {  	s4 =	simm.s32 $0x7;
	s20 =	sadd.s32 s6, s18;
	[dreg:$0x13] =	wrdreg s19  }
0x14: {  	s10 =	sadd.s32 s7, s18;
	s23 =	sshrl.u32 s22, $0x3;
	[dreg:$0x6] =	wrdreg s20  }
0x15: {  	s25 =	sshll.u32 s22, $0x4;
	s18 =	sadd.s32 $0x1E0, s12;
	[dreg:$0x7] =	wrdreg s10  }
0x16: {  	s29 =	sshrl.u32 s26, $0x3;
	s22 =	sadd.s32 $0xF0, s12;
	[dreg:$0x12] =	wrdreg s18  }
0x17: {  	s12 =	simm.s32 $0x1;
	s24 =	sadd.s32 s6, s23;
	[dreg:$0x15] =	wrdreg s22  }
0x18: {  	s15 =	simm.s32 $0x4;
	s9 =	sadd.s32 s7, s23;
	[dreg:$0x9] =	wrdreg s24  }
0x19: {  	s19 =	simm.s32 $0xC;
	s14 =	sadd.s32 s6, s29;
	[dreg:$0xa] =	wrdreg s9  }
0x1a: {  	s10 =	sadd.s32 s7, s29;
	s20 =	smax.u32 s8, $0x1;
	[dreg:$0xc] =	wrdreg s14  }
0x1b: {  	s23 =	sadd.s32 $0x5000, s21;
	s29 =	sadd.s32 $0xF000, s21;
	[dreg:$0xd] =	wrdreg s10  }
0x1c: {  	s8 =	simm.s32 $0xA;
	s22 =	simm.s32 $0xB;
	[dreg:$0x14] =	wrdreg s20  }
0x1d: {  	s9 =	sadd.s32 s5, s25;
	[dreg:$0x16] =	wrdreg s23;
	s24 =	sadd.s32 $0x7800, s21  }
0x1e: {  	s25 =	sadd.s32 $0xA000, s21;
	[dreg:$0x1a] =	wrdreg s29;
	s10 =	simm.s32 $0xD  }
0x1f: {  	s14 =	simm.s32 $0x50;
	s23 =	simm.s32 $0x5400;
	[dreg:$0xb] =	wrdreg s9  }
0x20: {  	s20 =	simm.s32 $0x0;
	s9 =	sshll.u32 s26, $0x4;
	[dreg:$0x17] =	wrdreg s24  }
0x21: {  	[dreg:$0x18] =	wrdreg s25;
	s26 =	sadd.s32 $0xC800, s21;
	s25 =	sadd.s32 $0x138000, s2  }
0x22: {  	s24 =	simm.s32 $0x2;
	s9 =	sadd.s32 s5, s9;
	[dreg:$0x19] =	wrdreg s26  }
0x23: {  	s26 =	simm.s32 $0x6;
	[dreg:$0xe] =	wrdreg s9;
	s9 =	sshrl.u32 s16, $0x3  }
0x24: {  	[dreg:$0x1c] =	wrdreg s25;
	s16 =	simm.s32 $0x8;
	s0 =	sadd.s32 s0, s9  }
0x25: {  	v0 =	vimm.f32 $0.0e+00;
	s9 =	simm.s32 $0x400;
	[dreg:$0x11] =	wrdreg s0;
	s0 =	simm.s32 $0x3  }
.LBB2_1:
0x26: {  	[dreg:$0x1d] =	wrdreg s20;
	s18 =	simm.s32 $0x0;
	s20 =	simm.s32 $0x200  }
.LBB2_2:
0x27: {  	p1 =	sne.s32 s20, $0x9E00;
	[tilespmem:s18+$0x470] =	vst v0  }
0x28: {  	[tilespmem:s18+$0x400] =	vst v0  }
0x29: {  	[tilespmem:s18+$0x410] =	vst v0  }
.Ltmp0:
0x2a: {  	[tilespmem:s18+$0x420] =	vst v0;
	(pc) =	sbr.rel @p1 .LBB2_2-.Ltmp0, $4  }
0x2b: {  	[tilespmem:s18+$0x430] =	vst v0  }
0x2c: {  	[tilespmem:s18+$0x440] =	vst v0  }
0x2d: {  	[tilespmem:s18+$0x450] =	vst v0  }
0x2e: {  	[tilespmem:s18+$0x460] =	vst v0;
	s18 =	sshra.s32 s20, $0x2;
	s20 =	sadd.s32 $0x200, s20  }
0x2f: {  	[tilespmem:s18+$0x470] =	vst v0  }
0x30: {  	[tilespmem:s18+$0x400] =	vst v0  }
0x31: {  	[tilespmem:s18+$0x410] =	vst v0  }
0x32: {  	[tilespmem:s18+$0x420] =	vst v0  }
0x33: {  	[tilespmem:s18+$0x430] =	vst v0  }
0x34: {  	[tilespmem:s18+$0x440] =	vst v0  }
0x35: {  	[tilespmem:s18+$0x450] =	vst v0  }
0x36: {  	[tilespmem:s18+$0x460] =	vst v0  }
0x37: {  	[spmem:s21] =	stream.linear.scatter [tilespmem:s9], [sflag:$0xD], $0x2800, $0x38;
	[tilespmem:$0x1DC80] =	vst v63  }
0x38: {  	_ =	swait.ge [sflag:s10], $0x2800  }
0x39: {  	[sflag:s10] =	ssyncset.done $0x0  }
0x3a: {  	s17 =	rddreg [dreg:$0x5];
	[sflag:s10] =	ssyncadd.s32 $0xFFFFD800  }
0x3b: {  	[spmem:s17] =	stream.linear.scatter [tilespmem:s9], [sflag:$0xD], $0x2800, $0x38;
	[tilespmem:$0x1DC80] =	vst v63  }
0x3c: {  	_ =	swait.ge [sflag:s10], $0x2800  }
0x3d: {  	[sflag:s10] =	ssyncset.done $0x0  }
0x3e: {  	s30 =	rddreg [dreg:$0x16];
	[sflag:s10] =	ssyncadd.s32 $0xFFFFD800  }
0x3f: {  	[spmem:s30] =	stream.linear.scatter [tilespmem:s9], [sflag:$0xD], $0x2800, $0x38;
	[tilespmem:$0x1DC80] =	vst v63  }
0x40: {  	_ =	swait.ge [sflag:s10], $0x2800  }
0x41: {  	[sflag:s10] =	ssyncset.done $0x0  }
0x42: {  	s18 =	rddreg [dreg:$0x17];
	[sflag:s10] =	ssyncadd.s32 $0xFFFFD800  }
0x43: {  	[spmem:s18] =	stream.linear.scatter [tilespmem:s9], [sflag:$0xD], $0x2800, $0x38;
	[tilespmem:$0x1DC80] =	vst v63  }
0x44: {  	_ =	swait.ge [sflag:s10], $0x2800  }
0x45: {  	[sflag:s10] =	ssyncset.done $0x0  }
0x46: {  	s20 =	rddreg [dreg:$0x18];
	[sflag:s10] =	ssyncadd.s32 $0xFFFFD800  }
0x47: {  	[spmem:s20] =	stream.linear.scatter [tilespmem:s9], [sflag:$0xD], $0x2800, $0x38;
	[tilespmem:$0x1DC80] =	vst v63  }
0x48: {  	_ =	swait.ge [sflag:s10], $0x2800  }
0x49: {  	[sflag:s10] =	ssyncset.done $0x0  }
0x4a: {  	s21 =	rddreg [dreg:$0x19];
	[sflag:s10] =	ssyncadd.s32 $0xFFFFD800  }
0x4b: {  	[spmem:s21] =	stream.linear.scatter [tilespmem:s9], [sflag:$0xD], $0x2800, $0x38;
	[tilespmem:$0x1DC80] =	vst v63  }
0x4c: {  	_ =	swait.ge [sflag:s10], $0x2800  }
0x4d: {  	[sflag:s10] =	ssyncset.done $0x0  }
0x4e: {  	s29 =	rddreg [dreg:$0x1a];
	[sflag:s10] =	ssyncadd.s32 $0xFFFFD800  }
0x4f: {  	[spmem:s29] =	stream.linear.scatter [tilespmem:s9], [sflag:$0xD], $0x2800, $0x38;
	[tilespmem:$0x1DC80] =	vst v63  }
0x50: {  	_ =	swait.ge [sflag:s10], $0x2800  }
0x51: {  	[sflag:s10] =	ssyncset.done $0x0  }
0x52: {  	s30 =	rddreg [dreg:$0x1b];
	[sflag:s10] =	ssyncadd.s32 $0xFFFFD800  }
0x53: {  	[spmem:s30] =	stream.linear.scatter [tilespmem:s9], [sflag:$0xD], $0x2000, $0x38;
	[tilespmem:$0x1DC80] =	vst v63  }
0x54: {  	_ =	swait.ge [sflag:s10], $0x2000  }
0x55: {  	[sflag:s10] =	ssyncset.done $0x0  }
0x56: {  	s18 =	simm.s32 @!p0 $0x400;
	[sflag:s10] =	ssyncadd.s32 $0xFFFFE000  }
0x57: {  	[spmem:s25] =	stream.linear.scatter @!p0 [tilespmem:s18], [sflag:$0xD], $0x800, $0x38;
	[tilespmem:$0x1DC80] =	vst v63  }
0x58: {  	s18 =	simm.s32 @!p0 $0xD  }
0x59: {  	_ =	swait.ge @!p0 [sflag:s18], $0x800  }
0x5a: {  	[sflag:s18] =	ssyncset.done @!p0 $0x0  }
0x5b: {  	[sflag:s18] =	ssyncadd.s32 @!p0 $0xFFFFF800  }
0x5c: {  	[bflag:$0x0] =	sbarrier.arrive $0xFFFF  }
0x5d: {  	s20 =	simm.s32 $0x0;
	s18 =	rddreg [dreg:$0x6]  }
0x5e: {  	[tilespmem:s20], [sflag:$0x1] =	stream.linear.gather [hbm4b:s18+s20], $0x50, $0x38;
	[tilespmem:$0x1DC80] =	vst v63  }
0x5f: {  	s21 =	rddreg [dreg:$0x7]  }
0x60: {  	[tilespmem:s11], [sflag:$0x1] =	stream.linear.gather [hbm4b:s21+s20], $0x50, $0x38;
	[tilespmem:$0x1DC80] =	vst v63  }
0x61: {  	s25 =	rddreg [dreg:$0x8]  }
0x62: {  	[tilespmem:s9], [sflag:$0x5] =	stream.linear.gather [hbm4b:s25+s20], $0x2800, $0x38;
	[tilespmem:$0x1DC80] =	vst v63  }
0x63: {  	_ =	swait.ge [sflag:s12], $0x50  }
0x64: {  	[sflag:s12] =	ssyncset.done $0x0  }
0x65: {  	[sflag:s12] =	ssyncadd.s32 $0xFFFFFFB0  }
0x66: {  	_ =	swait.ge [sflag:s12], $0x50  }
0x67: {  	[sflag:s12] =	ssyncset.done $0x0  }
0x68: {  	[sflag:s12] =	ssyncadd.s32 $0xFFFFFFB0  }
0x69: {  	_ =	swait.ge [sflag:s13], $0x2800  }
0x6a: {  	[sflag:s13] =	ssyncset.done $0x0  }
0x6b: {  	[sflag:s13] =	ssyncadd.s32 $0xFFFFD800  }
0x6c: {  	[tilespmem:s9], [sflag:$0x9] =	stream.indirect.gather.add.f32 [hbm:s1], $0x80, s20, s14, $0xb8;
	[tilespmem:$0x1DC80] =	vst v63  }
0x6d: {  	s30 =	simm.s32 $0x80;
	s29 =	rddreg [dreg:$0x9]  }
0x6e: {  	[tilespmem:s30], [sflag:$0x2] =	stream.linear.gather [hbm4b:s29+s20], $0x50, $0x38;
	[tilespmem:$0x1DC80] =	vst v63  }
0x6f: {  	s25 =	simm.s32 $0x280;
	s21 =	rddreg [dreg:$0xa]  }
0x70: {  	[tilespmem:s25], [sflag:$0x2] =	stream.linear.gather [hbm4b:s21+s20], $0x50, $0x38;
	[tilespmem:$0x1DC80] =	vst v63  }
0x71: {  	s29 =	rddreg [dreg:$0xb];
	s30 =	simm.s32 $0x2C00  }
0x72: {  	[tilespmem:s30], [sflag:$0x6] =	stream.linear.gather [hbm4b:s29+s20], $0x2800, $0x38;
	[tilespmem:$0x1DC80] =	vst v63  }
0x73: {  	s18 =	rddreg [dreg:$0xc];
	s21 =	simm.s32 $0x100  }
0x74: {  	[tilespmem:s21], [sflag:$0x3] =	stream.linear.gather [hbm4b:s18+s20], $0x50, $0x38;
	[tilespmem:$0x1DC80] =	vst v63  }
0x75: {  	s25 =	rddreg [dreg:$0xd];
	s29 =	simm.s32 $0x300  }
0x76: {  	[tilespmem:s29], [sflag:$0x3] =	stream.linear.gather [hbm4b:s25+s20], $0x50, $0x38;
	[tilespmem:$0x1DC80] =	vst v63  }
0x77: {  	s30 =	rddreg [dreg:$0xe]  }
0x78: {  	[tilespmem:s23], [sflag:$0x7] =	stream.linear.gather [hbm4b:s30+s20], $0x2800, $0x38;
	[tilespmem:$0x1DC80] =	vst v63  }
.LBB2_4:
0x79: {  	_ =	swait.ge [sflag:s24], $0x50  }
0x7a: {  	[sflag:s24] =	ssyncset.done $0x0  }
0x7b: {  	[sflag:s24] =	ssyncadd.s32 $0xFFFFFFB0  }
0x7c: {  	_ =	swait.ge [sflag:s24], $0x50  }
0x7d: {  	[sflag:s24] =	ssyncset.done $0x0  }
0x7e: {  	[sflag:s24] =	ssyncadd.s32 $0xFFFFFFB0  }
0x7f: {  	_ =	swait.ge [sflag:s26], $0x2800  }
0x80: {  	[sflag:s26] =	ssyncset.done $0x0  }
0x81: {  	s17 =	simm.s32 $0x80;
	s18 =	simm.s32 $0x2C00;
	[sflag:s26] =	ssyncadd.s32 $0xFFFFD800  }
0x82: {  	[tilespmem:s18], [sflag:$0xA] =	stream.indirect.gather.add.f32 [hbm:s1], $0x80, s17, s14, $0xb8;
	[tilespmem:$0x1DC80] =	vst v63  }
0x83: {  	_ =	swait.ge [sflag:s28], $0x2800  }
0x84: {  	[sflag:s28] =	ssyncset.done $0x0  }
0x85: {  	s25 =	simm.s32 $0x0;
	[sflag:s28] =	ssyncadd.s32 $0xFFFFD800  }
0x86: {  	v3 =	vld [tilespmem:s25+$0x400]  }
0x87: {  	v5 =	vld [tilespmem:s25+$0x410]  }
0x88: {  	v4 =	vld [tilespmem:s25+$0x420]  }
0x89: {  	v2 =	vld [tilespmem:s25+$0x430]  }
0x8a: {  	v1 =	vld [tilespmem:s25+$0x440]  }
0x8b: {  	v6 =	vmax.f32 v3, $0.0e+00;
	v3 =	vld [tilespmem:s25+$0x450]  }
0x8c: {  	s18 =	simm.s32 $0x200;
	[tilespmem:s25+$0x400] =	vst v6;
	v6 =	vmax.f32 v5, $0.0e+00;
	v5 =	vld [tilespmem:s25+$0x460]  }
.LBB2_5:
0x8d: {  	s21 =	sshra.s32 s18, $0x2;
	p1 =	sne.s32 s18, $0x9E00;
	[tilespmem:s25+$0x410] =	vst v6;
	v4 =	vmax.f32 v4, $0.0e+00;
	v6 =	vld [tilespmem:s25+$0x470]  }
0x8e: {  	v7 =	vld [tilespmem:s21+$0x400];
	[tilespmem:s25+$0x420] =	vst v4;
	v2 =	vmax.f32 v2, $0.0e+00  }
0x8f: {  	v8 =	vld [tilespmem:s21+$0x410];
	[tilespmem:s25+$0x430] =	vst v2;
	v1 =	vmax.f32 v1, $0.0e+00  }
.Ltmp1:
0x90: {  	v4 =	vld [tilespmem:s21+$0x420];
	[tilespmem:s25+$0x440] =	vst v1;
	v1 =	vmax.f32 v3, $0.0e+00;
	(pc) =	sbr.rel @p1 .LBB2_5-.Ltmp1, $4  }
0x91: {  	v2 =	vld [tilespmem:s21+$0x430];
	[tilespmem:s25+$0x450] =	vst v1;
	v3 =	vmax.f32 v5, $0.0e+00  }
0x92: {  	v1 =	vld [tilespmem:s21+$0x440];
	[tilespmem:s25+$0x460] =	vst v3;
	v5 =	vmax.f32 v6, $0.0e+00  }
0x93: {  	v6 =	vmax.f32 v7, $0.0e+00;
	v3 =	vld [tilespmem:s21+$0x450];
	[tilespmem:s25+$0x470] =	vst v5;
	s25 =	smov.u32 s21  }
0x94: {  	s18 =	sadd.s32 $0x200, s18;
	[tilespmem:s25+$0x400] =	vst v6;
	v6 =	vmax.f32 v8, $0.0e+00;
	v5 =	vld [tilespmem:s25+$0x460]  }
0x95: {  	[tilespmem:s25+$0x410] =	vst v6;
	v4 =	vmax.f32 v4, $0.0e+00;
	v6 =	vld [tilespmem:s25+$0x470]  }
0x96: {  	[tilespmem:s25+$0x420] =	vst v4;
	v2 =	vmax.f32 v2, $0.0e+00  }
0x97: {  	[tilespmem:s25+$0x430] =	vst v2;
	v1 =	vmax.f32 v1, $0.0e+00  }
0x98: {  	[tilespmem:s25+$0x440] =	vst v1;
	v1 =	vmax.f32 v3, $0.0e+00  }
0x99: {  	[tilespmem:s25+$0x450] =	vst v1;
	v1 =	vmax.f32 v5, $0.0e+00  }
0x9a: {  	[tilespmem:s25+$0x460] =	vst v1;
	v1 =	vmax.f32 v6, $0.0e+00  }
0x9b: {  	[tilespmem:s25+$0x470] =	vst v1  }
0x9c: {  	[spmem:s2] =	stream.indirect.scatter.add.f32 [tilespmem:s9], [sflag:$0xD], $0x80, s11, s14, $0xb8;
	[tilespmem:$0x1DC80] =	vst v63  }
0x9d: {  	s25 =	smul.u32 $0x140, s20;
	_ =	swait.ge [sflag:s10], $0x2800  }
0x9e: {  	s17 =	rddreg [dreg:$0x15]  }
0x9f: {  	s18 =	sadd.s32 s17, s25  }
0xa0: {  	s30 =	simm.s32 $0x0;
	[sflag:s10] =	ssyncset.done $0x0;
	s21 =	sshrl.u32 s18, $0x3  }
0xa1: {  	[sflag:s10] =	ssyncadd.s32 $0xFFFFD800;
	s17 =	simm.s32 $0x180;
	s29 =	sadd.s32 s6, s21  }
0xa2: {  	[tilespmem:s17], [sflag:$0x4] =	stream.linear.gather [hbm4b:s29+s30], $0x50, $0x38;
	[tilespmem:$0x1DC80] =	vst v63  }
0xa3: {  	s18 =	sshll.u32 s18, $0x4;
	s21 =	sadd.s32 s7, s21;
	s29 =	simm.s32 $0x380  }
0xa4: {  	[tilespmem:s29], [sflag:$0x4] =	stream.linear.gather [hbm4b:s21+s30], $0x50, $0x38;
	[tilespmem:$0x1DC80] =	vst v63  }
0xa5: {  	s18 =	sadd.s32 s5, s18  }
0xa6: {  	[tilespmem:s31], [sflag:$0x8] =	stream.linear.gather [hbm4b:s18+s30], $0x2800, $0x38;
	[tilespmem:$0x1DC80] =	vst v63  }
0xa7: {  	_ =	swait.ge [sflag:s0], $0x50  }
0xa8: {  	[sflag:s0] =	ssyncset.done $0x0  }
0xa9: {  	[sflag:s0] =	ssyncadd.s32 $0xFFFFFFB0  }
0xaa: {  	_ =	swait.ge [sflag:s0], $0x50  }
0xab: {  	[sflag:s0] =	ssyncset.done $0x0  }
0xac: {  	[sflag:s0] =	ssyncadd.s32 $0xFFFFFFB0  }
0xad: {  	_ =	swait.ge [sflag:s4], $0x2800  }
0xae: {  	[sflag:s4] =	ssyncset.done $0x0  }
0xaf: {  	s30 =	simm.s32 $0x100;
	[sflag:s4] =	ssyncadd.s32 $0xFFFFD800  }
0xb0: {  	[tilespmem:s23], [sflag:$0xB] =	stream.indirect.gather.add.f32 [hbm:s1], $0x80, s30, s14, $0xb8;
	[tilespmem:$0x1DC80] =	vst v63  }
0xb1: {  	_ =	swait.ge [sflag:s8], $0x2800  }
0xb2: {  	[sflag:s8] =	ssyncset.done $0x0  }
0xb3: {  	s18 =	simm.s32 $0x0;
	[sflag:s8] =	ssyncadd.s32 $0xFFFFD800  }
0xb4: {  	v3 =	vld [tilespmem:s18+$0x2C00]  }
0xb5: {  	v5 =	vld [tilespmem:s18+$0x2C10]  }
0xb6: {  	v4 =	vld [tilespmem:s18+$0x2C20]  }
0xb7: {  	v2 =	vld [tilespmem:s18+$0x2C30]  }
0xb8: {  	v1 =	vld [tilespmem:s18+$0x2C40]  }
0xb9: {  	v6 =	vmax.f32 v3, $0.0e+00;
	v3 =	vld [tilespmem:s18+$0x2C50]  }
0xba: {  	s21 =	simm.s32 $0x200;
	[tilespmem:s18+$0x2C00] =	vst v6;
	v6 =	vmax.f32 v5, $0.0e+00;
	v5 =	vld [tilespmem:s18+$0x2C60]  }
.LBB2_7:
0xbb: {  	s29 =	sshra.s32 s21, $0x2;
	p1 =	sne.s32 s21, $0x9E00;
	[tilespmem:s18+$0x2C10] =	vst v6;
	v4 =	vmax.f32 v4, $0.0e+00;
	v6 =	vld [tilespmem:s18+$0x2C70]  }
0xbc: {  	v7 =	vld [tilespmem:s29+$0x2C00];
	[tilespmem:s18+$0x2C20] =	vst v4;
	v2 =	vmax.f32 v2, $0.0e+00  }
0xbd: {  	v8 =	vld [tilespmem:s29+$0x2C10];
	[tilespmem:s18+$0x2C30] =	vst v2;
	v1 =	vmax.f32 v1, $0.0e+00  }
.Ltmp2:
0xbe: {  	v4 =	vld [tilespmem:s29+$0x2C20];
	[tilespmem:s18+$0x2C40] =	vst v1;
	v1 =	vmax.f32 v3, $0.0e+00;
	(pc) =	sbr.rel @p1 .LBB2_7-.Ltmp2, $4  }
0xbf: {  	v2 =	vld [tilespmem:s29+$0x2C30];
	[tilespmem:s18+$0x2C50] =	vst v1;
	v3 =	vmax.f32 v5, $0.0e+00  }
0xc0: {  	v1 =	vld [tilespmem:s29+$0x2C40];
	[tilespmem:s18+$0x2C60] =	vst v3;
	v5 =	vmax.f32 v6, $0.0e+00  }
0xc1: {  	v6 =	vmax.f32 v7, $0.0e+00;
	v3 =	vld [tilespmem:s29+$0x2C50];
	[tilespmem:s18+$0x2C70] =	vst v5;
	s18 =	smov.u32 s29  }
0xc2: {  	s21 =	sadd.s32 $0x200, s21;
	[tilespmem:s18+$0x2C00] =	vst v6;
	v6 =	vmax.f32 v8, $0.0e+00;
	v5 =	vld [tilespmem:s18+$0x2C60]  }
0xc3: {  	[tilespmem:s18+$0x2C10] =	vst v6;
	v4 =	vmax.f32 v4, $0.0e+00;
	v6 =	vld [tilespmem:s18+$0x2C70]  }
0xc4: {  	[tilespmem:s18+$0x2C20] =	vst v4;
	v2 =	vmax.f32 v2, $0.0e+00  }
0xc5: {  	[tilespmem:s18+$0x2C30] =	vst v2;
	v1 =	vmax.f32 v1, $0.0e+00  }
0xc6: {  	[tilespmem:s18+$0x2C40] =	vst v1;
	v1 =	vmax.f32 v3, $0.0e+00  }
0xc7: {  	[tilespmem:s18+$0x2C50] =	vst v1;
	v1 =	vmax.f32 v5, $0.0e+00  }
0xc8: {  	[tilespmem:s18+$0x2C60] =	vst v1;
	v1 =	vmax.f32 v6, $0.0e+00  }
0xc9: {  	s17 =	simm.s32 $0x280;
	s29 =	simm.s32 $0x2C00;
	[tilespmem:s18+$0x2C70] =	vst v1  }
0xca: {  	[spmem:s2] =	stream.indirect.scatter.add.f32 [tilespmem:s29], [sflag:$0xD], $0x80, s17, s14, $0xb8;
	[tilespmem:$0x1DC80] =	vst v63  }
0xcb: {  	_ =	swait.ge [sflag:s10], $0x2800  }
0xcc: {  	s30 =	rddreg [dreg:$0xf]  }
0xcd: {  	s17 =	sadd.s32 s25, s30  }
0xce: {  	[sflag:s10] =	ssyncset.done $0x0;
	s21 =	sshrl.u32 s17, $0x3  }
0xcf: {  	[sflag:s10] =	ssyncadd.s32 $0xFFFFD800;
	s30 =	simm.s32 $0x0;
	s29 =	sadd.s32 s6, s21  }
0xd0: {  	[tilespmem:s30], [sflag:$0x1] =	stream.linear.gather [hbm4b:s29+s30], $0x50, $0x38;
	[tilespmem:$0x1DC80] =	vst v63  }
0xd1: {  	s18 =	sshll.u32 s17, $0x4;
	s21 =	sadd.s32 s7, s21  }
0xd2: {  	[tilespmem:s11], [sflag:$0x1] =	stream.linear.gather [hbm4b:s21+s30], $0x50, $0x38;
	[tilespmem:$0x1DC80] =	vst v63  }
0xd3: {  	s18 =	sadd.s32 s5, s18  }
0xd4: {  	[tilespmem:s9], [sflag:$0x5] =	stream.linear.gather [hbm4b:s18+s30], $0x2800, $0x38;
	[tilespmem:$0x1DC80] =	vst v63  }
0xd5: {  	_ =	swait.ge [sflag:s15], $0x50  }
0xd6: {  	[sflag:s15] =	ssyncset.done $0x0  }
0xd7: {  	[sflag:s15] =	ssyncadd.s32 $0xFFFFFFB0  }
0xd8: {  	_ =	swait.ge [sflag:s15], $0x50  }
0xd9: {  	[sflag:s15] =	ssyncset.done $0x0  }
0xda: {  	[sflag:s15] =	ssyncadd.s32 $0xFFFFFFB0  }
0xdb: {  	_ =	swait.ge [sflag:s16], $0x2800  }
0xdc: {  	[sflag:s16] =	ssyncset.done $0x0  }
0xdd: {  	s30 =	simm.s32 $0x180;
	[sflag:s16] =	ssyncadd.s32 $0xFFFFD800  }
0xde: {  	[tilespmem:s31], [sflag:$0xC] =	stream.indirect.gather.add.f32 [hbm:s1], $0x80, s30, s14, $0xb8;
	[tilespmem:$0x1DC80] =	vst v63  }
0xdf: {  	_ =	swait.ge [sflag:s22], $0x2800  }
0xe0: {  	[sflag:s22] =	ssyncset.done $0x0  }
0xe1: {  	s18 =	simm.s32 $0x0;
	[sflag:s22] =	ssyncadd.s32 $0xFFFFD800  }
0xe2: {  	v3 =	vld [tilespmem:s18+$0x5400]  }
0xe3: {  	v5 =	vld [tilespmem:s18+$0x5410]  }
0xe4: {  	v4 =	vld [tilespmem:s18+$0x5420]  }
0xe5: {  	v2 =	vld [tilespmem:s18+$0x5430]  }
0xe6: {  	v1 =	vld [tilespmem:s18+$0x5440]  }
0xe7: {  	v6 =	vmax.f32 v3, $0.0e+00;
	v3 =	vld [tilespmem:s18+$0x5450]  }
0xe8: {  	s21 =	simm.s32 $0x200;
	[tilespmem:s18+$0x5400] =	vst v6;
	v6 =	vmax.f32 v5, $0.0e+00;
	v5 =	vld [tilespmem:s18+$0x5460]  }
.LBB2_9:
0xe9: {  	s29 =	sshra.s32 s21, $0x2;
	p1 =	sne.s32 s21, $0x9E00;
	[tilespmem:s18+$0x5410] =	vst v6;
	v4 =	vmax.f32 v4, $0.0e+00;
	v6 =	vld [tilespmem:s18+$0x5470]  }
0xea: {  	v7 =	vld [tilespmem:s29+$0x5400];
	[tilespmem:s18+$0x5420] =	vst v4;
	v2 =	vmax.f32 v2, $0.0e+00  }
0xeb: {  	v8 =	vld [tilespmem:s29+$0x5410];
	[tilespmem:s18+$0x5430] =	vst v2;
	v1 =	vmax.f32 v1, $0.0e+00  }
.Ltmp3:
0xec: {  	v4 =	vld [tilespmem:s29+$0x5420];
	[tilespmem:s18+$0x5440] =	vst v1;
	v1 =	vmax.f32 v3, $0.0e+00;
	(pc) =	sbr.rel @p1 .LBB2_9-.Ltmp3, $4  }
0xed: {  	v2 =	vld [tilespmem:s29+$0x5430];
	[tilespmem:s18+$0x5450] =	vst v1;
	v3 =	vmax.f32 v5, $0.0e+00  }
0xee: {  	v1 =	vld [tilespmem:s29+$0x5440];
	[tilespmem:s18+$0x5460] =	vst v3;
	v5 =	vmax.f32 v6, $0.0e+00  }
0xef: {  	v6 =	vmax.f32 v7, $0.0e+00;
	v3 =	vld [tilespmem:s29+$0x5450];
	[tilespmem:s18+$0x5470] =	vst v5;
	s18 =	smov.u32 s29  }
0xf0: {  	s21 =	sadd.s32 $0x200, s21;
	[tilespmem:s18+$0x5400] =	vst v6;
	v6 =	vmax.f32 v8, $0.0e+00;
	v5 =	vld [tilespmem:s18+$0x5460]  }
0xf1: {  	[tilespmem:s18+$0x5410] =	vst v6;
	v4 =	vmax.f32 v4, $0.0e+00;
	v6 =	vld [tilespmem:s18+$0x5470]  }
0xf2: {  	[tilespmem:s18+$0x5420] =	vst v4;
	v2 =	vmax.f32 v2, $0.0e+00  }
0xf3: {  	[tilespmem:s18+$0x5430] =	vst v2;
	v1 =	vmax.f32 v1, $0.0e+00  }
0xf4: {  	[tilespmem:s18+$0x5440] =	vst v1;
	v1 =	vmax.f32 v3, $0.0e+00  }
0xf5: {  	[tilespmem:s18+$0x5450] =	vst v1;
	v1 =	vmax.f32 v5, $0.0e+00  }
0xf6: {  	[tilespmem:s18+$0x5460] =	vst v1;
	v1 =	vmax.f32 v6, $0.0e+00  }
0xf7: {  	s17 =	simm.s32 $0x300;
	[tilespmem:s18+$0x5470] =	vst v1  }
0xf8: {  	[spmem:s2] =	stream.indirect.scatter.add.f32 [tilespmem:s23], [sflag:$0xD], $0x80, s17, s14, $0xb8;
	[tilespmem:$0x1DC80] =	vst v63  }
0xf9: {  	_ =	swait.ge [sflag:s10], $0x2800  }
0xfa: {  	p1 =	seq.s32 s20, $0x1E;
	s17 =	rddreg [dreg:$0x10]  }
0xfb: {  	s18 =	sadd.s32 @!p1 s25, s17  }
0xfc: {  	s30 =	simm.s32 @!p1 $0x0;
	[sflag:s10] =	ssyncset.done $0x0;
	s21 =	sshrl.u32 @!p1 s18, $0x3  }
0xfd: {  	[sflag:s10] =	ssyncadd.s32 $0xFFFFD800;
	s17 =	simm.s32 @!p1 $0x80;
	s29 =	sadd.s32 @!p1 s6, s21  }
0xfe: {  	[tilespmem:s17], [sflag:$0x2] =	stream.linear.gather @!p1 [hbm4b:s29+s30], $0x50, $0x38;
	[tilespmem:$0x1DC80] =	vst v63  }
0xff: {  	s17 =	sadd.s32 @!p1 s7, s21;
	s21 =	simm.s32 @!p1 $0x280  }
0x100: {  	[tilespmem:s21], [sflag:$0x2] =	stream.linear.gather @!p1 [hbm4b:s17+s30], $0x50, $0x38;
	[tilespmem:$0x1DC80] =	vst v63  }
0x101: {  	s17 =	sshll.u32 @!p1 s18, $0x4  }
0x102: {  	s18 =	simm.s32 @!p1 $0x2C00;
	s17 =	sadd.s32 @!p1 s5, s17  }
0x103: {  	[tilespmem:s18], [sflag:$0x6] =	stream.linear.gather @!p1 [hbm4b:s17+s30], $0x2800, $0x38;
	[tilespmem:$0x1DC80] =	vst v63  }
0x104: {  	_ =	swait.ge [sflag:s12], $0x50  }
0x105: {  	[sflag:s12] =	ssyncset.done $0x0  }
0x106: {  	[sflag:s12] =	ssyncadd.s32 $0xFFFFFFB0  }
0x107: {  	_ =	swait.ge [sflag:s12], $0x50  }
0x108: {  	[sflag:s12] =	ssyncset.done $0x0  }
0x109: {  	[sflag:s12] =	ssyncadd.s32 $0xFFFFFFB0  }
0x10a: {  	_ =	swait.ge [sflag:s13], $0x2800  }
0x10b: {  	[sflag:s13] =	ssyncset.done $0x0  }
0x10c: {  	s30 =	simm.s32 $0x0;
	[sflag:s13] =	ssyncadd.s32 $0xFFFFD800  }
0x10d: {  	[tilespmem:s9], [sflag:$0x9] =	stream.indirect.gather.add.f32 [hbm:s1], $0x80, s30, s14, $0xb8;
	[tilespmem:$0x1DC80] =	vst v63  }
0x10e: {  	_ =	swait.ge [sflag:s19], $0x2800  }
0x10f: {  	[sflag:s19] =	ssyncset.done $0x0  }
0x110: {  	s18 =	simm.s32 $0x0;
	[sflag:s19] =	ssyncadd.s32 $0xFFFFD800  }
0x111: {  	v3 =	vld [tilespmem:s18+$0x7C00]  }
0x112: {  	v5 =	vld [tilespmem:s18+$0x7C10]  }
0x113: {  	v4 =	vld [tilespmem:s18+$0x7C20]  }
0x114: {  	v2 =	vld [tilespmem:s18+$0x7C30]  }
0x115: {  	v1 =	vld [tilespmem:s18+$0x7C40]  }
0x116: {  	v6 =	vmax.f32 v3, $0.0e+00;
	v3 =	vld [tilespmem:s18+$0x7C50]  }
0x117: {  	s21 =	simm.s32 $0x200;
	[tilespmem:s18+$0x7C00] =	vst v6;
	v6 =	vmax.f32 v5, $0.0e+00;
	v5 =	vld [tilespmem:s18+$0x7C60]  }
.LBB2_11:
0x118: {  	s17 =	sshra.s32 s21, $0x2;
	p2 =	sne.s32 s21, $0x9E00;
	[tilespmem:s18+$0x7C10] =	vst v6;
	v4 =	vmax.f32 v4, $0.0e+00;
	v6 =	vld [tilespmem:s18+$0x7C70]  }
0x119: {  	v7 =	vld [tilespmem:s17+$0x7C00];
	[tilespmem:s18+$0x7C20] =	vst v4;
	v2 =	vmax.f32 v2, $0.0e+00  }
0x11a: {  	v8 =	vld [tilespmem:s17+$0x7C10];
	[tilespmem:s18+$0x7C30] =	vst v2;
	v1 =	vmax.f32 v1, $0.0e+00  }
.Ltmp4:
0x11b: {  	v4 =	vld [tilespmem:s17+$0x7C20];
	[tilespmem:s18+$0x7C40] =	vst v1;
	v1 =	vmax.f32 v3, $0.0e+00;
	(pc) =	sbr.rel @p2 .LBB2_11-.Ltmp4, $4  }
0x11c: {  	v2 =	vld [tilespmem:s17+$0x7C30];
	[tilespmem:s18+$0x7C50] =	vst v1;
	v3 =	vmax.f32 v5, $0.0e+00  }
0x11d: {  	v1 =	vld [tilespmem:s17+$0x7C40];
	[tilespmem:s18+$0x7C60] =	vst v3;
	v5 =	vmax.f32 v6, $0.0e+00  }
0x11e: {  	v6 =	vmax.f32 v7, $0.0e+00;
	v3 =	vld [tilespmem:s17+$0x7C50];
	[tilespmem:s18+$0x7C70] =	vst v5;
	s18 =	smov.u32 s17  }
0x11f: {  	s21 =	sadd.s32 $0x200, s21;
	[tilespmem:s18+$0x7C00] =	vst v6;
	v6 =	vmax.f32 v8, $0.0e+00;
	v5 =	vld [tilespmem:s18+$0x7C60]  }
0x120: {  	[tilespmem:s18+$0x7C10] =	vst v6;
	v4 =	vmax.f32 v4, $0.0e+00;
	v63 =	vld [tilespmem:s18+$0x7C70]  }
0x121: {  	[tilespmem:s18+$0x7C20] =	vst v4;
	v2 =	vmax.f32 v2, $0.0e+00  }
0x122: {  	[tilespmem:s18+$0x7C30] =	vst v2;
	v1 =	vmax.f32 v1, $0.0e+00  }
0x123: {  	[tilespmem:s18+$0x7C40] =	vst v1;
	v1 =	vmax.f32 v3, $0.0e+00  }
0x124: {  	[tilespmem:s18+$0x7C50] =	vst v1;
	v1 =	vmax.f32 v5, $0.0e+00  }
0x125: {  	[tilespmem:s18+$0x7C60] =	vst v1;
	v1 =	vmax.f32 v63, $0.0e+00  }
.Ltmp5:
0x126: {  	s17 =	simm.s32 $0x380;
	[tilespmem:s18+$0x7C70] =	vst v1;
	(pc) =	sbr.rel @p1 .LBB2_14-.Ltmp5, $4  }
0x127: {  	[spmem:s2] =	stream.indirect.scatter.add.f32 [tilespmem:s31], [sflag:$0xD], $0x80, s17, s14, $0xb8;
	[tilespmem:$0x1DC80] =	vst v63  }
0x128: {  	_ =	swait.ge [sflag:s10], $0x2800  }
0x129: {  	[sflag:s10] =	ssyncset.done $0x0  }
0x12a: {  	[sflag:s10] =	ssyncadd.s32 $0xFFFFD800  }
0x12b: {  	s17 =	rddreg [dreg:$0x12]  }
0x12c: {  	s17 =	sadd.s32 s25, s17  }
0x12d: {  	s18 =	sshrl.u32 s17, $0x3  }
0x12e: {  	s29 =	simm.s32 $0x100;
	s21 =	sadd.s32 s6, s18  }
0x12f: {  	[tilespmem:s29], [sflag:$0x3] =	stream.linear.gather [hbm4b:s21+s3], $0x50, $0x38;
	[tilespmem:$0x1DC80] =	vst v63  }
.Ltmp6:
0x130: {  	_ = 	snop;
	(pc) =	sbr.rel .LBB2_4-.Ltmp6, $4  }
0x131: {  	s30 =	simm.s32 $0x300;
	s17 =	sshll.u32 s17, $0x4;
	s18 =	sadd.s32 s7, s18  }
0x132: {  	[tilespmem:s30], [sflag:$0x3] =	stream.linear.gather [hbm4b:s18+s3], $0x50, $0x38;
	[tilespmem:$0x1DC80] =	vst v63  }
0x133: {  	s20 =	sadd.s32 $0x1, s20;
	s17 =	sadd.s32 s5, s17  }
0x134: {  	[tilespmem:s23], [sflag:$0x7] =	stream.linear.gather [hbm4b:s17+s3], $0x2800, $0x38;
	[tilespmem:$0x1DC80] =	vst v63  }
.LBB2_14:
0x135: {  	_ =	swait.ge [sflag:s28], $0x2800  }
0x136: {  	[sflag:s28] =	ssyncset.done $0x0  }
0x137: {  	s18 =	simm.s32 $0x0;
	[sflag:s28] =	ssyncadd.s32 $0xFFFFD800  }
0x138: {  	v3 =	vld [tilespmem:s18+$0x400]  }
0x139: {  	v5 =	vld [tilespmem:s18+$0x410]  }
0x13a: {  	v4 =	vld [tilespmem:s18+$0x420]  }
0x13b: {  	v2 =	vld [tilespmem:s18+$0x430]  }
0x13c: {  	v1 =	vld [tilespmem:s18+$0x440]  }
0x13d: {  	v6 =	vmax.f32 v3, $0.0e+00;
	v3 =	vld [tilespmem:s18+$0x450]  }
0x13e: {  	s20 =	simm.s32 $0x200;
	[tilespmem:s18+$0x400] =	vst v6;
	v6 =	vmax.f32 v5, $0.0e+00;
	v5 =	vld [tilespmem:s18+$0x460]  }
.LBB2_15:
0x13f: {  	s17 =	sshra.s32 s20, $0x2;
	p1 =	sne.s32 s20, $0x9E00;
	[tilespmem:s18+$0x410] =	vst v6;
	v4 =	vmax.f32 v4, $0.0e+00;
	v6 =	vld [tilespmem:s18+$0x470]  }
0x140: {  	v7 =	vld [tilespmem:s17+$0x400];
	[tilespmem:s18+$0x420] =	vst v4;
	v2 =	vmax.f32 v2, $0.0e+00  }
0x141: {  	v8 =	vld [tilespmem:s17+$0x410];
	[tilespmem:s18+$0x430] =	vst v2;
	v1 =	vmax.f32 v1, $0.0e+00  }
.Ltmp7:
0x142: {  	v4 =	vld [tilespmem:s17+$0x420];
	[tilespmem:s18+$0x440] =	vst v1;
	v1 =	vmax.f32 v3, $0.0e+00;
	(pc) =	sbr.rel @p1 .LBB2_15-.Ltmp7, $4  }
0x143: {  	v2 =	vld [tilespmem:s17+$0x430];
	[tilespmem:s18+$0x450] =	vst v1;
	v3 =	vmax.f32 v5, $0.0e+00  }
0x144: {  	v1 =	vld [tilespmem:s17+$0x440];
	[tilespmem:s18+$0x460] =	vst v3;
	v5 =	vmax.f32 v6, $0.0e+00  }
0x145: {  	v6 =	vmax.f32 v7, $0.0e+00;
	v3 =	vld [tilespmem:s17+$0x450];
	[tilespmem:s18+$0x470] =	vst v5;
	s18 =	smov.u32 s17  }
0x146: {  	s20 =	sadd.s32 $0x200, s20;
	[tilespmem:s18+$0x400] =	vst v6;
	v6 =	vmax.f32 v8, $0.0e+00;
	v5 =	vld [tilespmem:s18+$0x460]  }
0x147: {  	[tilespmem:s18+$0x410] =	vst v6;
	v4 =	vmax.f32 v4, $0.0e+00;
	v63 =	vld [tilespmem:s18+$0x470]  }
0x148: {  	[tilespmem:s18+$0x420] =	vst v4;
	v2 =	vmax.f32 v2, $0.0e+00  }
0x149: {  	[tilespmem:s18+$0x430] =	vst v2;
	v1 =	vmax.f32 v1, $0.0e+00  }
0x14a: {  	[tilespmem:s18+$0x440] =	vst v1;
	v1 =	vmax.f32 v3, $0.0e+00  }
0x14b: {  	[tilespmem:s18+$0x450] =	vst v1;
	v1 =	vmax.f32 v5, $0.0e+00  }
0x14c: {  	[tilespmem:s18+$0x460] =	vst v1;
	v1 =	vmax.f32 v63, $0.0e+00  }
0x14d: {  	[tilespmem:s18+$0x470] =	vst v1  }
0x14e: {  	[spmem:s2] =	stream.indirect.scatter.add.f32 [tilespmem:s9], [sflag:$0xD], $0x80, s11, s14, $0xb8;
	[tilespmem:$0x1DC80] =	vst v63  }
0x14f: {  	_ =	swait.ge [sflag:s10], $0x2800  }
0x150: {  	[sflag:s10] =	ssyncset.done $0x0  }
0x151: {  	[sflag:s10] =	ssyncadd.s32 $0xFFFFD800  }
0x152: {  	s17 =	stileid.u32;
	[bflag:$0x0] =	sbarrier.arrive $0xFFFF  }
0x153: {  	s17 =	sshll.u32 s17, $0x6;
	s21 =	rddreg [dreg:$0x4]  }
0x154: {  	s17 =	sor.u32 $0x1C0D, s17;
	s20 =	rddreg [dreg:$0x11];
	s25 =	sshrl.u32 s21, $0x3  }
0x155: {  	[hbm:s20], [sflag:s17] =	dma.local [spmem:s25], $0x2700  }
0x156: {  	_ =	swait.ge [sflag:s10], $0x2700  }
0x157: {  	[sflag:s10] =	ssyncset.done $0x0;
	s25 =	rddreg [dreg:$0x1c]  }
0x158: {  	s20 =	rddreg [dreg:$0x13];
	[sflag:s10] =	ssyncadd.s32 $0xFFFFD900;
	s18 =	sshrl.u32 @!p0 s25, $0x3  }
0x159: {  	[hbm:s20], [sflag:s17] =	dma.local @!p0 [spmem:s18], $0x100  }
0x15a: {  	s17 =	simm.s32 @!p0 $0xD  }
0x15b: {  	_ =	swait.ge @!p0 [sflag:s17], $0x100  }
0x15c: {  	s29 =	rddreg [dreg:$0x1d]  }
0x15d: {  	s30 =	rddreg [dreg:$0x14];
	s20 =	sadd.s32 $0x1, s29  }
0x15e: {  	p1 =	sne.s32 s20, s30  }
.Ltmp8:
0x15f: {  	_ = 	snop;
	(pc) =	sbr.rel @p1 .LBB2_1-.Ltmp8, $3  }
0x160: {  	_ =	sdelay $0x1  }
0x161: {  	[sflag:s17] =	ssyncset.done @!p0 $0x0  }
0x162: {  	[sflag:s17] =	ssyncadd.s32 @!p0 $0xFFFFFF00  }
0x163: {  	_ =	sfence.sel $0x180000  }
0x164: {  	[bflag:$0x0] =	sbarrier.arrive $0xFFFF  }
0x165: {  	_ =	strace $0x90000047  }
0x166: {  	s0 =	stileid.u32;
	[bflag:$0x2] =	sbarrier.arrive $0xFFFF  }
0x167: {  	p0 =	sne.s32 s0, $0x0;
	s0 =	rddreg [dreg:$0x3]  }
0x168: {  	s0 =	sadd.s32 @!p0 $0x100000, s0  }
0x169: {  	[sflag:s0] =	ssyncadd.tile.s32 @!p0 $0x1;
	_ =	shalt  }
.Lfunc_end2:
_tile_overlayer_lowered:
.L_overlay_start_2:
0x16a: {  	(tag) =	ssettag $0x2  }
0x16b: {  	s0 =	rddreg [dreg:$0x0];
	s2 =	stileid.u32  }
0x16c: {  	s1 =	rddreg [dreg:$0x1];
	p0 =	sne.s32 s2, $0x0  }
0x16d: {  	s3 =	rddreg [dreg:$0x2];
	[bflag:$0x3] =	sbarrier.arrive $0xFFFF;
	s2 =	simm.s32 @!p0 $0x1C0D  }
0x16e: {  	[timem:s3], [sflag:s2] =	dma.local @!p0 [hbm:s0], s1  }
0x16f: {  	s0 =	simm.s32 @!p0 $0xD  }
0x170: {  	_ =	swait.ge @!p0 [sflag:s0], s1  }
0x171: {  	s1 =	ssub.s32 @!p0 $0x0, s1;
	[sflag:s0] =	ssyncset.done @!p0 $0x0  }
0x172: {  	[sflag:s0] =	ssyncadd.s32 @!p0 s1  }
0x173: {  	[bflag:$0x3] =	sbarrier.arrive $0xFFFF  }
0x174: {  	_ =	shalt  }

</sc_bundles>
